<compile_context>
chip_gen: v7x
topology: tpu7x:2x2x1
jax: 0.10.2.dev20260603
libtpu: 0.0.44.dev20260713+nightly
codegen_flags: <defaults>
</compile_context>

<pallas_src>
import functools
import jax
import jax.numpy as jnp
import numpy as np
from jax import lax
from jax.experimental import pallas as pl
from jax.experimental.pallas import tpu as pltpu
from jax.experimental.pallas import tpu_sc as plsc

NC = 2
NS = 16
NW = NC * NS
LANES = 16


def _mm_kernel(x_ref, w_ref, out_ref):
    out_ref[...] = jnp.dot(x_ref[...], w_ref[...],
                           preferred_element_type=jnp.float32)


def _tc_matmul(x_flat, wcat):
    n, d = x_flat.shape
    dout = wcat.shape[1]
    bm = 2048
    return pl.pallas_call(
        _mm_kernel,
        grid=(n // bm,),
        in_specs=[
            pl.BlockSpec((bm, d), lambda i: (i, 0)),
            pl.BlockSpec((d, dout), lambda i: (0, 0)),
        ],
        out_specs=pl.BlockSpec((bm, dout), lambda i: (i, 0)),
        out_shape=jax.ShapeDtypeStruct((n, dout), jnp.float32),
    )(x_flat, wcat)


def _make_sc_kernel(n, j, d, heads, F, EPAD, ne, gpw):
    jF = j * F
    jd = j * d
    ch = d // heads

    mesh = plsc.VectorSubcoreMesh(core_axis_name="c", subcore_axis_name="s")

    @functools.partial(
        pl.kernel, mesh=mesh,
        compiler_params=pltpu.CompilerParams(needs_layout_passes=False),
        out_type=jax.ShapeDtypeStruct((n * d,), jnp.float32),
        scratch_types=[
            pltpu.VMEM((jF,), jnp.float32),
            pltpu.VMEM((jF,), jnp.float32),
            pltpu.VMEM((jF,), jnp.float32),
            pltpu.VMEM((jd,), jnp.float32),
            pltpu.VMEM((jd,), jnp.float32),
            pltpu.VMEM((2 * EPAD,), jnp.int32),
            pltpu.VMEM((d,), jnp.float32),
            pltpu.SemaphoreType.DMA,
            pltpu.SemaphoreType.DMA,
            pltpu.SemaphoreType.DMA,
            pltpu.SemaphoreType.DMA,
        ],
    )
    def sc_k(feat_hbm, eint_hbm, bias_hbm, out_hbm,
             featv0, featv1, accf, outv0, outv1, eintv, biasv,
             sin0, sin1, sout0, sout1):
        wid = lax.axis_index("s") * NC + lax.axis_index("c")
        fbuf = (featv0, featv1)
        obuf = (outv0, outv1)
        sin = (sin0, sin1)
        sout = (sout0, sout1)
        pltpu.sync_copy(eint_hbm, eintv)
        pltpu.sync_copy(bias_hbm, biasv)

        zv = jnp.zeros((LANES,), jnp.float32)
        for k in range(jF // LANES):
            accf[pl.ds(LANES * k, LANES)] = zv

        def in_copy(g_idx, b_):
            return pltpu.make_async_copy(
                feat_hbm.at[pl.ds(g_idx * jF, jF)], fbuf[b_], sin[b_])

        def out_copy(g_idx, b_):
            return pltpu.make_async_copy(
                obuf[b_], out_hbm.at[pl.ds(g_idx * jd, jd)], sout[b_])

        for b_ in range(2):
            in_copy(wid * gpw + b_, b_).start()

        def graph_body(i, b_, featv, outv):
            gid = wid * gpw + i
            in_copy(gid, b_).wait()

            @pl.when(i >= 2)
            def _():
                out_copy(gid - 2, b_).wait()

            iotav = lax.iota(jnp.int32, LANES)
            m4 = iotav < heads
            hoff4 = iotav & (heads - 1)

            @plsc.parallel_loop(0, EPAD, unroll=8)
            def edge_body(e_):
                ev = jnp.full((LANES,), 0, jnp.int32) + e_
                ssplat = plsc.load_gather(eintv, [ev])
                dsplat = plsc.load_gather(eintv, [ev + EPAD])
                mk = jnp.where(e_ < ne, 1.0, 0.0)
                av = plsc.load_gather(featv, [ssplat + (d + hoff4)])
                bv = plsc.load_gather(featv, [dsplat + ((d + heads) + hoff4)])
                a = av + bv
                a = jnp.where(a >= 0.0, a, a * 0.2)
                ex4 = jnp.exp(jnp.minimum(a, 60.0)) * mk
                plsc.addupdate_scatter(accf, [dsplat + (iotav + d)],
                                       ex4, mask=m4)
                exs = [jnp.take_along_axis(
                    ex4, jnp.full((LANES,), h, jnp.int32), axis=0)
                    for h in range(heads)]
                for q in range(d // LANES):
                    cq = iotav + q * LANES
                    xv = plsc.load_gather(featv, [ssplat + cq])
                    plsc.addupdate_scatter(accf, [dsplat + cq],
                                           xv * exs[(q * LANES) // ch])

            @plsc.parallel_loop(0, j, unroll=4)
            def node_body(nd):
                rec = []
                for h in range(heads):
                    dh = plsc.load_gather(
                        accf,
                        [jnp.full((LANES,), d + h, jnp.int32) + nd * F])
                    rec.append(1.0 / (dh + 1e-16))
                for q in range(d // LANES):
                    acc = accf[pl.ds(nd * F + q * LANES, LANES)]
                    outv[pl.ds(nd * d + q * LANES, LANES)] = (
                        acc * rec[(q * LANES) // ch]
                        + biasv[pl.ds(q * LANES, LANES)])
                    accf[pl.ds(nd * F + q * LANES, LANES)] = zv
                accf[pl.ds(nd * F + d, LANES)] = zv

            out_copy(gid, b_).start()

            @pl.when(i + 2 < gpw)
            def _():
                in_copy(gid + 2, b_).start()

        def body(i2, carry):
            graph_body(i2 * 2, 0, featv0, outv0)
            graph_body(i2 * 2 + 1, 1, featv1, outv1)
            return carry

        lax.fori_loop(0, gpw // 2, body, jnp.int32(0))
        for b_ in range(2):
            out_copy(wid * gpw + gpw - 2 + b_, b_).wait()

    return sc_k


def kernel(x, edge_index, W, att_src, att_dst, bias):
    b, t, j, d = x.shape
    n = b * t * j
    ng = b * t
    e = edge_index.shape[1]
    heads = att_src.shape[1]
    F = 144

    x_flat = x.reshape(n, d)
    asrc_mat = jax.scipy.linalg.block_diag(
        *[att_src[0, h, :, None] for h in range(heads)])
    adst_mat = jax.scipy.linalg.block_diag(
        *[att_dst[0, h, :, None] for h in range(heads)])
    wcat = jnp.concatenate(
        [W, W @ asrc_mat, W @ adst_mat,
         jnp.zeros((d, F - d - 2 * heads), jnp.float32)], axis=1)
    feat = _tc_matmul(x_flat, wcat)

    ne = e + j
    EPAD = ((ne + LANES - 1) // LANES) * LANES
    src = jnp.concatenate([edge_index[0],
                           jnp.arange(j, dtype=jnp.int32)])
    dst = jnp.concatenate([edge_index[1],
                           jnp.arange(j, dtype=jnp.int32)])
    pad = jnp.zeros((EPAD - ne,), jnp.int32)
    src = jnp.concatenate([src, pad])
    dst = jnp.concatenate([dst, pad])
    eint = jnp.concatenate([src * F, dst * F])

    gpw = ng // NW
    sc_k = _make_sc_kernel(n, j, d, heads, F, EPAD, ne, gpw)
    out_f = sc_k(feat.reshape(-1), eint, bias)
    return out_f.reshape(b, t, j, d)

# --- scband reference (transcript-rebuilt; emitter-appended) ---
"""Pipeline reference for scband-py-ggraph-layer-16054587752806 (READ-ONLY COPY).

The authoritative reference and input builder live on the scoring server;
editing this copy changes nothing except your own understanding.
"""

import jax, jax.numpy as jnp
import numpy as np

B, T, J, DIM, HEADS = 64, 64, 25, 128, 4
CH = DIM // HEADS  # out_channels per head = 32
E_PER_GRAPH = 64


def setup_inputs(seed: int = 0) -> dict:
    key = jax.random.key(seed)
    k1, k2, k3, k4, k5 = jax.random.split(key, 5)
    x = jax.random.normal(k1, (B, T, J, DIM), dtype=jnp.float32)
    edge_index = jax.random.randint(k2, (2, E_PER_GRAPH), 0, J, dtype=jnp.int32)
    # GATConv parameters: lin weight [in, heads*out], attention vectors, bias
    W = jax.random.normal(k3, (DIM, HEADS * CH), dtype=jnp.float32) * (1.0 / np.sqrt(DIM))
    att_src = jax.random.normal(k4, (1, HEADS, CH), dtype=jnp.float32) * 0.1
    att_dst = jax.random.normal(k5, (1, HEADS, CH), dtype=jnp.float32) * 0.1
    bias = jnp.zeros((HEADS * CH,), dtype=jnp.float32)
    return {"x": x, "edge_index": edge_index, "W": W, "att_src": att_src, "att_dst": att_dst, "bias": bias}


def reference(x, edge_index, W, att_src, att_dst, bias):
    b, t, j, d = x.shape
    n = b * t * j
    x_flat = x.reshape(n, d)
    e = edge_index.shape[1]
    # replicate skeleton edges across all b*t graphs with node offsets
    offsets = jnp.repeat(jnp.arange(b * t, dtype=edge_index.dtype), e) * j
    rep = jnp.tile(edge_index, (1, b * t)) + offsets[None, :]
    # GATConv adds self-loops by default
    loop = jnp.arange(n, dtype=rep.dtype)
    src = jnp.concatenate([rep[0], loop])
    dst = jnp.concatenate([rep[1], loop])
    # linear transform -> [N, H, C]
    xh = (x_flat @ W).reshape(n, HEADS, CH)
    a_src = (xh * att_src).sum(-1)  # [N, H]
    a_dst = (xh * att_dst).sum(-1)  # [N, H]
    alpha = jax.nn.leaky_relu(a_src[src] + a_dst[dst], 0.2)  # [E, H]
    # softmax over edges grouped by destination node
    amax = jax.ops.segment_max(alpha, dst, num_segments=n)
    amax = jnp.where(jnp.isfinite(amax), amax, 0.0)
    ex = jnp.exp(alpha - amax[dst])
    denom = jax.ops.segment_sum(ex, dst, num_segments=n)
    coef = ex / (denom[dst] + 1e-16)
    # weighted message aggregation at dst
    out = jax.ops.segment_sum(xh[src] * coef[:, :, None], dst, num_segments=n)
    out = out.reshape(n, HEADS * CH) + bias
    return out.reshape(b, t, j, d)

if __name__ == "__main__":
    import jax
    _d = setup_inputs()
    print(jax.jit(kernel)(*tuple(_d.values())))

</pallas_src>

<mosaic_0001>
#map = affine_map<(d0, d1) -> (0)>
module attributes {stable_mosaic.version = 14 : i64} {
  func.func @sc_k(%arg0: i32, %arg1: i32, %arg2: memref<14745600xf32, #tpu.memory_space<hbm>>, %arg3: memref<192xi32, #tpu.memory_space<hbm>>, %arg4: memref<128xf32, #tpu.memory_space<hbm>>, %arg5: memref<13107200xf32, #tpu.memory_space<hbm>>, %arg6: memref<3600xf32, #tpu.memory_space<vmem>>, %arg7: memref<3600xf32, #tpu.memory_space<vmem>>, %arg8: memref<3600xf32, #tpu.memory_space<vmem>>, %arg9: memref<3200xf32, #tpu.memory_space<vmem>>, %arg10: memref<3200xf32, #tpu.memory_space<vmem>>, %arg11: memref<192xi32, #tpu.memory_space<vmem>>, %arg12: memref<128xf32, #tpu.memory_space<vmem>>, %arg13: memref<!tpu.dma_semaphore, #tpu.memory_space<semaphore_mem>>, %arg14: memref<!tpu.dma_semaphore, #tpu.memory_space<semaphore_mem>>, %arg15: memref<!tpu.dma_semaphore, #tpu.memory_space<semaphore_mem>>, %arg16: memref<!tpu.dma_semaphore, #tpu.memory_space<semaphore_mem>>) attributes {dimension_semantics = [#tpu.dimension_semantics<core_parallel>, #tpu.dimension_semantics<subcore_parallel>], iteration_bounds = array<i64: 2, 16>, scalar_prefetch = 0 : i64, scratch_operands = 11 : i64, tpu.core_type = #tpu.core_type<sc_vector_subcore>, window_params = [{transform_indices = #map}, {transform_indices = #map}, {transform_indices = #map}, {transform_indices = #map}]} {
    %mul3A = arith.constant 2 : i32
    %mul3A_0 = arith.muli %arg1, %mul3A : i32
    %add3A = arith.addi %mul3A_0, %arg0 : i32
    "tpu.region"() ({
      %run_scoped3A = tpu.sem_alloc : memref<!tpu.dma_semaphore, #tpu.memory_space<semaphore_mem>>
      tpu.enqueue_dma source(%arg3 : memref<192xi32, #tpu.memory_space<hbm>>) target(%arg11 : memref<192xi32, #tpu.memory_space<vmem>>) target_semaphore(%run_scoped3A : memref<!tpu.dma_semaphore, #tpu.memory_space<semaphore_mem>>)
      tpu.wait_dma2 semaphore(%run_scoped3A : memref<!tpu.dma_semaphore, #tpu.memory_space<semaphore_mem>>) src(%arg3 : memref<192xi32, #tpu.memory_space<hbm>>) dst(%arg11 : memref<192xi32, #tpu.memory_space<vmem>>)
      tpu.yield
    }) : () -> ()
    "tpu.region"() ({
      %run_scoped3A = tpu.sem_alloc : memref<!tpu.dma_semaphore, #tpu.memory_space<semaphore_mem>>
      tpu.enqueue_dma source(%arg4 : memref<128xf32, #tpu.memory_space<hbm>>) target(%arg12 : memref<128xf32, #tpu.memory_space<vmem>>) target_semaphore(%run_scoped3A : memref<!tpu.dma_semaphore, #tpu.memory_space<semaphore_mem>>)
      tpu.wait_dma2 semaphore(%run_scoped3A : memref<!tpu.dma_semaphore, #tpu.memory_space<semaphore_mem>>) src(%arg4 : memref<128xf32, #tpu.memory_space<hbm>>) dst(%arg12 : memref<128xf32, #tpu.memory_space<vmem>>)
      tpu.yield
    }) : () -> ()
    %broadcast_in_dim3A = arith.constant 0.000000e+00 : f32
    %broadcast_in_dim3A_1 = vector.broadcast %broadcast_in_dim3A : f32 to vector<16xf32>
    %swap3A = arith.constant 0 : index
    %swap3A_2 = tpu.vector_load %arg8[%swap3A] {strides = array<i32>} : memref<3600xf32, #tpu.memory_space<vmem>>, vector<16xf32>,
    tpu.vector_store %arg8[%swap3A], %broadcast_in_dim3A_1 {strides = array<i32>} : memref<3600xf32, #tpu.memory_space<vmem>>, vector<16xf32>,
    %swap3A_3 = arith.constant 16 : index
    %swap3A_4 = tpu.vector_load %arg8[%swap3A_3] {strides = array<i32>} : memref<3600xf32, #tpu.memory_space<vmem>>, vector<16xf32>,
    tpu.vector_store %arg8[%swap3A_3], %broadcast_in_dim3A_1 {strides = array<i32>} : memref<3600xf32, #tpu.memory_space<vmem>>, vector<16xf32>,
    %swap3A_5 = arith.constant 32 : index
    %swap3A_6 = tpu.vector_load %arg8[%swap3A_5] {strides = array<i32>} : memref<3600xf32, #tpu.memory_space<vmem>>, vector<16xf32>,
    tpu.vector_store %arg8[%swap3A_5], %broadcast_in_dim3A_1 {strides = array<i32>} : memref<3600xf32, #tpu.memory_space<vmem>>, vector<16xf32>,
    %swap3A_7 = arith.constant 48 : index
    %swap3A_8 = tpu.vector_load %arg8[%swap3A_7] {strides = array<i32>} : memref<3600xf32, #tpu.memory_space<vmem>>, vector<16xf32>,
    tpu.vector_store %arg8[%swap3A_7], %broadcast_in_dim3A_1 {strides = array<i32>} : memref<3600xf32, #tpu.memory_space<vmem>>, vector<16xf32>,
    %swap3A_9 = arith.constant 64 : index
    %swap3A_10 = tpu.vector_load %arg8[%swap3A_9] {strides = array<i32>} : memref<3600xf32, #tpu.memory_space<vmem>>, vector<16xf32>,
    tpu.vector_store %arg8[%swap3A_9], %broadcast_in_dim3A_1 {strides = array<i32>} : memref<3600xf32, #tpu.memory_space<vmem>>, vector<16xf32>,
    %swap3A_11 = arith.constant 80 : index
    %swap3A_12 = tpu.vector_load %arg8[%swap3A_11] {strides = array<i32>} : memref<3600xf32, #tpu.memory_space<vmem>>, vector<16xf32>,
    tpu.vector_store %arg8[%swap3A_11], %broadcast_in_dim3A_1 {strides = array<i32>} : memref<3600xf32, #tpu.memory_space<vmem>>, vector<16xf32>,
    %swap3A_13 = arith.constant 96 : index
    %swap3A_14 = tpu.vector_load %arg8[%swap3A_13] {strides = array<i32>} : memref<3600xf32, #tpu.memory_space<vmem>>, vector<16xf32>,
    tpu.vector_store %arg8[%swap3A_13], %broadcast_in_dim3A_1 {strides = array<i32>} : memref<3600xf32, #tpu.memory_space<vmem>>, vector<16xf32>,
    %swap3A_15 = arith.constant 112 : index
    %swap3A_16 = tpu.vector_load %arg8[%swap3A_15] {strides = array<i32>} : memref<3600xf32, #tpu.memory_space<vmem>>, vector<16xf32>,
    tpu.vector_store %arg8[%swap3A_15], %broadcast_in_dim3A_1 {strides = array<i32>} : memref<3600xf32, #tpu.memory_space<vmem>>, vector<16xf32>,
    %swap3A_17 = arith.constant 128 : index
    %swap3A_18 = tpu.vector_load %arg8[%swap3A_17] {strides = array<i32>} : memref<3600xf32, #tpu.memory_space<vmem>>, vector<16xf32>,
    tpu.vector_store %arg8[%swap3A_17], %broadcast_in_dim3A_1 {strides = array<i32>} : memref<3600xf32, #tpu.memory_space<vmem>>, vector<16xf32>,
    %swap3A_19 = arith.constant 144 : index
    %swap3A_20 = tpu.vector_load %arg8[%swap3A_19] {strides = array<i32>} : memref<3600xf32, #tpu.memory_space<vmem>>, vector<16xf32>,
    tpu.vector_store %arg8[%swap3A_19], %broadcast_in_dim3A_1 {strides = array<i32>} : memref<3600xf32, #tpu.memory_space<vmem>>, vector<16xf32>,
    %swap3A_21 = arith.constant 160 : index
    %swap3A_22 = tpu.vector_load %arg8[%swap3A_21] {strides = array<i32>} : memref<3600xf32, #tpu.memory_space<vmem>>, vector<16xf32>,
    tpu.vector_store %arg8[%swap3A_21], %broadcast_in_dim3A_1 {strides = array<i32>} : memref<3600xf32, #tpu.memory_space<vmem>>, vector<16xf32>,
    %swap3A_23 = arith.constant 176 : index
    %swap3A_24 = tpu.vector_load %arg8[%swap3A_23] {strides = array<i32>} : memref<3600xf32, #tpu.memory_space<vmem>>, vector<16xf32>,
    tpu.vector_store %arg8[%swap3A_23], %broadcast_in_dim3A_1 {strides = array<i32>} : memref<3600xf32, #tpu.memory_space<vmem>>, vector<16xf32>,
    %swap3A_25 = arith.constant 192 : index
    %swap3A_26 = tpu.vector_load %arg8[%swap3A_25] {strides = array<i32>} : memref<3600xf32, #tpu.memory_space<vmem>>, vector<16xf32>,
    tpu.vector_store %arg8[%swap3A_25], %broadcast_in_dim3A_1 {strides = array<i32>} : memref<3600xf32, #tpu.memory_space<vmem>>, vector<16xf32>,
    %swap3A_27 = arith.constant 208 : index
    %swap3A_28 = tpu.vector_load %arg8[%swap3A_27] {strides = array<i32>} : memref<3600xf32, #tpu.memory_space<vmem>>, vector<16xf32>,
    tpu.vector_store %arg8[%swap3A_27], %broadcast_in_dim3A_1 {strides = array<i32>} : memref<3600xf32, #tpu.memory_space<vmem>>, vector<16xf32>,
    %swap3A_29 = arith.constant 224 : index
    %swap3A_30 = tpu.vector_load %arg8[%swap3A_29] {strides = array<i32>} : memref<3600xf32, #tpu.memory_space<vmem>>, vector<16xf32>,
    tpu.vector_store %arg8[%swap3A_29], %broadcast_in_dim3A_1 {strides = array<i32>} : memref<3600xf32, #tpu.memory_space<vmem>>, vector<16xf32>,
    %swap3A_31 = arith.constant 240 : index
    %swap3A_32 = tpu.vector_load %arg8[%swap3A_31] {strides = array<i32>} : memref<3600xf32, #tpu.memory_space<vmem>>, vector<16xf32>,
    tpu.vector_store %arg8[%swap3A_31], %broadcast_in_dim3A_1 {strides = array<i32>} : memref<3600xf32, #tpu.memory_space<vmem>>, vector<16xf32>,
    %swap3A_33 = arith.constant 256 : index
    %swap3A_34 = tpu.vector_load %arg8[%swap3A_33] {strides = array<i32>} : memref<3600xf32, #tpu.memory_space<vmem>>, vector<16xf32>,
    tpu.vector_store %arg8[%swap3A_33], %broadcast_in_dim3A_1 {strides = array<i32>} : memref<3600xf32, #tpu.memory_space<vmem>>, vector<16xf32>,
    %swap3A_35 = arith.constant 272 : index
    %swap3A_36 = tpu.vector_load %arg8[%swap3A_35] {strides = array<i32>} : memref<3600xf32, #tpu.memory_space<vmem>>, vector<16xf32>,
    tpu.vector_store %arg8[%swap3A_35], %broadcast_in_dim3A_1 {strides = array<i32>} : memref<3600xf32, #tpu.memory_space<vmem>>, vector<16xf32>,
    %swap3A_37 = arith.constant 288 : index
    %swap3A_38 = tpu.vector_load %arg8[%swap3A_37] {strides = array<i32>} : memref<3600xf32, #tpu.memory_space<vmem>>, vector<16xf32>,
    tpu.vector_store %arg8[%swap3A_37], %broadcast_in_dim3A_1 {strides = array<i32>} : memref<3600xf32, #tpu.memory_space<vmem>>, vector<16xf32>,
    %swap3A_39 = arith.constant 304 : index
    %swap3A_40 = tpu.vector_load %arg8[%swap3A_39] {strides = array<i32>} : memref<3600xf32, #tpu.memory_space<vmem>>, vector<16xf32>,
    tpu.vector_store %arg8[%swap3A_39], %broadcast_in_dim3A_1 {strides = array<i32>} : memref<3600xf32, #tpu.memory_space<vmem>>, vector<16xf32>,
    %swap3A_41 = arith.constant 320 : index
    %swap3A_42 = tpu.vector_load %arg8[%swap3A_41] {strides = array<i32>} : memref<3600xf32, #tpu.memory_space<vmem>>, vector<16xf32>,
    tpu.vector_store %arg8[%swap3A_41], %broadcast_in_dim3A_1 {strides = array<i32>} : memref<3600xf32, #tpu.memory_space<vmem>>, vector<16xf32>,
    %swap3A_43 = arith.constant 336 : index
    %swap3A_44 = tpu.vector_load %arg8[%swap3A_43] {strides = array<i32>} : memref<3600xf32, #tpu.memory_space<vmem>>, vector<16xf32>,
    tpu.vector_store %arg8[%swap3A_43], %broadcast_in_dim3A_1 {strides = array<i32>} : memref<3600xf32, #tpu.memory_space<vmem>>, vector<16xf32>,
    %swap3A_45 = arith.constant 352 : index
    %swap3A_46 = tpu.vector_load %arg8[%swap3A_45] {strides = array<i32>} : memref<3600xf32, #tpu.memory_space<vmem>>, vector<16xf32>,
    tpu.vector_store %arg8[%swap3A_45], %broadcast_in_dim3A_1 {strides = array<i32>} : memref<3600xf32, #tpu.memory_space<vmem>>, vector<16xf32>,
    %swap3A_47 = arith.constant 368 : index
    %swap3A_48 = tpu.vector_load %arg8[%swap3A_47] {strides = array<i32>} : memref<3600xf32, #tpu.memory_space<vmem>>, vector<16xf32>,
    tpu.vector_store %arg8[%swap3A_47], %broadcast_in_dim3A_1 {strides = array<i32>} : memref<3600xf32, #tpu.memory_space<vmem>>, vector<16xf32>,
    %swap3A_49 = arith.constant 384 : index
    %swap3A_50 = tpu.vector_load %arg8[%swap3A_49] {strides = array<i32>} : memref<3600xf32, #tpu.memory_space<vmem>>, vector<16xf32>,
    tpu.vector_store %arg8[%swap3A_49], %broadcast_in_dim3A_1 {strides = array<i32>} : memref<3600xf32, #tpu.memory_space<vmem>>, vector<16xf32>,
    %swap3A_51 = arith.constant 400 : index
    %swap3A_52 = tpu.vector_load %arg8[%swap3A_51] {strides = array<i32>} : memref<3600xf32, #tpu.memory_space<vmem>>, vector<16xf32>,
    tpu.vector_store %arg8[%swap3A_51], %broadcast_in_dim3A_1 {strides = array<i32>} : memref<3600xf32, #tpu.memory_space<vmem>>, vector<16xf32>,
    %swap3A_53 = arith.constant 416 : index
    %swap3A_54 = tpu.vector_load %arg8[%swap3A_53] {strides = array<i32>} : memref<3600xf32, #tpu.memory_space<vmem>>, vector<16xf32>,
    tpu.vector_store %arg8[%swap3A_53], %broadcast_in_dim3A_1 {strides = array<i32>} : memref<3600xf32, #tpu.memory_space<vmem>>, vector<16xf32>,
    %swap3A_55 = arith.constant 432 : index
    %swap3A_56 = tpu.vector_load %arg8[%swap3A_55] {strides = array<i32>} : memref<3600xf32, #tpu.memory_space<vmem>>, vector<16xf32>,
    tpu.vector_store %arg8[%swap3A_55], %broadcast_in_dim3A_1 {strides = array<i32>} : memref<3600xf32, #tpu.memory_space<vmem>>, vector<16xf32>,
    %swap3A_57 = arith.constant 448 : index
    %swap3A_58 = tpu.vector_load %arg8[%swap3A_57] {strides = array<i32>} : memref<3600xf32, #tpu.memory_space<vmem>>, vector<16xf32>,
    tpu.vector_store %arg8[%swap3A_57], %broadcast_in_dim3A_1 {strides = array<i32>} : memref<3600xf32, #tpu.memory_space<vmem>>, vector<16xf32>,
    %swap3A_59 = arith.constant 464 : index
    %swap3A_60 = tpu.vector_load %arg8[%swap3A_59] {strides = array<i32>} : memref<3600xf32, #tpu.memory_space<vmem>>, vector<16xf32>,
    tpu.vector_store %arg8[%swap3A_59], %broadcast_in_dim3A_1 {strides = array<i32>} : memref<3600xf32, #tpu.memory_space<vmem>>, vector<16xf32>,
    %swap3A_61 = arith.constant 480 : index
    %swap3A_62 = tpu.vector_load %arg8[%swap3A_61] {strides = array<i32>} : memref<3600xf32, #tpu.memory_space<vmem>>, vector<16xf32>,
    tpu.vector_store %arg8[%swap3A_61], %broadcast_in_dim3A_1 {strides = array<i32>} : memref<3600xf32, #tpu.memory_space<vmem>>, vector<16xf32>,
    %swap3A_63 = arith.constant 496 : index
    %swap3A_64 = tpu.vector_load %arg8[%swap3A_63] {strides = array<i32>} : memref<3600xf32, #tpu.memory_space<vmem>>, vector<16xf32>,
    tpu.vector_store %arg8[%swap3A_63], %broadcast_in_dim3A_1 {strides = array<i32>} : memref<3600xf32, #tpu.memory_space<vmem>>, vector<16xf32>,
    %swap3A_65 = arith.constant 512 : index
    %swap3A_66 = tpu.vector_load %arg8[%swap3A_65] {strides = array<i32>} : memref<3600xf32, #tpu.memory_space<vmem>>, vector<16xf32>,
    tpu.vector_store %arg8[%swap3A_65], %broadcast_in_dim3A_1 {strides = array<i32>} : memref<3600xf32, #tpu.memory_space<vmem>>, vector<16xf32>,
    %swap3A_67 = arith.constant 528 : index
    %swap3A_68 = tpu.vector_load %arg8[%swap3A_67] {strides = array<i32>} : memref<3600xf32, #tpu.memory_space<vmem>>, vector<16xf32>,
    tpu.vector_store %arg8[%swap3A_67], %broadcast_in_dim3A_1 {strides = array<i32>} : memref<3600xf32, #tpu.memory_space<vmem>>, vector<16xf32>,
    %swap3A_69 = arith.constant 544 : index
    %swap3A_70 = tpu.vector_load %arg8[%swap3A_69] {strides = array<i32>} : memref<3600xf32, #tpu.memory_space<vmem>>, vector<16xf32>,
    tpu.vector_store %arg8[%swap3A_69], %broadcast_in_dim3A_1 {strides = array<i32>} : memref<3600xf32, #tpu.memory_space<vmem>>, vector<16xf32>,
    %swap3A_71 = arith.constant 560 : index
    %swap3A_72 = tpu.vector_load %arg8[%swap3A_71] {strides = array<i32>} : memref<3600xf32, #tpu.memory_space<vmem>>, vector<16xf32>,
    tpu.vector_store %arg8[%swap3A_71], %broadcast_in_dim3A_1 {strides = array<i32>} : memref<3600xf32, #tpu.memory_space<vmem>>, vector<16xf32>,
    %swap3A_73 = arith.constant 576 : index
    %swap3A_74 = tpu.vector_load %arg8[%swap3A_73] {strides = array<i32>} : memref<3600xf32, #tpu.memory_space<vmem>>, vector<16xf32>,
    tpu.vector_store %arg8[%swap3A_73], %broadcast_in_dim3A_1 {strides = array<i32>} : memref<3600xf32, #tpu.memory_space<vmem>>, vector<16xf32>,
    %swap3A_75 = arith.constant 592 : index
    %swap3A_76 = tpu.vector_load %arg8[%swap3A_75] {strides = array<i32>} : memref<3600xf32, #tpu.memory_space<vmem>>, vector<16xf32>,
    tpu.vector_store %arg8[%swap3A_75], %broadcast_in_dim3A_1 {strides = array<i32>} : memref<3600xf32, #tpu.memory_space<vmem>>, vector<16xf32>,
    %swap3A_77 = arith.constant 608 : index
    %swap3A_78 = tpu.vector_load %arg8[%swap3A_77] {strides = array<i32>} : memref<3600xf32, #tpu.memory_space<vmem>>, vector<16xf32>,
    tpu.vector_store %arg8[%swap3A_77], %broadcast_in_dim3A_1 {strides = array<i32>} : memref<3600xf32, #tpu.memory_space<vmem>>, vector<16xf32>,
    %swap3A_79 = arith.constant 624 : index
    %swap3A_80 = tpu.vector_load %arg8[%swap3A_79] {strides = array<i32>} : memref<3600xf32, #tpu.memory_space<vmem>>, vector<16xf32>,
    tpu.vector_store %arg8[%swap3A_79], %broadcast_in_dim3A_1 {strides = array<i32>} : memref<3600xf32, #tpu.memory_space<vmem>>, vector<16xf32>,
    %swap3A_81 = arith.constant 640 : index
    %swap3A_82 = tpu.vector_load %arg8[%swap3A_81] {strides = array<i32>} : memref<3600xf32, #tpu.memory_space<vmem>>, vector<16xf32>,
    tpu.vector_store %arg8[%swap3A_81], %broadcast_in_dim3A_1 {strides = array<i32>} : memref<3600xf32, #tpu.memory_space<vmem>>, vector<16xf32>,
    %swap3A_83 = arith.constant 656 : index
    %swap3A_84 = tpu.vector_load %arg8[%swap3A_83] {strides = array<i32>} : memref<3600xf32, #tpu.memory_space<vmem>>, vector<16xf32>,
    tpu.vector_store %arg8[%swap3A_83], %broadcast_in_dim3A_1 {strides = array<i32>} : memref<3600xf32, #tpu.memory_space<vmem>>, vector<16xf32>,
    %swap3A_85 = arith.constant 672 : index
    %swap3A_86 = tpu.vector_load %arg8[%swap3A_85] {strides = array<i32>} : memref<3600xf32, #tpu.memory_space<vmem>>, vector<16xf32>,
    tpu.vector_store %arg8[%swap3A_85], %broadcast_in_dim3A_1 {strides = array<i32>} : memref<3600xf32, #tpu.memory_space<vmem>>, vector<16xf32>,
    %swap3A_87 = arith.constant 688 : index
    %swap3A_88 = tpu.vector_load %arg8[%swap3A_87] {strides = array<i32>} : memref<3600xf32, #tpu.memory_space<vmem>>, vector<16xf32>,
    tpu.vector_store %arg8[%swap3A_87], %broadcast_in_dim3A_1 {strides = array<i32>} : memref<3600xf32, #tpu.memory_space<vmem>>, vector<16xf32>,
    %swap3A_89 = arith.constant 704 : index
    %swap3A_90 = tpu.vector_load %arg8[%swap3A_89] {strides = array<i32>} : memref<3600xf32, #tpu.memory_space<vmem>>, vector<16xf32>,
    tpu.vector_store %arg8[%swap3A_89], %broadcast_in_dim3A_1 {strides = array<i32>} : memref<3600xf32, #tpu.memory_space<vmem>>, vector<16xf32>,
    %swap3A_91 = arith.constant 720 : index
    %swap3A_92 = tpu.vector_load %arg8[%swap3A_91] {strides = array<i32>} : memref<3600xf32, #tpu.memory_space<vmem>>, vector<16xf32>,
    tpu.vector_store %arg8[%swap3A_91], %broadcast_in_dim3A_1 {strides = array<i32>} : memref<3600xf32, #tpu.memory_space<vmem>>, vector<16xf32>,
    %swap3A_93 = arith.constant 736 : index
    %swap3A_94 = tpu.vector_load %arg8[%swap3A_93] {strides = array<i32>} : memref<3600xf32, #tpu.memory_space<vmem>>, vector<16xf32>,
    tpu.vector_store %arg8[%swap3A_93], %broadcast_in_dim3A_1 {strides = array<i32>} : memref<3600xf32, #tpu.memory_space<vmem>>, vector<16xf32>,
    %swap3A_95 = arith.constant 752 : index
    %swap3A_96 = tpu.vector_load %arg8[%swap3A_95] {strides = array<i32>} : memref<3600xf32, #tpu.memory_space<vmem>>, vector<16xf32>,
    tpu.vector_store %arg8[%swap3A_95], %broadcast_in_dim3A_1 {strides = array<i32>} : memref<3600xf32, #tpu.memory_space<vmem>>, vector<16xf32>,
    %swap3A_97 = arith.constant 768 : index
    %swap3A_98 = tpu.vector_load %arg8[%swap3A_97] {strides = array<i32>} : memref<3600xf32, #tpu.memory_space<vmem>>, vector<16xf32>,
    tpu.vector_store %arg8[%swap3A_97], %broadcast_in_dim3A_1 {strides = array<i32>} : memref<3600xf32, #tpu.memory_space<vmem>>, vector<16xf32>,
    %swap3A_99 = arith.constant 784 : index
    %swap3A_100 = tpu.vector_load %arg8[%swap3A_99] {strides = array<i32>} : memref<3600xf32, #tpu.memory_space<vmem>>, vector<16xf32>,
    tpu.vector_store %arg8[%swap3A_99], %broadcast_in_dim3A_1 {strides = array<i32>} : memref<3600xf32, #tpu.memory_space<vmem>>, vector<16xf32>,
    %swap3A_101 = arith.constant 800 : index
    %swap3A_102 = tpu.vector_load %arg8[%swap3A_101] {strides = array<i32>} : memref<3600xf32, #tpu.memory_space<vmem>>, vector<16xf32>,
    tpu.vector_store %arg8[%swap3A_101], %broadcast_in_dim3A_1 {strides = array<i32>} : memref<3600xf32, #tpu.memory_space<vmem>>, vector<16xf32>,
    %swap3A_103 = arith.constant 816 : index
    %swap3A_104 = tpu.vector_load %arg8[%swap3A_103] {strides = array<i32>} : memref<3600xf32, #tpu.memory_space<vmem>>, vector<16xf32>,
    tpu.vector_store %arg8[%swap3A_103], %broadcast_in_dim3A_1 {strides = array<i32>} : memref<3600xf32, #tpu.memory_space<vmem>>, vector<16xf32>,
    %swap3A_105 = arith.constant 832 : index
    %swap3A_106 = tpu.vector_load %arg8[%swap3A_105] {strides = array<i32>} : memref<3600xf32, #tpu.memory_space<vmem>>, vector<16xf32>,
    tpu.vector_store %arg8[%swap3A_105], %broadcast_in_dim3A_1 {strides = array<i32>} : memref<3600xf32, #tpu.memory_space<vmem>>, vector<16xf32>,
    %swap3A_107 = arith.constant 848 : index
    %swap3A_108 = tpu.vector_load %arg8[%swap3A_107] {strides = array<i32>} : memref<3600xf32, #tpu.memory_space<vmem>>, vector<16xf32>,
    tpu.vector_store %arg8[%swap3A_107], %broadcast_in_dim3A_1 {strides = array<i32>} : memref<3600xf32, #tpu.memory_space<vmem>>, vector<16xf32>,
    %swap3A_109 = arith.constant 864 : index
    %swap3A_110 = tpu.vector_load %arg8[%swap3A_109] {strides = array<i32>} : memref<3600xf32, #tpu.memory_space<vmem>>, vector<16xf32>,
    tpu.vector_store %arg8[%swap3A_109], %broadcast_in_dim3A_1 {strides = array<i32>} : memref<3600xf32, #tpu.memory_space<vmem>>, vector<16xf32>,
    %swap3A_111 = arith.constant 880 : index
    %swap3A_112 = tpu.vector_load %arg8[%swap3A_111] {strides = array<i32>} : memref<3600xf32, #tpu.memory_space<vmem>>, vector<16xf32>,
    tpu.vector_store %arg8[%swap3A_111], %broadcast_in_dim3A_1 {strides = array<i32>} : memref<3600xf32, #tpu.memory_space<vmem>>, vector<16xf32>,
    %swap3A_113 = arith.constant 896 : index
    %swap3A_114 = tpu.vector_load %arg8[%swap3A_113] {strides = array<i32>} : memref<3600xf32, #tpu.memory_space<vmem>>, vector<16xf32>,
    tpu.vector_store %arg8[%swap3A_113], %broadcast_in_dim3A_1 {strides = array<i32>} : memref<3600xf32, #tpu.memory_space<vmem>>, vector<16xf32>,
    %swap3A_115 = arith.constant 912 : index
    %swap3A_116 = tpu.vector_load %arg8[%swap3A_115] {strides = array<i32>} : memref<3600xf32, #tpu.memory_space<vmem>>, vector<16xf32>,
    tpu.vector_store %arg8[%swap3A_115], %broadcast_in_dim3A_1 {strides = array<i32>} : memref<3600xf32, #tpu.memory_space<vmem>>, vector<16xf32>,
    %swap3A_117 = arith.constant 928 : index
    %swap3A_118 = tpu.vector_load %arg8[%swap3A_117] {strides = array<i32>} : memref<3600xf32, #tpu.memory_space<vmem>>, vector<16xf32>,
    tpu.vector_store %arg8[%swap3A_117], %broadcast_in_dim3A_1 {strides = array<i32>} : memref<3600xf32, #tpu.memory_space<vmem>>, vector<16xf32>,
    %swap3A_119 = arith.constant 944 : index
    %swap3A_120 = tpu.vector_load %arg8[%swap3A_119] {strides = array<i32>} : memref<3600xf32, #tpu.memory_space<vmem>>, vector<16xf32>,
    tpu.vector_store %arg8[%swap3A_119], %broadcast_in_dim3A_1 {strides = array<i32>} : memref<3600xf32, #tpu.memory_space<vmem>>, vector<16xf32>,
    %swap3A_121 = arith.constant 960 : index
    %swap3A_122 = tpu.vector_load %arg8[%swap3A_121] {strides = array<i32>} : memref<3600xf32, #tpu.memory_space<vmem>>, vector<16xf32>,
    tpu.vector_store %arg8[%swap3A_121], %broadcast_in_dim3A_1 {strides = array<i32>} : memref<3600xf32, #tpu.memory_space<vmem>>, vector<16xf32>,
    %swap3A_123 = arith.constant 976 : index
    %swap3A_124 = tpu.vector_load %arg8[%swap3A_123] {strides = array<i32>} : memref<3600xf32, #tpu.memory_space<vmem>>, vector<16xf32>,
    tpu.vector_store %arg8[%swap3A_123], %broadcast_in_dim3A_1 {strides = array<i32>} : memref<3600xf32, #tpu.memory_space<vmem>>, vector<16xf32>,
    %swap3A_125 = arith.constant 992 : index
    %swap3A_126 = tpu.vector_load %arg8[%swap3A_125] {strides = array<i32>} : memref<3600xf32, #tpu.memory_space<vmem>>, vector<16xf32>,
    tpu.vector_store %arg8[%swap3A_125], %broadcast_in_dim3A_1 {strides = array<i32>} : memref<3600xf32, #tpu.memory_space<vmem>>, vector<16xf32>,
    %swap3A_127 = arith.constant 1008 : index
    %swap3A_128 = tpu.vector_load %arg8[%swap3A_127] {strides = array<i32>} : memref<3600xf32, #tpu.memory_space<vmem>>, vector<16xf32>,
    tpu.vector_store %arg8[%swap3A_127], %broadcast_in_dim3A_1 {strides = array<i32>} : memref<3600xf32, #tpu.memory_space<vmem>>, vector<16xf32>,
    %swap3A_129 = arith.constant 1024 : index
    %swap3A_130 = tpu.vector_load %arg8[%swap3A_129] {strides = array<i32>} : memref<3600xf32, #tpu.memory_space<vmem>>, vector<16xf32>,
    tpu.vector_store %arg8[%swap3A_129], %broadcast_in_dim3A_1 {strides = array<i32>} : memref<3600xf32, #tpu.memory_space<vmem>>, vector<16xf32>,
    %swap3A_131 = arith.constant 1040 : index
    %swap3A_132 = tpu.vector_load %arg8[%swap3A_131] {strides = array<i32>} : memref<3600xf32, #tpu.memory_space<vmem>>, vector<16xf32>,
    tpu.vector_store %arg8[%swap3A_131], %broadcast_in_dim3A_1 {strides = array<i32>} : memref<3600xf32, #tpu.memory_space<vmem>>, vector<16xf32>,
    %swap3A_133 = arith.constant 1056 : index
    %swap3A_134 = tpu.vector_load %arg8[%swap3A_133] {strides = array<i32>} : memref<3600xf32, #tpu.memory_space<vmem>>, vector<16xf32>,
    tpu.vector_store %arg8[%swap3A_133], %broadcast_in_dim3A_1 {strides = array<i32>} : memref<3600xf32, #tpu.memory_space<vmem>>, vector<16xf32>,
    %swap3A_135 = arith.constant 1072 : index
    %swap3A_136 = tpu.vector_load %arg8[%swap3A_135] {strides = array<i32>} : memref<3600xf32, #tpu.memory_space<vmem>>, vector<16xf32>,
    tpu.vector_store %arg8[%swap3A_135], %broadcast_in_dim3A_1 {strides = array<i32>} : memref<3600xf32, #tpu.memory_space<vmem>>, vector<16xf32>,
    %swap3A_137 = arith.constant 1088 : index
    %swap3A_138 = tpu.vector_load %arg8[%swap3A_137] {strides = array<i32>} : memref<3600xf32, #tpu.memory_space<vmem>>, vector<16xf32>,
    tpu.vector_store %arg8[%swap3A_137], %broadcast_in_dim3A_1 {strides = array<i32>} : memref<3600xf32, #tpu.memory_space<vmem>>, vector<16xf32>,
    %swap3A_139 = arith.constant 1104 : index
    %swap3A_140 = tpu.vector_load %arg8[%swap3A_139] {strides = array<i32>} : memref<3600xf32, #tpu.memory_space<vmem>>, vector<16xf32>,
    tpu.vector_store %arg8[%swap3A_139], %broadcast_in_dim3A_1 {strides = array<i32>} : memref<3600xf32, #tpu.memory_space<vmem>>, vector<16xf32>,
    %swap3A_141 = arith.constant 1120 : index
    %swap3A_142 = tpu.vector_load %arg8[%swap3A_141] {strides = array<i32>} : memref<3600xf32, #tpu.memory_space<vmem>>, vector<16xf32>,
    tpu.vector_store %arg8[%swap3A_141], %broadcast_in_dim3A_1 {strides = array<i32>} : memref<3600xf32, #tpu.memory_space<vmem>>, vector<16xf32>,
    %swap3A_143 = arith.constant 1136 : index
    %swap3A_144 = tpu.vector_load %arg8[%swap3A_143] {strides = array<i32>} : memref<3600xf32, #tpu.memory_space<vmem>>, vector<16xf32>,
    tpu.vector_store %arg8[%swap3A_143], %broadcast_in_dim3A_1 {strides = array<i32>} : memref<3600xf32, #tpu.memory_space<vmem>>, vector<16xf32>,
    %swap3A_145 = arith.constant 1152 : index
    %swap3A_146 = tpu.vector_load %arg8[%swap3A_145] {strides = array<i32>} : memref<3600xf32, #tpu.memory_space<vmem>>, vector<16xf32>,
    tpu.vector_store %arg8[%swap3A_145], %broadcast_in_dim3A_1 {strides = array<i32>} : memref<3600xf32, #tpu.memory_space<vmem>>, vector<16xf32>,
    %swap3A_147 = arith.constant 1168 : index
    %swap3A_148 = tpu.vector_load %arg8[%swap3A_147] {strides = array<i32>} : memref<3600xf32, #tpu.memory_space<vmem>>, vector<16xf32>,
    tpu.vector_store %arg8[%swap3A_147], %broadcast_in_dim3A_1 {strides = array<i32>} : memref<3600xf32, #tpu.memory_space<vmem>>, vector<16xf32>,
    %swap3A_149 = arith.constant 1184 : index
    %swap3A_150 = tpu.vector_load %arg8[%swap3A_149] {strides = array<i32>} : memref<3600xf32, #tpu.memory_space<vmem>>, vector<16xf32>,
    tpu.vector_store %arg8[%swap3A_149], %broadcast_in_dim3A_1 {strides = array<i32>} : memref<3600xf32, #tpu.memory_space<vmem>>, vector<16xf32>,
    %swap3A_151 = arith.constant 1200 : index
    %swap3A_152 = tpu.vector_load %arg8[%swap3A_151] {strides = array<i32>} : memref<3600xf32, #tpu.memory_space<vmem>>, vector<16xf32>,
    tpu.vector_store %arg8[%swap3A_151], %broadcast_in_dim3A_1 {strides = array<i32>} : memref<3600xf32, #tpu.memory_space<vmem>>, vector<16xf32>,
    %swap3A_153 = arith.constant 1216 : index
    %swap3A_154 = tpu.vector_load %arg8[%swap3A_153] {strides = array<i32>} : memref<3600xf32, #tpu.memory_space<vmem>>, vector<16xf32>,
    tpu.vector_store %arg8[%swap3A_153], %broadcast_in_dim3A_1 {strides = array<i32>} : memref<3600xf32, #tpu.memory_space<vmem>>, vector<16xf32>,
    %swap3A_155 = arith.constant 1232 : index
    %swap3A_156 = tpu.vector_load %arg8[%swap3A_155] {strides = array<i32>} : memref<3600xf32, #tpu.memory_space<vmem>>, vector<16xf32>,
    tpu.vector_store %arg8[%swap3A_155], %broadcast_in_dim3A_1 {strides = array<i32>} : memref<3600xf32, #tpu.memory_space<vmem>>, vector<16xf32>,
    %swap3A_157 = arith.constant 1248 : index
    %swap3A_158 = tpu.vector_load %arg8[%swap3A_157] {strides = array<i32>} : memref<3600xf32, #tpu.memory_space<vmem>>, vector<16xf32>,
    tpu.vector_store %arg8[%swap3A_157], %broadcast_in_dim3A_1 {strides = array<i32>} : memref<3600xf32, #tpu.memory_space<vmem>>, vector<16xf32>,
    %swap3A_159 = arith.constant 1264 : index
    %swap3A_160 = tpu.vector_load %arg8[%swap3A_159] {strides = array<i32>} : memref<3600xf32, #tpu.memory_space<vmem>>, vector<16xf32>,
    tpu.vector_store %arg8[%swap3A_159], %broadcast_in_dim3A_1 {strides = array<i32>} : memref<3600xf32, #tpu.memory_space<vmem>>, vector<16xf32>,
    %swap3A_161 = arith.constant 1280 : index
    %swap3A_162 = tpu.vector_load %arg8[%swap3A_161] {strides = array<i32>} : memref<3600xf32, #tpu.memory_space<vmem>>, vector<16xf32>,
    tpu.vector_store %arg8[%swap3A_161], %broadcast_in_dim3A_1 {strides = array<i32>} : memref<3600xf32, #tpu.memory_space<vmem>>, vector<16xf32>,
    %swap3A_163 = arith.constant 1296 : index
    %swap3A_164 = tpu.vector_load %arg8[%swap3A_163] {strides = array<i32>} : memref<3600xf32, #tpu.memory_space<vmem>>, vector<16xf32>,
    tpu.vector_store %arg8[%swap3A_163], %broadcast_in_dim3A_1 {strides = array<i32>} : memref<3600xf32, #tpu.memory_space<vmem>>, vector<16xf32>,
    %swap3A_165 = arith.constant 1312 : index
    %swap3A_166 = tpu.vector_load %arg8[%swap3A_165] {strides = array<i32>} : memref<3600xf32, #tpu.memory_space<vmem>>, vector<16xf32>,
    tpu.vector_store %arg8[%swap3A_165], %broadcast_in_dim3A_1 {strides = array<i32>} : memref<3600xf32, #tpu.memory_space<vmem>>, vector<16xf32>,
    %swap3A_167 = arith.constant 1328 : index
    %swap3A_168 = tpu.vector_load %arg8[%swap3A_167] {strides = array<i32>} : memref<3600xf32, #tpu.memory_space<vmem>>, vector<16xf32>,
    tpu.vector_store %arg8[%swap3A_167], %broadcast_in_dim3A_1 {strides = array<i32>} : memref<3600xf32, #tpu.memory_space<vmem>>, vector<16xf32>,
    %swap3A_169 = arith.constant 1344 : index
    %swap3A_170 = tpu.vector_load %arg8[%swap3A_169] {strides = array<i32>} : memref<3600xf32, #tpu.memory_space<vmem>>, vector<16xf32>,
    tpu.vector_store %arg8[%swap3A_169], %broadcast_in_dim3A_1 {strides = array<i32>} : memref<3600xf32, #tpu.memory_space<vmem>>, vector<16xf32>,
    %swap3A_171 = arith.constant 1360 : index
    %swap3A_172 = tpu.vector_load %arg8[%swap3A_171] {strides = array<i32>} : memref<3600xf32, #tpu.memory_space<vmem>>, vector<16xf32>,
    tpu.vector_store %arg8[%swap3A_171], %broadcast_in_dim3A_1 {strides = array<i32>} : memref<3600xf32, #tpu.memory_space<vmem>>, vector<16xf32>,
    %swap3A_173 = arith.constant 1376 : index
    %swap3A_174 = tpu.vector_load %arg8[%swap3A_173] {strides = array<i32>} : memref<3600xf32, #tpu.memory_space<vmem>>, vector<16xf32>,
    tpu.vector_store %arg8[%swap3A_173], %broadcast_in_dim3A_1 {strides = array<i32>} : memref<3600xf32, #tpu.memory_space<vmem>>, vector<16xf32>,
    %swap3A_175 = arith.constant 1392 : index
    %swap3A_176 = tpu.vector_load %arg8[%swap3A_175] {strides = array<i32>} : memref<3600xf32, #tpu.memory_space<vmem>>, vector<16xf32>,
    tpu.vector_store %arg8[%swap3A_175], %broadcast_in_dim3A_1 {strides = array<i32>} : memref<3600xf32, #tpu.memory_space<vmem>>, vector<16xf32>,
    %swap3A_177 = arith.constant 1408 : index
    %swap3A_178 = tpu.vector_load %arg8[%swap3A_177] {strides = array<i32>} : memref<3600xf32, #tpu.memory_space<vmem>>, vector<16xf32>,
    tpu.vector_store %arg8[%swap3A_177], %broadcast_in_dim3A_1 {strides = array<i32>} : memref<3600xf32, #tpu.memory_space<vmem>>, vector<16xf32>,
    %swap3A_179 = arith.constant 1424 : index
    %swap3A_180 = tpu.vector_load %arg8[%swap3A_179] {strides = array<i32>} : memref<3600xf32, #tpu.memory_space<vmem>>, vector<16xf32>,
    tpu.vector_store %arg8[%swap3A_179], %broadcast_in_dim3A_1 {strides = array<i32>} : memref<3600xf32, #tpu.memory_space<vmem>>, vector<16xf32>,
    %swap3A_181 = arith.constant 1440 : index
    %swap3A_182 = tpu.vector_load %arg8[%swap3A_181] {strides = array<i32>} : memref<3600xf32, #tpu.memory_space<vmem>>, vector<16xf32>,
    tpu.vector_store %arg8[%swap3A_181], %broadcast_in_dim3A_1 {strides = array<i32>} : memref<3600xf32, #tpu.memory_space<vmem>>, vector<16xf32>,
    %swap3A_183 = arith.constant 1456 : index
    %swap3A_184 = tpu.vector_load %arg8[%swap3A_183] {strides = array<i32>} : memref<3600xf32, #tpu.memory_space<vmem>>, vector<16xf32>,
    tpu.vector_store %arg8[%swap3A_183], %broadcast_in_dim3A_1 {strides = array<i32>} : memref<3600xf32, #tpu.memory_space<vmem>>, vector<16xf32>,
    %swap3A_185 = arith.constant 1472 : index
    %swap3A_186 = tpu.vector_load %arg8[%swap3A_185] {strides = array<i32>} : memref<3600xf32, #tpu.memory_space<vmem>>, vector<16xf32>,
    tpu.vector_store %arg8[%swap3A_185], %broadcast_in_dim3A_1 {strides = array<i32>} : memref<3600xf32, #tpu.memory_space<vmem>>, vector<16xf32>,
    %swap3A_187 = arith.constant 1488 : index
    %swap3A_188 = tpu.vector_load %arg8[%swap3A_187] {strides = array<i32>} : memref<3600xf32, #tpu.memory_space<vmem>>, vector<16xf32>,
    tpu.vector_store %arg8[%swap3A_187], %broadcast_in_dim3A_1 {strides = array<i32>} : memref<3600xf32, #tpu.memory_space<vmem>>, vector<16xf32>,
    %swap3A_189 = arith.constant 1504 : index
    %swap3A_190 = tpu.vector_load %arg8[%swap3A_189] {strides = array<i32>} : memref<3600xf32, #tpu.memory_space<vmem>>, vector<16xf32>,
    tpu.vector_store %arg8[%swap3A_189], %broadcast_in_dim3A_1 {strides = array<i32>} : memref<3600xf32, #tpu.memory_space<vmem>>, vector<16xf32>,
    %swap3A_191 = arith.constant 1520 : index
    %swap3A_192 = tpu.vector_load %arg8[%swap3A_191] {strides = array<i32>} : memref<3600xf32, #tpu.memory_space<vmem>>, vector<16xf32>,
    tpu.vector_store %arg8[%swap3A_191], %broadcast_in_dim3A_1 {strides = array<i32>} : memref<3600xf32, #tpu.memory_space<vmem>>, vector<16xf32>,
    %swap3A_193 = arith.constant 1536 : index
    %swap3A_194 = tpu.vector_load %arg8[%swap3A_193] {strides = array<i32>} : memref<3600xf32, #tpu.memory_space<vmem>>, vector<16xf32>,
    tpu.vector_store %arg8[%swap3A_193], %broadcast_in_dim3A_1 {strides = array<i32>} : memref<3600xf32, #tpu.memory_space<vmem>>, vector<16xf32>,
    %swap3A_195 = arith.constant 1552 : index
    %swap3A_196 = tpu.vector_load %arg8[%swap3A_195] {strides = array<i32>} : memref<3600xf32, #tpu.memory_space<vmem>>, vector<16xf32>,
    tpu.vector_store %arg8[%swap3A_195], %broadcast_in_dim3A_1 {strides = array<i32>} : memref<3600xf32, #tpu.memory_space<vmem>>, vector<16xf32>,
    %swap3A_197 = arith.constant 1568 : index
    %swap3A_198 = tpu.vector_load %arg8[%swap3A_197] {strides = array<i32>} : memref<3600xf32, #tpu.memory_space<vmem>>, vector<16xf32>,
    tpu.vector_store %arg8[%swap3A_197], %broadcast_in_dim3A_1 {strides = array<i32>} : memref<3600xf32, #tpu.memory_space<vmem>>, vector<16xf32>,
    %swap3A_199 = arith.constant 1584 : index
    %swap3A_200 = tpu.vector_load %arg8[%swap3A_199] {strides = array<i32>} : memref<3600xf32, #tpu.memory_space<vmem>>, vector<16xf32>,
    tpu.vector_store %arg8[%swap3A_199], %broadcast_in_dim3A_1 {strides = array<i32>} : memref<3600xf32, #tpu.memory_space<vmem>>, vector<16xf32>,
    %swap3A_201 = arith.constant 1600 : index
    %swap3A_202 = tpu.vector_load %arg8[%swap3A_201] {strides = array<i32>} : memref<3600xf32, #tpu.memory_space<vmem>>, vector<16xf32>,
    tpu.vector_store %arg8[%swap3A_201], %broadcast_in_dim3A_1 {strides = array<i32>} : memref<3600xf32, #tpu.memory_space<vmem>>, vector<16xf32>,
    %swap3A_203 = arith.constant 1616 : index
    %swap3A_204 = tpu.vector_load %arg8[%swap3A_203] {strides = array<i32>} : memref<3600xf32, #tpu.memory_space<vmem>>, vector<16xf32>,
    tpu.vector_store %arg8[%swap3A_203], %broadcast_in_dim3A_1 {strides = array<i32>} : memref<3600xf32, #tpu.memory_space<vmem>>, vector<16xf32>,
    %swap3A_205 = arith.constant 1632 : index
    %swap3A_206 = tpu.vector_load %arg8[%swap3A_205] {strides = array<i32>} : memref<3600xf32, #tpu.memory_space<vmem>>, vector<16xf32>,
    tpu.vector_store %arg8[%swap3A_205], %broadcast_in_dim3A_1 {strides = array<i32>} : memref<3600xf32, #tpu.memory_space<vmem>>, vector<16xf32>,
    %swap3A_207 = arith.constant 1648 : index
    %swap3A_208 = tpu.vector_load %arg8[%swap3A_207] {strides = array<i32>} : memref<3600xf32, #tpu.memory_space<vmem>>, vector<16xf32>,
    tpu.vector_store %arg8[%swap3A_207], %broadcast_in_dim3A_1 {strides = array<i32>} : memref<3600xf32, #tpu.memory_space<vmem>>, vector<16xf32>,
    %swap3A_209 = arith.constant 1664 : index
    %swap3A_210 = tpu.vector_load %arg8[%swap3A_209] {strides = array<i32>} : memref<3600xf32, #tpu.memory_space<vmem>>, vector<16xf32>,
    tpu.vector_store %arg8[%swap3A_209], %broadcast_in_dim3A_1 {strides = array<i32>} : memref<3600xf32, #tpu.memory_space<vmem>>, vector<16xf32>,
    %swap3A_211 = arith.constant 1680 : index
    %swap3A_212 = tpu.vector_load %arg8[%swap3A_211] {strides = array<i32>} : memref<3600xf32, #tpu.memory_space<vmem>>, vector<16xf32>,
    tpu.vector_store %arg8[%swap3A_211], %broadcast_in_dim3A_1 {strides = array<i32>} : memref<3600xf32, #tpu.memory_space<vmem>>, vector<16xf32>,
    %swap3A_213 = arith.constant 1696 : index
    %swap3A_214 = tpu.vector_load %arg8[%swap3A_213] {strides = array<i32>} : memref<3600xf32, #tpu.memory_space<vmem>>, vector<16xf32>,
    tpu.vector_store %arg8[%swap3A_213], %broadcast_in_dim3A_1 {strides = array<i32>} : memref<3600xf32, #tpu.memory_space<vmem>>, vector<16xf32>,
    %swap3A_215 = arith.constant 1712 : index
    %swap3A_216 = tpu.vector_load %arg8[%swap3A_215] {strides = array<i32>} : memref<3600xf32, #tpu.memory_space<vmem>>, vector<16xf32>,
    tpu.vector_store %arg8[%swap3A_215], %broadcast_in_dim3A_1 {strides = array<i32>} : memref<3600xf32, #tpu.memory_space<vmem>>, vector<16xf32>,
    %swap3A_217 = arith.constant 1728 : index
    %swap3A_218 = tpu.vector_load %arg8[%swap3A_217] {strides = array<i32>} : memref<3600xf32, #tpu.memory_space<vmem>>, vector<16xf32>,
    tpu.vector_store %arg8[%swap3A_217], %broadcast_in_dim3A_1 {strides = array<i32>} : memref<3600xf32, #tpu.memory_space<vmem>>, vector<16xf32>,
    %swap3A_219 = arith.constant 1744 : index
    %swap3A_220 = tpu.vector_load %arg8[%swap3A_219] {strides = array<i32>} : memref<3600xf32, #tpu.memory_space<vmem>>, vector<16xf32>,
    tpu.vector_store %arg8[%swap3A_219], %broadcast_in_dim3A_1 {strides = array<i32>} : memref<3600xf32, #tpu.memory_space<vmem>>, vector<16xf32>,
    %swap3A_221 = arith.constant 1760 : index
    %swap3A_222 = tpu.vector_load %arg8[%swap3A_221] {strides = array<i32>} : memref<3600xf32, #tpu.memory_space<vmem>>, vector<16xf32>,
    tpu.vector_store %arg8[%swap3A_221], %broadcast_in_dim3A_1 {strides = array<i32>} : memref<3600xf32, #tpu.memory_space<vmem>>, vector<16xf32>,
    %swap3A_223 = arith.constant 1776 : index
    %swap3A_224 = tpu.vector_load %arg8[%swap3A_223] {strides = array<i32>} : memref<3600xf32, #tpu.memory_space<vmem>>, vector<16xf32>,
    tpu.vector_store %arg8[%swap3A_223], %broadcast_in_dim3A_1 {strides = array<i32>} : memref<3600xf32, #tpu.memory_space<vmem>>, vector<16xf32>,
    %swap3A_225 = arith.constant 1792 : index
    %swap3A_226 = tpu.vector_load %arg8[%swap3A_225] {strides = array<i32>} : memref<3600xf32, #tpu.memory_space<vmem>>, vector<16xf32>,
    tpu.vector_store %arg8[%swap3A_225], %broadcast_in_dim3A_1 {strides = array<i32>} : memref<3600xf32, #tpu.memory_space<vmem>>, vector<16xf32>,
    %swap3A_227 = arith.constant 1808 : index
    %swap3A_228 = tpu.vector_load %arg8[%swap3A_227] {strides = array<i32>} : memref<3600xf32, #tpu.memory_space<vmem>>, vector<16xf32>,
    tpu.vector_store %arg8[%swap3A_227], %broadcast_in_dim3A_1 {strides = array<i32>} : memref<3600xf32, #tpu.memory_space<vmem>>, vector<16xf32>,
    %swap3A_229 = arith.constant 1824 : index
    %swap3A_230 = tpu.vector_load %arg8[%swap3A_229] {strides = array<i32>} : memref<3600xf32, #tpu.memory_space<vmem>>, vector<16xf32>,
    tpu.vector_store %arg8[%swap3A_229], %broadcast_in_dim3A_1 {strides = array<i32>} : memref<3600xf32, #tpu.memory_space<vmem>>, vector<16xf32>,
    %swap3A_231 = arith.constant 1840 : index
    %swap3A_232 = tpu.vector_load %arg8[%swap3A_231] {strides = array<i32>} : memref<3600xf32, #tpu.memory_space<vmem>>, vector<16xf32>,
    tpu.vector_store %arg8[%swap3A_231], %broadcast_in_dim3A_1 {strides = array<i32>} : memref<3600xf32, #tpu.memory_space<vmem>>, vector<16xf32>,
    %swap3A_233 = arith.constant 1856 : index
    %swap3A_234 = tpu.vector_load %arg8[%swap3A_233] {strides = array<i32>} : memref<3600xf32, #tpu.memory_space<vmem>>, vector<16xf32>,
    tpu.vector_store %arg8[%swap3A_233], %broadcast_in_dim3A_1 {strides = array<i32>} : memref<3600xf32, #tpu.memory_space<vmem>>, vector<16xf32>,
    %swap3A_235 = arith.constant 1872 : index
    %swap3A_236 = tpu.vector_load %arg8[%swap3A_235] {strides = array<i32>} : memref<3600xf32, #tpu.memory_space<vmem>>, vector<16xf32>,
    tpu.vector_store %arg8[%swap3A_235], %broadcast_in_dim3A_1 {strides = array<i32>} : memref<3600xf32, #tpu.memory_space<vmem>>, vector<16xf32>,
    %swap3A_237 = arith.constant 1888 : index
    %swap3A_238 = tpu.vector_load %arg8[%swap3A_237] {strides = array<i32>} : memref<3600xf32, #tpu.memory_space<vmem>>, vector<16xf32>,
    tpu.vector_store %arg8[%swap3A_237], %broadcast_in_dim3A_1 {strides = array<i32>} : memref<3600xf32, #tpu.memory_space<vmem>>, vector<16xf32>,
    %swap3A_239 = arith.constant 1904 : index
    %swap3A_240 = tpu.vector_load %arg8[%swap3A_239] {strides = array<i32>} : memref<3600xf32, #tpu.memory_space<vmem>>, vector<16xf32>,
    tpu.vector_store %arg8[%swap3A_239], %broadcast_in_dim3A_1 {strides = array<i32>} : memref<3600xf32, #tpu.memory_space<vmem>>, vector<16xf32>,
    %swap3A_241 = arith.constant 1920 : index
    %swap3A_242 = tpu.vector_load %arg8[%swap3A_241] {strides = array<i32>} : memref<3600xf32, #tpu.memory_space<vmem>>, vector<16xf32>,
    tpu.vector_store %arg8[%swap3A_241], %broadcast_in_dim3A_1 {strides = array<i32>} : memref<3600xf32, #tpu.memory_space<vmem>>, vector<16xf32>,
    %swap3A_243 = arith.constant 1936 : index
    %swap3A_244 = tpu.vector_load %arg8[%swap3A_243] {strides = array<i32>} : memref<3600xf32, #tpu.memory_space<vmem>>, vector<16xf32>,
    tpu.vector_store %arg8[%swap3A_243], %broadcast_in_dim3A_1 {strides = array<i32>} : memref<3600xf32, #tpu.memory_space<vmem>>, vector<16xf32>,
    %swap3A_245 = arith.constant 1952 : index
    %swap3A_246 = tpu.vector_load %arg8[%swap3A_245] {strides = array<i32>} : memref<3600xf32, #tpu.memory_space<vmem>>, vector<16xf32>,
    tpu.vector_store %arg8[%swap3A_245], %broadcast_in_dim3A_1 {strides = array<i32>} : memref<3600xf32, #tpu.memory_space<vmem>>, vector<16xf32>,
    %swap3A_247 = arith.constant 1968 : index
    %swap3A_248 = tpu.vector_load %arg8[%swap3A_247] {strides = array<i32>} : memref<3600xf32, #tpu.memory_space<vmem>>, vector<16xf32>,
    tpu.vector_store %arg8[%swap3A_247], %broadcast_in_dim3A_1 {strides = array<i32>} : memref<3600xf32, #tpu.memory_space<vmem>>, vector<16xf32>,
    %swap3A_249 = arith.constant 1984 : index
    %swap3A_250 = tpu.vector_load %arg8[%swap3A_249] {strides = array<i32>} : memref<3600xf32, #tpu.memory_space<vmem>>, vector<16xf32>,
    tpu.vector_store %arg8[%swap3A_249], %broadcast_in_dim3A_1 {strides = array<i32>} : memref<3600xf32, #tpu.memory_space<vmem>>, vector<16xf32>,
    %swap3A_251 = arith.constant 2000 : index
    %swap3A_252 = tpu.vector_load %arg8[%swap3A_251] {strides = array<i32>} : memref<3600xf32, #tpu.memory_space<vmem>>, vector<16xf32>,
    tpu.vector_store %arg8[%swap3A_251], %broadcast_in_dim3A_1 {strides = array<i32>} : memref<3600xf32, #tpu.memory_space<vmem>>, vector<16xf32>,
    %swap3A_253 = arith.constant 2016 : index
    %swap3A_254 = tpu.vector_load %arg8[%swap3A_253] {strides = array<i32>} : memref<3600xf32, #tpu.memory_space<vmem>>, vector<16xf32>,
    tpu.vector_store %arg8[%swap3A_253], %broadcast_in_dim3A_1 {strides = array<i32>} : memref<3600xf32, #tpu.memory_space<vmem>>, vector<16xf32>,
    %swap3A_255 = arith.constant 2032 : index
    %swap3A_256 = tpu.vector_load %arg8[%swap3A_255] {strides = array<i32>} : memref<3600xf32, #tpu.memory_space<vmem>>, vector<16xf32>,
    tpu.vector_store %arg8[%swap3A_255], %broadcast_in_dim3A_1 {strides = array<i32>} : memref<3600xf32, #tpu.memory_space<vmem>>, vector<16xf32>,
    %swap3A_257 = arith.constant 2048 : index
    %swap3A_258 = tpu.vector_load %arg8[%swap3A_257] {strides = array<i32>} : memref<3600xf32, #tpu.memory_space<vmem>>, vector<16xf32>,
    tpu.vector_store %arg8[%swap3A_257], %broadcast_in_dim3A_1 {strides = array<i32>} : memref<3600xf32, #tpu.memory_space<vmem>>, vector<16xf32>,
    %swap3A_259 = arith.constant 2064 : index
    %swap3A_260 = tpu.vector_load %arg8[%swap3A_259] {strides = array<i32>} : memref<3600xf32, #tpu.memory_space<vmem>>, vector<16xf32>,
    tpu.vector_store %arg8[%swap3A_259], %broadcast_in_dim3A_1 {strides = array<i32>} : memref<3600xf32, #tpu.memory_space<vmem>>, vector<16xf32>,
    %swap3A_261 = arith.constant 2080 : index
    %swap3A_262 = tpu.vector_load %arg8[%swap3A_261] {strides = array<i32>} : memref<3600xf32, #tpu.memory_space<vmem>>, vector<16xf32>,
    tpu.vector_store %arg8[%swap3A_261], %broadcast_in_dim3A_1 {strides = array<i32>} : memref<3600xf32, #tpu.memory_space<vmem>>, vector<16xf32>,
    %swap3A_263 = arith.constant 2096 : index
    %swap3A_264 = tpu.vector_load %arg8[%swap3A_263] {strides = array<i32>} : memref<3600xf32, #tpu.memory_space<vmem>>, vector<16xf32>,
    tpu.vector_store %arg8[%swap3A_263], %broadcast_in_dim3A_1 {strides = array<i32>} : memref<3600xf32, #tpu.memory_space<vmem>>, vector<16xf32>,
    %swap3A_265 = arith.constant 2112 : index
    %swap3A_266 = tpu.vector_load %arg8[%swap3A_265] {strides = array<i32>} : memref<3600xf32, #tpu.memory_space<vmem>>, vector<16xf32>,
    tpu.vector_store %arg8[%swap3A_265], %broadcast_in_dim3A_1 {strides = array<i32>} : memref<3600xf32, #tpu.memory_space<vmem>>, vector<16xf32>,
    %swap3A_267 = arith.constant 2128 : index
    %swap3A_268 = tpu.vector_load %arg8[%swap3A_267] {strides = array<i32>} : memref<3600xf32, #tpu.memory_space<vmem>>, vector<16xf32>,
    tpu.vector_store %arg8[%swap3A_267], %broadcast_in_dim3A_1 {strides = array<i32>} : memref<3600xf32, #tpu.memory_space<vmem>>, vector<16xf32>,
    %swap3A_269 = arith.constant 2144 : index
    %swap3A_270 = tpu.vector_load %arg8[%swap3A_269] {strides = array<i32>} : memref<3600xf32, #tpu.memory_space<vmem>>, vector<16xf32>,
    tpu.vector_store %arg8[%swap3A_269], %broadcast_in_dim3A_1 {strides = array<i32>} : memref<3600xf32, #tpu.memory_space<vmem>>, vector<16xf32>,
    %swap3A_271 = arith.constant 2160 : index
    %swap3A_272 = tpu.vector_load %arg8[%swap3A_271] {strides = array<i32>} : memref<3600xf32, #tpu.memory_space<vmem>>, vector<16xf32>,
    tpu.vector_store %arg8[%swap3A_271], %broadcast_in_dim3A_1 {strides = array<i32>} : memref<3600xf32, #tpu.memory_space<vmem>>, vector<16xf32>,
    %swap3A_273 = arith.constant 2176 : index
    %swap3A_274 = tpu.vector_load %arg8[%swap3A_273] {strides = array<i32>} : memref<3600xf32, #tpu.memory_space<vmem>>, vector<16xf32>,
    tpu.vector_store %arg8[%swap3A_273], %broadcast_in_dim3A_1 {strides = array<i32>} : memref<3600xf32, #tpu.memory_space<vmem>>, vector<16xf32>,
    %swap3A_275 = arith.constant 2192 : index
    %swap3A_276 = tpu.vector_load %arg8[%swap3A_275] {strides = array<i32>} : memref<3600xf32, #tpu.memory_space<vmem>>, vector<16xf32>,
    tpu.vector_store %arg8[%swap3A_275], %broadcast_in_dim3A_1 {strides = array<i32>} : memref<3600xf32, #tpu.memory_space<vmem>>, vector<16xf32>,
    %swap3A_277 = arith.constant 2208 : index
    %swap3A_278 = tpu.vector_load %arg8[%swap3A_277] {strides = array<i32>} : memref<3600xf32, #tpu.memory_space<vmem>>, vector<16xf32>,
    tpu.vector_store %arg8[%swap3A_277], %broadcast_in_dim3A_1 {strides = array<i32>} : memref<3600xf32, #tpu.memory_space<vmem>>, vector<16xf32>,
    %swap3A_279 = arith.constant 2224 : index
    %swap3A_280 = tpu.vector_load %arg8[%swap3A_279] {strides = array<i32>} : memref<3600xf32, #tpu.memory_space<vmem>>, vector<16xf32>,
    tpu.vector_store %arg8[%swap3A_279], %broadcast_in_dim3A_1 {strides = array<i32>} : memref<3600xf32, #tpu.memory_space<vmem>>, vector<16xf32>,
    %swap3A_281 = arith.constant 2240 : index
    %swap3A_282 = tpu.vector_load %arg8[%swap3A_281] {strides = array<i32>} : memref<3600xf32, #tpu.memory_space<vmem>>, vector<16xf32>,
    tpu.vector_store %arg8[%swap3A_281], %broadcast_in_dim3A_1 {strides = array<i32>} : memref<3600xf32, #tpu.memory_space<vmem>>, vector<16xf32>,
    %swap3A_283 = arith.constant 2256 : index
    %swap3A_284 = tpu.vector_load %arg8[%swap3A_283] {strides = array<i32>} : memref<3600xf32, #tpu.memory_space<vmem>>, vector<16xf32>,
    tpu.vector_store %arg8[%swap3A_283], %broadcast_in_dim3A_1 {strides = array<i32>} : memref<3600xf32, #tpu.memory_space<vmem>>, vector<16xf32>,
    %swap3A_285 = arith.constant 2272 : index
    %swap3A_286 = tpu.vector_load %arg8[%swap3A_285] {strides = array<i32>} : memref<3600xf32, #tpu.memory_space<vmem>>, vector<16xf32>,
    tpu.vector_store %arg8[%swap3A_285], %broadcast_in_dim3A_1 {strides = array<i32>} : memref<3600xf32, #tpu.memory_space<vmem>>, vector<16xf32>,
    %swap3A_287 = arith.constant 2288 : index
    %swap3A_288 = tpu.vector_load %arg8[%swap3A_287] {strides = array<i32>} : memref<3600xf32, #tpu.memory_space<vmem>>, vector<16xf32>,
    tpu.vector_store %arg8[%swap3A_287], %broadcast_in_dim3A_1 {strides = array<i32>} : memref<3600xf32, #tpu.memory_space<vmem>>, vector<16xf32>,
    %swap3A_289 = arith.constant 2304 : index
    %swap3A_290 = tpu.vector_load %arg8[%swap3A_289] {strides = array<i32>} : memref<3600xf32, #tpu.memory_space<vmem>>, vector<16xf32>,
    tpu.vector_store %arg8[%swap3A_289], %broadcast_in_dim3A_1 {strides = array<i32>} : memref<3600xf32, #tpu.memory_space<vmem>>, vector<16xf32>,
    %swap3A_291 = arith.constant 2320 : index
    %swap3A_292 = tpu.vector_load %arg8[%swap3A_291] {strides = array<i32>} : memref<3600xf32, #tpu.memory_space<vmem>>, vector<16xf32>,
    tpu.vector_store %arg8[%swap3A_291], %broadcast_in_dim3A_1 {strides = array<i32>} : memref<3600xf32, #tpu.memory_space<vmem>>, vector<16xf32>,
    %swap3A_293 = arith.constant 2336 : index
    %swap3A_294 = tpu.vector_load %arg8[%swap3A_293] {strides = array<i32>} : memref<3600xf32, #tpu.memory_space<vmem>>, vector<16xf32>,
    tpu.vector_store %arg8[%swap3A_293], %broadcast_in_dim3A_1 {strides = array<i32>} : memref<3600xf32, #tpu.memory_space<vmem>>, vector<16xf32>,
    %swap3A_295 = arith.constant 2352 : index
    %swap3A_296 = tpu.vector_load %arg8[%swap3A_295] {strides = array<i32>} : memref<3600xf32, #tpu.memory_space<vmem>>, vector<16xf32>,
    tpu.vector_store %arg8[%swap3A_295], %broadcast_in_dim3A_1 {strides = array<i32>} : memref<3600xf32, #tpu.memory_space<vmem>>, vector<16xf32>,
    %swap3A_297 = arith.constant 2368 : index
    %swap3A_298 = tpu.vector_load %arg8[%swap3A_297] {strides = array<i32>} : memref<3600xf32, #tpu.memory_space<vmem>>, vector<16xf32>,
    tpu.vector_store %arg8[%swap3A_297], %broadcast_in_dim3A_1 {strides = array<i32>} : memref<3600xf32, #tpu.memory_space<vmem>>, vector<16xf32>,
    %swap3A_299 = arith.constant 2384 : index
    %swap3A_300 = tpu.vector_load %arg8[%swap3A_299] {strides = array<i32>} : memref<3600xf32, #tpu.memory_space<vmem>>, vector<16xf32>,
    tpu.vector_store %arg8[%swap3A_299], %broadcast_in_dim3A_1 {strides = array<i32>} : memref<3600xf32, #tpu.memory_space<vmem>>, vector<16xf32>,
    %swap3A_301 = arith.constant 2400 : index
    %swap3A_302 = tpu.vector_load %arg8[%swap3A_301] {strides = array<i32>} : memref<3600xf32, #tpu.memory_space<vmem>>, vector<16xf32>,
    tpu.vector_store %arg8[%swap3A_301], %broadcast_in_dim3A_1 {strides = array<i32>} : memref<3600xf32, #tpu.memory_space<vmem>>, vector<16xf32>,
    %swap3A_303 = arith.constant 2416 : index
    %swap3A_304 = tpu.vector_load %arg8[%swap3A_303] {strides = array<i32>} : memref<3600xf32, #tpu.memory_space<vmem>>, vector<16xf32>,
    tpu.vector_store %arg8[%swap3A_303], %broadcast_in_dim3A_1 {strides = array<i32>} : memref<3600xf32, #tpu.memory_space<vmem>>, vector<16xf32>,
    %swap3A_305 = arith.constant 2432 : index
    %swap3A_306 = tpu.vector_load %arg8[%swap3A_305] {strides = array<i32>} : memref<3600xf32, #tpu.memory_space<vmem>>, vector<16xf32>,
    tpu.vector_store %arg8[%swap3A_305], %broadcast_in_dim3A_1 {strides = array<i32>} : memref<3600xf32, #tpu.memory_space<vmem>>, vector<16xf32>,
    %swap3A_307 = arith.constant 2448 : index
    %swap3A_308 = tpu.vector_load %arg8[%swap3A_307] {strides = array<i32>} : memref<3600xf32, #tpu.memory_space<vmem>>, vector<16xf32>,
    tpu.vector_store %arg8[%swap3A_307], %broadcast_in_dim3A_1 {strides = array<i32>} : memref<3600xf32, #tpu.memory_space<vmem>>, vector<16xf32>,
    %swap3A_309 = arith.constant 2464 : index
    %swap3A_310 = tpu.vector_load %arg8[%swap3A_309] {strides = array<i32>} : memref<3600xf32, #tpu.memory_space<vmem>>, vector<16xf32>,
    tpu.vector_store %arg8[%swap3A_309], %broadcast_in_dim3A_1 {strides = array<i32>} : memref<3600xf32, #tpu.memory_space<vmem>>, vector<16xf32>,
    %swap3A_311 = arith.constant 2480 : index
    %swap3A_312 = tpu.vector_load %arg8[%swap3A_311] {strides = array<i32>} : memref<3600xf32, #tpu.memory_space<vmem>>, vector<16xf32>,
    tpu.vector_store %arg8[%swap3A_311], %broadcast_in_dim3A_1 {strides = array<i32>} : memref<3600xf32, #tpu.memory_space<vmem>>, vector<16xf32>,
    %swap3A_313 = arith.constant 2496 : index
    %swap3A_314 = tpu.vector_load %arg8[%swap3A_313] {strides = array<i32>} : memref<3600xf32, #tpu.memory_space<vmem>>, vector<16xf32>,
    tpu.vector_store %arg8[%swap3A_313], %broadcast_in_dim3A_1 {strides = array<i32>} : memref<3600xf32, #tpu.memory_space<vmem>>, vector<16xf32>,
    %swap3A_315 = arith.constant 2512 : index
    %swap3A_316 = tpu.vector_load %arg8[%swap3A_315] {strides = array<i32>} : memref<3600xf32, #tpu.memory_space<vmem>>, vector<16xf32>,
    tpu.vector_store %arg8[%swap3A_315], %broadcast_in_dim3A_1 {strides = array<i32>} : memref<3600xf32, #tpu.memory_space<vmem>>, vector<16xf32>,
    %swap3A_317 = arith.constant 2528 : index
    %swap3A_318 = tpu.vector_load %arg8[%swap3A_317] {strides = array<i32>} : memref<3600xf32, #tpu.memory_space<vmem>>, vector<16xf32>,
    tpu.vector_store %arg8[%swap3A_317], %broadcast_in_dim3A_1 {strides = array<i32>} : memref<3600xf32, #tpu.memory_space<vmem>>, vector<16xf32>,
    %swap3A_319 = arith.constant 2544 : index
    %swap3A_320 = tpu.vector_load %arg8[%swap3A_319] {strides = array<i32>} : memref<3600xf32, #tpu.memory_space<vmem>>, vector<16xf32>,
    tpu.vector_store %arg8[%swap3A_319], %broadcast_in_dim3A_1 {strides = array<i32>} : memref<3600xf32, #tpu.memory_space<vmem>>, vector<16xf32>,
    %swap3A_321 = arith.constant 2560 : index
    %swap3A_322 = tpu.vector_load %arg8[%swap3A_321] {strides = array<i32>} : memref<3600xf32, #tpu.memory_space<vmem>>, vector<16xf32>,
    tpu.vector_store %arg8[%swap3A_321], %broadcast_in_dim3A_1 {strides = array<i32>} : memref<3600xf32, #tpu.memory_space<vmem>>, vector<16xf32>,
    %swap3A_323 = arith.constant 2576 : index
    %swap3A_324 = tpu.vector_load %arg8[%swap3A_323] {strides = array<i32>} : memref<3600xf32, #tpu.memory_space<vmem>>, vector<16xf32>,
    tpu.vector_store %arg8[%swap3A_323], %broadcast_in_dim3A_1 {strides = array<i32>} : memref<3600xf32, #tpu.memory_space<vmem>>, vector<16xf32>,
    %swap3A_325 = arith.constant 2592 : index
    %swap3A_326 = tpu.vector_load %arg8[%swap3A_325] {strides = array<i32>} : memref<3600xf32, #tpu.memory_space<vmem>>, vector<16xf32>,
    tpu.vector_store %arg8[%swap3A_325], %broadcast_in_dim3A_1 {strides = array<i32>} : memref<3600xf32, #tpu.memory_space<vmem>>, vector<16xf32>,
    %swap3A_327 = arith.constant 2608 : index
    %swap3A_328 = tpu.vector_load %arg8[%swap3A_327] {strides = array<i32>} : memref<3600xf32, #tpu.memory_space<vmem>>, vector<16xf32>,
    tpu.vector_store %arg8[%swap3A_327], %broadcast_in_dim3A_1 {strides = array<i32>} : memref<3600xf32, #tpu.memory_space<vmem>>, vector<16xf32>,
    %swap3A_329 = arith.constant 2624 : index
    %swap3A_330 = tpu.vector_load %arg8[%swap3A_329] {strides = array<i32>} : memref<3600xf32, #tpu.memory_space<vmem>>, vector<16xf32>,
    tpu.vector_store %arg8[%swap3A_329], %broadcast_in_dim3A_1 {strides = array<i32>} : memref<3600xf32, #tpu.memory_space<vmem>>, vector<16xf32>,
    %swap3A_331 = arith.constant 2640 : index
    %swap3A_332 = tpu.vector_load %arg8[%swap3A_331] {strides = array<i32>} : memref<3600xf32, #tpu.memory_space<vmem>>, vector<16xf32>,
    tpu.vector_store %arg8[%swap3A_331], %broadcast_in_dim3A_1 {strides = array<i32>} : memref<3600xf32, #tpu.memory_space<vmem>>, vector<16xf32>,
    %swap3A_333 = arith.constant 2656 : index
    %swap3A_334 = tpu.vector_load %arg8[%swap3A_333] {strides = array<i32>} : memref<3600xf32, #tpu.memory_space<vmem>>, vector<16xf32>,
    tpu.vector_store %arg8[%swap3A_333], %broadcast_in_dim3A_1 {strides = array<i32>} : memref<3600xf32, #tpu.memory_space<vmem>>, vector<16xf32>,
    %swap3A_335 = arith.constant 2672 : index
    %swap3A_336 = tpu.vector_load %arg8[%swap3A_335] {strides = array<i32>} : memref<3600xf32, #tpu.memory_space<vmem>>, vector<16xf32>,
    tpu.vector_store %arg8[%swap3A_335], %broadcast_in_dim3A_1 {strides = array<i32>} : memref<3600xf32, #tpu.memory_space<vmem>>, vector<16xf32>,
    %swap3A_337 = arith.constant 2688 : index
    %swap3A_338 = tpu.vector_load %arg8[%swap3A_337] {strides = array<i32>} : memref<3600xf32, #tpu.memory_space<vmem>>, vector<16xf32>,
    tpu.vector_store %arg8[%swap3A_337], %broadcast_in_dim3A_1 {strides = array<i32>} : memref<3600xf32, #tpu.memory_space<vmem>>, vector<16xf32>,
    %swap3A_339 = arith.constant 2704 : index
    %swap3A_340 = tpu.vector_load %arg8[%swap3A_339] {strides = array<i32>} : memref<3600xf32, #tpu.memory_space<vmem>>, vector<16xf32>,
    tpu.vector_store %arg8[%swap3A_339], %broadcast_in_dim3A_1 {strides = array<i32>} : memref<3600xf32, #tpu.memory_space<vmem>>, vector<16xf32>,
    %swap3A_341 = arith.constant 2720 : index
    %swap3A_342 = tpu.vector_load %arg8[%swap3A_341] {strides = array<i32>} : memref<3600xf32, #tpu.memory_space<vmem>>, vector<16xf32>,
    tpu.vector_store %arg8[%swap3A_341], %broadcast_in_dim3A_1 {strides = array<i32>} : memref<3600xf32, #tpu.memory_space<vmem>>, vector<16xf32>,
    %swap3A_343 = arith.constant 2736 : index
    %swap3A_344 = tpu.vector_load %arg8[%swap3A_343] {strides = array<i32>} : memref<3600xf32, #tpu.memory_space<vmem>>, vector<16xf32>,
    tpu.vector_store %arg8[%swap3A_343], %broadcast_in_dim3A_1 {strides = array<i32>} : memref<3600xf32, #tpu.memory_space<vmem>>, vector<16xf32>,
    %swap3A_345 = arith.constant 2752 : index
    %swap3A_346 = tpu.vector_load %arg8[%swap3A_345] {strides = array<i32>} : memref<3600xf32, #tpu.memory_space<vmem>>, vector<16xf32>,
    tpu.vector_store %arg8[%swap3A_345], %broadcast_in_dim3A_1 {strides = array<i32>} : memref<3600xf32, #tpu.memory_space<vmem>>, vector<16xf32>,
    %swap3A_347 = arith.constant 2768 : index
    %swap3A_348 = tpu.vector_load %arg8[%swap3A_347] {strides = array<i32>} : memref<3600xf32, #tpu.memory_space<vmem>>, vector<16xf32>,
    tpu.vector_store %arg8[%swap3A_347], %broadcast_in_dim3A_1 {strides = array<i32>} : memref<3600xf32, #tpu.memory_space<vmem>>, vector<16xf32>,
    %swap3A_349 = arith.constant 2784 : index
    %swap3A_350 = tpu.vector_load %arg8[%swap3A_349] {strides = array<i32>} : memref<3600xf32, #tpu.memory_space<vmem>>, vector<16xf32>,
    tpu.vector_store %arg8[%swap3A_349], %broadcast_in_dim3A_1 {strides = array<i32>} : memref<3600xf32, #tpu.memory_space<vmem>>, vector<16xf32>,
    %swap3A_351 = arith.constant 2800 : index
    %swap3A_352 = tpu.vector_load %arg8[%swap3A_351] {strides = array<i32>} : memref<3600xf32, #tpu.memory_space<vmem>>, vector<16xf32>,
    tpu.vector_store %arg8[%swap3A_351], %broadcast_in_dim3A_1 {strides = array<i32>} : memref<3600xf32, #tpu.memory_space<vmem>>, vector<16xf32>,
    %swap3A_353 = arith.constant 2816 : index
    %swap3A_354 = tpu.vector_load %arg8[%swap3A_353] {strides = array<i32>} : memref<3600xf32, #tpu.memory_space<vmem>>, vector<16xf32>,
    tpu.vector_store %arg8[%swap3A_353], %broadcast_in_dim3A_1 {strides = array<i32>} : memref<3600xf32, #tpu.memory_space<vmem>>, vector<16xf32>,
    %swap3A_355 = arith.constant 2832 : index
    %swap3A_356 = tpu.vector_load %arg8[%swap3A_355] {strides = array<i32>} : memref<3600xf32, #tpu.memory_space<vmem>>, vector<16xf32>,
    tpu.vector_store %arg8[%swap3A_355], %broadcast_in_dim3A_1 {strides = array<i32>} : memref<3600xf32, #tpu.memory_space<vmem>>, vector<16xf32>,
    %swap3A_357 = arith.constant 2848 : index
    %swap3A_358 = tpu.vector_load %arg8[%swap3A_357] {strides = array<i32>} : memref<3600xf32, #tpu.memory_space<vmem>>, vector<16xf32>,
    tpu.vector_store %arg8[%swap3A_357], %broadcast_in_dim3A_1 {strides = array<i32>} : memref<3600xf32, #tpu.memory_space<vmem>>, vector<16xf32>,
    %swap3A_359 = arith.constant 2864 : index
    %swap3A_360 = tpu.vector_load %arg8[%swap3A_359] {strides = array<i32>} : memref<3600xf32, #tpu.memory_space<vmem>>, vector<16xf32>,
    tpu.vector_store %arg8[%swap3A_359], %broadcast_in_dim3A_1 {strides = array<i32>} : memref<3600xf32, #tpu.memory_space<vmem>>, vector<16xf32>,
    %swap3A_361 = arith.constant 2880 : index
    %swap3A_362 = tpu.vector_load %arg8[%swap3A_361] {strides = array<i32>} : memref<3600xf32, #tpu.memory_space<vmem>>, vector<16xf32>,
    tpu.vector_store %arg8[%swap3A_361], %broadcast_in_dim3A_1 {strides = array<i32>} : memref<3600xf32, #tpu.memory_space<vmem>>, vector<16xf32>,
    %swap3A_363 = arith.constant 2896 : index
    %swap3A_364 = tpu.vector_load %arg8[%swap3A_363] {strides = array<i32>} : memref<3600xf32, #tpu.memory_space<vmem>>, vector<16xf32>,
    tpu.vector_store %arg8[%swap3A_363], %broadcast_in_dim3A_1 {strides = array<i32>} : memref<3600xf32, #tpu.memory_space<vmem>>, vector<16xf32>,
    %swap3A_365 = arith.constant 2912 : index
    %swap3A_366 = tpu.vector_load %arg8[%swap3A_365] {strides = array<i32>} : memref<3600xf32, #tpu.memory_space<vmem>>, vector<16xf32>,
    tpu.vector_store %arg8[%swap3A_365], %broadcast_in_dim3A_1 {strides = array<i32>} : memref<3600xf32, #tpu.memory_space<vmem>>, vector<16xf32>,
    %swap3A_367 = arith.constant 2928 : index
    %swap3A_368 = tpu.vector_load %arg8[%swap3A_367] {strides = array<i32>} : memref<3600xf32, #tpu.memory_space<vmem>>, vector<16xf32>,
    tpu.vector_store %arg8[%swap3A_367], %broadcast_in_dim3A_1 {strides = array<i32>} : memref<3600xf32, #tpu.memory_space<vmem>>, vector<16xf32>,
    %swap3A_369 = arith.constant 2944 : index
    %swap3A_370 = tpu.vector_load %arg8[%swap3A_369] {strides = array<i32>} : memref<3600xf32, #tpu.memory_space<vmem>>, vector<16xf32>,
    tpu.vector_store %arg8[%swap3A_369], %broadcast_in_dim3A_1 {strides = array<i32>} : memref<3600xf32, #tpu.memory_space<vmem>>, vector<16xf32>,
    %swap3A_371 = arith.constant 2960 : index
    %swap3A_372 = tpu.vector_load %arg8[%swap3A_371] {strides = array<i32>} : memref<3600xf32, #tpu.memory_space<vmem>>, vector<16xf32>,
    tpu.vector_store %arg8[%swap3A_371], %broadcast_in_dim3A_1 {strides = array<i32>} : memref<3600xf32, #tpu.memory_space<vmem>>, vector<16xf32>,
    %swap3A_373 = arith.constant 2976 : index
    %swap3A_374 = tpu.vector_load %arg8[%swap3A_373] {strides = array<i32>} : memref<3600xf32, #tpu.memory_space<vmem>>, vector<16xf32>,
    tpu.vector_store %arg8[%swap3A_373], %broadcast_in_dim3A_1 {strides = array<i32>} : memref<3600xf32, #tpu.memory_space<vmem>>, vector<16xf32>,
    %swap3A_375 = arith.constant 2992 : index
    %swap3A_376 = tpu.vector_load %arg8[%swap3A_375] {strides = array<i32>} : memref<3600xf32, #tpu.memory_space<vmem>>, vector<16xf32>,
    tpu.vector_store %arg8[%swap3A_375], %broadcast_in_dim3A_1 {strides = array<i32>} : memref<3600xf32, #tpu.memory_space<vmem>>, vector<16xf32>,
    %swap3A_377 = arith.constant 3008 : index
    %swap3A_378 = tpu.vector_load %arg8[%swap3A_377] {strides = array<i32>} : memref<3600xf32, #tpu.memory_space<vmem>>, vector<16xf32>,
    tpu.vector_store %arg8[%swap3A_377], %broadcast_in_dim3A_1 {strides = array<i32>} : memref<3600xf32, #tpu.memory_space<vmem>>, vector<16xf32>,
    %swap3A_379 = arith.constant 3024 : index
    %swap3A_380 = tpu.vector_load %arg8[%swap3A_379] {strides = array<i32>} : memref<3600xf32, #tpu.memory_space<vmem>>, vector<16xf32>,
    tpu.vector_store %arg8[%swap3A_379], %broadcast_in_dim3A_1 {strides = array<i32>} : memref<3600xf32, #tpu.memory_space<vmem>>, vector<16xf32>,
    %swap3A_381 = arith.constant 3040 : index
    %swap3A_382 = tpu.vector_load %arg8[%swap3A_381] {strides = array<i32>} : memref<3600xf32, #tpu.memory_space<vmem>>, vector<16xf32>,
    tpu.vector_store %arg8[%swap3A_381], %broadcast_in_dim3A_1 {strides = array<i32>} : memref<3600xf32, #tpu.memory_space<vmem>>, vector<16xf32>,
    %swap3A_383 = arith.constant 3056 : index
    %swap3A_384 = tpu.vector_load %arg8[%swap3A_383] {strides = array<i32>} : memref<3600xf32, #tpu.memory_space<vmem>>, vector<16xf32>,
    tpu.vector_store %arg8[%swap3A_383], %broadcast_in_dim3A_1 {strides = array<i32>} : memref<3600xf32, #tpu.memory_space<vmem>>, vector<16xf32>,
    %swap3A_385 = arith.constant 3072 : index
    %swap3A_386 = tpu.vector_load %arg8[%swap3A_385] {strides = array<i32>} : memref<3600xf32, #tpu.memory_space<vmem>>, vector<16xf32>,
    tpu.vector_store %arg8[%swap3A_385], %broadcast_in_dim3A_1 {strides = array<i32>} : memref<3600xf32, #tpu.memory_space<vmem>>, vector<16xf32>,
    %swap3A_387 = arith.constant 3088 : index
    %swap3A_388 = tpu.vector_load %arg8[%swap3A_387] {strides = array<i32>} : memref<3600xf32, #tpu.memory_space<vmem>>, vector<16xf32>,
    tpu.vector_store %arg8[%swap3A_387], %broadcast_in_dim3A_1 {strides = array<i32>} : memref<3600xf32, #tpu.memory_space<vmem>>, vector<16xf32>,
    %swap3A_389 = arith.constant 3104 : index
    %swap3A_390 = tpu.vector_load %arg8[%swap3A_389] {strides = array<i32>} : memref<3600xf32, #tpu.memory_space<vmem>>, vector<16xf32>,
    tpu.vector_store %arg8[%swap3A_389], %broadcast_in_dim3A_1 {strides = array<i32>} : memref<3600xf32, #tpu.memory_space<vmem>>, vector<16xf32>,
    %swap3A_391 = arith.constant 3120 : index
    %swap3A_392 = tpu.vector_load %arg8[%swap3A_391] {strides = array<i32>} : memref<3600xf32, #tpu.memory_space<vmem>>, vector<16xf32>,
    tpu.vector_store %arg8[%swap3A_391], %broadcast_in_dim3A_1 {strides = array<i32>} : memref<3600xf32, #tpu.memory_space<vmem>>, vector<16xf32>,
    %swap3A_393 = arith.constant 3136 : index
    %swap3A_394 = tpu.vector_load %arg8[%swap3A_393] {strides = array<i32>} : memref<3600xf32, #tpu.memory_space<vmem>>, vector<16xf32>,
    tpu.vector_store %arg8[%swap3A_393], %broadcast_in_dim3A_1 {strides = array<i32>} : memref<3600xf32, #tpu.memory_space<vmem>>, vector<16xf32>,
    %swap3A_395 = arith.constant 3152 : index
    %swap3A_396 = tpu.vector_load %arg8[%swap3A_395] {strides = array<i32>} : memref<3600xf32, #tpu.memory_space<vmem>>, vector<16xf32>,
    tpu.vector_store %arg8[%swap3A_395], %broadcast_in_dim3A_1 {strides = array<i32>} : memref<3600xf32, #tpu.memory_space<vmem>>, vector<16xf32>,
    %swap3A_397 = arith.constant 3168 : index
    %swap3A_398 = tpu.vector_load %arg8[%swap3A_397] {strides = array<i32>} : memref<3600xf32, #tpu.memory_space<vmem>>, vector<16xf32>,
    tpu.vector_store %arg8[%swap3A_397], %broadcast_in_dim3A_1 {strides = array<i32>} : memref<3600xf32, #tpu.memory_space<vmem>>, vector<16xf32>,
    %swap3A_399 = arith.constant 3184 : index
    %swap3A_400 = tpu.vector_load %arg8[%swap3A_399] {strides = array<i32>} : memref<3600xf32, #tpu.memory_space<vmem>>, vector<16xf32>,
    tpu.vector_store %arg8[%swap3A_399], %broadcast_in_dim3A_1 {strides = array<i32>} : memref<3600xf32, #tpu.memory_space<vmem>>, vector<16xf32>,
    %swap3A_401 = arith.constant 3200 : index
    %swap3A_402 = tpu.vector_load %arg8[%swap3A_401] {strides = array<i32>} : memref<3600xf32, #tpu.memory_space<vmem>>, vector<16xf32>,
    tpu.vector_store %arg8[%swap3A_401], %broadcast_in_dim3A_1 {strides = array<i32>} : memref<3600xf32, #tpu.memory_space<vmem>>, vector<16xf32>,
    %swap3A_403 = arith.constant 3216 : index
    %swap3A_404 = tpu.vector_load %arg8[%swap3A_403] {strides = array<i32>} : memref<3600xf32, #tpu.memory_space<vmem>>, vector<16xf32>,
    tpu.vector_store %arg8[%swap3A_403], %broadcast_in_dim3A_1 {strides = array<i32>} : memref<3600xf32, #tpu.memory_space<vmem>>, vector<16xf32>,
    %swap3A_405 = arith.constant 3232 : index
    %swap3A_406 = tpu.vector_load %arg8[%swap3A_405] {strides = array<i32>} : memref<3600xf32, #tpu.memory_space<vmem>>, vector<16xf32>,
    tpu.vector_store %arg8[%swap3A_405], %broadcast_in_dim3A_1 {strides = array<i32>} : memref<3600xf32, #tpu.memory_space<vmem>>, vector<16xf32>,
    %swap3A_407 = arith.constant 3248 : index
    %swap3A_408 = tpu.vector_load %arg8[%swap3A_407] {strides = array<i32>} : memref<3600xf32, #tpu.memory_space<vmem>>, vector<16xf32>,
    tpu.vector_store %arg8[%swap3A_407], %broadcast_in_dim3A_1 {strides = array<i32>} : memref<3600xf32, #tpu.memory_space<vmem>>, vector<16xf32>,
    %swap3A_409 = arith.constant 3264 : index
    %swap3A_410 = tpu.vector_load %arg8[%swap3A_409] {strides = array<i32>} : memref<3600xf32, #tpu.memory_space<vmem>>, vector<16xf32>,
    tpu.vector_store %arg8[%swap3A_409], %broadcast_in_dim3A_1 {strides = array<i32>} : memref<3600xf32, #tpu.memory_space<vmem>>, vector<16xf32>,
    %swap3A_411 = arith.constant 3280 : index
    %swap3A_412 = tpu.vector_load %arg8[%swap3A_411] {strides = array<i32>} : memref<3600xf32, #tpu.memory_space<vmem>>, vector<16xf32>,
    tpu.vector_store %arg8[%swap3A_411], %broadcast_in_dim3A_1 {strides = array<i32>} : memref<3600xf32, #tpu.memory_space<vmem>>, vector<16xf32>,
    %swap3A_413 = arith.constant 3296 : index
    %swap3A_414 = tpu.vector_load %arg8[%swap3A_413] {strides = array<i32>} : memref<3600xf32, #tpu.memory_space<vmem>>, vector<16xf32>,
    tpu.vector_store %arg8[%swap3A_413], %broadcast_in_dim3A_1 {strides = array<i32>} : memref<3600xf32, #tpu.memory_space<vmem>>, vector<16xf32>,
    %swap3A_415 = arith.constant 3312 : index
    %swap3A_416 = tpu.vector_load %arg8[%swap3A_415] {strides = array<i32>} : memref<3600xf32, #tpu.memory_space<vmem>>, vector<16xf32>,
    tpu.vector_store %arg8[%swap3A_415], %broadcast_in_dim3A_1 {strides = array<i32>} : memref<3600xf32, #tpu.memory_space<vmem>>, vector<16xf32>,
    %swap3A_417 = arith.constant 3328 : index
    %swap3A_418 = tpu.vector_load %arg8[%swap3A_417] {strides = array<i32>} : memref<3600xf32, #tpu.memory_space<vmem>>, vector<16xf32>,
    tpu.vector_store %arg8[%swap3A_417], %broadcast_in_dim3A_1 {strides = array<i32>} : memref<3600xf32, #tpu.memory_space<vmem>>, vector<16xf32>,
    %swap3A_419 = arith.constant 3344 : index
    %swap3A_420 = tpu.vector_load %arg8[%swap3A_419] {strides = array<i32>} : memref<3600xf32, #tpu.memory_space<vmem>>, vector<16xf32>,
    tpu.vector_store %arg8[%swap3A_419], %broadcast_in_dim3A_1 {strides = array<i32>} : memref<3600xf32, #tpu.memory_space<vmem>>, vector<16xf32>,
    %swap3A_421 = arith.constant 3360 : index
    %swap3A_422 = tpu.vector_load %arg8[%swap3A_421] {strides = array<i32>} : memref<3600xf32, #tpu.memory_space<vmem>>, vector<16xf32>,
    tpu.vector_store %arg8[%swap3A_421], %broadcast_in_dim3A_1 {strides = array<i32>} : memref<3600xf32, #tpu.memory_space<vmem>>, vector<16xf32>,
    %swap3A_423 = arith.constant 3376 : index
    %swap3A_424 = tpu.vector_load %arg8[%swap3A_423] {strides = array<i32>} : memref<3600xf32, #tpu.memory_space<vmem>>, vector<16xf32>,
    tpu.vector_store %arg8[%swap3A_423], %broadcast_in_dim3A_1 {strides = array<i32>} : memref<3600xf32, #tpu.memory_space<vmem>>, vector<16xf32>,
    %swap3A_425 = arith.constant 3392 : index
    %swap3A_426 = tpu.vector_load %arg8[%swap3A_425] {strides = array<i32>} : memref<3600xf32, #tpu.memory_space<vmem>>, vector<16xf32>,
    tpu.vector_store %arg8[%swap3A_425], %broadcast_in_dim3A_1 {strides = array<i32>} : memref<3600xf32, #tpu.memory_space<vmem>>, vector<16xf32>,
    %swap3A_427 = arith.constant 3408 : index
    %swap3A_428 = tpu.vector_load %arg8[%swap3A_427] {strides = array<i32>} : memref<3600xf32, #tpu.memory_space<vmem>>, vector<16xf32>,
    tpu.vector_store %arg8[%swap3A_427], %broadcast_in_dim3A_1 {strides = array<i32>} : memref<3600xf32, #tpu.memory_space<vmem>>, vector<16xf32>,
    %swap3A_429 = arith.constant 3424 : index
    %swap3A_430 = tpu.vector_load %arg8[%swap3A_429] {strides = array<i32>} : memref<3600xf32, #tpu.memory_space<vmem>>, vector<16xf32>,
    tpu.vector_store %arg8[%swap3A_429], %broadcast_in_dim3A_1 {strides = array<i32>} : memref<3600xf32, #tpu.memory_space<vmem>>, vector<16xf32>,
    %swap3A_431 = arith.constant 3440 : index
    %swap3A_432 = tpu.vector_load %arg8[%swap3A_431] {strides = array<i32>} : memref<3600xf32, #tpu.memory_space<vmem>>, vector<16xf32>,
    tpu.vector_store %arg8[%swap3A_431], %broadcast_in_dim3A_1 {strides = array<i32>} : memref<3600xf32, #tpu.memory_space<vmem>>, vector<16xf32>,
    %swap3A_433 = arith.constant 3456 : index
    %swap3A_434 = tpu.vector_load %arg8[%swap3A_433] {strides = array<i32>} : memref<3600xf32, #tpu.memory_space<vmem>>, vector<16xf32>,
    tpu.vector_store %arg8[%swap3A_433], %broadcast_in_dim3A_1 {strides = array<i32>} : memref<3600xf32, #tpu.memory_space<vmem>>, vector<16xf32>,
    %swap3A_435 = arith.constant 3472 : index
    %swap3A_436 = tpu.vector_load %arg8[%swap3A_435] {strides = array<i32>} : memref<3600xf32, #tpu.memory_space<vmem>>, vector<16xf32>,
    tpu.vector_store %arg8[%swap3A_435], %broadcast_in_dim3A_1 {strides = array<i32>} : memref<3600xf32, #tpu.memory_space<vmem>>, vector<16xf32>,
    %swap3A_437 = arith.constant 3488 : index
    %swap3A_438 = tpu.vector_load %arg8[%swap3A_437] {strides = array<i32>} : memref<3600xf32, #tpu.memory_space<vmem>>, vector<16xf32>,
    tpu.vector_store %arg8[%swap3A_437], %broadcast_in_dim3A_1 {strides = array<i32>} : memref<3600xf32, #tpu.memory_space<vmem>>, vector<16xf32>,
    %swap3A_439 = arith.constant 3504 : index
    %swap3A_440 = tpu.vector_load %arg8[%swap3A_439] {strides = array<i32>} : memref<3600xf32, #tpu.memory_space<vmem>>, vector<16xf32>,
    tpu.vector_store %arg8[%swap3A_439], %broadcast_in_dim3A_1 {strides = array<i32>} : memref<3600xf32, #tpu.memory_space<vmem>>, vector<16xf32>,
    %swap3A_441 = arith.constant 3520 : index
    %swap3A_442 = tpu.vector_load %arg8[%swap3A_441] {strides = array<i32>} : memref<3600xf32, #tpu.memory_space<vmem>>, vector<16xf32>,
    tpu.vector_store %arg8[%swap3A_441], %broadcast_in_dim3A_1 {strides = array<i32>} : memref<3600xf32, #tpu.memory_space<vmem>>, vector<16xf32>,
    %swap3A_443 = arith.constant 3536 : index
    %swap3A_444 = tpu.vector_load %arg8[%swap3A_443] {strides = array<i32>} : memref<3600xf32, #tpu.memory_space<vmem>>, vector<16xf32>,
    tpu.vector_store %arg8[%swap3A_443], %broadcast_in_dim3A_1 {strides = array<i32>} : memref<3600xf32, #tpu.memory_space<vmem>>, vector<16xf32>,
    %swap3A_445 = arith.constant 3552 : index
    %swap3A_446 = tpu.vector_load %arg8[%swap3A_445] {strides = array<i32>} : memref<3600xf32, #tpu.memory_space<vmem>>, vector<16xf32>,
    tpu.vector_store %arg8[%swap3A_445], %broadcast_in_dim3A_1 {strides = array<i32>} : memref<3600xf32, #tpu.memory_space<vmem>>, vector<16xf32>,
    %swap3A_447 = arith.constant 3568 : index
    %swap3A_448 = tpu.vector_load %arg8[%swap3A_447] {strides = array<i32>} : memref<3600xf32, #tpu.memory_space<vmem>>, vector<16xf32>,
    tpu.vector_store %arg8[%swap3A_447], %broadcast_in_dim3A_1 {strides = array<i32>} : memref<3600xf32, #tpu.memory_space<vmem>>, vector<16xf32>,
    %swap3A_449 = arith.constant 3584 : index
    %swap3A_450 = tpu.vector_load %arg8[%swap3A_449] {strides = array<i32>} : memref<3600xf32, #tpu.memory_space<vmem>>, vector<16xf32>,
    tpu.vector_store %arg8[%swap3A_449], %broadcast_in_dim3A_1 {strides = array<i32>} : memref<3600xf32, #tpu.memory_space<vmem>>, vector<16xf32>,
    %mul3A_451 = arith.constant 128 : i32
    %mul3A_452 = arith.muli %add3A, %mul3A_451 : i32
    %add3A_453 = arith.constant 0 : i32
    %add3A_454 = arith.addi %mul3A_452, %add3A_453 : i32
    %mul3A_455 = arith.constant 3600 : i32
    %mul3A_456 = arith.muli %add3A_454, %mul3A_455 : i32
    %dma_start3A = tpu.memref_slice %arg2[%mul3A_456] : memref<14745600xf32, #tpu.memory_space<hbm>> -> memref<3600xf32, #tpu.memory_space<hbm>>
    %dma_start3A_457 = tpu.memref_slice %arg2[%mul3A_456] : memref<14745600xf32, #tpu.memory_space<hbm>> -> memref<3600xf32, #tpu.memory_space<hbm>>
    tpu.enqueue_dma source(%dma_start3A_457 : memref<3600xf32, #tpu.memory_space<hbm>>) target(%arg6 : memref<3600xf32, #tpu.memory_space<vmem>>) target_semaphore(%arg13 : memref<!tpu.dma_semaphore, #tpu.memory_space<semaphore_mem>>)
    %mul3A_458 = arith.constant 128 : i32
    %mul3A_459 = arith.muli %add3A, %mul3A_458 : i32
    %add3A_460 = arith.constant 1 : i32
    %add3A_461 = arith.addi %mul3A_459, %add3A_460 : i32
    %mul3A_462 = arith.constant 3600 : i32
    %mul3A_463 = arith.muli %add3A_461, %mul3A_462 : i32
    %dma_start3A_464 = tpu.memref_slice %arg2[%mul3A_463] : memref<14745600xf32, #tpu.memory_space<hbm>> -> memref<3600xf32, #tpu.memory_space<hbm>>
    %dma_start3A_465 = tpu.memref_slice %arg2[%mul3A_463] : memref<14745600xf32, #tpu.memory_space<hbm>> -> memref<3600xf32, #tpu.memory_space<hbm>>
    tpu.enqueue_dma source(%dma_start3A_465 : memref<3600xf32, #tpu.memory_space<hbm>>) target(%arg7 : memref<3600xf32, #tpu.memory_space<vmem>>) target_semaphore(%arg14 : memref<!tpu.dma_semaphore, #tpu.memory_space<semaphore_mem>>)
    %scan3A = arith.constant 0 : i32
    %scan3A_466 = arith.constant 0 : i32
    %scan3A_467 = arith.constant 64 : i32
    %scan3A_468 = arith.addi %scan3A_466, %scan3A_467 : i32
    %scan3A_469 = arith.constant 1 : i32
    scf.for %scan3A_493 = %scan3A_466 to %scan3A_468 step %scan3A_469  : i32 {
      %mul3A_494 = arith.constant 2 : i32
      %mul3A_495 = arith.muli %scan3A_493, %mul3A_494 : i32
      %mul3A_496 = arith.constant 128 : i32
      %mul3A_497 = arith.muli %add3A, %mul3A_496 : i32
      %add3A_498 = arith.addi %mul3A_497, %mul3A_495 : i32
      %mul3A_499 = arith.constant 3600 : i32
      %mul3A_500 = arith.muli %add3A_498, %mul3A_499 : i32
      %dma_wait3A_501 = tpu.memref_slice %arg2[%mul3A_500] : memref<14745600xf32, #tpu.memory_space<hbm>> -> memref<3600xf32, #tpu.memory_space<hbm>>
      %dma_wait3A_502 = tpu.memref_slice %arg2[%mul3A_500] : memref<14745600xf32, #tpu.memory_space<hbm>> -> memref<3600xf32, #tpu.memory_space<hbm>>
      tpu.wait_dma2 semaphore(%arg13 : memref<!tpu.dma_semaphore, #tpu.memory_space<semaphore_mem>>) src(%dma_wait3A_502 : memref<3600xf32, #tpu.memory_space<hbm>>) dst(%arg6 : memref<3600xf32, #tpu.memory_space<vmem>>)
      %ge3A = arith.constant 2 : i32
      %ge3A_503 = arith.cmpi sge, %mul3A_495, %ge3A : i32
      %convert_element_type3A = arith.extui %ge3A_503 : i1 to i32
      %cond3A = arith.constant 0 : i32
      %cond3A_504 = arith.cmpi ne, %convert_element_type3A, %cond3A : i32
      scf.if %cond3A_504 {
        %sub3A_565 = arith.constant 2 : i32
        %sub3A_566 = arith.subi %add3A_498, %sub3A_565 : i32
        %mul3A_567 = arith.constant 3200 : i32
        %mul3A_568 = arith.muli %sub3A_566, %mul3A_567 : i32
        %dma_wait3A_569 = tpu.memref_slice %arg5[%mul3A_568] : memref<13107200xf32, #tpu.memory_space<hbm>> -> memref<3200xf32, #tpu.memory_space<hbm>>
        %dma_wait3A_570 = tpu.memref_slice %arg5[%mul3A_568] : memref<13107200xf32, #tpu.memory_space<hbm>> -> memref<3200xf32, #tpu.memory_space<hbm>>
        tpu.wait_dma2 semaphore(%arg15 : memref<!tpu.dma_semaphore, #tpu.memory_space<semaphore_mem>>) src(%arg9 : memref<3200xf32, #tpu.memory_space<vmem>>) dst(%dma_wait3A_570 : memref<3200xf32, #tpu.memory_space<hbm>>)
      } else {
      }
      %iota3A = tpu.iota {dimensions = array<i32: 0>} : vector<16xi32>
      %lt3A = arith.constant 4 : i32
      %lt3A_505 = vector.broadcast %lt3A : i32 to vector<16xi32>
      %lt3A_506 = arith.cmpi slt, %iota3A, %lt3A_505 : vector<16xi32>
      %and3A = arith.constant 3 : i32
      %and3A_507 = vector.broadcast %and3A : i32 to vector<16xi32>
      %and3A_508 = arith.andi %iota3A, %and3A_507 : vector<16xi32>
      %parallel_loop3A = arith.constant 0 : i32
      %parallel_loop3A_509 = arith.constant 96 : i32
      %parallel_loop3A_510 = arith.constant 1 : i32
      scf.for %parallel_loop3A_565 = %parallel_loop3A to %parallel_loop3A_509 step %parallel_loop3A_510  : i32 {
        %parallel_loop3A_566 = arith.constant 0 : i32
        %parallel_loop3A_567 = vector.broadcast %parallel_loop3A_566 : i32 to vector<16xi32>
        %parallel_loop3A_568 = vector.broadcast %parallel_loop3A_565 : i32 to vector<16xi32>
        %parallel_loop3A_569 = arith.addi %parallel_loop3A_567, %parallel_loop3A_568 : vector<16xi32>
        %parallel_loop3A_570 = tpu.vector_load_idx %arg11[%parallel_loop3A_569] : memref<192xi32, #tpu.memory_space<vmem>>[vector<16xi32>], vector<16xi32>,
        %parallel_loop3A_571 = arith.constant 96 : i32
        %parallel_loop3A_572 = vector.broadcast %parallel_loop3A_571 : i32 to vector<16xi32>
        %parallel_loop3A_573 = arith.addi %parallel_loop3A_569, %parallel_loop3A_572 : vector<16xi32>
        %parallel_loop3A_574 = tpu.vector_load_idx %arg11[%parallel_loop3A_573] : memref<192xi32, #tpu.memory_space<vmem>>[vector<16xi32>], vector<16xi32>,
        %parallel_loop3A_575 = arith.constant 89 : i32
        %parallel_loop3A_576 = arith.cmpi slt, %parallel_loop3A_565, %parallel_loop3A_575 : i32
        %parallel_loop3A_577 = arith.constant 1.000000e+00 : f32
        %parallel_loop3A_578 = arith.constant 0.000000e+00 : f32
        %parallel_loop3A_579 = arith.select %parallel_loop3A_576, %parallel_loop3A_577, %parallel_loop3A_578 : f32
        %parallel_loop3A_580 = arith.constant 128 : i32
        %parallel_loop3A_581 = vector.broadcast %parallel_loop3A_580 : i32 to vector<16xi32>
        %parallel_loop3A_582 = arith.addi %parallel_loop3A_581, %and3A_508 : vector<16xi32>
        %parallel_loop3A_583 = arith.addi %parallel_loop3A_570, %parallel_loop3A_582 : vector<16xi32>
        %parallel_loop3A_584 = tpu.vector_load_idx %arg6[%parallel_loop3A_583] : memref<3600xf32, #tpu.memory_space<vmem>>[vector<16xi32>], vector<16xf32>,
        %parallel_loop3A_585 = arith.constant 132 : i32
        %parallel_loop3A_586 = vector.broadcast %parallel_loop3A_585 : i32 to vector<16xi32>
        %parallel_loop3A_587 = arith.addi %parallel_loop3A_586, %and3A_508 : vector<16xi32>
        %parallel_loop3A_588 = arith.addi %parallel_loop3A_574, %parallel_loop3A_587 : vector<16xi32>
        %parallel_loop3A_589 = tpu.vector_load_idx %arg6[%parallel_loop3A_588] : memref<3600xf32, #tpu.memory_space<vmem>>[vector<16xi32>], vector<16xf32>,
        %parallel_loop3A_590 = arith.addf %parallel_loop3A_584, %parallel_loop3A_589 : vector<16xf32>
        %parallel_loop3A_591 = arith.constant 0.000000e+00 : f32
        %parallel_loop3A_592 = vector.broadcast %parallel_loop3A_591 : f32 to vector<16xf32>
        %parallel_loop3A_593 = arith.cmpf oge, %parallel_loop3A_590, %parallel_loop3A_592 : vector<16xf32>
        %parallel_loop3A_594 = arith.constant 2.000000e-01 : f32
        %parallel_loop3A_595 = vector.broadcast %parallel_loop3A_594 : f32 to vector<16xf32>
        %parallel_loop3A_596 = arith.mulf %parallel_loop3A_590, %parallel_loop3A_595 : vector<16xf32>
        %parallel_loop3A_597 = arith.select %parallel_loop3A_593, %parallel_loop3A_590, %parallel_loop3A_596 : vector<16xi1>, vector<16xf32>
        %parallel_loop3A_598 = arith.constant 6.000000e+01 : f32
        %parallel_loop3A_599 = vector.broadcast %parallel_loop3A_598 : f32 to vector<16xf32>
        %parallel_loop3A_600 = arith.minimumf %parallel_loop3A_597, %parallel_loop3A_599 : vector<16xf32>
        %parallel_loop3A_601 = math.exp %parallel_loop3A_600 : vector<16xf32>
        %parallel_loop3A_602 = vector.broadcast %parallel_loop3A_579 : f32 to vector<16xf32>
        %parallel_loop3A_603 = arith.mulf %parallel_loop3A_601, %parallel_loop3A_602 : vector<16xf32>
        %parallel_loop3A_604 = arith.constant 128 : i32
        %parallel_loop3A_605 = vector.broadcast %parallel_loop3A_604 : i32 to vector<16xi32>
        %parallel_loop3A_606 = arith.addi %iota3A, %parallel_loop3A_605 : vector<16xi32>
        %parallel_loop3A_607 = arith.addi %parallel_loop3A_574, %parallel_loop3A_606 : vector<16xi32>
        tpu.vector_store_idx %arg8[%parallel_loop3A_607], %parallel_loop3A_603 masked %lt3A_506 {add = true} : memref<3600xf32, #tpu.memory_space<vmem>>[vector<16xi32>], vector<16xf32>, vector<16xi1>
        %parallel_loop3A_608 = arith.constant 0 : i32
        %parallel_loop3A_609 = vector.broadcast %parallel_loop3A_608 : i32 to vector<16xi32>
        %parallel_loop3A_610 = arith.constant 0 : i32
        %parallel_loop3A_611 = vector.broadcast %parallel_loop3A_610 : i32 to vector<16xi32>
        %parallel_loop3A_612 = arith.cmpi slt, %parallel_loop3A_609, %parallel_loop3A_611 : vector<16xi32>
        %parallel_loop3A_613 = arith.constant 16 : i32
        %parallel_loop3A_614 = vector.broadcast %parallel_loop3A_613 : i32 to vector<16xi32>
        %parallel_loop3A_615 = arith.addi %parallel_loop3A_609, %parallel_loop3A_614 : vector<16xi32>
        %parallel_loop3A_616 = arith.select %parallel_loop3A_612, %parallel_loop3A_615, %parallel_loop3A_609 : vector<16xi1>, vector<16xi32>
        %parallel_loop3A_617 = vector.shape_cast %parallel_loop3A_616 : vector<16xi32> to vector<16x1xi32>
        %parallel_loop3A_618 = vector.shape_cast %parallel_loop3A_617 : vector<16x1xi32> to vector<16xi32>
        %parallel_loop3A_619 = tpu.dynamic_gather %parallel_loop3A_603[%parallel_loop3A_618] in [0] : vector<16xf32>, vector<16xi32> -> vector<16xf32>
        %parallel_loop3A_620 = arith.constant 1 : i32
        %parallel_loop3A_621 = vector.broadcast %parallel_loop3A_620 : i32 to vector<16xi32>
        %parallel_loop3A_622 = arith.constant 0 : i32
        %parallel_loop3A_623 = vector.broadcast %parallel_loop3A_622 : i32 to vector<16xi32>
        %parallel_loop3A_624 = arith.cmpi slt, %parallel_loop3A_621, %parallel_loop3A_623 : vector<16xi32>
        %parallel_loop3A_625 = arith.constant 16 : i32
        %parallel_loop3A_626 = vector.broadcast %parallel_loop3A_625 : i32 to vector<16xi32>
        %parallel_loop3A_627 = arith.addi %parallel_loop3A_621, %parallel_loop3A_626 : vector<16xi32>
        %parallel_loop3A_628 = arith.select %parallel_loop3A_624, %parallel_loop3A_627, %parallel_loop3A_621 : vector<16xi1>, vector<16xi32>
        %parallel_loop3A_629 = vector.shape_cast %parallel_loop3A_628 : vector<16xi32> to vector<16x1xi32>
        %parallel_loop3A_630 = vector.shape_cast %parallel_loop3A_629 : vector<16x1xi32> to vector<16xi32>
        %parallel_loop3A_631 = tpu.dynamic_gather %parallel_loop3A_603[%parallel_loop3A_630] in [0] : vector<16xf32>, vector<16xi32> -> vector<16xf32>
        %parallel_loop3A_632 = arith.constant 2 : i32
        %parallel_loop3A_633 = vector.broadcast %parallel_loop3A_632 : i32 to vector<16xi32>
        %parallel_loop3A_634 = arith.constant 0 : i32
        %parallel_loop3A_635 = vector.broadcast %parallel_loop3A_634 : i32 to vector<16xi32>
        %parallel_loop3A_636 = arith.cmpi slt, %parallel_loop3A_633, %parallel_loop3A_635 : vector<16xi32>
        %parallel_loop3A_637 = arith.constant 16 : i32
        %parallel_loop3A_638 = vector.broadcast %parallel_loop3A_637 : i32 to vector<16xi32>
        %parallel_loop3A_639 = arith.addi %parallel_loop3A_633, %parallel_loop3A_638 : vector<16xi32>
        %parallel_loop3A_640 = arith.select %parallel_loop3A_636, %parallel_loop3A_639, %parallel_loop3A_633 : vector<16xi1>, vector<16xi32>
        %parallel_loop3A_641 = vector.shape_cast %parallel_loop3A_640 : vector<16xi32> to vector<16x1xi32>
        %parallel_loop3A_642 = vector.shape_cast %parallel_loop3A_641 : vector<16x1xi32> to vector<16xi32>
        %parallel_loop3A_643 = tpu.dynamic_gather %parallel_loop3A_603[%parallel_loop3A_642] in [0] : vector<16xf32>, vector<16xi32> -> vector<16xf32>
        %parallel_loop3A_644 = arith.constant 3 : i32
        %parallel_loop3A_645 = vector.broadcast %parallel_loop3A_644 : i32 to vector<16xi32>
        %parallel_loop3A_646 = arith.constant 0 : i32
        %parallel_loop3A_647 = vector.broadcast %parallel_loop3A_646 : i32 to vector<16xi32>
        %parallel_loop3A_648 = arith.cmpi slt, %parallel_loop3A_645, %parallel_loop3A_647 : vector<16xi32>
        %parallel_loop3A_649 = arith.constant 16 : i32
        %parallel_loop3A_650 = vector.broadcast %parallel_loop3A_649 : i32 to vector<16xi32>
        %parallel_loop3A_651 = arith.addi %parallel_loop3A_645, %parallel_loop3A_650 : vector<16xi32>
        %parallel_loop3A_652 = arith.select %parallel_loop3A_648, %parallel_loop3A_651, %parallel_loop3A_645 : vector<16xi1>, vector<16xi32>
        %parallel_loop3A_653 = vector.shape_cast %parallel_loop3A_652 : vector<16xi32> to vector<16x1xi32>
        %parallel_loop3A_654 = vector.shape_cast %parallel_loop3A_653 : vector<16x1xi32> to vector<16xi32>
        %parallel_loop3A_655 = tpu.dynamic_gather %parallel_loop3A_603[%parallel_loop3A_654] in [0] : vector<16xf32>, vector<16xi32> -> vector<16xf32>
        %parallel_loop3A_656 = arith.constant 0 : i32
        %parallel_loop3A_657 = vector.broadcast %parallel_loop3A_656 : i32 to vector<16xi32>
        %parallel_loop3A_658 = arith.addi %iota3A, %parallel_loop3A_657 : vector<16xi32>
        %parallel_loop3A_659 = arith.addi %parallel_loop3A_570, %parallel_loop3A_658 : vector<16xi32>
        %parallel_loop3A_660 = tpu.vector_load_idx %arg6[%parallel_loop3A_659] : memref<3600xf32, #tpu.memory_space<vmem>>[vector<16xi32>], vector<16xf32>,
        %parallel_loop3A_661 = arith.addi %parallel_loop3A_574, %parallel_loop3A_658 : vector<16xi32>
        %parallel_loop3A_662 = arith.mulf %parallel_loop3A_660, %parallel_loop3A_619 : vector<16xf32>
        tpu.vector_store_idx %arg8[%parallel_loop3A_661], %parallel_loop3A_662 {add = true} : memref<3600xf32, #tpu.memory_space<vmem>>[vector<16xi32>], vector<16xf32>,
        %parallel_loop3A_663 = arith.constant 16 : i32
        %parallel_loop3A_664 = vector.broadcast %parallel_loop3A_663 : i32 to vector<16xi32>
        %parallel_loop3A_665 = arith.addi %iota3A, %parallel_loop3A_664 : vector<16xi32>
        %parallel_loop3A_666 = arith.addi %parallel_loop3A_570, %parallel_loop3A_665 : vector<16xi32>
        %parallel_loop3A_667 = tpu.vector_load_idx %arg6[%parallel_loop3A_666] : memref<3600xf32, #tpu.memory_space<vmem>>[vector<16xi32>], vector<16xf32>,
        %parallel_loop3A_668 = arith.addi %parallel_loop3A_574, %parallel_loop3A_665 : vector<16xi32>
        %parallel_loop3A_669 = arith.mulf %parallel_loop3A_667, %parallel_loop3A_619 : vector<16xf32>
        tpu.vector_store_idx %arg8[%parallel_loop3A_668], %parallel_loop3A_669 {add = true} : memref<3600xf32, #tpu.memory_space<vmem>>[vector<16xi32>], vector<16xf32>,
        %parallel_loop3A_670 = arith.constant 32 : i32
        %parallel_loop3A_671 = vector.broadcast %parallel_loop3A_670 : i32 to vector<16xi32>
        %parallel_loop3A_672 = arith.addi %iota3A, %parallel_loop3A_671 : vector<16xi32>
        %parallel_loop3A_673 = arith.addi %parallel_loop3A_570, %parallel_loop3A_672 : vector<16xi32>
        %parallel_loop3A_674 = tpu.vector_load_idx %arg6[%parallel_loop3A_673] : memref<3600xf32, #tpu.memory_space<vmem>>[vector<16xi32>], vector<16xf32>,
        %parallel_loop3A_675 = arith.addi %parallel_loop3A_574, %parallel_loop3A_672 : vector<16xi32>
        %parallel_loop3A_676 = arith.mulf %parallel_loop3A_674, %parallel_loop3A_631 : vector<16xf32>
        tpu.vector_store_idx %arg8[%parallel_loop3A_675], %parallel_loop3A_676 {add = true} : memref<3600xf32, #tpu.memory_space<vmem>>[vector<16xi32>], vector<16xf32>,
        %parallel_loop3A_677 = arith.constant 48 : i32
        %parallel_loop3A_678 = vector.broadcast %parallel_loop3A_677 : i32 to vector<16xi32>
        %parallel_loop3A_679 = arith.addi %iota3A, %parallel_loop3A_678 : vector<16xi32>
        %parallel_loop3A_680 = arith.addi %parallel_loop3A_570, %parallel_loop3A_679 : vector<16xi32>
        %parallel_loop3A_681 = tpu.vector_load_idx %arg6[%parallel_loop3A_680] : memref<3600xf32, #tpu.memory_space<vmem>>[vector<16xi32>], vector<16xf32>,
        %parallel_loop3A_682 = arith.addi %parallel_loop3A_574, %parallel_loop3A_679 : vector<16xi32>
        %parallel_loop3A_683 = arith.mulf %parallel_loop3A_681, %parallel_loop3A_631 : vector<16xf32>
        tpu.vector_store_idx %arg8[%parallel_loop3A_682], %parallel_loop3A_683 {add = true} : memref<3600xf32, #tpu.memory_space<vmem>>[vector<16xi32>], vector<16xf32>,
        %parallel_loop3A_684 = arith.constant 64 : i32
        %parallel_loop3A_685 = vector.broadcast %parallel_loop3A_684 : i32 to vector<16xi32>
        %parallel_loop3A_686 = arith.addi %iota3A, %parallel_loop3A_685 : vector<16xi32>
        %parallel_loop3A_687 = arith.addi %parallel_loop3A_570, %parallel_loop3A_686 : vector<16xi32>
        %parallel_loop3A_688 = tpu.vector_load_idx %arg6[%parallel_loop3A_687] : memref<3600xf32, #tpu.memory_space<vmem>>[vector<16xi32>], vector<16xf32>,
        %parallel_loop3A_689 = arith.addi %parallel_loop3A_574, %parallel_loop3A_686 : vector<16xi32>
        %parallel_loop3A_690 = arith.mulf %parallel_loop3A_688, %parallel_loop3A_643 : vector<16xf32>
        tpu.vector_store_idx %arg8[%parallel_loop3A_689], %parallel_loop3A_690 {add = true} : memref<3600xf32, #tpu.memory_space<vmem>>[vector<16xi32>], vector<16xf32>,
        %parallel_loop3A_691 = arith.constant 80 : i32
        %parallel_loop3A_692 = vector.broadcast %parallel_loop3A_691 : i32 to vector<16xi32>
        %parallel_loop3A_693 = arith.addi %iota3A, %parallel_loop3A_692 : vector<16xi32>
        %parallel_loop3A_694 = arith.addi %parallel_loop3A_570, %parallel_loop3A_693 : vector<16xi32>
        %parallel_loop3A_695 = tpu.vector_load_idx %arg6[%parallel_loop3A_694] : memref<3600xf32, #tpu.memory_space<vmem>>[vector<16xi32>], vector<16xf32>,
        %parallel_loop3A_696 = arith.addi %parallel_loop3A_574, %parallel_loop3A_693 : vector<16xi32>
        %parallel_loop3A_697 = arith.mulf %parallel_loop3A_695, %parallel_loop3A_643 : vector<16xf32>
        tpu.vector_store_idx %arg8[%parallel_loop3A_696], %parallel_loop3A_697 {add = true} : memref<3600xf32, #tpu.memory_space<vmem>>[vector<16xi32>], vector<16xf32>,
        %parallel_loop3A_698 = arith.constant 96 : i32
        %parallel_loop3A_699 = vector.broadcast %parallel_loop3A_698 : i32 to vector<16xi32>
        %parallel_loop3A_700 = arith.addi %iota3A, %parallel_loop3A_699 : vector<16xi32>
        %parallel_loop3A_701 = arith.addi %parallel_loop3A_570, %parallel_loop3A_700 : vector<16xi32>
        %parallel_loop3A_702 = tpu.vector_load_idx %arg6[%parallel_loop3A_701] : memref<3600xf32, #tpu.memory_space<vmem>>[vector<16xi32>], vector<16xf32>,
        %parallel_loop3A_703 = arith.addi %parallel_loop3A_574, %parallel_loop3A_700 : vector<16xi32>
        %parallel_loop3A_704 = arith.mulf %parallel_loop3A_702, %parallel_loop3A_655 : vector<16xf32>
        tpu.vector_store_idx %arg8[%parallel_loop3A_703], %parallel_loop3A_704 {add = true} : memref<3600xf32, #tpu.memory_space<vmem>>[vector<16xi32>], vector<16xf32>,
        %parallel_loop3A_705 = arith.constant 112 : i32
        %parallel_loop3A_706 = vector.broadcast %parallel_loop3A_705 : i32 to vector<16xi32>
        %parallel_loop3A_707 = arith.addi %iota3A, %parallel_loop3A_706 : vector<16xi32>
        %parallel_loop3A_708 = arith.addi %parallel_loop3A_570, %parallel_loop3A_707 : vector<16xi32>
        %parallel_loop3A_709 = tpu.vector_load_idx %arg6[%parallel_loop3A_708] : memref<3600xf32, #tpu.memory_space<vmem>>[vector<16xi32>], vector<16xf32>,
        %parallel_loop3A_710 = arith.addi %parallel_loop3A_574, %parallel_loop3A_707 : vector<16xi32>
        %parallel_loop3A_711 = arith.mulf %parallel_loop3A_709, %parallel_loop3A_655 : vector<16xf32>
        tpu.vector_store_idx %arg8[%parallel_loop3A_710], %parallel_loop3A_711 {add = true} : memref<3600xf32, #tpu.memory_space<vmem>>[vector<16xi32>], vector<16xf32>,
      } {sc.loop_unroll_factor = 8 : i64, sc.parallel_access}
      %parallel_loop3A_511 = arith.constant 0 : i32
      %parallel_loop3A_512 = arith.constant 25 : i32
      %parallel_loop3A_513 = arith.constant 1 : i32
      scf.for %parallel_loop3A_565 = %parallel_loop3A_511 to %parallel_loop3A_512 step %parallel_loop3A_513  : i32 {
        %parallel_loop3A_566 = arith.constant 128 : i32
        %parallel_loop3A_567 = vector.broadcast %parallel_loop3A_566 : i32 to vector<16xi32>
        %parallel_loop3A_568 = arith.constant 144 : i32
        %parallel_loop3A_569 = arith.muli %parallel_loop3A_565, %parallel_loop3A_568 : i32
        %parallel_loop3A_570 = vector.broadcast %parallel_loop3A_569 : i32 to vector<16xi32>
        %parallel_loop3A_571 = arith.addi %parallel_loop3A_567, %parallel_loop3A_570 : vector<16xi32>
        %parallel_loop3A_572 = tpu.vector_load_idx %arg8[%parallel_loop3A_571] : memref<3600xf32, #tpu.memory_space<vmem>>[vector<16xi32>], vector<16xf32>,
        %parallel_loop3A_573 = arith.constant 1.000000e-16 : f32
        %parallel_loop3A_574 = vector.broadcast %parallel_loop3A_573 : f32 to vector<16xf32>
        %parallel_loop3A_575 = arith.addf %parallel_loop3A_572, %parallel_loop3A_574 : vector<16xf32>
        %parallel_loop3A_576 = arith.constant 1.000000e+00 : f32
        %parallel_loop3A_577 = vector.broadcast %parallel_loop3A_576 : f32 to vector<16xf32>
        %parallel_loop3A_578 = arith.divf %parallel_loop3A_577, %parallel_loop3A_575 : vector<16xf32>
        %parallel_loop3A_579 = arith.constant 129 : i32
        %parallel_loop3A_580 = vector.broadcast %parallel_loop3A_579 : i32 to vector<16xi32>
        %parallel_loop3A_581 = arith.constant 144 : i32
        %parallel_loop3A_582 = arith.muli %parallel_loop3A_565, %parallel_loop3A_581 : i32
        %parallel_loop3A_583 = vector.broadcast %parallel_loop3A_582 : i32 to vector<16xi32>
        %parallel_loop3A_584 = arith.addi %parallel_loop3A_580, %parallel_loop3A_583 : vector<16xi32>
        %parallel_loop3A_585 = tpu.vector_load_idx %arg8[%parallel_loop3A_584] : memref<3600xf32, #tpu.memory_space<vmem>>[vector<16xi32>], vector<16xf32>,
        %parallel_loop3A_586 = arith.constant 1.000000e-16 : f32
        %parallel_loop3A_587 = vector.broadcast %parallel_loop3A_586 : f32 to vector<16xf32>
        %parallel_loop3A_588 = arith.addf %parallel_loop3A_585, %parallel_loop3A_587 : vector<16xf32>
        %parallel_loop3A_589 = arith.constant 1.000000e+00 : f32
        %parallel_loop3A_590 = vector.broadcast %parallel_loop3A_589 : f32 to vector<16xf32>
        %parallel_loop3A_591 = arith.divf %parallel_loop3A_590, %parallel_loop3A_588 : vector<16xf32>
        %parallel_loop3A_592 = arith.constant 130 : i32
        %parallel_loop3A_593 = vector.broadcast %parallel_loop3A_592 : i32 to vector<16xi32>
        %parallel_loop3A_594 = arith.constant 144 : i32
        %parallel_loop3A_595 = arith.muli %parallel_loop3A_565, %parallel_loop3A_594 : i32
        %parallel_loop3A_596 = vector.broadcast %parallel_loop3A_595 : i32 to vector<16xi32>
        %parallel_loop3A_597 = arith.addi %parallel_loop3A_593, %parallel_loop3A_596 : vector<16xi32>
        %parallel_loop3A_598 = tpu.vector_load_idx %arg8[%parallel_loop3A_597] : memref<3600xf32, #tpu.memory_space<vmem>>[vector<16xi32>], vector<16xf32>,
        %parallel_loop3A_599 = arith.constant 1.000000e-16 : f32
        %parallel_loop3A_600 = vector.broadcast %parallel_loop3A_599 : f32 to vector<16xf32>
        %parallel_loop3A_601 = arith.addf %parallel_loop3A_598, %parallel_loop3A_600 : vector<16xf32>
        %parallel_loop3A_602 = arith.constant 1.000000e+00 : f32
        %parallel_loop3A_603 = vector.broadcast %parallel_loop3A_602 : f32 to vector<16xf32>
        %parallel_loop3A_604 = arith.divf %parallel_loop3A_603, %parallel_loop3A_601 : vector<16xf32>
        %parallel_loop3A_605 = arith.constant 131 : i32
        %parallel_loop3A_606 = vector.broadcast %parallel_loop3A_605 : i32 to vector<16xi32>
        %parallel_loop3A_607 = arith.constant 144 : i32
        %parallel_loop3A_608 = arith.muli %parallel_loop3A_565, %parallel_loop3A_607 : i32
        %parallel_loop3A_609 = vector.broadcast %parallel_loop3A_608 : i32 to vector<16xi32>
        %parallel_loop3A_610 = arith.addi %parallel_loop3A_606, %parallel_loop3A_609 : vector<16xi32>
        %parallel_loop3A_611 = tpu.vector_load_idx %arg8[%parallel_loop3A_610] : memref<3600xf32, #tpu.memory_space<vmem>>[vector<16xi32>], vector<16xf32>,
        %parallel_loop3A_612 = arith.constant 1.000000e-16 : f32
        %parallel_loop3A_613 = vector.broadcast %parallel_loop3A_612 : f32 to vector<16xf32>
        %parallel_loop3A_614 = arith.addf %parallel_loop3A_611, %parallel_loop3A_613 : vector<16xf32>
        %parallel_loop3A_615 = arith.constant 1.000000e+00 : f32
        %parallel_loop3A_616 = vector.broadcast %parallel_loop3A_615 : f32 to vector<16xf32>
        %parallel_loop3A_617 = arith.divf %parallel_loop3A_616, %parallel_loop3A_614 : vector<16xf32>
        %parallel_loop3A_618 = arith.constant 144 : i32
        %parallel_loop3A_619 = arith.muli %parallel_loop3A_565, %parallel_loop3A_618 : i32
        %parallel_loop3A_620 = arith.constant 0 : i32
        %parallel_loop3A_621 = arith.addi %parallel_loop3A_619, %parallel_loop3A_620 : i32
        %parallel_loop3A_622 = arith.index_cast %parallel_loop3A_621 : i32 to index
        %parallel_loop3A_623 = tpu.vector_load %arg8[%parallel_loop3A_622] {strides = array<i32>} : memref<3600xf32, #tpu.memory_space<vmem>>, vector<16xf32>,
        %parallel_loop3A_624 = arith.mulf %parallel_loop3A_623, %parallel_loop3A_578 : vector<16xf32>
        %parallel_loop3A_625 = arith.constant 0 : index
        %parallel_loop3A_626 = tpu.vector_load %arg12[%parallel_loop3A_625] {strides = array<i32>} : memref<128xf32, #tpu.memory_space<vmem>>, vector<16xf32>,
        %parallel_loop3A_627 = arith.addf %parallel_loop3A_624, %parallel_loop3A_626 : vector<16xf32>
        %parallel_loop3A_628 = arith.constant 128 : i32
        %parallel_loop3A_629 = arith.muli %parallel_loop3A_565, %parallel_loop3A_628 : i32
        %parallel_loop3A_630 = arith.constant 0 : i32
        %parallel_loop3A_631 = arith.addi %parallel_loop3A_629, %parallel_loop3A_630 : i32
        %parallel_loop3A_632 = arith.index_cast %parallel_loop3A_631 : i32 to index
        %parallel_loop3A_633 = tpu.vector_load %arg9[%parallel_loop3A_632] {strides = array<i32>} : memref<3200xf32, #tpu.memory_space<vmem>>, vector<16xf32>,
        tpu.vector_store %arg9[%parallel_loop3A_632], %parallel_loop3A_627 {strides = array<i32>} : memref<3200xf32, #tpu.memory_space<vmem>>, vector<16xf32>,
        %parallel_loop3A_634 = arith.constant 144 : i32
        %parallel_loop3A_635 = arith.muli %parallel_loop3A_565, %parallel_loop3A_634 : i32
        %parallel_loop3A_636 = arith.constant 0 : i32
        %parallel_loop3A_637 = arith.addi %parallel_loop3A_635, %parallel_loop3A_636 : i32
        %parallel_loop3A_638 = arith.index_cast %parallel_loop3A_637 : i32 to index
        %parallel_loop3A_639 = tpu.vector_load %arg8[%parallel_loop3A_638] {strides = array<i32>} : memref<3600xf32, #tpu.memory_space<vmem>>, vector<16xf32>,
        tpu.vector_store %arg8[%parallel_loop3A_638], %broadcast_in_dim3A_1 {strides = array<i32>} : memref<3600xf32, #tpu.memory_space<vmem>>, vector<16xf32>,
        %parallel_loop3A_640 = arith.constant 144 : i32
        %parallel_loop3A_641 = arith.muli %parallel_loop3A_565, %parallel_loop3A_640 : i32
        %parallel_loop3A_642 = arith.constant 16 : i32
        %parallel_loop3A_643 = arith.addi %parallel_loop3A_641, %parallel_loop3A_642 : i32
        %parallel_loop3A_644 = arith.index_cast %parallel_loop3A_643 : i32 to index
        %parallel_loop3A_645 = tpu.vector_load %arg8[%parallel_loop3A_644] {strides = array<i32>} : memref<3600xf32, #tpu.memory_space<vmem>>, vector<16xf32>,
        %parallel_loop3A_646 = arith.mulf %parallel_loop3A_645, %parallel_loop3A_578 : vector<16xf32>
        %parallel_loop3A_647 = arith.constant 16 : index
        %parallel_loop3A_648 = tpu.vector_load %arg12[%parallel_loop3A_647] {strides = array<i32>} : memref<128xf32, #tpu.memory_space<vmem>>, vector<16xf32>,
        %parallel_loop3A_649 = arith.addf %parallel_loop3A_646, %parallel_loop3A_648 : vector<16xf32>
        %parallel_loop3A_650 = arith.constant 128 : i32
        %parallel_loop3A_651 = arith.muli %parallel_loop3A_565, %parallel_loop3A_650 : i32
        %parallel_loop3A_652 = arith.constant 16 : i32
        %parallel_loop3A_653 = arith.addi %parallel_loop3A_651, %parallel_loop3A_652 : i32
        %parallel_loop3A_654 = arith.index_cast %parallel_loop3A_653 : i32 to index
        %parallel_loop3A_655 = tpu.vector_load %arg9[%parallel_loop3A_654] {strides = array<i32>} : memref<3200xf32, #tpu.memory_space<vmem>>, vector<16xf32>,
        tpu.vector_store %arg9[%parallel_loop3A_654], %parallel_loop3A_649 {strides = array<i32>} : memref<3200xf32, #tpu.memory_space<vmem>>, vector<16xf32>,
        %parallel_loop3A_656 = arith.constant 144 : i32
        %parallel_loop3A_657 = arith.muli %parallel_loop3A_565, %parallel_loop3A_656 : i32
        %parallel_loop3A_658 = arith.constant 16 : i32
        %parallel_loop3A_659 = arith.addi %parallel_loop3A_657, %parallel_loop3A_658 : i32
        %parallel_loop3A_660 = arith.index_cast %parallel_loop3A_659 : i32 to index
        %parallel_loop3A_661 = tpu.vector_load %arg8[%parallel_loop3A_660] {strides = array<i32>} : memref<3600xf32, #tpu.memory_space<vmem>>, vector<16xf32>,
        tpu.vector_store %arg8[%parallel_loop3A_660], %broadcast_in_dim3A_1 {strides = array<i32>} : memref<3600xf32, #tpu.memory_space<vmem>>, vector<16xf32>,
        %parallel_loop3A_662 = arith.constant 144 : i32
        %parallel_loop3A_663 = arith.muli %parallel_loop3A_565, %parallel_loop3A_662 : i32
        %parallel_loop3A_664 = arith.constant 32 : i32
        %parallel_loop3A_665 = arith.addi %parallel_loop3A_663, %parallel_loop3A_664 : i32
        %parallel_loop3A_666 = arith.index_cast %parallel_loop3A_665 : i32 to index
        %parallel_loop3A_667 = tpu.vector_load %arg8[%parallel_loop3A_666] {strides = array<i32>} : memref<3600xf32, #tpu.memory_space<vmem>>, vector<16xf32>,
        %parallel_loop3A_668 = arith.mulf %parallel_loop3A_667, %parallel_loop3A_591 : vector<16xf32>
        %parallel_loop3A_669 = arith.constant 32 : index
        %parallel_loop3A_670 = tpu.vector_load %arg12[%parallel_loop3A_669] {strides = array<i32>} : memref<128xf32, #tpu.memory_space<vmem>>, vector<16xf32>,
        %parallel_loop3A_671 = arith.addf %parallel_loop3A_668, %parallel_loop3A_670 : vector<16xf32>
        %parallel_loop3A_672 = arith.constant 128 : i32
        %parallel_loop3A_673 = arith.muli %parallel_loop3A_565, %parallel_loop3A_672 : i32
        %parallel_loop3A_674 = arith.constant 32 : i32
        %parallel_loop3A_675 = arith.addi %parallel_loop3A_673, %parallel_loop3A_674 : i32
        %parallel_loop3A_676 = arith.index_cast %parallel_loop3A_675 : i32 to index
        %parallel_loop3A_677 = tpu.vector_load %arg9[%parallel_loop3A_676] {strides = array<i32>} : memref<3200xf32, #tpu.memory_space<vmem>>, vector<16xf32>,
        tpu.vector_store %arg9[%parallel_loop3A_676], %parallel_loop3A_671 {strides = array<i32>} : memref<3200xf32, #tpu.memory_space<vmem>>, vector<16xf32>,
        %parallel_loop3A_678 = arith.constant 144 : i32
        %parallel_loop3A_679 = arith.muli %parallel_loop3A_565, %parallel_loop3A_678 : i32
        %parallel_loop3A_680 = arith.constant 32 : i32
        %parallel_loop3A_681 = arith.addi %parallel_loop3A_679, %parallel_loop3A_680 : i32
        %parallel_loop3A_682 = arith.index_cast %parallel_loop3A_681 : i32 to index
        %parallel_loop3A_683 = tpu.vector_load %arg8[%parallel_loop3A_682] {strides = array<i32>} : memref<3600xf32, #tpu.memory_space<vmem>>, vector<16xf32>,
        tpu.vector_store %arg8[%parallel_loop3A_682], %broadcast_in_dim3A_1 {strides = array<i32>} : memref<3600xf32, #tpu.memory_space<vmem>>, vector<16xf32>,
        %parallel_loop3A_684 = arith.constant 144 : i32
        %parallel_loop3A_685 = arith.muli %parallel_loop3A_565, %parallel_loop3A_684 : i32
        %parallel_loop3A_686 = arith.constant 48 : i32
        %parallel_loop3A_687 = arith.addi %parallel_loop3A_685, %parallel_loop3A_686 : i32
        %parallel_loop3A_688 = arith.index_cast %parallel_loop3A_687 : i32 to index
        %parallel_loop3A_689 = tpu.vector_load %arg8[%parallel_loop3A_688] {strides = array<i32>} : memref<3600xf32, #tpu.memory_space<vmem>>, vector<16xf32>,
        %parallel_loop3A_690 = arith.mulf %parallel_loop3A_689, %parallel_loop3A_591 : vector<16xf32>
        %parallel_loop3A_691 = arith.constant 48 : index
        %parallel_loop3A_692 = tpu.vector_load %arg12[%parallel_loop3A_691] {strides = array<i32>} : memref<128xf32, #tpu.memory_space<vmem>>, vector<16xf32>,
        %parallel_loop3A_693 = arith.addf %parallel_loop3A_690, %parallel_loop3A_692 : vector<16xf32>
        %parallel_loop3A_694 = arith.constant 128 : i32
        %parallel_loop3A_695 = arith.muli %parallel_loop3A_565, %parallel_loop3A_694 : i32
        %parallel_loop3A_696 = arith.constant 48 : i32
        %parallel_loop3A_697 = arith.addi %parallel_loop3A_695, %parallel_loop3A_696 : i32
        %parallel_loop3A_698 = arith.index_cast %parallel_loop3A_697 : i32 to index
        %parallel_loop3A_699 = tpu.vector_load %arg9[%parallel_loop3A_698] {strides = array<i32>} : memref<3200xf32, #tpu.memory_space<vmem>>, vector<16xf32>,
        tpu.vector_store %arg9[%parallel_loop3A_698], %parallel_loop3A_693 {strides = array<i32>} : memref<3200xf32, #tpu.memory_space<vmem>>, vector<16xf32>,
        %parallel_loop3A_700 = arith.constant 144 : i32
        %parallel_loop3A_701 = arith.muli %parallel_loop3A_565, %parallel_loop3A_700 : i32
        %parallel_loop3A_702 = arith.constant 48 : i32
        %parallel_loop3A_703 = arith.addi %parallel_loop3A_701, %parallel_loop3A_702 : i32
        %parallel_loop3A_704 = arith.index_cast %parallel_loop3A_703 : i32 to index
        %parallel_loop3A_705 = tpu.vector_load %arg8[%parallel_loop3A_704] {strides = array<i32>} : memref<3600xf32, #tpu.memory_space<vmem>>, vector<16xf32>,
        tpu.vector_store %arg8[%parallel_loop3A_704], %broadcast_in_dim3A_1 {strides = array<i32>} : memref<3600xf32, #tpu.memory_space<vmem>>, vector<16xf32>,
        %parallel_loop3A_706 = arith.constant 144 : i32
        %parallel_loop3A_707 = arith.muli %parallel_loop3A_565, %parallel_loop3A_706 : i32
        %parallel_loop3A_708 = arith.constant 64 : i32
        %parallel_loop3A_709 = arith.addi %parallel_loop3A_707, %parallel_loop3A_708 : i32
        %parallel_loop3A_710 = arith.index_cast %parallel_loop3A_709 : i32 to index
        %parallel_loop3A_711 = tpu.vector_load %arg8[%parallel_loop3A_710] {strides = array<i32>} : memref<3600xf32, #tpu.memory_space<vmem>>, vector<16xf32>,
        %parallel_loop3A_712 = arith.mulf %parallel_loop3A_711, %parallel_loop3A_604 : vector<16xf32>
        %parallel_loop3A_713 = arith.constant 64 : index
        %parallel_loop3A_714 = tpu.vector_load %arg12[%parallel_loop3A_713] {strides = array<i32>} : memref<128xf32, #tpu.memory_space<vmem>>, vector<16xf32>,
        %parallel_loop3A_715 = arith.addf %parallel_loop3A_712, %parallel_loop3A_714 : vector<16xf32>
        %parallel_loop3A_716 = arith.constant 128 : i32
        %parallel_loop3A_717 = arith.muli %parallel_loop3A_565, %parallel_loop3A_716 : i32
        %parallel_loop3A_718 = arith.constant 64 : i32
        %parallel_loop3A_719 = arith.addi %parallel_loop3A_717, %parallel_loop3A_718 : i32
        %parallel_loop3A_720 = arith.index_cast %parallel_loop3A_719 : i32 to index
        %parallel_loop3A_721 = tpu.vector_load %arg9[%parallel_loop3A_720] {strides = array<i32>} : memref<3200xf32, #tpu.memory_space<vmem>>, vector<16xf32>,
        tpu.vector_store %arg9[%parallel_loop3A_720], %parallel_loop3A_715 {strides = array<i32>} : memref<3200xf32, #tpu.memory_space<vmem>>, vector<16xf32>,
        %parallel_loop3A_722 = arith.constant 144 : i32
        %parallel_loop3A_723 = arith.muli %parallel_loop3A_565, %parallel_loop3A_722 : i32
        %parallel_loop3A_724 = arith.constant 64 : i32
        %parallel_loop3A_725 = arith.addi %parallel_loop3A_723, %parallel_loop3A_724 : i32
        %parallel_loop3A_726 = arith.index_cast %parallel_loop3A_725 : i32 to index
        %parallel_loop3A_727 = tpu.vector_load %arg8[%parallel_loop3A_726] {strides = array<i32>} : memref<3600xf32, #tpu.memory_space<vmem>>, vector<16xf32>,
        tpu.vector_store %arg8[%parallel_loop3A_726], %broadcast_in_dim3A_1 {strides = array<i32>} : memref<3600xf32, #tpu.memory_space<vmem>>, vector<16xf32>,
        %parallel_loop3A_728 = arith.constant 144 : i32
        %parallel_loop3A_729 = arith.muli %parallel_loop3A_565, %parallel_loop3A_728 : i32
        %parallel_loop3A_730 = arith.constant 80 : i32
        %parallel_loop3A_731 = arith.addi %parallel_loop3A_729, %parallel_loop3A_730 : i32
        %parallel_loop3A_732 = arith.index_cast %parallel_loop3A_731 : i32 to index
        %parallel_loop3A_733 = tpu.vector_load %arg8[%parallel_loop3A_732] {strides = array<i32>} : memref<3600xf32, #tpu.memory_space<vmem>>, vector<16xf32>,
        %parallel_loop3A_734 = arith.mulf %parallel_loop3A_733, %parallel_loop3A_604 : vector<16xf32>
        %parallel_loop3A_735 = arith.constant 80 : index
        %parallel_loop3A_736 = tpu.vector_load %arg12[%parallel_loop3A_735] {strides = array<i32>} : memref<128xf32, #tpu.memory_space<vmem>>, vector<16xf32>,
        %parallel_loop3A_737 = arith.addf %parallel_loop3A_734, %parallel_loop3A_736 : vector<16xf32>
        %parallel_loop3A_738 = arith.constant 128 : i32
        %parallel_loop3A_739 = arith.muli %parallel_loop3A_565, %parallel_loop3A_738 : i32
        %parallel_loop3A_740 = arith.constant 80 : i32
        %parallel_loop3A_741 = arith.addi %parallel_loop3A_739, %parallel_loop3A_740 : i32
        %parallel_loop3A_742 = arith.index_cast %parallel_loop3A_741 : i32 to index
        %parallel_loop3A_743 = tpu.vector_load %arg9[%parallel_loop3A_742] {strides = array<i32>} : memref<3200xf32, #tpu.memory_space<vmem>>, vector<16xf32>,
        tpu.vector_store %arg9[%parallel_loop3A_742], %parallel_loop3A_737 {strides = array<i32>} : memref<3200xf32, #tpu.memory_space<vmem>>, vector<16xf32>,
        %parallel_loop3A_744 = arith.constant 144 : i32
        %parallel_loop3A_745 = arith.muli %parallel_loop3A_565, %parallel_loop3A_744 : i32
        %parallel_loop3A_746 = arith.constant 80 : i32
        %parallel_loop3A_747 = arith.addi %parallel_loop3A_745, %parallel_loop3A_746 : i32
        %parallel_loop3A_748 = arith.index_cast %parallel_loop3A_747 : i32 to index
        %parallel_loop3A_749 = tpu.vector_load %arg8[%parallel_loop3A_748] {strides = array<i32>} : memref<3600xf32, #tpu.memory_space<vmem>>, vector<16xf32>,
        tpu.vector_store %arg8[%parallel_loop3A_748], %broadcast_in_dim3A_1 {strides = array<i32>} : memref<3600xf32, #tpu.memory_space<vmem>>, vector<16xf32>,
        %parallel_loop3A_750 = arith.constant 144 : i32
        %parallel_loop3A_751 = arith.muli %parallel_loop3A_565, %parallel_loop3A_750 : i32
        %parallel_loop3A_752 = arith.constant 96 : i32
        %parallel_loop3A_753 = arith.addi %parallel_loop3A_751, %parallel_loop3A_752 : i32
        %parallel_loop3A_754 = arith.index_cast %parallel_loop3A_753 : i32 to index
        %parallel_loop3A_755 = tpu.vector_load %arg8[%parallel_loop3A_754] {strides = array<i32>} : memref<3600xf32, #tpu.memory_space<vmem>>, vector<16xf32>,
        %parallel_loop3A_756 = arith.mulf %parallel_loop3A_755, %parallel_loop3A_617 : vector<16xf32>
        %parallel_loop3A_757 = arith.constant 96 : index
        %parallel_loop3A_758 = tpu.vector_load %arg12[%parallel_loop3A_757] {strides = array<i32>} : memref<128xf32, #tpu.memory_space<vmem>>, vector<16xf32>,
        %parallel_loop3A_759 = arith.addf %parallel_loop3A_756, %parallel_loop3A_758 : vector<16xf32>
        %parallel_loop3A_760 = arith.constant 128 : i32
        %parallel_loop3A_761 = arith.muli %parallel_loop3A_565, %parallel_loop3A_760 : i32
        %parallel_loop3A_762 = arith.constant 96 : i32
        %parallel_loop3A_763 = arith.addi %parallel_loop3A_761, %parallel_loop3A_762 : i32
        %parallel_loop3A_764 = arith.index_cast %parallel_loop3A_763 : i32 to index
        %parallel_loop3A_765 = tpu.vector_load %arg9[%parallel_loop3A_764] {strides = array<i32>} : memref<3200xf32, #tpu.memory_space<vmem>>, vector<16xf32>,
        tpu.vector_store %arg9[%parallel_loop3A_764], %parallel_loop3A_759 {strides = array<i32>} : memref<3200xf32, #tpu.memory_space<vmem>>, vector<16xf32>,
        %parallel_loop3A_766 = arith.constant 144 : i32
        %parallel_loop3A_767 = arith.muli %parallel_loop3A_565, %parallel_loop3A_766 : i32
        %parallel_loop3A_768 = arith.constant 96 : i32
        %parallel_loop3A_769 = arith.addi %parallel_loop3A_767, %parallel_loop3A_768 : i32
        %parallel_loop3A_770 = arith.index_cast %parallel_loop3A_769 : i32 to index
        %parallel_loop3A_771 = tpu.vector_load %arg8[%parallel_loop3A_770] {strides = array<i32>} : memref<3600xf32, #tpu.memory_space<vmem>>, vector<16xf32>,
        tpu.vector_store %arg8[%parallel_loop3A_770], %broadcast_in_dim3A_1 {strides = array<i32>} : memref<3600xf32, #tpu.memory_space<vmem>>, vector<16xf32>,
        %parallel_loop3A_772 = arith.constant 144 : i32
        %parallel_loop3A_773 = arith.muli %parallel_loop3A_565, %parallel_loop3A_772 : i32
        %parallel_loop3A_774 = arith.constant 112 : i32
        %parallel_loop3A_775 = arith.addi %parallel_loop3A_773, %parallel_loop3A_774 : i32
        %parallel_loop3A_776 = arith.index_cast %parallel_loop3A_775 : i32 to index
        %parallel_loop3A_777 = tpu.vector_load %arg8[%parallel_loop3A_776] {strides = array<i32>} : memref<3600xf32, #tpu.memory_space<vmem>>, vector<16xf32>,
        %parallel_loop3A_778 = arith.mulf %parallel_loop3A_777, %parallel_loop3A_617 : vector<16xf32>
        %parallel_loop3A_779 = arith.constant 112 : index
        %parallel_loop3A_780 = tpu.vector_load %arg12[%parallel_loop3A_779] {strides = array<i32>} : memref<128xf32, #tpu.memory_space<vmem>>, vector<16xf32>,
        %parallel_loop3A_781 = arith.addf %parallel_loop3A_778, %parallel_loop3A_780 : vector<16xf32>
        %parallel_loop3A_782 = arith.constant 128 : i32
        %parallel_loop3A_783 = arith.muli %parallel_loop3A_565, %parallel_loop3A_782 : i32
        %parallel_loop3A_784 = arith.constant 112 : i32
        %parallel_loop3A_785 = arith.addi %parallel_loop3A_783, %parallel_loop3A_784 : i32
        %parallel_loop3A_786 = arith.index_cast %parallel_loop3A_785 : i32 to index
        %parallel_loop3A_787 = tpu.vector_load %arg9[%parallel_loop3A_786] {strides = array<i32>} : memref<3200xf32, #tpu.memory_space<vmem>>, vector<16xf32>,
        tpu.vector_store %arg9[%parallel_loop3A_786], %parallel_loop3A_781 {strides = array<i32>} : memref<3200xf32, #tpu.memory_space<vmem>>, vector<16xf32>,
        %parallel_loop3A_788 = arith.constant 144 : i32
        %parallel_loop3A_789 = arith.muli %parallel_loop3A_565, %parallel_loop3A_788 : i32
        %parallel_loop3A_790 = arith.constant 112 : i32
        %parallel_loop3A_791 = arith.addi %parallel_loop3A_789, %parallel_loop3A_790 : i32
        %parallel_loop3A_792 = arith.index_cast %parallel_loop3A_791 : i32 to index
        %parallel_loop3A_793 = tpu.vector_load %arg8[%parallel_loop3A_792] {strides = array<i32>} : memref<3600xf32, #tpu.memory_space<vmem>>, vector<16xf32>,
        tpu.vector_store %arg8[%parallel_loop3A_792], %broadcast_in_dim3A_1 {strides = array<i32>} : memref<3600xf32, #tpu.memory_space<vmem>>, vector<16xf32>,
        %parallel_loop3A_794 = arith.constant 144 : i32
        %parallel_loop3A_795 = arith.muli %parallel_loop3A_565, %parallel_loop3A_794 : i32
        %parallel_loop3A_796 = arith.constant 128 : i32
        %parallel_loop3A_797 = arith.addi %parallel_loop3A_795, %parallel_loop3A_796 : i32
        %parallel_loop3A_798 = arith.index_cast %parallel_loop3A_797 : i32 to index
        %parallel_loop3A_799 = tpu.vector_load %arg8[%parallel_loop3A_798] {strides = array<i32>} : memref<3600xf32, #tpu.memory_space<vmem>>, vector<16xf32>,
        tpu.vector_store %arg8[%parallel_loop3A_798], %broadcast_in_dim3A_1 {strides = array<i32>} : memref<3600xf32, #tpu.memory_space<vmem>>, vector<16xf32>,
      } {sc.loop_unroll_factor = 4 : i64, sc.parallel_access}
      %mul3A_514 = arith.constant 3200 : i32
      %mul3A_515 = arith.muli %add3A_498, %mul3A_514 : i32
      %dma_start3A_516 = tpu.memref_slice %arg5[%mul3A_515] : memref<13107200xf32, #tpu.memory_space<hbm>> -> memref<3200xf32, #tpu.memory_space<hbm>>
      %dma_start3A_517 = tpu.memref_slice %arg5[%mul3A_515] : memref<13107200xf32, #tpu.memory_space<hbm>> -> memref<3200xf32, #tpu.memory_space<hbm>>
      tpu.enqueue_dma source(%arg9 : memref<3200xf32, #tpu.memory_space<vmem>>) target(%dma_start3A_517 : memref<3200xf32, #tpu.memory_space<hbm>>) target_semaphore(%arg15 : memref<!tpu.dma_semaphore, #tpu.memory_space<semaphore_mem>>)
      %add3A_518 = arith.constant 2 : i32
      %add3A_519 = arith.addi %mul3A_495, %add3A_518 : i32
      %lt3A_520 = arith.constant 128 : i32
      %lt3A_521 = arith.cmpi slt, %add3A_519, %lt3A_520 : i32
      %convert_element_type3A_522 = arith.extui %lt3A_521 : i1 to i32
      %cond3A_523 = arith.constant 0 : i32
      %cond3A_524 = arith.cmpi ne, %convert_element_type3A_522, %cond3A_523 : i32
      scf.if %cond3A_524 {
        %add3A_565 = arith.constant 2 : i32
        %add3A_566 = arith.addi %add3A_498, %add3A_565 : i32
        %mul3A_567 = arith.constant 3600 : i32
        %mul3A_568 = arith.muli %add3A_566, %mul3A_567 : i32
        %dma_start3A_569 = tpu.memref_slice %arg2[%mul3A_568] : memref<14745600xf32, #tpu.memory_space<hbm>> -> memref<3600xf32, #tpu.memory_space<hbm>>
        %dma_start3A_570 = tpu.memref_slice %arg2[%mul3A_568] : memref<14745600xf32, #tpu.memory_space<hbm>> -> memref<3600xf32, #tpu.memory_space<hbm>>
        tpu.enqueue_dma source(%dma_start3A_570 : memref<3600xf32, #tpu.memory_space<hbm>>) target(%arg6 : memref<3600xf32, #tpu.memory_space<vmem>>) target_semaphore(%arg13 : memref<!tpu.dma_semaphore, #tpu.memory_space<semaphore_mem>>)
      } else {
      }
      %mul3A_525 = arith.constant 2 : i32
      %mul3A_526 = arith.muli %scan3A_493, %mul3A_525 : i32
      %add3A_527 = arith.constant 1 : i32
      %add3A_528 = arith.addi %mul3A_526, %add3A_527 : i32
      %mul3A_529 = arith.constant 128 : i32
      %mul3A_530 = arith.muli %add3A, %mul3A_529 : i32
      %add3A_531 = arith.addi %mul3A_530, %add3A_528 : i32
      %mul3A_532 = arith.constant 3600 : i32
      %mul3A_533 = arith.muli %add3A_531, %mul3A_532 : i32
      %dma_wait3A_534 = tpu.memref_slice %arg2[%mul3A_533] : memref<14745600xf32, #tpu.memory_space<hbm>> -> memref<3600xf32, #tpu.memory_space<hbm>>
      %dma_wait3A_535 = tpu.memref_slice %arg2[%mul3A_533] : memref<14745600xf32, #tpu.memory_space<hbm>> -> memref<3600xf32, #tpu.memory_space<hbm>>
      tpu.wait_dma2 semaphore(%arg14 : memref<!tpu.dma_semaphore, #tpu.memory_space<semaphore_mem>>) src(%dma_wait3A_535 : memref<3600xf32, #tpu.memory_space<hbm>>) dst(%arg7 : memref<3600xf32, #tpu.memory_space<vmem>>)
      %ge3A_536 = arith.constant 2 : i32
      %ge3A_537 = arith.cmpi sge, %add3A_528, %ge3A_536 : i32
      %convert_element_type3A_538 = arith.extui %ge3A_537 : i1 to i32
      %cond3A_539 = arith.constant 0 : i32
      %cond3A_540 = arith.cmpi ne, %convert_element_type3A_538, %cond3A_539 : i32
      scf.if %cond3A_540 {
        %sub3A_565 = arith.constant 2 : i32
        %sub3A_566 = arith.subi %add3A_531, %sub3A_565 : i32
        %mul3A_567 = arith.constant 3200 : i32
        %mul3A_568 = arith.muli %sub3A_566, %mul3A_567 : i32
        %dma_wait3A_569 = tpu.memref_slice %arg5[%mul3A_568] : memref<13107200xf32, #tpu.memory_space<hbm>> -> memref<3200xf32, #tpu.memory_space<hbm>>
        %dma_wait3A_570 = tpu.memref_slice %arg5[%mul3A_568] : memref<13107200xf32, #tpu.memory_space<hbm>> -> memref<3200xf32, #tpu.memory_space<hbm>>
        tpu.wait_dma2 semaphore(%arg16 : memref<!tpu.dma_semaphore, #tpu.memory_space<semaphore_mem>>) src(%arg10 : memref<3200xf32, #tpu.memory_space<vmem>>) dst(%dma_wait3A_570 : memref<3200xf32, #tpu.memory_space<hbm>>)
      } else {
      }
      %iota3A_541 = tpu.iota {dimensions = array<i32: 0>} : vector<16xi32>
      %lt3A_542 = arith.constant 4 : i32
      %lt3A_543 = vector.broadcast %lt3A_542 : i32 to vector<16xi32>
      %lt3A_544 = arith.cmpi slt, %iota3A_541, %lt3A_543 : vector<16xi32>
      %and3A_545 = arith.constant 3 : i32
      %and3A_546 = vector.broadcast %and3A_545 : i32 to vector<16xi32>
      %and3A_547 = arith.andi %iota3A_541, %and3A_546 : vector<16xi32>
      %parallel_loop3A_548 = arith.constant 0 : i32
      %parallel_loop3A_549 = arith.constant 96 : i32
      %parallel_loop3A_550 = arith.constant 1 : i32
      scf.for %parallel_loop3A_565 = %parallel_loop3A_548 to %parallel_loop3A_549 step %parallel_loop3A_550  : i32 {
        %parallel_loop3A_566 = arith.constant 0 : i32
        %parallel_loop3A_567 = vector.broadcast %parallel_loop3A_566 : i32 to vector<16xi32>
        %parallel_loop3A_568 = vector.broadcast %parallel_loop3A_565 : i32 to vector<16xi32>
        %parallel_loop3A_569 = arith.addi %parallel_loop3A_567, %parallel_loop3A_568 : vector<16xi32>
        %parallel_loop3A_570 = tpu.vector_load_idx %arg11[%parallel_loop3A_569] : memref<192xi32, #tpu.memory_space<vmem>>[vector<16xi32>], vector<16xi32>,
        %parallel_loop3A_571 = arith.constant 96 : i32
        %parallel_loop3A_572 = vector.broadcast %parallel_loop3A_571 : i32 to vector<16xi32>
        %parallel_loop3A_573 = arith.addi %parallel_loop3A_569, %parallel_loop3A_572 : vector<16xi32>
        %parallel_loop3A_574 = tpu.vector_load_idx %arg11[%parallel_loop3A_573] : memref<192xi32, #tpu.memory_space<vmem>>[vector<16xi32>], vector<16xi32>,
        %parallel_loop3A_575 = arith.constant 89 : i32
        %parallel_loop3A_576 = arith.cmpi slt, %parallel_loop3A_565, %parallel_loop3A_575 : i32
        %parallel_loop3A_577 = arith.constant 1.000000e+00 : f32
        %parallel_loop3A_578 = arith.constant 0.000000e+00 : f32
        %parallel_loop3A_579 = arith.select %parallel_loop3A_576, %parallel_loop3A_577, %parallel_loop3A_578 : f32
        %parallel_loop3A_580 = arith.constant 128 : i32
        %parallel_loop3A_581 = vector.broadcast %parallel_loop3A_580 : i32 to vector<16xi32>
        %parallel_loop3A_582 = arith.addi %parallel_loop3A_581, %and3A_547 : vector<16xi32>
        %parallel_loop3A_583 = arith.addi %parallel_loop3A_570, %parallel_loop3A_582 : vector<16xi32>
        %parallel_loop3A_584 = tpu.vector_load_idx %arg7[%parallel_loop3A_583] : memref<3600xf32, #tpu.memory_space<vmem>>[vector<16xi32>], vector<16xf32>,
        %parallel_loop3A_585 = arith.constant 132 : i32
        %parallel_loop3A_586 = vector.broadcast %parallel_loop3A_585 : i32 to vector<16xi32>
        %parallel_loop3A_587 = arith.addi %parallel_loop3A_586, %and3A_547 : vector<16xi32>
        %parallel_loop3A_588 = arith.addi %parallel_loop3A_574, %parallel_loop3A_587 : vector<16xi32>
        %parallel_loop3A_589 = tpu.vector_load_idx %arg7[%parallel_loop3A_588] : memref<3600xf32, #tpu.memory_space<vmem>>[vector<16xi32>], vector<16xf32>,
        %parallel_loop3A_590 = arith.addf %parallel_loop3A_584, %parallel_loop3A_589 : vector<16xf32>
        %parallel_loop3A_591 = arith.constant 0.000000e+00 : f32
        %parallel_loop3A_592 = vector.broadcast %parallel_loop3A_591 : f32 to vector<16xf32>
        %parallel_loop3A_593 = arith.cmpf oge, %parallel_loop3A_590, %parallel_loop3A_592 : vector<16xf32>
        %parallel_loop3A_594 = arith.constant 2.000000e-01 : f32
        %parallel_loop3A_595 = vector.broadcast %parallel_loop3A_594 : f32 to vector<16xf32>
        %parallel_loop3A_596 = arith.mulf %parallel_loop3A_590, %parallel_loop3A_595 : vector<16xf32>
        %parallel_loop3A_597 = arith.select %parallel_loop3A_593, %parallel_loop3A_590, %parallel_loop3A_596 : vector<16xi1>, vector<16xf32>
        %parallel_loop3A_598 = arith.constant 6.000000e+01 : f32
        %parallel_loop3A_599 = vector.broadcast %parallel_loop3A_598 : f32 to vector<16xf32>
        %parallel_loop3A_600 = arith.minimumf %parallel_loop3A_597, %parallel_loop3A_599 : vector<16xf32>
        %parallel_loop3A_601 = math.exp %parallel_loop3A_600 : vector<16xf32>
        %parallel_loop3A_602 = vector.broadcast %parallel_loop3A_579 : f32 to vector<16xf32>
        %parallel_loop3A_603 = arith.mulf %parallel_loop3A_601, %parallel_loop3A_602 : vector<16xf32>
        %parallel_loop3A_604 = arith.constant 128 : i32
        %parallel_loop3A_605 = vector.broadcast %parallel_loop3A_604 : i32 to vector<16xi32>
        %parallel_loop3A_606 = arith.addi %iota3A_541, %parallel_loop3A_605 : vector<16xi32>
        %parallel_loop3A_607 = arith.addi %parallel_loop3A_574, %parallel_loop3A_606 : vector<16xi32>
        tpu.vector_store_idx %arg8[%parallel_loop3A_607], %parallel_loop3A_603 masked %lt3A_544 {add = true} : memref<3600xf32, #tpu.memory_space<vmem>>[vector<16xi32>], vector<16xf32>, vector<16xi1>
        %parallel_loop3A_608 = arith.constant 0 : i32
        %parallel_loop3A_609 = vector.broadcast %parallel_loop3A_608 : i32 to vector<16xi32>
        %parallel_loop3A_610 = arith.constant 0 : i32
        %parallel_loop3A_611 = vector.broadcast %parallel_loop3A_610 : i32 to vector<16xi32>
        %parallel_loop3A_612 = arith.cmpi slt, %parallel_loop3A_609, %parallel_loop3A_611 : vector<16xi32>
        %parallel_loop3A_613 = arith.constant 16 : i32
        %parallel_loop3A_614 = vector.broadcast %parallel_loop3A_613 : i32 to vector<16xi32>
        %parallel_loop3A_615 = arith.addi %parallel_loop3A_609, %parallel_loop3A_614 : vector<16xi32>
        %parallel_loop3A_616 = arith.select %parallel_loop3A_612, %parallel_loop3A_615, %parallel_loop3A_609 : vector<16xi1>, vector<16xi32>
        %parallel_loop3A_617 = vector.shape_cast %parallel_loop3A_616 : vector<16xi32> to vector<16x1xi32>
        %parallel_loop3A_618 = vector.shape_cast %parallel_loop3A_617 : vector<16x1xi32> to vector<16xi32>
        %parallel_loop3A_619 = tpu.dynamic_gather %parallel_loop3A_603[%parallel_loop3A_618] in [0] : vector<16xf32>, vector<16xi32> -> vector<16xf32>
        %parallel_loop3A_620 = arith.constant 1 : i32
        %parallel_loop3A_621 = vector.broadcast %parallel_loop3A_620 : i32 to vector<16xi32>
        %parallel_loop3A_622 = arith.constant 0 : i32
        %parallel_loop3A_623 = vector.broadcast %parallel_loop3A_622 : i32 to vector<16xi32>
        %parallel_loop3A_624 = arith.cmpi slt, %parallel_loop3A_621, %parallel_loop3A_623 : vector<16xi32>
        %parallel_loop3A_625 = arith.constant 16 : i32
        %parallel_loop3A_626 = vector.broadcast %parallel_loop3A_625 : i32 to vector<16xi32>
        %parallel_loop3A_627 = arith.addi %parallel_loop3A_621, %parallel_loop3A_626 : vector<16xi32>
        %parallel_loop3A_628 = arith.select %parallel_loop3A_624, %parallel_loop3A_627, %parallel_loop3A_621 : vector<16xi1>, vector<16xi32>
        %parallel_loop3A_629 = vector.shape_cast %parallel_loop3A_628 : vector<16xi32> to vector<16x1xi32>
        %parallel_loop3A_630 = vector.shape_cast %parallel_loop3A_629 : vector<16x1xi32> to vector<16xi32>
        %parallel_loop3A_631 = tpu.dynamic_gather %parallel_loop3A_603[%parallel_loop3A_630] in [0] : vector<16xf32>, vector<16xi32> -> vector<16xf32>
        %parallel_loop3A_632 = arith.constant 2 : i32
        %parallel_loop3A_633 = vector.broadcast %parallel_loop3A_632 : i32 to vector<16xi32>
        %parallel_loop3A_634 = arith.constant 0 : i32
        %parallel_loop3A_635 = vector.broadcast %parallel_loop3A_634 : i32 to vector<16xi32>
        %parallel_loop3A_636 = arith.cmpi slt, %parallel_loop3A_633, %parallel_loop3A_635 : vector<16xi32>
        %parallel_loop3A_637 = arith.constant 16 : i32
        %parallel_loop3A_638 = vector.broadcast %parallel_loop3A_637 : i32 to vector<16xi32>
        %parallel_loop3A_639 = arith.addi %parallel_loop3A_633, %parallel_loop3A_638 : vector<16xi32>
        %parallel_loop3A_640 = arith.select %parallel_loop3A_636, %parallel_loop3A_639, %parallel_loop3A_633 : vector<16xi1>, vector<16xi32>
        %parallel_loop3A_641 = vector.shape_cast %parallel_loop3A_640 : vector<16xi32> to vector<16x1xi32>
        %parallel_loop3A_642 = vector.shape_cast %parallel_loop3A_641 : vector<16x1xi32> to vector<16xi32>
        %parallel_loop3A_643 = tpu.dynamic_gather %parallel_loop3A_603[%parallel_loop3A_642] in [0] : vector<16xf32>, vector<16xi32> -> vector<16xf32>
        %parallel_loop3A_644 = arith.constant 3 : i32
        %parallel_loop3A_645 = vector.broadcast %parallel_loop3A_644 : i32 to vector<16xi32>
        %parallel_loop3A_646 = arith.constant 0 : i32
        %parallel_loop3A_647 = vector.broadcast %parallel_loop3A_646 : i32 to vector<16xi32>
        %parallel_loop3A_648 = arith.cmpi slt, %parallel_loop3A_645, %parallel_loop3A_647 : vector<16xi32>
        %parallel_loop3A_649 = arith.constant 16 : i32
        %parallel_loop3A_650 = vector.broadcast %parallel_loop3A_649 : i32 to vector<16xi32>
        %parallel_loop3A_651 = arith.addi %parallel_loop3A_645, %parallel_loop3A_650 : vector<16xi32>
        %parallel_loop3A_652 = arith.select %parallel_loop3A_648, %parallel_loop3A_651, %parallel_loop3A_645 : vector<16xi1>, vector<16xi32>
        %parallel_loop3A_653 = vector.shape_cast %parallel_loop3A_652 : vector<16xi32> to vector<16x1xi32>
        %parallel_loop3A_654 = vector.shape_cast %parallel_loop3A_653 : vector<16x1xi32> to vector<16xi32>
        %parallel_loop3A_655 = tpu.dynamic_gather %parallel_loop3A_603[%parallel_loop3A_654] in [0] : vector<16xf32>, vector<16xi32> -> vector<16xf32>
        %parallel_loop3A_656 = arith.constant 0 : i32
        %parallel_loop3A_657 = vector.broadcast %parallel_loop3A_656 : i32 to vector<16xi32>
        %parallel_loop3A_658 = arith.addi %iota3A_541, %parallel_loop3A_657 : vector<16xi32>
        %parallel_loop3A_659 = arith.addi %parallel_loop3A_570, %parallel_loop3A_658 : vector<16xi32>
        %parallel_loop3A_660 = tpu.vector_load_idx %arg7[%parallel_loop3A_659] : memref<3600xf32, #tpu.memory_space<vmem>>[vector<16xi32>], vector<16xf32>,
        %parallel_loop3A_661 = arith.addi %parallel_loop3A_574, %parallel_loop3A_658 : vector<16xi32>
        %parallel_loop3A_662 = arith.mulf %parallel_loop3A_660, %parallel_loop3A_619 : vector<16xf32>
        tpu.vector_store_idx %arg8[%parallel_loop3A_661], %parallel_loop3A_662 {add = true} : memref<3600xf32, #tpu.memory_space<vmem>>[vector<16xi32>], vector<16xf32>,
        %parallel_loop3A_663 = arith.constant 16 : i32
        %parallel_loop3A_664 = vector.broadcast %parallel_loop3A_663 : i32 to vector<16xi32>
        %parallel_loop3A_665 = arith.addi %iota3A_541, %parallel_loop3A_664 : vector<16xi32>
        %parallel_loop3A_666 = arith.addi %parallel_loop3A_570, %parallel_loop3A_665 : vector<16xi32>
        %parallel_loop3A_667 = tpu.vector_load_idx %arg7[%parallel_loop3A_666] : memref<3600xf32, #tpu.memory_space<vmem>>[vector<16xi32>], vector<16xf32>,
        %parallel_loop3A_668 = arith.addi %parallel_loop3A_574, %parallel_loop3A_665 : vector<16xi32>
        %parallel_loop3A_669 = arith.mulf %parallel_loop3A_667, %parallel_loop3A_619 : vector<16xf32>
        tpu.vector_store_idx %arg8[%parallel_loop3A_668], %parallel_loop3A_669 {add = true} : memref<3600xf32, #tpu.memory_space<vmem>>[vector<16xi32>], vector<16xf32>,
        %parallel_loop3A_670 = arith.constant 32 : i32
        %parallel_loop3A_671 = vector.broadcast %parallel_loop3A_670 : i32 to vector<16xi32>
        %parallel_loop3A_672 = arith.addi %iota3A_541, %parallel_loop3A_671 : vector<16xi32>
        %parallel_loop3A_673 = arith.addi %parallel_loop3A_570, %parallel_loop3A_672 : vector<16xi32>
        %parallel_loop3A_674 = tpu.vector_load_idx %arg7[%parallel_loop3A_673] : memref<3600xf32, #tpu.memory_space<vmem>>[vector<16xi32>], vector<16xf32>,
        %parallel_loop3A_675 = arith.addi %parallel_loop3A_574, %parallel_loop3A_672 : vector<16xi32>
        %parallel_loop3A_676 = arith.mulf %parallel_loop3A_674, %parallel_loop3A_631 : vector<16xf32>
        tpu.vector_store_idx %arg8[%parallel_loop3A_675], %parallel_loop3A_676 {add = true} : memref<3600xf32, #tpu.memory_space<vmem>>[vector<16xi32>], vector<16xf32>,
        %parallel_loop3A_677 = arith.constant 48 : i32
        %parallel_loop3A_678 = vector.broadcast %parallel_loop3A_677 : i32 to vector<16xi32>
        %parallel_loop3A_679 = arith.addi %iota3A_541, %parallel_loop3A_678 : vector<16xi32>
        %parallel_loop3A_680 = arith.addi %parallel_loop3A_570, %parallel_loop3A_679 : vector<16xi32>
        %parallel_loop3A_681 = tpu.vector_load_idx %arg7[%parallel_loop3A_680] : memref<3600xf32, #tpu.memory_space<vmem>>[vector<16xi32>], vector<16xf32>,
        %parallel_loop3A_682 = arith.addi %parallel_loop3A_574, %parallel_loop3A_679 : vector<16xi32>
        %parallel_loop3A_683 = arith.mulf %parallel_loop3A_681, %parallel_loop3A_631 : vector<16xf32>
        tpu.vector_store_idx %arg8[%parallel_loop3A_682], %parallel_loop3A_683 {add = true} : memref<3600xf32, #tpu.memory_space<vmem>>[vector<16xi32>], vector<16xf32>,
        %parallel_loop3A_684 = arith.constant 64 : i32
        %parallel_loop3A_685 = vector.broadcast %parallel_loop3A_684 : i32 to vector<16xi32>
        %parallel_loop3A_686 = arith.addi %iota3A_541, %parallel_loop3A_685 : vector<16xi32>
        %parallel_loop3A_687 = arith.addi %parallel_loop3A_570, %parallel_loop3A_686 : vector<16xi32>
        %parallel_loop3A_688 = tpu.vector_load_idx %arg7[%parallel_loop3A_687] : memref<3600xf32, #tpu.memory_space<vmem>>[vector<16xi32>], vector<16xf32>,
        %parallel_loop3A_689 = arith.addi %parallel_loop3A_574, %parallel_loop3A_686 : vector<16xi32>
        %parallel_loop3A_690 = arith.mulf %parallel_loop3A_688, %parallel_loop3A_643 : vector<16xf32>
        tpu.vector_store_idx %arg8[%parallel_loop3A_689], %parallel_loop3A_690 {add = true} : memref<3600xf32, #tpu.memory_space<vmem>>[vector<16xi32>], vector<16xf32>,
        %parallel_loop3A_691 = arith.constant 80 : i32
        %parallel_loop3A_692 = vector.broadcast %parallel_loop3A_691 : i32 to vector<16xi32>
        %parallel_loop3A_693 = arith.addi %iota3A_541, %parallel_loop3A_692 : vector<16xi32>
        %parallel_loop3A_694 = arith.addi %parallel_loop3A_570, %parallel_loop3A_693 : vector<16xi32>
        %parallel_loop3A_695 = tpu.vector_load_idx %arg7[%parallel_loop3A_694] : memref<3600xf32, #tpu.memory_space<vmem>>[vector<16xi32>], vector<16xf32>,
        %parallel_loop3A_696 = arith.addi %parallel_loop3A_574, %parallel_loop3A_693 : vector<16xi32>
        %parallel_loop3A_697 = arith.mulf %parallel_loop3A_695, %parallel_loop3A_643 : vector<16xf32>
        tpu.vector_store_idx %arg8[%parallel_loop3A_696], %parallel_loop3A_697 {add = true} : memref<3600xf32, #tpu.memory_space<vmem>>[vector<16xi32>], vector<16xf32>,
        %parallel_loop3A_698 = arith.constant 96 : i32
        %parallel_loop3A_699 = vector.broadcast %parallel_loop3A_698 : i32 to vector<16xi32>
        %parallel_loop3A_700 = arith.addi %iota3A_541, %parallel_loop3A_699 : vector<16xi32>
        %parallel_loop3A_701 = arith.addi %parallel_loop3A_570, %parallel_loop3A_700 : vector<16xi32>
        %parallel_loop3A_702 = tpu.vector_load_idx %arg7[%parallel_loop3A_701] : memref<3600xf32, #tpu.memory_space<vmem>>[vector<16xi32>], vector<16xf32>,
        %parallel_loop3A_703 = arith.addi %parallel_loop3A_574, %parallel_loop3A_700 : vector<16xi32>
        %parallel_loop3A_704 = arith.mulf %parallel_loop3A_702, %parallel_loop3A_655 : vector<16xf32>
        tpu.vector_store_idx %arg8[%parallel_loop3A_703], %parallel_loop3A_704 {add = true} : memref<3600xf32, #tpu.memory_space<vmem>>[vector<16xi32>], vector<16xf32>,
        %parallel_loop3A_705 = arith.constant 112 : i32
        %parallel_loop3A_706 = vector.broadcast %parallel_loop3A_705 : i32 to vector<16xi32>
        %parallel_loop3A_707 = arith.addi %iota3A_541, %parallel_loop3A_706 : vector<16xi32>
        %parallel_loop3A_708 = arith.addi %parallel_loop3A_570, %parallel_loop3A_707 : vector<16xi32>
        %parallel_loop3A_709 = tpu.vector_load_idx %arg7[%parallel_loop3A_708] : memref<3600xf32, #tpu.memory_space<vmem>>[vector<16xi32>], vector<16xf32>,
        %parallel_loop3A_710 = arith.addi %parallel_loop3A_574, %parallel_loop3A_707 : vector<16xi32>
        %parallel_loop3A_711 = arith.mulf %parallel_loop3A_709, %parallel_loop3A_655 : vector<16xf32>
        tpu.vector_store_idx %arg8[%parallel_loop3A_710], %parallel_loop3A_711 {add = true} : memref<3600xf32, #tpu.memory_space<vmem>>[vector<16xi32>], vector<16xf32>,
      } {sc.loop_unroll_factor = 8 : i64, sc.parallel_access}
      %parallel_loop3A_551 = arith.constant 0 : i32
      %parallel_loop3A_552 = arith.constant 25 : i32
      %parallel_loop3A_553 = arith.constant 1 : i32
      scf.for %parallel_loop3A_565 = %parallel_loop3A_551 to %parallel_loop3A_552 step %parallel_loop3A_553  : i32 {
        %parallel_loop3A_566 = arith.constant 128 : i32
        %parallel_loop3A_567 = vector.broadcast %parallel_loop3A_566 : i32 to vector<16xi32>
        %parallel_loop3A_568 = arith.constant 144 : i32
        %parallel_loop3A_569 = arith.muli %parallel_loop3A_565, %parallel_loop3A_568 : i32
        %parallel_loop3A_570 = vector.broadcast %parallel_loop3A_569 : i32 to vector<16xi32>
        %parallel_loop3A_571 = arith.addi %parallel_loop3A_567, %parallel_loop3A_570 : vector<16xi32>
        %parallel_loop3A_572 = tpu.vector_load_idx %arg8[%parallel_loop3A_571] : memref<3600xf32, #tpu.memory_space<vmem>>[vector<16xi32>], vector<16xf32>,
        %parallel_loop3A_573 = arith.constant 1.000000e-16 : f32
        %parallel_loop3A_574 = vector.broadcast %parallel_loop3A_573 : f32 to vector<16xf32>
        %parallel_loop3A_575 = arith.addf %parallel_loop3A_572, %parallel_loop3A_574 : vector<16xf32>
        %parallel_loop3A_576 = arith.constant 1.000000e+00 : f32
        %parallel_loop3A_577 = vector.broadcast %parallel_loop3A_576 : f32 to vector<16xf32>
        %parallel_loop3A_578 = arith.divf %parallel_loop3A_577, %parallel_loop3A_575 : vector<16xf32>
        %parallel_loop3A_579 = arith.constant 129 : i32
        %parallel_loop3A_580 = vector.broadcast %parallel_loop3A_579 : i32 to vector<16xi32>
        %parallel_loop3A_581 = arith.constant 144 : i32
        %parallel_loop3A_582 = arith.muli %parallel_loop3A_565, %parallel_loop3A_581 : i32
        %parallel_loop3A_583 = vector.broadcast %parallel_loop3A_582 : i32 to vector<16xi32>
        %parallel_loop3A_584 = arith.addi %parallel_loop3A_580, %parallel_loop3A_583 : vector<16xi32>
        %parallel_loop3A_585 = tpu.vector_load_idx %arg8[%parallel_loop3A_584] : memref<3600xf32, #tpu.memory_space<vmem>>[vector<16xi32>], vector<16xf32>,
        %parallel_loop3A_586 = arith.constant 1.000000e-16 : f32
        %parallel_loop3A_587 = vector.broadcast %parallel_loop3A_586 : f32 to vector<16xf32>
        %parallel_loop3A_588 = arith.addf %parallel_loop3A_585, %parallel_loop3A_587 : vector<16xf32>
        %parallel_loop3A_589 = arith.constant 1.000000e+00 : f32
        %parallel_loop3A_590 = vector.broadcast %parallel_loop3A_589 : f32 to vector<16xf32>
        %parallel_loop3A_591 = arith.divf %parallel_loop3A_590, %parallel_loop3A_588 : vector<16xf32>
        %parallel_loop3A_592 = arith.constant 130 : i32
        %parallel_loop3A_593 = vector.broadcast %parallel_loop3A_592 : i32 to vector<16xi32>
        %parallel_loop3A_594 = arith.constant 144 : i32
        %parallel_loop3A_595 = arith.muli %parallel_loop3A_565, %parallel_loop3A_594 : i32
        %parallel_loop3A_596 = vector.broadcast %parallel_loop3A_595 : i32 to vector<16xi32>
        %parallel_loop3A_597 = arith.addi %parallel_loop3A_593, %parallel_loop3A_596 : vector<16xi32>
        %parallel_loop3A_598 = tpu.vector_load_idx %arg8[%parallel_loop3A_597] : memref<3600xf32, #tpu.memory_space<vmem>>[vector<16xi32>], vector<16xf32>,
        %parallel_loop3A_599 = arith.constant 1.000000e-16 : f32
        %parallel_loop3A_600 = vector.broadcast %parallel_loop3A_599 : f32 to vector<16xf32>
        %parallel_loop3A_601 = arith.addf %parallel_loop3A_598, %parallel_loop3A_600 : vector<16xf32>
        %parallel_loop3A_602 = arith.constant 1.000000e+00 : f32
        %parallel_loop3A_603 = vector.broadcast %parallel_loop3A_602 : f32 to vector<16xf32>
        %parallel_loop3A_604 = arith.divf %parallel_loop3A_603, %parallel_loop3A_601 : vector<16xf32>
        %parallel_loop3A_605 = arith.constant 131 : i32
        %parallel_loop3A_606 = vector.broadcast %parallel_loop3A_605 : i32 to vector<16xi32>
        %parallel_loop3A_607 = arith.constant 144 : i32
        %parallel_loop3A_608 = arith.muli %parallel_loop3A_565, %parallel_loop3A_607 : i32
        %parallel_loop3A_609 = vector.broadcast %parallel_loop3A_608 : i32 to vector<16xi32>
        %parallel_loop3A_610 = arith.addi %parallel_loop3A_606, %parallel_loop3A_609 : vector<16xi32>
        %parallel_loop3A_611 = tpu.vector_load_idx %arg8[%parallel_loop3A_610] : memref<3600xf32, #tpu.memory_space<vmem>>[vector<16xi32>], vector<16xf32>,
        %parallel_loop3A_612 = arith.constant 1.000000e-16 : f32
        %parallel_loop3A_613 = vector.broadcast %parallel_loop3A_612 : f32 to vector<16xf32>
        %parallel_loop3A_614 = arith.addf %parallel_loop3A_611, %parallel_loop3A_613 : vector<16xf32>
        %parallel_loop3A_615 = arith.constant 1.000000e+00 : f32
        %parallel_loop3A_616 = vector.broadcast %parallel_loop3A_615 : f32 to vector<16xf32>
        %parallel_loop3A_617 = arith.divf %parallel_loop3A_616, %parallel_loop3A_614 : vector<16xf32>
        %parallel_loop3A_618 = arith.constant 144 : i32
        %parallel_loop3A_619 = arith.muli %parallel_loop3A_565, %parallel_loop3A_618 : i32
        %parallel_loop3A_620 = arith.constant 0 : i32
        %parallel_loop3A_621 = arith.addi %parallel_loop3A_619, %parallel_loop3A_620 : i32
        %parallel_loop3A_622 = arith.index_cast %parallel_loop3A_621 : i32 to index
        %parallel_loop3A_623 = tpu.vector_load %arg8[%parallel_loop3A_622] {strides = array<i32>} : memref<3600xf32, #tpu.memory_space<vmem>>, vector<16xf32>,
        %parallel_loop3A_624 = arith.mulf %parallel_loop3A_623, %parallel_loop3A_578 : vector<16xf32>
        %parallel_loop3A_625 = arith.constant 0 : index
        %parallel_loop3A_626 = tpu.vector_load %arg12[%parallel_loop3A_625] {strides = array<i32>} : memref<128xf32, #tpu.memory_space<vmem>>, vector<16xf32>,
        %parallel_loop3A_627 = arith.addf %parallel_loop3A_624, %parallel_loop3A_626 : vector<16xf32>
        %parallel_loop3A_628 = arith.constant 128 : i32
        %parallel_loop3A_629 = arith.muli %parallel_loop3A_565, %parallel_loop3A_628 : i32
        %parallel_loop3A_630 = arith.constant 0 : i32
        %parallel_loop3A_631 = arith.addi %parallel_loop3A_629, %parallel_loop3A_630 : i32
        %parallel_loop3A_632 = arith.index_cast %parallel_loop3A_631 : i32 to index
        %parallel_loop3A_633 = tpu.vector_load %arg10[%parallel_loop3A_632] {strides = array<i32>} : memref<3200xf32, #tpu.memory_space<vmem>>, vector<16xf32>,
        tpu.vector_store %arg10[%parallel_loop3A_632], %parallel_loop3A_627 {strides = array<i32>} : memref<3200xf32, #tpu.memory_space<vmem>>, vector<16xf32>,
        %parallel_loop3A_634 = arith.constant 144 : i32
        %parallel_loop3A_635 = arith.muli %parallel_loop3A_565, %parallel_loop3A_634 : i32
        %parallel_loop3A_636 = arith.constant 0 : i32
        %parallel_loop3A_637 = arith.addi %parallel_loop3A_635, %parallel_loop3A_636 : i32
        %parallel_loop3A_638 = arith.index_cast %parallel_loop3A_637 : i32 to index
        %parallel_loop3A_639 = tpu.vector_load %arg8[%parallel_loop3A_638] {strides = array<i32>} : memref<3600xf32, #tpu.memory_space<vmem>>, vector<16xf32>,
        tpu.vector_store %arg8[%parallel_loop3A_638], %broadcast_in_dim3A_1 {strides = array<i32>} : memref<3600xf32, #tpu.memory_space<vmem>>, vector<16xf32>,
        %parallel_loop3A_640 = arith.constant 144 : i32
        %parallel_loop3A_641 = arith.muli %parallel_loop3A_565, %parallel_loop3A_640 : i32
        %parallel_loop3A_642 = arith.constant 16 : i32
        %parallel_loop3A_643 = arith.addi %parallel_loop3A_641, %parallel_loop3A_642 : i32
        %parallel_loop3A_644 = arith.index_cast %parallel_loop3A_643 : i32 to index
        %parallel_loop3A_645 = tpu.vector_load %arg8[%parallel_loop3A_644] {strides = array<i32>} : memref<3600xf32, #tpu.memory_space<vmem>>, vector<16xf32>,
        %parallel_loop3A_646 = arith.mulf %parallel_loop3A_645, %parallel_loop3A_578 : vector<16xf32>
        %parallel_loop3A_647 = arith.constant 16 : index
        %parallel_loop3A_648 = tpu.vector_load %arg12[%parallel_loop3A_647] {strides = array<i32>} : memref<128xf32, #tpu.memory_space<vmem>>, vector<16xf32>,
        %parallel_loop3A_649 = arith.addf %parallel_loop3A_646, %parallel_loop3A_648 : vector<16xf32>
        %parallel_loop3A_650 = arith.constant 128 : i32
        %parallel_loop3A_651 = arith.muli %parallel_loop3A_565, %parallel_loop3A_650 : i32
        %parallel_loop3A_652 = arith.constant 16 : i32
        %parallel_loop3A_653 = arith.addi %parallel_loop3A_651, %parallel_loop3A_652 : i32
        %parallel_loop3A_654 = arith.index_cast %parallel_loop3A_653 : i32 to index
        %parallel_loop3A_655 = tpu.vector_load %arg10[%parallel_loop3A_654] {strides = array<i32>} : memref<3200xf32, #tpu.memory_space<vmem>>, vector<16xf32>,
        tpu.vector_store %arg10[%parallel_loop3A_654], %parallel_loop3A_649 {strides = array<i32>} : memref<3200xf32, #tpu.memory_space<vmem>>, vector<16xf32>,
        %parallel_loop3A_656 = arith.constant 144 : i32
        %parallel_loop3A_657 = arith.muli %parallel_loop3A_565, %parallel_loop3A_656 : i32
        %parallel_loop3A_658 = arith.constant 16 : i32
        %parallel_loop3A_659 = arith.addi %parallel_loop3A_657, %parallel_loop3A_658 : i32
        %parallel_loop3A_660 = arith.index_cast %parallel_loop3A_659 : i32 to index
        %parallel_loop3A_661 = tpu.vector_load %arg8[%parallel_loop3A_660] {strides = array<i32>} : memref<3600xf32, #tpu.memory_space<vmem>>, vector<16xf32>,
        tpu.vector_store %arg8[%parallel_loop3A_660], %broadcast_in_dim3A_1 {strides = array<i32>} : memref<3600xf32, #tpu.memory_space<vmem>>, vector<16xf32>,
        %parallel_loop3A_662 = arith.constant 144 : i32
        %parallel_loop3A_663 = arith.muli %parallel_loop3A_565, %parallel_loop3A_662 : i32
        %parallel_loop3A_664 = arith.constant 32 : i32
        %parallel_loop3A_665 = arith.addi %parallel_loop3A_663, %parallel_loop3A_664 : i32
        %parallel_loop3A_666 = arith.index_cast %parallel_loop3A_665 : i32 to index
        %parallel_loop3A_667 = tpu.vector_load %arg8[%parallel_loop3A_666] {strides = array<i32>} : memref<3600xf32, #tpu.memory_space<vmem>>, vector<16xf32>,
        %parallel_loop3A_668 = arith.mulf %parallel_loop3A_667, %parallel_loop3A_591 : vector<16xf32>
        %parallel_loop3A_669 = arith.constant 32 : index
        %parallel_loop3A_670 = tpu.vector_load %arg12[%parallel_loop3A_669] {strides = array<i32>} : memref<128xf32, #tpu.memory_space<vmem>>, vector<16xf32>,
        %parallel_loop3A_671 = arith.addf %parallel_loop3A_668, %parallel_loop3A_670 : vector<16xf32>
        %parallel_loop3A_672 = arith.constant 128 : i32
        %parallel_loop3A_673 = arith.muli %parallel_loop3A_565, %parallel_loop3A_672 : i32
        %parallel_loop3A_674 = arith.constant 32 : i32
        %parallel_loop3A_675 = arith.addi %parallel_loop3A_673, %parallel_loop3A_674 : i32
        %parallel_loop3A_676 = arith.index_cast %parallel_loop3A_675 : i32 to index
        %parallel_loop3A_677 = tpu.vector_load %arg10[%parallel_loop3A_676] {strides = array<i32>} : memref<3200xf32, #tpu.memory_space<vmem>>, vector<16xf32>,
        tpu.vector_store %arg10[%parallel_loop3A_676], %parallel_loop3A_671 {strides = array<i32>} : memref<3200xf32, #tpu.memory_space<vmem>>, vector<16xf32>,
        %parallel_loop3A_678 = arith.constant 144 : i32
        %parallel_loop3A_679 = arith.muli %parallel_loop3A_565, %parallel_loop3A_678 : i32
        %parallel_loop3A_680 = arith.constant 32 : i32
        %parallel_loop3A_681 = arith.addi %parallel_loop3A_679, %parallel_loop3A_680 : i32
        %parallel_loop3A_682 = arith.index_cast %parallel_loop3A_681 : i32 to index
        %parallel_loop3A_683 = tpu.vector_load %arg8[%parallel_loop3A_682] {strides = array<i32>} : memref<3600xf32, #tpu.memory_space<vmem>>, vector<16xf32>,
        tpu.vector_store %arg8[%parallel_loop3A_682], %broadcast_in_dim3A_1 {strides = array<i32>} : memref<3600xf32, #tpu.memory_space<vmem>>, vector<16xf32>,
        %parallel_loop3A_684 = arith.constant 144 : i32
        %parallel_loop3A_685 = arith.muli %parallel_loop3A_565, %parallel_loop3A_684 : i32
        %parallel_loop3A_686 = arith.constant 48 : i32
        %parallel_loop3A_687 = arith.addi %parallel_loop3A_685, %parallel_loop3A_686 : i32
        %parallel_loop3A_688 = arith.index_cast %parallel_loop3A_687 : i32 to index
        %parallel_loop3A_689 = tpu.vector_load %arg8[%parallel_loop3A_688] {strides = array<i32>} : memref<3600xf32, #tpu.memory_space<vmem>>, vector<16xf32>,
        %parallel_loop3A_690 = arith.mulf %parallel_loop3A_689, %parallel_loop3A_591 : vector<16xf32>
        %parallel_loop3A_691 = arith.constant 48 : index
        %parallel_loop3A_692 = tpu.vector_load %arg12[%parallel_loop3A_691] {strides = array<i32>} : memref<128xf32, #tpu.memory_space<vmem>>, vector<16xf32>,
        %parallel_loop3A_693 = arith.addf %parallel_loop3A_690, %parallel_loop3A_692 : vector<16xf32>
        %parallel_loop3A_694 = arith.constant 128 : i32
        %parallel_loop3A_695 = arith.muli %parallel_loop3A_565, %parallel_loop3A_694 : i32
        %parallel_loop3A_696 = arith.constant 48 : i32
        %parallel_loop3A_697 = arith.addi %parallel_loop3A_695, %parallel_loop3A_696 : i32
        %parallel_loop3A_698 = arith.index_cast %parallel_loop3A_697 : i32 to index
        %parallel_loop3A_699 = tpu.vector_load %arg10[%parallel_loop3A_698] {strides = array<i32>} : memref<3200xf32, #tpu.memory_space<vmem>>, vector<16xf32>,
        tpu.vector_store %arg10[%parallel_loop3A_698], %parallel_loop3A_693 {strides = array<i32>} : memref<3200xf32, #tpu.memory_space<vmem>>, vector<16xf32>,
        %parallel_loop3A_700 = arith.constant 144 : i32
        %parallel_loop3A_701 = arith.muli %parallel_loop3A_565, %parallel_loop3A_700 : i32
        %parallel_loop3A_702 = arith.constant 48 : i32
        %parallel_loop3A_703 = arith.addi %parallel_loop3A_701, %parallel_loop3A_702 : i32
        %parallel_loop3A_704 = arith.index_cast %parallel_loop3A_703 : i32 to index
        %parallel_loop3A_705 = tpu.vector_load %arg8[%parallel_loop3A_704] {strides = array<i32>} : memref<3600xf32, #tpu.memory_space<vmem>>, vector<16xf32>,
        tpu.vector_store %arg8[%parallel_loop3A_704], %broadcast_in_dim3A_1 {strides = array<i32>} : memref<3600xf32, #tpu.memory_space<vmem>>, vector<16xf32>,
        %parallel_loop3A_706 = arith.constant 144 : i32
        %parallel_loop3A_707 = arith.muli %parallel_loop3A_565, %parallel_loop3A_706 : i32
        %parallel_loop3A_708 = arith.constant 64 : i32
        %parallel_loop3A_709 = arith.addi %parallel_loop3A_707, %parallel_loop3A_708 : i32
        %parallel_loop3A_710 = arith.index_cast %parallel_loop3A_709 : i32 to index
        %parallel_loop3A_711 = tpu.vector_load %arg8[%parallel_loop3A_710] {strides = array<i32>} : memref<3600xf32, #tpu.memory_space<vmem>>, vector<16xf32>,
        %parallel_loop3A_712 = arith.mulf %parallel_loop3A_711, %parallel_loop3A_604 : vector<16xf32>
        %parallel_loop3A_713 = arith.constant 64 : index
        %parallel_loop3A_714 = tpu.vector_load %arg12[%parallel_loop3A_713] {strides = array<i32>} : memref<128xf32, #tpu.memory_space<vmem>>, vector<16xf32>,
        %parallel_loop3A_715 = arith.addf %parallel_loop3A_712, %parallel_loop3A_714 : vector<16xf32>
        %parallel_loop3A_716 = arith.constant 128 : i32
        %parallel_loop3A_717 = arith.muli %parallel_loop3A_565, %parallel_loop3A_716 : i32
        %parallel_loop3A_718 = arith.constant 64 : i32
        %parallel_loop3A_719 = arith.addi %parallel_loop3A_717, %parallel_loop3A_718 : i32
        %parallel_loop3A_720 = arith.index_cast %parallel_loop3A_719 : i32 to index
        %parallel_loop3A_721 = tpu.vector_load %arg10[%parallel_loop3A_720] {strides = array<i32>} : memref<3200xf32, #tpu.memory_space<vmem>>, vector<16xf32>,
        tpu.vector_store %arg10[%parallel_loop3A_720], %parallel_loop3A_715 {strides = array<i32>} : memref<3200xf32, #tpu.memory_space<vmem>>, vector<16xf32>,
        %parallel_loop3A_722 = arith.constant 144 : i32
        %parallel_loop3A_723 = arith.muli %parallel_loop3A_565, %parallel_loop3A_722 : i32
        %parallel_loop3A_724 = arith.constant 64 : i32
        %parallel_loop3A_725 = arith.addi %parallel_loop3A_723, %parallel_loop3A_724 : i32
        %parallel_loop3A_726 = arith.index_cast %parallel_loop3A_725 : i32 to index
        %parallel_loop3A_727 = tpu.vector_load %arg8[%parallel_loop3A_726] {strides = array<i32>} : memref<3600xf32, #tpu.memory_space<vmem>>, vector<16xf32>,
        tpu.vector_store %arg8[%parallel_loop3A_726], %broadcast_in_dim3A_1 {strides = array<i32>} : memref<3600xf32, #tpu.memory_space<vmem>>, vector<16xf32>,
        %parallel_loop3A_728 = arith.constant 144 : i32
        %parallel_loop3A_729 = arith.muli %parallel_loop3A_565, %parallel_loop3A_728 : i32
        %parallel_loop3A_730 = arith.constant 80 : i32
        %parallel_loop3A_731 = arith.addi %parallel_loop3A_729, %parallel_loop3A_730 : i32
        %parallel_loop3A_732 = arith.index_cast %parallel_loop3A_731 : i32 to index
        %parallel_loop3A_733 = tpu.vector_load %arg8[%parallel_loop3A_732] {strides = array<i32>} : memref<3600xf32, #tpu.memory_space<vmem>>, vector<16xf32>,
        %parallel_loop3A_734 = arith.mulf %parallel_loop3A_733, %parallel_loop3A_604 : vector<16xf32>
        %parallel_loop3A_735 = arith.constant 80 : index
        %parallel_loop3A_736 = tpu.vector_load %arg12[%parallel_loop3A_735] {strides = array<i32>} : memref<128xf32, #tpu.memory_space<vmem>>, vector<16xf32>,
        %parallel_loop3A_737 = arith.addf %parallel_loop3A_734, %parallel_loop3A_736 : vector<16xf32>
        %parallel_loop3A_738 = arith.constant 128 : i32
        %parallel_loop3A_739 = arith.muli %parallel_loop3A_565, %parallel_loop3A_738 : i32
        %parallel_loop3A_740 = arith.constant 80 : i32
        %parallel_loop3A_741 = arith.addi %parallel_loop3A_739, %parallel_loop3A_740 : i32
        %parallel_loop3A_742 = arith.index_cast %parallel_loop3A_741 : i32 to index
        %parallel_loop3A_743 = tpu.vector_load %arg10[%parallel_loop3A_742] {strides = array<i32>} : memref<3200xf32, #tpu.memory_space<vmem>>, vector<16xf32>,
        tpu.vector_store %arg10[%parallel_loop3A_742], %parallel_loop3A_737 {strides = array<i32>} : memref<3200xf32, #tpu.memory_space<vmem>>, vector<16xf32>,
        %parallel_loop3A_744 = arith.constant 144 : i32
        %parallel_loop3A_745 = arith.muli %parallel_loop3A_565, %parallel_loop3A_744 : i32
        %parallel_loop3A_746 = arith.constant 80 : i32
        %parallel_loop3A_747 = arith.addi %parallel_loop3A_745, %parallel_loop3A_746 : i32
        %parallel_loop3A_748 = arith.index_cast %parallel_loop3A_747 : i32 to index
        %parallel_loop3A_749 = tpu.vector_load %arg8[%parallel_loop3A_748] {strides = array<i32>} : memref<3600xf32, #tpu.memory_space<vmem>>, vector<16xf32>,
        tpu.vector_store %arg8[%parallel_loop3A_748], %broadcast_in_dim3A_1 {strides = array<i32>} : memref<3600xf32, #tpu.memory_space<vmem>>, vector<16xf32>,
        %parallel_loop3A_750 = arith.constant 144 : i32
        %parallel_loop3A_751 = arith.muli %parallel_loop3A_565, %parallel_loop3A_750 : i32
        %parallel_loop3A_752 = arith.constant 96 : i32
        %parallel_loop3A_753 = arith.addi %parallel_loop3A_751, %parallel_loop3A_752 : i32
        %parallel_loop3A_754 = arith.index_cast %parallel_loop3A_753 : i32 to index
        %parallel_loop3A_755 = tpu.vector_load %arg8[%parallel_loop3A_754] {strides = array<i32>} : memref<3600xf32, #tpu.memory_space<vmem>>, vector<16xf32>,
        %parallel_loop3A_756 = arith.mulf %parallel_loop3A_755, %parallel_loop3A_617 : vector<16xf32>
        %parallel_loop3A_757 = arith.constant 96 : index
        %parallel_loop3A_758 = tpu.vector_load %arg12[%parallel_loop3A_757] {strides = array<i32>} : memref<128xf32, #tpu.memory_space<vmem>>, vector<16xf32>,
        %parallel_loop3A_759 = arith.addf %parallel_loop3A_756, %parallel_loop3A_758 : vector<16xf32>
        %parallel_loop3A_760 = arith.constant 128 : i32
        %parallel_loop3A_761 = arith.muli %parallel_loop3A_565, %parallel_loop3A_760 : i32
        %parallel_loop3A_762 = arith.constant 96 : i32
        %parallel_loop3A_763 = arith.addi %parallel_loop3A_761, %parallel_loop3A_762 : i32
        %parallel_loop3A_764 = arith.index_cast %parallel_loop3A_763 : i32 to index
        %parallel_loop3A_765 = tpu.vector_load %arg10[%parallel_loop3A_764] {strides = array<i32>} : memref<3200xf32, #tpu.memory_space<vmem>>, vector<16xf32>,
        tpu.vector_store %arg10[%parallel_loop3A_764], %parallel_loop3A_759 {strides = array<i32>} : memref<3200xf32, #tpu.memory_space<vmem>>, vector<16xf32>,
        %parallel_loop3A_766 = arith.constant 144 : i32
        %parallel_loop3A_767 = arith.muli %parallel_loop3A_565, %parallel_loop3A_766 : i32
        %parallel_loop3A_768 = arith.constant 96 : i32
        %parallel_loop3A_769 = arith.addi %parallel_loop3A_767, %parallel_loop3A_768 : i32
        %parallel_loop3A_770 = arith.index_cast %parallel_loop3A_769 : i32 to index
        %parallel_loop3A_771 = tpu.vector_load %arg8[%parallel_loop3A_770] {strides = array<i32>} : memref<3600xf32, #tpu.memory_space<vmem>>, vector<16xf32>,
        tpu.vector_store %arg8[%parallel_loop3A_770], %broadcast_in_dim3A_1 {strides = array<i32>} : memref<3600xf32, #tpu.memory_space<vmem>>, vector<16xf32>,
        %parallel_loop3A_772 = arith.constant 144 : i32
        %parallel_loop3A_773 = arith.muli %parallel_loop3A_565, %parallel_loop3A_772 : i32
        %parallel_loop3A_774 = arith.constant 112 : i32
        %parallel_loop3A_775 = arith.addi %parallel_loop3A_773, %parallel_loop3A_774 : i32
        %parallel_loop3A_776 = arith.index_cast %parallel_loop3A_775 : i32 to index
        %parallel_loop3A_777 = tpu.vector_load %arg8[%parallel_loop3A_776] {strides = array<i32>} : memref<3600xf32, #tpu.memory_space<vmem>>, vector<16xf32>,
        %parallel_loop3A_778 = arith.mulf %parallel_loop3A_777, %parallel_loop3A_617 : vector<16xf32>
        %parallel_loop3A_779 = arith.constant 112 : index
        %parallel_loop3A_780 = tpu.vector_load %arg12[%parallel_loop3A_779] {strides = array<i32>} : memref<128xf32, #tpu.memory_space<vmem>>, vector<16xf32>,
        %parallel_loop3A_781 = arith.addf %parallel_loop3A_778, %parallel_loop3A_780 : vector<16xf32>
        %parallel_loop3A_782 = arith.constant 128 : i32
        %parallel_loop3A_783 = arith.muli %parallel_loop3A_565, %parallel_loop3A_782 : i32
        %parallel_loop3A_784 = arith.constant 112 : i32
        %parallel_loop3A_785 = arith.addi %parallel_loop3A_783, %parallel_loop3A_784 : i32
        %parallel_loop3A_786 = arith.index_cast %parallel_loop3A_785 : i32 to index
        %parallel_loop3A_787 = tpu.vector_load %arg10[%parallel_loop3A_786] {strides = array<i32>} : memref<3200xf32, #tpu.memory_space<vmem>>, vector<16xf32>,
        tpu.vector_store %arg10[%parallel_loop3A_786], %parallel_loop3A_781 {strides = array<i32>} : memref<3200xf32, #tpu.memory_space<vmem>>, vector<16xf32>,
        %parallel_loop3A_788 = arith.constant 144 : i32
        %parallel_loop3A_789 = arith.muli %parallel_loop3A_565, %parallel_loop3A_788 : i32
        %parallel_loop3A_790 = arith.constant 112 : i32
        %parallel_loop3A_791 = arith.addi %parallel_loop3A_789, %parallel_loop3A_790 : i32
        %parallel_loop3A_792 = arith.index_cast %parallel_loop3A_791 : i32 to index
        %parallel_loop3A_793 = tpu.vector_load %arg8[%parallel_loop3A_792] {strides = array<i32>} : memref<3600xf32, #tpu.memory_space<vmem>>, vector<16xf32>,
        tpu.vector_store %arg8[%parallel_loop3A_792], %broadcast_in_dim3A_1 {strides = array<i32>} : memref<3600xf32, #tpu.memory_space<vmem>>, vector<16xf32>,
        %parallel_loop3A_794 = arith.constant 144 : i32
        %parallel_loop3A_795 = arith.muli %parallel_loop3A_565, %parallel_loop3A_794 : i32
        %parallel_loop3A_796 = arith.constant 128 : i32
        %parallel_loop3A_797 = arith.addi %parallel_loop3A_795, %parallel_loop3A_796 : i32
        %parallel_loop3A_798 = arith.index_cast %parallel_loop3A_797 : i32 to index
        %parallel_loop3A_799 = tpu.vector_load %arg8[%parallel_loop3A_798] {strides = array<i32>} : memref<3600xf32, #tpu.memory_space<vmem>>, vector<16xf32>,
        tpu.vector_store %arg8[%parallel_loop3A_798], %broadcast_in_dim3A_1 {strides = array<i32>} : memref<3600xf32, #tpu.memory_space<vmem>>, vector<16xf32>,
      } {sc.loop_unroll_factor = 4 : i64, sc.parallel_access}
      %mul3A_554 = arith.constant 3200 : i32
      %mul3A_555 = arith.muli %add3A_531, %mul3A_554 : i32
      %dma_start3A_556 = tpu.memref_slice %arg5[%mul3A_555] : memref<13107200xf32, #tpu.memory_space<hbm>> -> memref<3200xf32, #tpu.memory_space<hbm>>
      %dma_start3A_557 = tpu.memref_slice %arg5[%mul3A_555] : memref<13107200xf32, #tpu.memory_space<hbm>> -> memref<3200xf32, #tpu.memory_space<hbm>>
      tpu.enqueue_dma source(%arg10 : memref<3200xf32, #tpu.memory_space<vmem>>) target(%dma_start3A_557 : memref<3200xf32, #tpu.memory_space<hbm>>) target_semaphore(%arg16 : memref<!tpu.dma_semaphore, #tpu.memory_space<semaphore_mem>>)
      %add3A_558 = arith.constant 2 : i32
      %add3A_559 = arith.addi %add3A_528, %add3A_558 : i32
      %lt3A_560 = arith.constant 128 : i32
      %lt3A_561 = arith.cmpi slt, %add3A_559, %lt3A_560 : i32
      %convert_element_type3A_562 = arith.extui %lt3A_561 : i1 to i32
      %cond3A_563 = arith.constant 0 : i32
      %cond3A_564 = arith.cmpi ne, %convert_element_type3A_562, %cond3A_563 : i32
      scf.if %cond3A_564 {
        %add3A_565 = arith.constant 2 : i32
        %add3A_566 = arith.addi %add3A_531, %add3A_565 : i32
        %mul3A_567 = arith.constant 3600 : i32
        %mul3A_568 = arith.muli %add3A_566, %mul3A_567 : i32
        %dma_start3A_569 = tpu.memref_slice %arg2[%mul3A_568] : memref<14745600xf32, #tpu.memory_space<hbm>> -> memref<3600xf32, #tpu.memory_space<hbm>>
        %dma_start3A_570 = tpu.memref_slice %arg2[%mul3A_568] : memref<14745600xf32, #tpu.memory_space<hbm>> -> memref<3600xf32, #tpu.memory_space<hbm>>
        tpu.enqueue_dma source(%dma_start3A_570 : memref<3600xf32, #tpu.memory_space<hbm>>) target(%arg7 : memref<3600xf32, #tpu.memory_space<vmem>>) target_semaphore(%arg14 : memref<!tpu.dma_semaphore, #tpu.memory_space<semaphore_mem>>)
      } else {
      }
    }
    %scan3A_470 = arith.constant 64 : i32
    %mul3A_471 = arith.constant 128 : i32
    %mul3A_472 = arith.muli %add3A, %mul3A_471 : i32
    %add3A_473 = arith.constant 128 : i32
    %add3A_474 = arith.addi %mul3A_472, %add3A_473 : i32
    %sub3A = arith.constant 2 : i32
    %sub3A_475 = arith.subi %add3A_474, %sub3A : i32
    %add3A_476 = arith.constant 0 : i32
    %add3A_477 = arith.addi %sub3A_475, %add3A_476 : i32
    %mul3A_478 = arith.constant 3200 : i32
    %mul3A_479 = arith.muli %add3A_477, %mul3A_478 : i32
    %dma_wait3A = tpu.memref_slice %arg5[%mul3A_479] : memref<13107200xf32, #tpu.memory_space<hbm>> -> memref<3200xf32, #tpu.memory_space<hbm>>
    %dma_wait3A_480 = tpu.memref_slice %arg5[%mul3A_479] : memref<13107200xf32, #tpu.memory_space<hbm>> -> memref<3200xf32, #tpu.memory_space<hbm>>
    tpu.wait_dma2 semaphore(%arg15 : memref<!tpu.dma_semaphore, #tpu.memory_space<semaphore_mem>>) src(%arg9 : memref<3200xf32, #tpu.memory_space<vmem>>) dst(%dma_wait3A_480 : memref<3200xf32, #tpu.memory_space<hbm>>)
    %mul3A_481 = arith.constant 128 : i32
    %mul3A_482 = arith.muli %add3A, %mul3A_481 : i32
    %add3A_483 = arith.constant 128 : i32
    %add3A_484 = arith.addi %mul3A_482, %add3A_483 : i32
    %sub3A_485 = arith.constant 2 : i32
    %sub3A_486 = arith.subi %add3A_484, %sub3A_485 : i32
    %add3A_487 = arith.constant 1 : i32
    %add3A_488 = arith.addi %sub3A_486, %add3A_487 : i32
    %mul3A_489 = arith.constant 3200 : i32
    %mul3A_490 = arith.muli %add3A_488, %mul3A_489 : i32
    %dma_wait3A_491 = tpu.memref_slice %arg5[%mul3A_490] : memref<13107200xf32, #tpu.memory_space<hbm>> -> memref<3200xf32, #tpu.memory_space<hbm>>
    %dma_wait3A_492 = tpu.memref_slice %arg5[%mul3A_490] : memref<13107200xf32, #tpu.memory_space<hbm>> -> memref<3200xf32, #tpu.memory_space<hbm>>
    tpu.wait_dma2 semaphore(%arg16 : memref<!tpu.dma_semaphore, #tpu.memory_space<semaphore_mem>>) src(%arg10 : memref<3200xf32, #tpu.memory_space<vmem>>) dst(%dma_wait3A_492 : memref<3200xf32, #tpu.memory_space<hbm>>)
    return
  }
}

module attributes {stable_mosaic.version = 14 : i64} {
  func.func @_mm_kernel(%arg0: i32, %arg1: memref<2048x128xf32, #tpu.memory_space<vmem>>, %arg2: memref<128x144xf32, #tpu.memory_space<vmem>>, %arg3: memref<2048x144xf32, #tpu.memory_space<vmem>>) attributes {dimension_semantics = [#tpu.dimension_semantics<arbitrary>], iteration_bounds = array<i64: 50>, scalar_prefetch = 0 : i64, scratch_operands = 0 : i64, tpu.core_type = #tpu.core_type<tc>, window_params = [{transform_indices = @transform_0, window_bounds = array<i64: 2048, 128>}, {pipeline_mode = #tpu.pipeline_mode<synchronous>, transform_indices = @transform_1, window_bounds = array<i64: 128, 144>}, {transform_indices = @transform_2, window_bounds = array<i64: 2048, 144>}]} {
    %get3A = arith.constant 0 : index
    %get3A_0 = arith.constant 0 : index
    %get3A_1 = vector.load %arg1[%get3A, %get3A_0] : memref<2048x128xf32, #tpu.memory_space<vmem>>, vector<2048x128xf32>
    %get3A_2 = arith.constant 0 : index
    %get3A_3 = arith.constant 0 : index
    %get3A_4 = vector.load %arg2[%get3A_2, %get3A_3] : memref<128x144xf32, #tpu.memory_space<vmem>>, vector<128x144xf32>
    %dot_general3A = arith.constant dense<0.000000e+00> : vector<2048x144xf32>
    %dot_general3A_5 = tpu.matmul %get3A_1, %get3A_4, %dot_general3A {dimension_numbers = #tpu.dot_dimension_numbers<[1], [0], [0], [1], [0, 0, 1, 1], [], []>, transpose_lhs_hint = false} : vector<2048x128xf32>, vector<128x144xf32>, vector<2048x144xf32> -> vector<2048x144xf32>
    %swap3A = arith.constant 0 : index
    %swap3A_6 = arith.constant 0 : index
    %swap3A_7 = vector.load %arg3[%swap3A, %swap3A_6] : memref<2048x144xf32, #tpu.memory_space<vmem>>, vector<2048x144xf32>
    tpu.vector_store %arg3[%swap3A, %swap3A_6], %dot_general3A_5 {strides = array<i32>} : memref<2048x144xf32, #tpu.memory_space<vmem>>, vector<2048x144xf32>,
    return
  }
  func.func @transform_0(%arg0: i32) -> (i32, i32) {
    %c0_i32 = arith.constant 0 : i32
    %c0_i32_0 = arith.constant 0 : i32
    return %arg0, %c0_i32 : i32, i32
  }
  func.func @transform_1(%arg0: i32) -> (i32, i32) {
    %c0_i32 = arith.constant 0 : i32
    %c0_i32_0 = arith.constant 0 : i32
    %c0_i32_1 = arith.constant 0 : i32
    return %c0_i32, %c0_i32_0 : i32, i32
  }
  func.func @transform_2(%arg0: i32) -> (i32, i32) {
    %c0_i32 = arith.constant 0 : i32
    %c0_i32_0 = arith.constant 0 : i32
    return %arg0, %c0_i32 : i32, i32
  }
}

</mosaic_0001>

<sc_bundles>
// kernel: kernel.4.cloned.1.call-start
scs
__scs_entry_jumppad:
0x0: {  	(pc) =	sbr.rel $0x88, $3  }
0x1: {  	(tag) =	ssettag $0x0;
	lr =	simm.s32 $0x1  }
0x2: {  	[smem:$0x3F9B] =	sst lr;
	_ =	strace $0xD0000000  }
0x3: {  	_ = 	snop  }
0x4: {  	_ = 	snop  }
0x5: {  	_ = 	snop  }
0x6: {  	_ = 	snop  }
0x7: {  	_ = 	snop  }
__scs_overlays_trampoline_lowered:
0x8: {  	[smem:$0x3FAA] =	sst s0  }
0x9: {  	[smem:$0x3FAB] =	sst s1  }
0xa: {  	[smem:$0x3FAC] =	sst s2  }
0xb: {  	[smem:$0x3FAD] =	sst s3  }
0xc: {  	[smem:$0x3FAE] =	sst s4  }
0xd: {  	[smem:$0x3FAF] =	sst s5  }
0xe: {  	[smem:$0x3FB0] =	sst s6  }
0xf: {  	[smem:$0x3FB1] =	sst s7  }
0x10: {  	[smem:$0x3FB2] =	sst s8  }
0x11: {  	[smem:$0x3FB3] =	sst s9;
	s0 =	simm.s32 @!p0 $0x0  }
0x12: {  	s1 =	sld [smem:$0x3F99];
	s0 =	simm.s32 @p0 $0x1  }
0x13: {  	[smem:$0x3FB4] =	sst s0;
	s0 =	simm.s32 @!p1 $0x0  }
0x14: {  	s2 =	sld [smem:$0x3F98];
	s0 =	simm.s32 @p1 $0x1  }
0x15: {  	[smem:$0x3FB5] =	sst s0;
	s0 =	simm.s32 @!p2 $0x0  }
0x16: {  	s3 =	sld [smem:$0x3FDB];
	s0 =	simm.s32 @p2 $0x1  }
0x17: {  	s4 =	simm.s32 $0x1BF5;
	[smem:$0x3FB7] =	sst s0  }
0x18: {  	s0 =	sld [smem:$0x3F9A];
	_ =	swait.ge [sflag:s4], $0x0  }
0x19: {  	s7 =	sld [smem:$0x3F9B]  }
0x1a: {  	s8 =	sadd.s32 $0xFFFFE003, lr  }
0x1b: {  	s9 =	sadd.s32 $0xFFFFFEF7, lr;
	s5 =	simm.s32 $0xFFFFFFFF;
	p2 =	slt.u32 s8, $0xFFFFF086  }
0x1c: {  	p1 =	slt.u32 s9, $0xF7A;
	s5 =	simm.s32 @!p2 $0x0  }
0x1d: {  	s5 =	simm.s32 @p1 $0x1;
	p0 =	seq.s32 s7, s2  }
0x1e: {  	s7 =	smul.u32 @!p0 $0xF7A, s2;
	p2 =	seq.s32 @!p0 s5, $0x0  }
0x1f: {  	s9 =	smul.u32 $0xF7A, s1;
	s8 =	simm.s32 @!p0 $0x1BF5;
	p2 =	por !p2, p0  }
0x20: {  	[sflag:s8] =	ssyncset.s32 @!p0 $0xFFFFF086;
	s6 =	sadd.s32 @!p0 s3, s7;
	s7 =	simm.s32 @!p0 $0x108  }
0x21: {  	s3 =	sadd.s32 s3, s9;
	s6 =	sadd.s32 @!p0 $0x88, s6;
	s7 =	simm.s32 @p2 $0x1082  }
0x22: {  	[simem:s7], [sflag:s8] =	dma.local @!p0 [hbm:s6], $0xF7A  }
0x23: {  	s9 =	sor.u32 $0xD0000000, s2;
	s6 =	simm.s32 $0x108;
	_ =	swait.ge @!p0 [sflag:s8], $0x0  }
0x24: {  	s3 =	sadd.s32 $0x88, s3;
	s6 =	simm.s32 @!p1 $0x1082;
	[sflag:s4] =	ssyncset.s32 $0xFFFFF086  }
0x25: {  	[simem:s6], [sflag:s4] =	dma.local [hbm:s3], $0xF7A  }
0x26: {  	[smem:$0x3F9B] =	sst s1;
	(tag) =	ssettag s2;
	_ =	strace s9  }
0x27: {  	s1 =	sld [smem:$0x3FAB]  }
0x28: {  	s2 =	sld [smem:$0x3FAC]  }
0x29: {  	s4 =	sld [smem:$0x3FAE]  }
0x2a: {  	p0 =	seq.s32 s5, $0x0;
	s5 =	sld [smem:$0x3FAF]  }
0x2b: {  	s6 =	sld [smem:$0x3FB0]  }
0x2c: {  	s7 =	sld [smem:$0x3FB1]  }
0x2d: {  	s3 =	simm.s32 $0x108;
	s8 =	sld [smem:$0x3FB2]  }
0x2e: {  	s3 =	simm.s32 @!p0 $0x1082;
	s9 =	sld [smem:$0x3FB3]  }
0x2f: {  	lr =	sadd.s32 s0, s3;
	s0 =	sld [smem:$0x3FAA]  }
0x30: {  	s3 =	sld [smem:$0x3FAD]  }
0x31: {  	[smem:$0x3FB6] =	sst s10  }
0x32: {  	s10 =	sld [smem:$0x3FB4];
	_ =	sdelay $0x3  }
0x33: {  	p0 =	seq.s32 s10, $0x1;
	s10 =	sld [smem:$0x3FB6];
	_ =	sdelay $0x3  }
0x34: {  	[smem:$0x3FB6] =	sst s10  }
0x35: {  	s10 =	sld [smem:$0x3FB5];
	_ =	sdelay $0x3  }
0x36: {  	p1 =	seq.s32 s10, $0x1;
	s10 =	sld [smem:$0x3FB6];
	_ =	sdelay $0x3  }
0x37: {  	[smem:$0x3FB6] =	sst s10  }
0x38: {  	s10 =	sld [smem:$0x3FB7]  }
0x39: {  	_ = 	snop;
	(pc) =	sbr.ind lr, $3  }
0x3a: {  	_ = 	snop  }
0x3b: {  	_ = 	snop  }
0x3c: {  	p2 =	seq.s32 s10, $0x1;
	s10 =	sld [smem:$0x3FB6]  }
0x3d: {  	_ =	shalt  }
0x3e: {  	_ =	shalt  }
0x3f: {  	_ =	shalt  }
0x40: {  	_ =	shalt  }
0x41: {  	_ =	shalt  }
0x42: {  	_ =	shalt  }
0x43: {  	_ =	shalt  }
0x44: {  	_ =	shalt  }
0x45: {  	_ =	shalt  }
0x46: {  	_ =	shalt  }
0x47: {  	_ =	shalt  }
0x48: {  	_ =	shalt  }
0x49: {  	_ =	shalt  }
0x4a: {  	_ =	shalt  }
0x4b: {  	_ =	shalt  }
0x4c: {  	_ =	shalt  }
0x4d: {  	_ =	shalt  }
0x4e: {  	_ =	shalt  }
0x4f: {  	_ =	shalt  }
0x50: {  	_ =	shalt  }
0x51: {  	_ =	shalt  }
0x52: {  	_ =	shalt  }
0x53: {  	_ =	shalt  }
0x54: {  	_ =	shalt  }
0x55: {  	_ =	shalt  }
0x56: {  	_ =	shalt  }
0x57: {  	_ =	shalt  }
0x58: {  	_ =	shalt  }
0x59: {  	_ =	shalt  }
0x5a: {  	_ =	shalt  }
0x5b: {  	_ =	shalt  }
0x5c: {  	_ =	shalt  }
0x5d: {  	_ =	shalt  }
0x5e: {  	_ =	shalt  }
0x5f: {  	_ =	shalt  }
0x60: {  	_ =	shalt  }
0x61: {  	_ =	shalt  }
0x62: {  	_ =	shalt  }
0x63: {  	_ =	shalt  }
0x64: {  	_ =	shalt  }
0x65: {  	_ =	shalt  }
0x66: {  	_ =	shalt  }
0x67: {  	_ =	shalt  }
0x68: {  	_ =	shalt  }
0x69: {  	_ =	shalt  }
0x6a: {  	_ =	shalt  }
0x6b: {  	_ =	shalt  }
0x6c: {  	_ =	shalt  }
0x6d: {  	_ =	shalt  }
0x6e: {  	_ =	shalt  }
0x6f: {  	_ =	shalt  }
0x70: {  	_ =	shalt  }
0x71: {  	_ =	shalt  }
0x72: {  	_ =	shalt  }
0x73: {  	_ =	shalt  }
0x74: {  	_ =	shalt  }
0x75: {  	_ =	shalt  }
0x76: {  	_ =	shalt  }
0x77: {  	_ =	shalt  }
0x78: {  	_ =	shalt  }
0x79: {  	_ =	shalt  }
0x7a: {  	_ =	shalt  }
0x7b: {  	_ =	shalt  }
0x7c: {  	_ =	shalt  }
0x7d: {  	_ =	shalt  }
0x7e: {  	_ =	shalt  }
0x7f: {  	_ =	shalt  }
0x80: {  	_ =	shalt  }
0x81: {  	_ =	shalt  }
0x82: {  	_ =	shalt  }
0x83: {  	_ =	shalt  }
0x84: {  	_ =	shalt  }
0x85: {  	_ =	shalt  }
0x86: {  	_ =	shalt  }
0x87: {  	_ =	shalt  }
.Lfunc_end0:
.L_simem_size_0:
called_computation.1_lowered:
.L_overlay_start_0:
0x88: {  	s2 =	sld [smem:$0x3FD9]  }
0x89: {  	s3 =	sld [smem:$0x3FFE];
	_ =	sdelay $0x1  }
0x8a: {  	s1 =	srdreg.scid  }
0x8b: {  	s0 =	sand.u32 $0x1, s1  }
0x8c: {  	s17 =	sshll.u32 s0, $0xA;
	s2 =	sadd.s32 s3, s2  }
0x8d: {  	s2 =	sadd.s32 s2, s17  }
0x8e: {  	[smem:$0x3FC2] =	sst s2  }
0x8f: {  	_ = 	snop  }
0x90: {  	s2 =	sld [smem:$0x3FC4]  }
0x91: {  	s18 =	sld [smem:$0x3FD0];
	(tm) =	ssettm $0x1  }
0x92: {  	s4 =	sld [smem:$0x3FFB];
	_ =	sdelay $0x3  }
0x93: {  	_ =	strace s4  }
0x94: {  	s4 =	sld [smem:$0x3FFC];
	_ =	sdelay $0x3  }
0x95: {  	_ =	strace s4  }
0x96: {  	s4 =	sld [smem:$0x3FFD];
	_ =	sdelay $0x3  }
0x97: {  	_ =	strace s4  }
0x98: {  	_ =	strace $0x8FFFFFFF  }
0x99: {  	s19 =	sld [smem:$0x3FDB];
	_ =	sdelay $0x1  }
0x9a: {  	s5 =	simm.s32 $_scs_section_size  }
0x9b: {  	s6 =	simm.s32 $_size__tile_overlayer_lowered;
	s7 =	simm.s32 $_tile_overlayer_lowered  }
0x9c: {  	s22 =	simm.s32 $0x1BFF;
	s21 =	sshll.u32 s7, $0x1;
	s4 =	sadd.s32 s5, s19  }
0x9d: {  	s8 =	simm.s32 $0x0;
	s20 =	sshll.u32 s6, $0x1;
	s6 =	sadd.s32 s21, s4  }
0x9e: {  	[timem:s8], [sflag:s22] =	dma.local [hbm:s6], s20  }
0x9f: {  	_ =	swait.ge [sflag:s22], s20  }
0xa0: {  	s5 =	ssub.s32 $0x0, s20;
	[sflag:s22] =	ssyncset.done $0x0  }
0xa1: {  	[sflag:s22] =	ssyncadd.s32 s5;
	_ =	sdelay $0x1  }
0xa2: {  	s23 =	simm.s32 $0x1B8B  }
0xa3: {  	_ =	swait.ge [sflag:s23], $0x1  }
0xa4: {  	[sflag:s23] =	ssyncset.done $0x0  }
0xa5: {  	s25 =	simm.s32 $0x1B8E;
	s24 =	sld [smem:$0x3FFE];
	[sflag:s23] =	ssyncadd.s32 $0xFFFFFFFF  }
0xa6: {  	s26 =	simm.s32 $execute0_lowered;
	[smem:$0x3FD2] =	sst s25  }
0xa7: {  	s6 =	sshll.u32 s26, $0x1;
	_ =	strace $0x80000046;
	[dreg:$0x1] =	wrdreg $0xFFFFFFFF  }
0xa8: {  	s28 =	simm.s32 $_size_execute0_lowered;
	s4 =	sadd.s32 s4, s6;
	[dreg:$0x0] =	wrdreg $0x0  }
0xa9: {  	s6 =	sshll.u32 s28, $0x1;
	[dreg:$0x2] =	wrdreg s4  }
0xaa: {  	[dreg:$0x3] =	wrdreg s6  }
0xab: {  	[dreg:$0x4] =	wrdreg $0xC0  }
0xac: {  	_ =	task [dreg:s8], $0x5FFFF  }
0xad: {  	[dreg:$0x1] =	wrdreg $0xFFFFFFFF  }
0xae: {  	[dreg:$0x0] =	wrdreg $0x60  }
0xaf: {  	[dreg:$0x2] =	wrdreg s24  }
0xb0: {  	[dreg:$0x3] =	wrdreg s2  }
0xb1: {  	[dreg:$0x4] =	wrdreg s18  }
0xb2: {  	[dreg:$0x5] =	wrdreg $0x9  }
0xb3: {  	_ =	task.clear_ibuf [dreg:s8], $0x6FFFF;
	_ =	strace $0x90000046  }
0xb4: {  	s29 =	simm.s32 $0x9;
	_ =	strace $0x80000048  }
0xb5: {  	_ =	swait.ge [sflag:s29], $0x1  }
0xb6: {  	[sflag:s29] =	ssyncadd.s32 $0xFFFFFFFF  }
0xb7: {  	_ =	strace $0x90000048  }
0xb8: {  	_ =	sfence  }
0xb9: {  	s30 =	sld [smem:$0x0];
	_ =	sdelay $0x2  }
0xba: {  	s31 =	sshll.u32 s1, $0xD;
	s1 =	sshrl.u32 s1, $0x2  }
0xbb: {  	s3 =	sand.u32 $0x4000, s31;
	s1 =	sadd.s32 s1, s30  }
0xbc: {  	s0 =	sor.u32 s3, s0;
	s1 =	sshll.u32 s1, $0x11  }
0xbd: {  	s0 =	sor.u32 s1, s0  }
0xbe: {  	s0 =	sadd.s32 $0x8F2B, s0  }
0xbf: {  	[sflag:s0] =	ssyncadd.remote.s32 $0x1  }
0xc0: {  	_ =	sfence.sel $0xFFFF  }
0xc1: {  	[dreg:$0x0] =	wrdreg $0xFFFFFFFF;
	(pc) =	sbr.abs _section_cstart, $3  }
0xc2: {  	[dreg:$0x1] =	wrdreg $0xFFFFFFFF  }
0xc3: {  	_ =	task.clear_ibuf [dreg:s8], $0x2FFFF;
	_ =	strace $0x9FFFFFFF  }
0xc4: {  	(tm) =	ssettm $0x7FFFFFFF  }
0xc5: {  	_ =	shalt  }
tec
execute0_lowered:
.L_overlay_start_1:
0x0: {  	(tag) =	ssettag $0x1  }
0x1: {  	s0 =	rddreg [dreg:$0x0]  }
0x2: {  	s3 =	rddreg [dreg:$0x2]  }
0x3: {  	s1 =	srdreg.scid;
	s2 =	stileid.u32  }
0x4: {  	s4 =	simm.s32 $0x0;
	s11 =	simm.s32 $0x4480;
	s14 =	simm.s32 $0xE80  }
0x5: {  	s15 =	simm.s32 $0x1;
	s1 =	sand.u32 $0x1, s1;
	s2 =	sshll.u32 s2, $0x1  }
0x6: {  	s16 =	simm.s32 $0x1D00;
	[smem:$0x7FF] =	sst s4;
	s2 =	sor.u32 s1, s2  }
0x7: {  	v0 =	vlaneseq.u32;
	v1 =	vimm.f32 $0.0e+00;
	v5 =	vimm.s32 $0x0;
	s5 =	sadd.s32 $0x321400, s0;
	s0 =	sadd.s32 $0x1400, s0;
	s6 =	smul.u32 $0x70800, s2  }
0x8: {  	v6 =	vimm.s32 $0x1;
	v7 =	vimm.s32 $0x2;
	v8 =	vimm.s32 $0x3;
	_ =	strace $0x80000047;
	s1 =	ssub.s32 $0x2, s1;
	s7 =	smul.u32 $0xE100, s2  }
.Ltmp0:
0x9: {  	v16 =	vimm.s32 $0xE00;
	v17 =	vimm.s32 $0xE01;
	v18 =	vimm.s32 $0xE02;
	[dreg:$0x4] =	wrdreg s0;
	s29 =	sshrl.u32 s1, $0x1;
	(pc) =	sbr.rel .LBB2_1-.Ltmp0, $4  }
0xa: {  	v19 =	vimm.s32 $0xE03;
	v3 =	vand.u32 $0x3, v0;
	v4 =	vor.u32 $0x80, v0;
	s0 =	ssub.s32 s1, s29;
	s6 =	sshrl.u32 s6, $0x3;
	s30 =	sadd.s32 s5, s7  }
0xb: {  	v9 =	vor.u32 $0x10, v0;
	v10 =	vor.u32 $0x20, v0;
	v11 =	vor.u32 $0x30, v0;
	s0 =	smax.u32 s0, $0x1;
	[dreg:$0x5] =	wrdreg s30;
	s31 =	sadd.s32 s5, s6  }
0xc: {  	s18 =	simm.s32 $0x2;
	v12 =	vor.u32 $0x40, v0;
	v13 =	vor.u32 $0x50, v0;
	v14 =	vor.u32 $0x60, v0;
	[dreg:$0x7] =	wrdreg s0;
	s1 =	sadd.s32 $0x1C2, s31  }
0xd: {  	v15 =	vor.u32 $0x70, v0;
	v2 =	vor.u32 $0x80, v3;
	v3 =	vor.u32 $0x84, v3;
	s8 =	sshll.u32 s2, $0x7;
	s2 =	simm.s32 $0x0;
	[dreg:$0x6] =	wrdreg s1  }
.LBB2_12:
0xe: {  	s0 =	simm.s32 $0x3  }
0xf: {  	_ =	swait.ge [sflag:s0], $0xC80  }
0x10: {  	[sflag:s0] =	ssyncset.done $0x0  }
0x11: {  	s1 =	simm.s32 $0x4;
	[sflag:s0] =	ssyncadd.s32 $0xFFFFF380  }
0x12: {  	_ =	swait.ge [sflag:s1], $0xC80  }
0x13: {  	s2 =	rddreg [dreg:$0x8]  }
0x14: {  	s31 =	rddreg [dreg:$0x7];
	s2 =	sadd.s32 $0x1, s2  }
0x15: {  	p0 =	sne.s32 s2, s31  }
.Ltmp1:
0x16: {  	_ = 	snop;
	(pc) =	sbr.rel @!p0 .LBB2_13-.Ltmp1, $3  }
0x17: {  	_ =	sdelay $0x1  }
0x18: {  	[sflag:s1] =	ssyncset.done $0x0  }
0x19: {  	[sflag:s1] =	ssyncadd.s32 $0xFFFFF380  }
.LBB2_1:
0x1a: {  	[dreg:$0x8] =	wrdreg s2  }
0x1b: {  	s0 =	rddreg [dreg:$0x4];
	s1 =	simm.s32 $0x5  }
0x1c: {  	[tilespmem:s11], [sflag:$0x5] =	stream.linear.gather [hbm4b:s0+s4], $0x100, $0x38;
	[tilespmem:$0x4600] =	vst v63  }
0x1d: {  	_ =	swait.ge [sflag:s1], $0x100  }
0x1e: {  	[sflag:s1] =	ssyncset.done $0x0  }
0x1f: {  	[sflag:s1] =	ssyncadd.s32 $0xFFFFFF00  }
0x20: {  	s29 =	simm.s32 $0x4580;
	s28 =	rddreg [dreg:$0x1]  }
0x21: {  	[tilespmem:s29], [sflag:$0x5] =	stream.linear.gather [hbm4b:s28+s4], $0x80, $0x38;
	[tilespmem:$0x4600] =	vst v63  }
0x22: {  	_ =	swait.ge [sflag:s1], $0x80  }
0x23: {  	[sflag:s1] =	ssyncset.done $0x0  }
0x24: {  	[sflag:s1] =	ssyncadd.s32 $0xFFFFFF80  }
0x25: {  	[tilespmem:$0x1D00] =	vst v1  }
0x26: {  	[tilespmem:$0x1D10] =	vst v1  }
0x27: {  	[tilespmem:$0x1D20] =	vst v1  }
0x28: {  	[tilespmem:$0x1D30] =	vst v1  }
0x29: {  	[tilespmem:$0x1D40] =	vst v1  }
0x2a: {  	[tilespmem:$0x1D50] =	vst v1  }
0x2b: {  	[tilespmem:$0x1D60] =	vst v1  }
0x2c: {  	[tilespmem:$0x1D70] =	vst v1  }
0x2d: {  	[tilespmem:$0x1D80] =	vst v1  }
0x2e: {  	[tilespmem:$0x1D90] =	vst v1  }
0x2f: {  	[tilespmem:$0x1DA0] =	vst v1  }
0x30: {  	[tilespmem:$0x1DB0] =	vst v1  }
0x31: {  	[tilespmem:$0x1DC0] =	vst v1  }
0x32: {  	[tilespmem:$0x1DD0] =	vst v1  }
0x33: {  	[tilespmem:$0x1DE0] =	vst v1  }
0x34: {  	[tilespmem:$0x1DF0] =	vst v1  }
0x35: {  	[tilespmem:$0x1E00] =	vst v1  }
0x36: {  	[tilespmem:$0x1E10] =	vst v1  }
0x37: {  	[tilespmem:$0x1E20] =	vst v1  }
0x38: {  	[tilespmem:$0x1E30] =	vst v1  }
0x39: {  	[tilespmem:$0x1E40] =	vst v1  }
0x3a: {  	[tilespmem:$0x1E50] =	vst v1  }
0x3b: {  	[tilespmem:$0x1E60] =	vst v1  }
0x3c: {  	[tilespmem:$0x1E70] =	vst v1  }
0x3d: {  	[tilespmem:$0x1E80] =	vst v1  }
0x3e: {  	[tilespmem:$0x1E90] =	vst v1  }
0x3f: {  	[tilespmem:$0x1EA0] =	vst v1  }
0x40: {  	[tilespmem:$0x1EB0] =	vst v1  }
0x41: {  	[tilespmem:$0x1EC0] =	vst v1  }
0x42: {  	[tilespmem:$0x1ED0] =	vst v1  }
0x43: {  	[tilespmem:$0x1EE0] =	vst v1  }
0x44: {  	[tilespmem:$0x1EF0] =	vst v1  }
0x45: {  	[tilespmem:$0x1F00] =	vst v1  }
0x46: {  	[tilespmem:$0x1F10] =	vst v1  }
0x47: {  	[tilespmem:$0x1F20] =	vst v1  }
0x48: {  	[tilespmem:$0x1F30] =	vst v1  }
0x49: {  	[tilespmem:$0x1F40] =	vst v1  }
0x4a: {  	[tilespmem:$0x1F50] =	vst v1  }
0x4b: {  	[tilespmem:$0x1F60] =	vst v1  }
0x4c: {  	[tilespmem:$0x1F70] =	vst v1  }
0x4d: {  	[tilespmem:$0x1F80] =	vst v1  }
0x4e: {  	[tilespmem:$0x1F90] =	vst v1  }
0x4f: {  	[tilespmem:$0x1FA0] =	vst v1  }
0x50: {  	[tilespmem:$0x1FB0] =	vst v1  }
0x51: {  	[tilespmem:$0x1FC0] =	vst v1  }
0x52: {  	[tilespmem:$0x1FD0] =	vst v1  }
0x53: {  	[tilespmem:$0x1FE0] =	vst v1  }
0x54: {  	[tilespmem:$0x1FF0] =	vst v1  }
0x55: {  	[tilespmem:$0x2000] =	vst v1  }
0x56: {  	[tilespmem:$0x2010] =	vst v1  }
0x57: {  	[tilespmem:$0x2020] =	vst v1  }
0x58: {  	[tilespmem:$0x2030] =	vst v1  }
0x59: {  	[tilespmem:$0x2040] =	vst v1  }
0x5a: {  	[tilespmem:$0x2050] =	vst v1  }
0x5b: {  	[tilespmem:$0x2060] =	vst v1  }
0x5c: {  	[tilespmem:$0x2070] =	vst v1  }
0x5d: {  	[tilespmem:$0x2080] =	vst v1  }
0x5e: {  	[tilespmem:$0x2090] =	vst v1  }
0x5f: {  	[tilespmem:$0x20A0] =	vst v1  }
0x60: {  	[tilespmem:$0x20B0] =	vst v1  }
0x61: {  	[tilespmem:$0x20C0] =	vst v1  }
0x62: {  	[tilespmem:$0x20D0] =	vst v1  }
0x63: {  	[tilespmem:$0x20E0] =	vst v1  }
0x64: {  	[tilespmem:$0x20F0] =	vst v1  }
0x65: {  	[tilespmem:$0x2100] =	vst v1  }
0x66: {  	[tilespmem:$0x2110] =	vst v1  }
0x67: {  	[tilespmem:$0x2120] =	vst v1  }
0x68: {  	[tilespmem:$0x2130] =	vst v1  }
0x69: {  	[tilespmem:$0x2140] =	vst v1  }
0x6a: {  	[tilespmem:$0x2150] =	vst v1  }
0x6b: {  	[tilespmem:$0x2160] =	vst v1  }
0x6c: {  	[tilespmem:$0x2170] =	vst v1  }
0x6d: {  	[tilespmem:$0x2180] =	vst v1  }
0x6e: {  	[tilespmem:$0x2190] =	vst v1  }
0x6f: {  	[tilespmem:$0x21A0] =	vst v1  }
0x70: {  	[tilespmem:$0x21B0] =	vst v1  }
0x71: {  	[tilespmem:$0x21C0] =	vst v1  }
0x72: {  	[tilespmem:$0x21D0] =	vst v1  }
0x73: {  	[tilespmem:$0x21E0] =	vst v1  }
0x74: {  	[tilespmem:$0x21F0] =	vst v1  }
0x75: {  	[tilespmem:$0x2200] =	vst v1  }
0x76: {  	[tilespmem:$0x2210] =	vst v1  }
0x77: {  	[tilespmem:$0x2220] =	vst v1  }
0x78: {  	[tilespmem:$0x2230] =	vst v1  }
0x79: {  	[tilespmem:$0x2240] =	vst v1  }
0x7a: {  	[tilespmem:$0x2250] =	vst v1  }
0x7b: {  	[tilespmem:$0x2260] =	vst v1  }
0x7c: {  	[tilespmem:$0x2270] =	vst v1  }
0x7d: {  	[tilespmem:$0x2280] =	vst v1  }
0x7e: {  	[tilespmem:$0x2290] =	vst v1  }
0x7f: {  	[tilespmem:$0x22A0] =	vst v1  }
0x80: {  	[tilespmem:$0x22B0] =	vst v1  }
0x81: {  	[tilespmem:$0x22C0] =	vst v1  }
0x82: {  	[tilespmem:$0x22D0] =	vst v1  }
0x83: {  	[tilespmem:$0x22E0] =	vst v1  }
0x84: {  	[tilespmem:$0x22F0] =	vst v1  }
0x85: {  	[tilespmem:$0x2300] =	vst v1  }
0x86: {  	[tilespmem:$0x2310] =	vst v1  }
0x87: {  	[tilespmem:$0x2320] =	vst v1  }
0x88: {  	[tilespmem:$0x2330] =	vst v1  }
0x89: {  	[tilespmem:$0x2340] =	vst v1  }
0x8a: {  	[tilespmem:$0x2350] =	vst v1  }
0x8b: {  	[tilespmem:$0x2360] =	vst v1  }
0x8c: {  	[tilespmem:$0x2370] =	vst v1  }
0x8d: {  	[tilespmem:$0x2380] =	vst v1  }
0x8e: {  	[tilespmem:$0x2390] =	vst v1  }
0x8f: {  	[tilespmem:$0x23A0] =	vst v1  }
0x90: {  	[tilespmem:$0x23B0] =	vst v1  }
0x91: {  	[tilespmem:$0x23C0] =	vst v1  }
0x92: {  	[tilespmem:$0x23D0] =	vst v1  }
0x93: {  	[tilespmem:$0x23E0] =	vst v1  }
0x94: {  	[tilespmem:$0x23F0] =	vst v1  }
0x95: {  	[tilespmem:$0x2400] =	vst v1  }
0x96: {  	[tilespmem:$0x2410] =	vst v1  }
0x97: {  	[tilespmem:$0x2420] =	vst v1  }
0x98: {  	[tilespmem:$0x2430] =	vst v1  }
0x99: {  	[tilespmem:$0x2440] =	vst v1  }
0x9a: {  	[tilespmem:$0x2450] =	vst v1  }
0x9b: {  	[tilespmem:$0x2460] =	vst v1  }
0x9c: {  	[tilespmem:$0x2470] =	vst v1  }
0x9d: {  	[tilespmem:$0x2480] =	vst v1  }
0x9e: {  	[tilespmem:$0x2490] =	vst v1  }
0x9f: {  	[tilespmem:$0x24A0] =	vst v1  }
0xa0: {  	[tilespmem:$0x24B0] =	vst v1  }
0xa1: {  	[tilespmem:$0x24C0] =	vst v1  }
0xa2: {  	[tilespmem:$0x24D0] =	vst v1  }
0xa3: {  	[tilespmem:$0x24E0] =	vst v1  }
0xa4: {  	[tilespmem:$0x24F0] =	vst v1  }
0xa5: {  	[tilespmem:$0x2500] =	vst v1  }
0xa6: {  	[tilespmem:$0x2510] =	vst v1  }
0xa7: {  	[tilespmem:$0x2520] =	vst v1  }
0xa8: {  	[tilespmem:$0x2530] =	vst v1  }
0xa9: {  	[tilespmem:$0x2540] =	vst v1  }
0xaa: {  	[tilespmem:$0x2550] =	vst v1  }
0xab: {  	[tilespmem:$0x2560] =	vst v1  }
0xac: {  	[tilespmem:$0x2570] =	vst v1  }
0xad: {  	[tilespmem:$0x2580] =	vst v1  }
0xae: {  	[tilespmem:$0x2590] =	vst v1  }
0xaf: {  	[tilespmem:$0x25A0] =	vst v1  }
0xb0: {  	[tilespmem:$0x25B0] =	vst v1  }
0xb1: {  	[tilespmem:$0x25C0] =	vst v1  }
0xb2: {  	[tilespmem:$0x25D0] =	vst v1  }
0xb3: {  	[tilespmem:$0x25E0] =	vst v1  }
0xb4: {  	[tilespmem:$0x25F0] =	vst v1  }
0xb5: {  	[tilespmem:$0x2600] =	vst v1  }
0xb6: {  	[tilespmem:$0x2610] =	vst v1  }
0xb7: {  	[tilespmem:$0x2620] =	vst v1  }
0xb8: {  	[tilespmem:$0x2630] =	vst v1  }
0xb9: {  	[tilespmem:$0x2640] =	vst v1  }
0xba: {  	[tilespmem:$0x2650] =	vst v1  }
0xbb: {  	[tilespmem:$0x2660] =	vst v1  }
0xbc: {  	[tilespmem:$0x2670] =	vst v1  }
0xbd: {  	[tilespmem:$0x2680] =	vst v1  }
0xbe: {  	[tilespmem:$0x2690] =	vst v1  }
0xbf: {  	[tilespmem:$0x26A0] =	vst v1  }
0xc0: {  	[tilespmem:$0x26B0] =	vst v1  }
0xc1: {  	[tilespmem:$0x26C0] =	vst v1  }
0xc2: {  	[tilespmem:$0x26D0] =	vst v1  }
0xc3: {  	[tilespmem:$0x26E0] =	vst v1  }
0xc4: {  	[tilespmem:$0x26F0] =	vst v1  }
0xc5: {  	[tilespmem:$0x2700] =	vst v1  }
0xc6: {  	[tilespmem:$0x2710] =	vst v1  }
0xc7: {  	[tilespmem:$0x2720] =	vst v1  }
0xc8: {  	[tilespmem:$0x2730] =	vst v1  }
0xc9: {  	[tilespmem:$0x2740] =	vst v1  }
0xca: {  	[tilespmem:$0x2750] =	vst v1  }
0xcb: {  	[tilespmem:$0x2760] =	vst v1  }
0xcc: {  	[tilespmem:$0x2770] =	vst v1  }
0xcd: {  	[tilespmem:$0x2780] =	vst v1  }
0xce: {  	[tilespmem:$0x2790] =	vst v1  }
0xcf: {  	[tilespmem:$0x27A0] =	vst v1  }
0xd0: {  	[tilespmem:$0x27B0] =	vst v1  }
0xd1: {  	[tilespmem:$0x27C0] =	vst v1  }
0xd2: {  	[tilespmem:$0x27D0] =	vst v1  }
0xd3: {  	[tilespmem:$0x27E0] =	vst v1  }
0xd4: {  	[tilespmem:$0x27F0] =	vst v1  }
0xd5: {  	[tilespmem:$0x2800] =	vst v1  }
0xd6: {  	[tilespmem:$0x2810] =	vst v1  }
0xd7: {  	[tilespmem:$0x2820] =	vst v1  }
0xd8: {  	[tilespmem:$0x2830] =	vst v1  }
0xd9: {  	[tilespmem:$0x2840] =	vst v1  }
0xda: {  	[tilespmem:$0x2850] =	vst v1  }
0xdb: {  	[tilespmem:$0x2860] =	vst v1  }
0xdc: {  	[tilespmem:$0x2870] =	vst v1  }
0xdd: {  	[tilespmem:$0x2880] =	vst v1  }
0xde: {  	[tilespmem:$0x2890] =	vst v1  }
0xdf: {  	[tilespmem:$0x28A0] =	vst v1  }
0xe0: {  	[tilespmem:$0x28B0] =	vst v1  }
0xe1: {  	[tilespmem:$0x28C0] =	vst v1  }
0xe2: {  	[tilespmem:$0x28D0] =	vst v1  }
0xe3: {  	[tilespmem:$0x28E0] =	vst v1  }
0xe4: {  	[tilespmem:$0x28F0] =	vst v1  }
0xe5: {  	[tilespmem:$0x2900] =	vst v1  }
0xe6: {  	[tilespmem:$0x2910] =	vst v1  }
0xe7: {  	[tilespmem:$0x2920] =	vst v1  }
0xe8: {  	[tilespmem:$0x2930] =	vst v1  }
0xe9: {  	[tilespmem:$0x2940] =	vst v1  }
0xea: {  	[tilespmem:$0x2950] =	vst v1  }
0xeb: {  	[tilespmem:$0x2960] =	vst v1  }
0xec: {  	[tilespmem:$0x2970] =	vst v1  }
0xed: {  	[tilespmem:$0x2980] =	vst v1  }
0xee: {  	[tilespmem:$0x2990] =	vst v1  }
0xef: {  	[tilespmem:$0x29A0] =	vst v1  }
0xf0: {  	[tilespmem:$0x29B0] =	vst v1  }
0xf1: {  	[tilespmem:$0x29C0] =	vst v1  }
0xf2: {  	[tilespmem:$0x29D0] =	vst v1  }
0xf3: {  	[tilespmem:$0x29E0] =	vst v1  }
0xf4: {  	[tilespmem:$0x29F0] =	vst v1  }
0xf5: {  	[tilespmem:$0x2A00] =	vst v1  }
0xf6: {  	[tilespmem:$0x2A10] =	vst v1  }
0xf7: {  	[tilespmem:$0x2A20] =	vst v1  }
0xf8: {  	[tilespmem:$0x2A30] =	vst v1  }
0xf9: {  	[tilespmem:$0x2A40] =	vst v1  }
0xfa: {  	[tilespmem:$0x2A50] =	vst v1  }
0xfb: {  	[tilespmem:$0x2A60] =	vst v1  }
0xfc: {  	[tilespmem:$0x2A70] =	vst v1  }
0xfd: {  	[tilespmem:$0x2A80] =	vst v1  }
0xfe: {  	[tilespmem:$0x2A90] =	vst v1  }
0xff: {  	[tilespmem:$0x2AA0] =	vst v1  }
0x100: {  	[tilespmem:$0x2AB0] =	vst v1  }
0x101: {  	[tilespmem:$0x2AC0] =	vst v1  }
0x102: {  	[tilespmem:$0x2AD0] =	vst v1  }
0x103: {  	[tilespmem:$0x2AE0] =	vst v1  }
0x104: {  	[tilespmem:$0x2AF0] =	vst v1  }
0x105: {  	s30 =	rddreg [dreg:$0x5];
	[tilespmem:$0x2B00] =	vst v1  }
0x106: {  	[tilespmem:s4], [sflag:$0x1] =	stream.linear.gather [hbm4b:s30+s4], $0xE10, $0x38;
	[tilespmem:$0x4600] =	vst v63  }
0x107: {  	s23 =	simm.s32 $0x0;
	s31 =	rddreg [dreg:$0x6]  }
0x108: {  	[tilespmem:s14], [sflag:$0x2] =	stream.linear.gather [hbm4b:s31+s4], $0xE10, $0x38;
	[tilespmem:$0x4600] =	vst v63  }
.LBB2_2:
0x109: {  	_ =	swait.ge [sflag:s15], $0xE10  }
0x10a: {  	p0 =	seq.s32 s23, $0x0;
	[sflag:s15] =	ssyncset.done $0x0  }
0x10b: {  	s0 =	simm.s32 @!p0 $0x3;
	[sflag:s15] =	ssyncadd.s32 $0xFFFFF1F0  }
0x10c: {  	_ =	swait.ge @!p0 [sflag:s0], $0xC80  }
0x10d: {  	s1 =	sshll.u32 s23, $0x1;
	s25 =	simm.s32 $0x0;
	[sflag:s0] =	ssyncset.done @!p0 $0x0  }
0x10e: {  	s29 =	simm.s32 $0x0;
	s24 =	sor.u32 s8, s1;
	[sflag:s0] =	ssyncadd.s32 @!p0 $0xFFFFF380  }
.LBB2_3:
0x10f: {  	v20 =	vmov s29  }
0x110: {  	v21 =	vadd.s32 $0x60, v20;
	_ =	sdelay $0x3  }
0x111: {  	v36 =	vld.idx.msk [tilespmem:v20+s11+$0x0], $0xffff  }
0x112: {  	v34 =	vld.idx.msk [tilespmem:v21+s11+$0x0], $0xffff;
	_ =	sdelay $0x3  }
0x113: {  	v20 =	vadd.s32 v2, v36  }
0x114: {  	v21 =	vadd.s32 v3, v34;
	_ =	sdelay $0x3  }
0x115: {  	v20 =	vld.idx.msk [tilespmem:v20+s25+$0x0], $0xffff  }
0x116: {  	v21 =	vld.idx.msk [tilespmem:v21+s25+$0x0], $0xffff;
	_ =	sdelay $0x4  }
0x117: {  	v20 =	vadd.f32 v21, v20  }
0x118: {  	s0 =	sadd.s32 $0x1, s29  }
0x119: {  	v48 =	vmov s0;
	v21 =	vmul.f32 $2.000000030e-01, v20  }
0x11a: {  	vm0 =	vge.f32 v20, $0.0e+00  }
0x11b: {  	v23 =	vadd.s32 $0x60, v48;
	v20 =	vsel vm0, v20, v21  }
0x11c: {  	v20 =	vmin.f32 v20, $6.000000000e+01  }
0x11d: {  	v20 =	vmul.f32 $1.442695020e+00, v20  }
0x11e: {  	v22 =	vld.idx.msk [tilespmem:v48+s11+$0x0], $0xffff  }
0x11f: {  	s1 =	sadd.s32 $0x2, s29;
	(erf) = vpow2.f32 v20  }
0x120: {  	v26 =	vmov s1;
	v20 =	vld.idx.msk [tilespmem:v23+s11+$0x0], $0xffff  }
0x121: {  	v51 =	vadd.s32 $0x60, v26;
	_ =	sdelay $0x1  }
0x122: {  	v24 =	vadd.s32 v2, v22  }
0x123: {  	v49 =	vadd.s32 v4, v34  }
0x124: {  	v23 =	vld.idx.msk [tilespmem:v26+s11+$0x0], $0xffff;
	v25 =	vadd.s32 v3, v20  }
0x125: {  	v50 =	vadd.s32 v0, v36;
	v21 =	vld.idx.msk [tilespmem:v51+s11+$0x0], $0xffff;
	_ =	sdelay $0x1  }
0x126: {  	v24 =	vld.idx.msk [tilespmem:v24+s25+$0x0], $0xffff;
	v28 =	vpop (erf)  }
0x127: {  	[tilespmem:v49+s16+$0x0] =	vst.idx.add.f32.msk $0xf, v28  }
0x128: {  	v31 =	vadd.s32 v2, v23;
	v25 =	vld.idx.msk [tilespmem:v25+s25+$0x0], $0xffff  }
0x129: {  	v53 =	vadd.s32 v3, v21;
	v27 =	vld.idx.msk [tilespmem:v50+s25+$0x0], $0xffff;
	_ =	sdelay $0x1  }
0x12a: {  	v52 =	vadd.s32 v0, v34  }
0x12b: {  	v30 =	vadd.s32 v9, v36;
	v29 =	vperm.xlane v28, v5  }
0x12c: {  	v55 =	vld.idx.msk [tilespmem:v31+s25+$0x0], $0xffff  }
0x12d: {  	v24 =	vadd.f32 v25, v24;
	v25 =	vld.idx.msk [tilespmem:v53+s25+$0x0], $0xffff;
	v27 =	vmul.f32 v27, v29;
	_ =	sdelay $0x1  }
0x12e: {  	[tilespmem:v52+s16+$0x0] =	vst.idx.add.f32.msk $0xffff, v27  }
0x12f: {  	v54 =	vmul.f32 $2.000000030e-01, v24;
	v27 =	vld.idx.msk [tilespmem:v30+s25+$0x0], $0xffff  }
0x130: {  	vm9 =	vge.f32 v24, $0.0e+00  }
0x131: {  	v56 =	vadd.s32 v9, v34;
	v24 =	vsel vm9, v24, v54;
	v58 =	vadd.f32 v25, v55  }
0x132: {  	v57 =	vadd.s32 v10, v36;
	v24 =	vmin.f32 v24, $6.000000000e+01  }
0x133: {  	s22 =	sadd.s32 $0x3, s29;
	v24 =	vmul.f32 $1.442695020e+00, v24;
	v26 =	vmul.f32 $2.000000030e-01, v58  }
0x134: {  	v33 =	vmov s22;
	vm10 =	vge.f32 v58, $0.0e+00;
	v27 =	vmul.f32 v27, v29  }
0x135: {  	v41 =	vadd.s32 $0x60, v33;
	(erf) = vpow2.f32 v24;
	v24 =	vsel vm10, v58, v26  }
0x136: {  	v24 =	vmin.f32 v24, $6.000000000e+01;
	[tilespmem:v56+s16+$0x0] =	vst.idx.add.f32.msk $0xffff, v27  }
0x137: {  	v24 =	vmul.f32 $1.442695020e+00, v24;
	v59 =	vld.idx.msk [tilespmem:v57+s25+$0x0], $0xffff;
	_ =	sdelay $0x1  }
0x138: {  	v60 =	vadd.s32 v10, v34;
	(erf) = vpow2.f32 v24  }
0x139: {  	v62 =	vadd.s32 v11, v36;
	v61 =	vperm.xlane v28, v6;
	v24 =	vld.idx.msk [tilespmem:v41+s11+$0x0], $0xffff;
	_ =	sdelay $0x1  }
0x13a: {  	v63 =	vadd.s32 v4, v20;
	v25 =	vmul.f32 v59, v61  }
0x13b: {  	s2 =	simm.f32 $1.000000000e+00;
	p1 =	slt.u32 s0, $0x59;
	v40 =	vadd.s32 v0, v22  }
0x13c: {  	s2 =	simm.s32 @!p1 $0x0;
	v32 =	vpop (erf);
	[tilespmem:v60+s16+$0x0] =	vst.idx.add.f32.msk $0xffff, v25  }
0x13d: {  	v38 =	vmul.f32 s2, v32;
	v52 =	vadd.s32 v3, v24;
	v27 =	vld.idx.msk [tilespmem:v62+s25+$0x0], $0xffff  }
0x13e: {  	v35 =	vadd.s32 v4, v21;
	v25 =	vld.idx.msk [tilespmem:v33+s11+$0x0], $0xffff  }
0x13f: {  	p1 =	slt.u32 s1, $0x59;
	s1 =	simm.f32 $1.000000000e+00;
	v42 =	vadd.s32 v11, v34;
	[tilespmem:v63+s16+$0x0] =	vst.idx.add.f32.msk $0xf, v38  }
0x140: {  	s1 =	simm.s32 @!p1 $0x0;
	v49 =	vadd.s32 v0, v23;
	v43 =	vld.idx.msk [tilespmem:v40+s25+$0x0], $0xffff;
	v51 =	vpop (erf)  }
0x141: {  	v44 =	vadd.s32 v12, v36;
	v39 =	vmul.f32 s1, v51  }
0x142: {  	v45 =	vadd.s32 v0, v20;
	v26 =	vld.idx.msk [tilespmem:v52+s25+$0x0], $0xffff;
	v27 =	vmul.f32 v27, v61  }
0x143: {  	v46 =	vperm.xlane v38, v5;
	v37 =	vadd.s32 v2, v25;
	[tilespmem:v35+s16+$0x0] =	vst.idx.add.f32.msk $0xf, v39  }
0x144: {  	v47 =	vadd.s32 v9, v22;
	[tilespmem:v42+s16+$0x0] =	vst.idx.add.f32.msk $0xffff, v27  }
0x145: {  	v48 =	vmul.f32 v43, v46;
	v27 =	vld.idx.msk [tilespmem:v49+s25+$0x0], $0xffff  }
0x146: {  	v50 =	vld.idx.msk [tilespmem:v44+s25+$0x0], $0xffff  }
0x147: {  	v57 =	vadd.s32 v0, v21;
	[tilespmem:v45+s16+$0x0] =	vst.idx.add.f32.msk $0xffff, v48  }
0x148: {  	v59 =	vadd.s32 v9, v23;
	v58 =	vperm.xlane v39, v5;
	v37 =	vld.idx.msk [tilespmem:v37+s25+$0x0], $0xffff  }
0x149: {  	v54 =	vadd.s32 v12, v34;
	v53 =	vld.idx.msk [tilespmem:v47+s25+$0x0], $0xffff  }
0x14a: {  	v55 =	vperm.xlane v28, v7;
	v56 =	vadd.s32 v13, v36;
	v27 =	vmul.f32 v27, v58  }
0x14b: {  	v40 =	vadd.s32 v9, v20  }
0x14c: {  	v41 =	vadd.s32 v10, v22;
	v30 =	vmul.f32 v50, v55;
	[tilespmem:v57+s16+$0x0] =	vst.idx.add.f32.msk $0xffff, v27  }
0x14d: {  	s6 =	sadd.s32 $0x4, s29;
	v26 =	vadd.f32 v26, v37;
	v32 =	vld.idx.msk [tilespmem:v59+s25+$0x0], $0xffff  }
0x14e: {  	v48 =	vmov s6;
	v29 =	vmul.f32 v53, v46;
	[tilespmem:v54+s16+$0x0] =	vst.idx.add.f32.msk $0xffff, v30  }
0x14f: {  	v46 =	vadd.s32 v9, v21;
	v35 =	vld.idx.msk [tilespmem:v56+s25+$0x0], $0xffff;
	v61 =	vmul.f32 $2.000000030e-01, v26  }
0x150: {  	v50 =	vadd.s32 $0x60, v48;
	[tilespmem:v40+s16+$0x0] =	vst.idx.add.f32.msk $0xffff, v29;
	vm11 =	vge.f32 v26, $0.0e+00  }
0x151: {  	v60 =	vadd.s32 v13, v34;
	v29 =	vld.idx.msk [tilespmem:v41+s25+$0x0], $0xffff;
	v26 =	vsel vm11, v26, v61  }
0x152: {  	v47 =	vadd.s32 v10, v23;
	v26 =	vmin.f32 v26, $6.000000000e+01;
	v49 =	vmul.f32 v32, v58  }
0x153: {  	v62 =	vadd.s32 v10, v20;
	v63 =	vperm.xlane v38, v6;
	v27 =	vld.idx.msk [tilespmem:v48+s11+$0x0], $0xffff;
	v26 =	vmul.f32 $1.442695020e+00, v26  }
0x154: {  	v51 =	vadd.s32 v14, v36;
	v45 =	vmul.f32 v35, v55;
	[tilespmem:v46+s16+$0x0] =	vst.idx.add.f32.msk $0xffff, v49  }
0x155: {  	v44 =	vadd.s32 v11, v22;
	(erf) = vpow2.f32 v26;
	v26 =	vld.idx.msk [tilespmem:v50+s11+$0x0], $0xffff  }
0x156: {  	v29 =	vmul.f32 v29, v63;
	[tilespmem:v60+s16+$0x0] =	vst.idx.add.f32.msk $0xffff, v45  }
0x157: {  	v53 =	vld.idx.msk [tilespmem:v47+s25+$0x0], $0xffff  }
0x158: {  	v42 =	vadd.s32 v2, v27;
	[tilespmem:v62+s16+$0x0] =	vst.idx.add.f32.msk $0xffff, v29  }
0x159: {  	v55 =	vadd.s32 v10, v21;
	v31 =	vld.idx.msk [tilespmem:v51+s25+$0x0], $0xffff  }
0x15a: {  	v57 =	vadd.s32 v11, v23;
	v56 =	vperm.xlane v39, v6;
	v30 =	vld.idx.msk [tilespmem:v44+s25+$0x0], $0xffff  }
0x15b: {  	v48 =	vadd.s32 v14, v34  }
0x15c: {  	v52 =	vadd.s32 v11, v20;
	v41 =	vperm.xlane v28, v8;
	v59 =	vmul.f32 v53, v56  }
0x15d: {  	v54 =	vadd.s32 v12, v22;
	v42 =	vld.idx.msk [tilespmem:v42+s25+$0x0], $0xffff  }
0x15e: {  	v58 =	vadd.s32 v4, v24;
	v31 =	vmul.f32 v31, v41;
	[tilespmem:v55+s16+$0x0] =	vst.idx.add.f32.msk $0xffff, v59  }
0x15f: {  	s30 =	sadd.s32 $0x6, s29;
	s0 =	simm.f32 $1.000000000e+00;
	p1 =	slt.u32 s22, $0x59;
	v30 =	vmul.f32 v30, v63;
	v63 =	vadd.s32 v3, v26;
	v35 =	vld.idx.msk [tilespmem:v57+s25+$0x0], $0xffff  }
0x160: {  	s0 =	simm.s32 @!p1 $0x0;
	v60 =	vadd.s32 v0, v25;
	v62 =	vpop (erf);
	[tilespmem:v48+s16+$0x0] =	vst.idx.add.f32.msk $0xffff, v31;
	v57 =	vmov s30  }
0x161: {  	[tilespmem:v52+s16+$0x0] =	vst.idx.add.f32.msk $0xffff, v30;
	v29 =	vmul.f32 s0, v62;
	v59 =	vadd.s32 $0x60, v57  }
0x162: {  	s26 =	sadd.s32 $0x5, s29;
	v44 =	vadd.s32 v11, v21;
	v61 =	vld.idx.msk [tilespmem:v54+s25+$0x0], $0xffff  }
0x163: {  	v54 =	vmov s26;
	[tilespmem:v58+s16+$0x0] =	vst.idx.add.f32.msk $0xf, v29  }
0x164: {  	v45 =	vadd.s32 v12, v23;
	v33 =	vld.idx.msk [tilespmem:v63+s25+$0x0], $0xffff  }
0x165: {  	v50 =	vadd.s32 v12, v20;
	v49 =	vld.idx.msk [tilespmem:v60+s25+$0x0], $0xffff;
	v35 =	vmul.f32 v35, v56  }
0x166: {  	v43 =	vperm.xlane v38, v7;
	v30 =	vld.idx.msk [tilespmem:v59+s11+$0x0], $0xffff  }
0x167: {  	v52 =	vadd.s32 v0, v24;
	[tilespmem:v44+s16+$0x0] =	vst.idx.add.f32.msk $0xffff, v35  }
0x168: {  	v53 =	vadd.s32 v9, v25;
	v37 =	vperm.xlane v29, v5;
	v51 =	vmul.f32 v61, v43;
	v32 =	vld.idx.msk [tilespmem:v54+s11+$0x0], $0xffff  }
0x169: {  	v56 =	vadd.s32 $0x60, v54;
	v35 =	vld.idx.msk [tilespmem:v45+s25+$0x0], $0xffff;
	v55 =	vadd.f32 v33, v42  }
0x16a: {  	s31 =	sadd.s32 $0x7, s29;
	v60 =	vadd.s32 v13, v22;
	[tilespmem:v50+s16+$0x0] =	vst.idx.add.f32.msk $0xffff, v51;
	v28 =	vmul.f32 v49, v37  }
0x16b: {  	v61 =	vmov s31;
	v33 =	vld.idx.msk [tilespmem:v57+s11+$0x0], $0xffff;
	v58 =	vmul.f32 $2.000000030e-01, v55  }
0x16c: {  	v46 =	vadd.s32 $0x60, v61;
	[tilespmem:v52+s16+$0x0] =	vst.idx.add.f32.msk $0xffff, v28;
	vm12 =	vge.f32 v55, $0.0e+00  }
0x16d: {  	v47 =	vadd.s32 v12, v21;
	v40 =	vld.idx.msk [tilespmem:v53+s25+$0x0], $0xffff;
	v28 =	vsel vm12, v55, v58  }
0x16e: {  	v42 =	vperm.xlane v39, v7;
	v49 =	vadd.s32 v13, v23;
	v62 =	vmin.f32 v28, $6.000000000e+01;
	v28 =	vld.idx.msk [tilespmem:v56+s11+$0x0], $0xffff  }
0x16f: {  	v44 =	vld.idx.msk [tilespmem:v60+s25+$0x0], $0xffff;
	v50 =	vadd.s32 v2, v32  }
0x170: {  	v63 =	vadd.s32 v9, v24;
	v54 =	vmul.f32 v35, v42;
	v35 =	vld.idx.msk [tilespmem:v61+s11+$0x0], $0xffff  }
0x171: {  	v31 =	vld.idx.msk [tilespmem:v46+s11+$0x0], $0xffff;
	v55 =	vadd.s32 v2, v33  }
0x172: {  	v56 =	vadd.s32 v3, v30;
	v48 =	vmul.f32 $1.442695020e+00, v62;
	[tilespmem:v47+s16+$0x0] =	vst.idx.add.f32.msk $0xffff, v54  }
0x173: {  	v46 =	vld.idx.msk [tilespmem:v49+s25+$0x0], $0xffff;
	v37 =	vmul.f32 v40, v37;
	v51 =	vadd.s32 v3, v28  }
0x174: {  	v57 =	vadd.s32 v10, v25;
	(erf) = vpow2.f32 v48;
	v58 =	vld.idx.msk [tilespmem:v50+s25+$0x0], $0xffff  }
0x175: {  	v52 =	vadd.s32 v13, v20;
	[tilespmem:v63+s16+$0x0] =	vst.idx.add.f32.msk $0xffff, v37  }
0x176: {  	v59 =	vadd.s32 v2, v35;
	v40 =	vld.idx.msk [tilespmem:v55+s25+$0x0], $0xffff  }
0x177: {  	v61 =	vadd.s32 v3, v31;
	v47 =	vld.idx.msk [tilespmem:v56+s25+$0x0], $0xffff  }
0x178: {  	v43 =	vmul.f32 v44, v43;
	v60 =	vld.idx.msk [tilespmem:v51+s25+$0x0], $0xffff  }
0x179: {  	v36 =	vadd.s32 v15, v36;
	v45 =	vld.idx.msk [tilespmem:v57+s25+$0x0], $0xffff  }
0x17a: {  	v53 =	vadd.s32 v4, v26;
	v54 =	vadd.s32 v14, v22;
	[tilespmem:v52+s16+$0x0] =	vst.idx.add.f32.msk $0xffff, v43  }
0x17b: {  	v22 =	vadd.s32 v15, v22;
	v43 =	vadd.s32 v10, v24;
	v63 =	vadd.s32 v0, v27;
	v49 =	vld.idx.msk [tilespmem:v59+s25+$0x0], $0xffff  }
0x17c: {  	p1 =	slt.u32 s6, $0x59;
	s6 =	simm.f32 $1.000000000e+00;
	v55 =	vadd.s32 v13, v21;
	v42 =	vmul.f32 v46, v42;
	v56 =	vld.idx.msk [tilespmem:v61+s25+$0x0], $0xffff;
	v51 =	vperm.xlane v29, v6  }
0x17d: {  	s6 =	simm.s32 @!p1 $0x0;
	v46 =	vadd.s32 v14, v23;
	v40 =	vadd.f32 v47, v40;
	v62 =	vpop (erf);
	v48 =	vadd.f32 v60, v58  }
0x17e: {  	v36 =	vld.idx.msk [tilespmem:v36+s25+$0x0], $0xffff;
	v61 =	vadd.s32 v0, v26;
	v45 =	vmul.f32 v45, v51;
	v37 =	vmul.f32 s6, v62  }
0x17f: {  	v59 =	vmul.f32 $2.000000030e-01, v40;
	vm14 =	vge.f32 v40, $0.0e+00;
	v60 =	vld.idx.msk [tilespmem:v54+s25+$0x0], $0xffff;
	v57 =	vmul.f32 $2.000000030e-01, v48  }
0x180: {  	v62 =	vadd.s32 v9, v27;
	v58 =	vadd.s32 v11, v25;
	[tilespmem:v53+s16+$0x0] =	vst.idx.add.f32.msk $0xf, v37;
	vm13 =	vge.f32 v48, $0.0e+00  }
0x181: {  	v49 =	vadd.f32 v56, v49;
	v56 =	vadd.s32 v14, v20;
	v44 =	vld.idx.msk [tilespmem:v63+s25+$0x0], $0xffff;
	v48 =	vsel vm13, v48, v57  }
0x182: {  	[tilespmem:v55+s16+$0x0] =	vst.idx.add.f32.msk $0xffff, v42;
	v54 =	vadd.s32 v15, v34;
	v34 =	vperm.xlane v38, v8;
	v48 =	vmin.f32 v48, $6.000000000e+01  }
0x183: {  	v46 =	vld.idx.msk [tilespmem:v46+s25+$0x0], $0xffff;
	v40 =	vsel vm14, v40, v59;
	v52 =	vperm.xlane v37, v5;
	v48 =	vmul.f32 $1.442695020e+00, v48  }
0x184: {  	[tilespmem:v43+s16+$0x0] =	vst.idx.add.f32.msk $0xffff, v45;
	v40 =	vmin.f32 v40, $6.000000000e+01;
	v63 =	vmul.f32 $2.000000030e-01, v49;
	v60 =	vmul.f32 v60, v34  }
0x185: {  	v40 =	vmul.f32 $1.442695020e+00, v40;
	vm15 =	vge.f32 v49, $0.0e+00;
	v47 =	vld.idx.msk [tilespmem:v58+s25+$0x0], $0xffff;
	(erf) = vpow2.f32 v48  }
0x186: {  	v49 =	vsel vm15, v49, v63;
	[tilespmem:v56+s16+$0x0] =	vst.idx.add.f32.msk $0xffff, v60;
	v48 =	vmul.f32 v44, v52  }
0x187: {  	v59 =	vadd.s32 v11, v24;
	v55 =	vmin.f32 v49, $6.000000000e+01;
	v22 =	vld.idx.msk [tilespmem:v22+s25+$0x0], $0xffff;
	(erf) = vpow2.f32 v40  }
0x188: {  	v57 =	vmul.f32 $1.442695020e+00, v55;
	v58 =	vadd.s32 v14, v21;
	[tilespmem:v61+s16+$0x0] =	vst.idx.add.f32.msk $0xffff, v48  }
0x189: {  	v41 =	vmul.f32 v36, v41;
	v36 =	vperm.xlane v39, v8;
	v23 =	vadd.s32 v15, v23;
	v42 =	vld.idx.msk [tilespmem:v62+s25+$0x0], $0xffff  }
0x18a: {  	v20 =	vadd.s32 v15, v20;
	(erf) = vpow2.f32 v57;
	v48 =	vmul.f32 v47, v51  }
0x18b: {  	[tilespmem:v54+s16+$0x0] =	vst.idx.add.f32.msk $0xffff, v41;
	v61 =	vadd.s32 v9, v26;
	v62 =	vmul.f32 v46, v36  }
0x18c: {  	v63 =	vadd.s32 v4, v28;
	[tilespmem:v59+s16+$0x0] =	vst.idx.add.f32.msk $0xffff, v48  }
0x18d: {  	s2 =	simm.f32 $1.000000000e+00;
	p1 =	slt.u32 s26, $0x59;
	v49 =	vadd.s32 v0, v32;
	[tilespmem:v58+s16+$0x0] =	vst.idx.add.f32.msk $0xffff, v62;
	v22 =	vmul.f32 v22, v34  }
0x18e: {  	s2 =	simm.s32 @!p1 $0x0;
	v23 =	vld.idx.msk [tilespmem:v23+s25+$0x0], $0xffff;
	v51 =	vmul.f32 v42, v52;
	v52 =	vadd.s32 v4, v30;
	v50 =	vpop (erf)  }
0x18f: {  	s1 =	simm.f32 $1.000000000e+00;
	p1 =	slt.u32 s30, $0x59;
	v53 =	vadd.s32 v0, v33;
	[tilespmem:v20+s16+$0x0] =	vst.idx.add.f32.msk $0xffff, v22;
	v38 =	vmul.f32 s2, v50  }
0x190: {  	s1 =	simm.s32 @!p1 $0x0;
	v55 =	vadd.s32 v10, v27;
	v54 =	vpop (erf);
	[tilespmem:v61+s16+$0x0] =	vst.idx.add.f32.msk $0xffff, v51  }
0x191: {  	v56 =	vadd.s32 v4, v31;
	v39 =	vmul.f32 s1, v54;
	[tilespmem:v63+s16+$0x0] =	vst.idx.add.f32.msk $0xf, v38  }
0x192: {  	p1 =	slt.u32 s31, $0x59;
	s0 =	simm.f32 $1.000000000e+00;
	v57 =	vadd.s32 v0, v35;
	v43 =	vld.idx.msk [tilespmem:v49+s25+$0x0], $0xffff  }
0x193: {  	s0 =	simm.s32 @!p1 $0x0;
	v58 =	vadd.s32 v12, v25;
	v59 =	vpop (erf);
	[tilespmem:v52+s16+$0x0] =	vst.idx.add.f32.msk $0xf, v39  }
0x194: {  	v60 =	vadd.s32 v0, v28;
	v40 =	vmul.f32 s0, v59;
	v61 =	vld.idx.msk [tilespmem:v53+s25+$0x0], $0xffff  }
0x195: {  	v62 =	vadd.s32 v9, v32;
	v41 =	vld.idx.msk [tilespmem:v55+s25+$0x0], $0xffff;
	v42 =	vperm.xlane v38, v5  }
0x196: {  	v63 =	vadd.s32 v0, v30;
	[tilespmem:v56+s16+$0x0] =	vst.idx.add.f32.msk $0xf, v40  }
0x197: {  	v51 =	vadd.s32 v9, v33;
	v44 =	vperm.xlane v39, v5;
	v45 =	vld.idx.msk [tilespmem:v57+s25+$0x0], $0xffff;
	v43 =	vmul.f32 v43, v42  }
0x198: {  	v46 =	vld.idx.msk [tilespmem:v58+s25+$0x0], $0xffff;
	v59 =	vadd.s32 v0, v31;
	v57 =	vadd.s32 v10, v26  }
0x199: {  	v52 =	vperm.xlane v37, v6;
	v58 =	vmul.f32 v61, v44;
	[tilespmem:v60+s16+$0x0] =	vst.idx.add.f32.msk $0xffff, v43  }
0x19a: {  	v49 =	vperm.xlane v40, v5;
	v61 =	vadd.s32 v9, v35;
	v60 =	vld.idx.msk [tilespmem:v62+s25+$0x0], $0xffff  }
0x19b: {  	v41 =	vmul.f32 v41, v52;
	v62 =	vadd.s32 v11, v27;
	[tilespmem:v63+s16+$0x0] =	vst.idx.add.f32.msk $0xffff, v58  }
0x19c: {  	v45 =	vmul.f32 v45, v49;
	v63 =	vadd.s32 v9, v28;
	v50 =	vld.idx.msk [tilespmem:v51+s25+$0x0], $0xffff  }
0x19d: {  	[tilespmem:v57+s16+$0x0] =	vst.idx.add.f32.msk $0xffff, v41;
	v57 =	vadd.s32 v10, v32  }
0x19e: {  	v58 =	vadd.s32 v9, v30;
	[tilespmem:v59+s16+$0x0] =	vst.idx.add.f32.msk $0xffff, v45  }
0x19f: {  	v59 =	vadd.s32 v10, v33;
	v47 =	vld.idx.msk [tilespmem:v61+s25+$0x0], $0xffff;
	v42 =	vmul.f32 v60, v42  }
0x1a0: {  	v48 =	vperm.xlane v29, v7;
	v60 =	vadd.s32 v12, v24;
	v61 =	vld.idx.msk [tilespmem:v62+s25+$0x0], $0xffff  }
0x1a1: {  	v62 =	vmul.f32 v50, v44;
	[tilespmem:v63+s16+$0x0] =	vst.idx.add.f32.msk $0xffff, v42;
	v63 =	vadd.s32 v9, v31  }
0x1a2: {  	v56 =	vadd.s32 v10, v35;
	v41 =	vld.idx.msk [tilespmem:v57+s25+$0x0], $0xffff  }
0x1a3: {  	v46 =	vmul.f32 v46, v48;
	v57 =	vadd.s32 v11, v26;
	[tilespmem:v58+s16+$0x0] =	vst.idx.add.f32.msk $0xffff, v62  }
0x1a4: {  	v58 =	vadd.s32 v10, v28;
	v47 =	vmul.f32 v47, v49;
	v45 =	vld.idx.msk [tilespmem:v59+s25+$0x0], $0xffff  }
0x1a5: {  	v59 =	vadd.s32 v11, v32;
	[tilespmem:v60+s16+$0x0] =	vst.idx.add.f32.msk $0xffff, v46;
	v46 =	vperm.xlane v38, v6  }
0x1a6: {  	v60 =	vmul.f32 v61, v52;
	v61 =	vadd.s32 v10, v30;
	[tilespmem:v63+s16+$0x0] =	vst.idx.add.f32.msk $0xffff, v47  }
0x1a7: {  	v43 =	vperm.xlane v39, v6;
	v62 =	vadd.s32 v11, v33;
	v41 =	vmul.f32 v41, v46;
	v44 =	vld.idx.msk [tilespmem:v56+s25+$0x0], $0xffff  }
0x1a8: {  	v63 =	vadd.s32 v12, v27;
	[tilespmem:v57+s16+$0x0] =	vst.idx.add.f32.msk $0xffff, v60  }
0x1a9: {  	v57 =	vadd.s32 v10, v31;
	v56 =	vmul.f32 v45, v43;
	[tilespmem:v58+s16+$0x0] =	vst.idx.add.f32.msk $0xffff, v41  }
0x1aa: {  	v49 =	vperm.xlane v40, v6;
	v58 =	vld.idx.msk [tilespmem:v59+s25+$0x0], $0xffff;
	v59 =	vadd.s32 v11, v35  }
0x1ab: {  	v60 =	vadd.s32 v13, v25;
	[tilespmem:v61+s16+$0x0] =	vst.idx.add.f32.msk $0xffff, v56  }
0x1ac: {  	v61 =	vadd.s32 v11, v28;
	v47 =	vld.idx.msk [tilespmem:v62+s25+$0x0], $0xffff;
	v44 =	vmul.f32 v44, v49  }
0x1ad: {  	v50 =	vld.idx.msk [tilespmem:v63+s25+$0x0], $0xffff;
	v62 =	vadd.s32 v12, v32  }
0x1ae: {  	v54 =	vadd.s32 v11, v30;
	[tilespmem:v57+s16+$0x0] =	vst.idx.add.f32.msk $0xffff, v44  }
0x1af: {  	v44 =	vadd.s32 v12, v33;
	v63 =	vmul.f32 v58, v46;
	v56 =	vld.idx.msk [tilespmem:v59+s25+$0x0], $0xffff  }
0x1b0: {  	v51 =	vperm.xlane v37, v7;
	v57 =	vadd.s32 v12, v26;
	v46 =	vld.idx.msk [tilespmem:v60+s25+$0x0], $0xffff  }
0x1b1: {  	v59 =	vadd.s32 v11, v31;
	v58 =	vmul.f32 v47, v43;
	[tilespmem:v61+s16+$0x0] =	vst.idx.add.f32.msk $0xffff, v63  }
0x1b2: {  	v61 =	vadd.s32 v12, v35;
	v60 =	vld.idx.msk [tilespmem:v62+s25+$0x0], $0xffff  }
0x1b3: {  	v50 =	vmul.f32 v50, v51;
	v62 =	vadd.s32 v13, v27;
	[tilespmem:v54+s16+$0x0] =	vst.idx.add.f32.msk $0xffff, v58  }
0x1b4: {  	v63 =	vadd.s32 v12, v28;
	v44 =	vld.idx.msk [tilespmem:v44+s25+$0x0], $0xffff;
	v45 =	vmul.f32 v56, v49  }
0x1b5: {  	[tilespmem:v57+s16+$0x0] =	vst.idx.add.f32.msk $0xffff, v50;
	v57 =	vadd.s32 v13, v32;
	v49 =	vperm.xlane v38, v7  }
0x1b6: {  	v58 =	vadd.s32 v12, v30;
	[tilespmem:v59+s16+$0x0] =	vst.idx.add.f32.msk $0xffff, v45  }
0x1b7: {  	v43 =	vperm.xlane v39, v7;
	v45 =	vadd.s32 v13, v33;
	v59 =	vmul.f32 v60, v49;
	v47 =	vld.idx.msk [tilespmem:v61+s25+$0x0], $0xffff  }
0x1b8: {  	v60 =	vadd.s32 v13, v24;
	v52 =	vld.idx.msk [tilespmem:v62+s25+$0x0], $0xffff  }
0x1b9: {  	v62 =	vadd.s32 v12, v31;
	v61 =	vmul.f32 v44, v43;
	[tilespmem:v63+s16+$0x0] =	vst.idx.add.f32.msk $0xffff, v59  }
0x1ba: {  	v50 =	vperm.xlane v40, v7;
	v63 =	vld.idx.msk [tilespmem:v57+s25+$0x0], $0xffff;
	v57 =	vadd.s32 v13, v35  }
0x1bb: {  	v46 =	vmul.f32 v46, v48;
	[tilespmem:v58+s16+$0x0] =	vst.idx.add.f32.msk $0xffff, v61;
	v58 =	vadd.s32 v13, v26  }
0x1bc: {  	v59 =	vadd.s32 v13, v28;
	v45 =	vld.idx.msk [tilespmem:v45+s25+$0x0], $0xffff;
	v47 =	vmul.f32 v47, v50  }
0x1bd: {  	[tilespmem:v60+s16+$0x0] =	vst.idx.add.f32.msk $0xffff, v46;
	v60 =	vadd.s32 v14, v25  }
0x1be: {  	v55 =	vadd.s32 v14, v32;
	v61 =	vmul.f32 v52, v51;
	[tilespmem:v62+s16+$0x0] =	vst.idx.add.f32.msk $0xffff, v47  }
0x1bf: {  	v62 =	vadd.s32 v13, v30;
	v44 =	vmul.f32 v63, v49;
	v54 =	vld.idx.msk [tilespmem:v57+s25+$0x0], $0xffff  }
0x1c0: {  	v63 =	vadd.s32 v14, v27;
	[tilespmem:v58+s16+$0x0] =	vst.idx.add.f32.msk $0xffff, v61  }
0x1c1: {  	v57 =	vadd.s32 v13, v31;
	[tilespmem:v59+s16+$0x0] =	vst.idx.add.f32.msk $0xffff, v44  }
0x1c2: {  	v56 =	vmul.f32 v45, v43;
	v58 =	vld.idx.msk [tilespmem:v60+s25+$0x0], $0xffff;
	v59 =	vadd.s32 v14, v33  }
0x1c3: {  	v60 =	vadd.s32 v14, v35;
	v41 =	vld.idx.msk [tilespmem:v55+s25+$0x0], $0xffff  }
0x1c4: {  	[tilespmem:v62+s16+$0x0] =	vst.idx.add.f32.msk $0xffff, v56;
	v62 =	vadd.s32 v14, v24;
	v61 =	vmul.f32 v54, v50  }
0x1c5: {  	v29 =	vperm.xlane v29, v8;
	v53 =	vadd.s32 v14, v28;
	v63 =	vld.idx.msk [tilespmem:v63+s25+$0x0], $0xffff  }
0x1c6: {  	v38 =	vperm.xlane v38, v8;
	v25 =	vadd.s32 v15, v25;
	[tilespmem:v57+s16+$0x0] =	vst.idx.add.f32.msk $0xffff, v61  }
0x1c7: {  	v32 =	vadd.s32 v15, v32;
	v51 =	vmul.f32 v58, v29;
	v45 =	vld.idx.msk [tilespmem:v59+s25+$0x0], $0xffff  }
0x1c8: {  	v52 =	vadd.s32 v14, v26;
	v42 =	vld.idx.msk [tilespmem:v60+s25+$0x0], $0xffff;
	v41 =	vmul.f32 v41, v38  }
0x1c9: {  	v37 =	vperm.xlane v37, v8;
	v27 =	vadd.s32 v15, v27;
	[tilespmem:v62+s16+$0x0] =	vst.idx.add.f32.msk $0xffff, v51  }
0x1ca: {  	v54 =	vadd.s32 v14, v30;
	[tilespmem:v53+s16+$0x0] =	vst.idx.add.f32.msk $0xffff, v41  }
0x1cb: {  	v39 =	vperm.xlane v39, v8;
	v56 =	vadd.s32 v14, v31;
	v55 =	vmul.f32 v63, v37;
	v25 =	vld.idx.msk [tilespmem:v25+s25+$0x0], $0xffff  }
0x1cc: {  	v40 =	vperm.xlane v40, v8;
	v33 =	vadd.s32 v15, v33;
	v32 =	vld.idx.msk [tilespmem:v32+s25+$0x0], $0xffff  }
0x1cd: {  	v35 =	vadd.s32 v15, v35;
	[tilespmem:v52+s16+$0x0] =	vst.idx.add.f32.msk $0xffff, v55;
	v57 =	vmul.f32 v45, v39  }
0x1ce: {  	v58 =	vmul.f32 v42, v40;
	v27 =	vld.idx.msk [tilespmem:v27+s25+$0x0], $0xffff  }
0x1cf: {  	v24 =	vadd.s32 v15, v24;
	[tilespmem:v54+s16+$0x0] =	vst.idx.add.f32.msk $0xffff, v57  }
0x1d0: {  	v21 =	vadd.s32 v15, v21;
	[tilespmem:v56+s16+$0x0] =	vst.idx.add.f32.msk $0xffff, v58  }
0x1d1: {  	v28 =	vadd.s32 v15, v28;
	v33 =	vld.idx.msk [tilespmem:v33+s25+$0x0], $0xffff  }
0x1d2: {  	v26 =	vadd.s32 v15, v26;
	v20 =	vmul.f32 v25, v29;
	v59 =	vld.idx.msk [tilespmem:v35+s25+$0x0], $0xffff  }
0x1d3: {  	v23 =	vmul.f32 v23, v36;
	v60 =	vadd.s32 v15, v30  }
0x1d4: {  	p1 =	slt.u32 s29, $0x58;
	v62 =	vadd.s32 v15, v31;
	[tilespmem:v24+s16+$0x0] =	vst.idx.add.f32.msk $0xffff, v20;
	v20 =	vmul.f32 v32, v38  }
.Ltmp2:
0x1d5: {  	[tilespmem:v21+s16+$0x0] =	vst.idx.add.f32.msk $0xffff, v23;
	v61 =	vmul.f32 v27, v37;
	(pc) =	sbr.rel @p1 .LBB2_3-.Ltmp2, $4  }
0x1d6: {  	[tilespmem:v28+s16+$0x0] =	vst.idx.add.f32.msk $0xffff, v20;
	v63 =	vmul.f32 v33, v39  }
0x1d7: {  	[tilespmem:v26+s16+$0x0] =	vst.idx.add.f32.msk $0xffff, v61;
	v20 =	vmul.f32 v59, v40  }
0x1d8: {  	[tilespmem:v60+s16+$0x0] =	vst.idx.add.f32.msk $0xffff, v63  }
0x1d9: {  	s28 =	simm.s32 $0x2C80;
	s29 =	sadd.s32 $0x8, s29;
	s26 =	simm.s32 $0x1E20;
	[tilespmem:v62+s16+$0x0] =	vst.idx.add.f32.msk $0xffff, v20  }
0x1da: {  	s0 =	simm.s32 $0x1B0  }
0x1db: {  	v20 =	vmov s0  }
0x1dc: {  	v21 =	vand.u32 $0x1FF0, v20  }
0x1dd: {  	v21 =	vadd.s32 $0x80, v21;
	_ =	sdelay $0x2  }
0x1de: {  	s1 =	simm.s32 $0x90  }
0x1df: {  	s2 =	simm.s32 $0x120;
	v22 =	vmov s1  }
0x1e0: {  	v24 =	vmov s2;
	v23 =	vand.u32 $0x1FD0, v22;
	v21 =	vld.idx.msk [tilespmem:v21+s16+$0x0], $0xffff  }
0x1e1: {  	v25 =	vmov s25;
	v26 =	vand.u32 $0x1FE0, v24;
	v23 =	vadd.s32 $0x80, v23  }
0x1e2: {  	v27 =	vand.u32 $0xFC0, v25;
	v26 =	vadd.s32 $0x80, v26  }
0x1e3: {  	v33 =	vld [tilespmem:s26+$0x90];
	v27 =	vadd.s32 $0x80, v27  }
0x1e4: {  	v35 =	vld [tilespmem:$0x4580];
	v28 =	vadd.s32 $0x81, v22  }
0x1e5: {  	v36 =	vld [tilespmem:s26+$0xFFFFFF70];
	v30 =	vadd.s32 $0x81, v25;
	v21 =	vadd.f32 $1.000000020e-16, v21  }
0x1e6: {  	v31 =	vadd.s32 $0x82, v22;
	v23 =	vld.idx.msk [tilespmem:v23+s16+$0x0], $0xffff  }
0x1e7: {  	v29 =	vadd.s32 $0x81, v24;
	v26 =	vld.idx.msk [tilespmem:v26+s16+$0x0], $0xffff;
	(erf) = vrcp.f32 v21  }
0x1e8: {  	v22 =	vadd.s32 $0x83, v22;
	v27 =	vld.idx.msk [tilespmem:v27+s16+$0x0], $0xffff  }
0x1e9: {  	v32 =	vadd.s32 $0x82, v24;
	v28 =	vld.idx.msk [tilespmem:v28+s16+$0x0], $0xffff  }
0x1ea: {  	v21 =	vadd.s32 $0x83, v24;
	v24 =	vld.idx.msk [tilespmem:v30+s16+$0x0], $0xffff  }
0x1eb: {  	v30 =	vld.idx.msk [tilespmem:v31+s16+$0x0], $0xffff;
	v31 =	vadd.s32 $0x82, v25  }
0x1ec: {  	v29 =	vld.idx.msk [tilespmem:v29+s16+$0x0], $0xffff;
	v23 =	vadd.f32 $1.000000020e-16, v23;
	v26 =	vadd.f32 $1.000000020e-16, v26;
	v25 =	vadd.s32 $0x83, v25  }
0x1ed: {  	v34 =	vadd.s32 $0x81, v20;
	v22 =	vld.idx.msk [tilespmem:v22+s16+$0x0], $0xffff  }
0x1ee: {  	v32 =	vld.idx.msk [tilespmem:v32+s16+$0x0], $0xffff;
	(erf) = vrcp.f32 v23;
	v23 =	vadd.s32 $0x82, v20  }
0x1ef: {  	v27 =	vadd.f32 $1.000000020e-16, v27;
	v20 =	vadd.s32 $0x83, v20;
	v21 =	vld.idx.msk [tilespmem:v21+s16+$0x0], $0xffff  }
0x1f0: {  	v28 =	vadd.f32 $1.000000020e-16, v28;
	(erf) = vrcp.f32 v26;
	v31 =	vld.idx.msk [tilespmem:v31+s16+$0x0], $0xffff;
	v26 =	vpop (erf)  }
0x1f1: {  	v29 =	vadd.f32 $1.000000020e-16, v29;
	v25 =	vld.idx.msk [tilespmem:v25+s16+$0x0], $0xffff;
	(erf) = vrcp.f32 v27;
	v27 =	vmul.f32 v33, v26  }
0x1f2: {  	v24 =	vadd.f32 $1.000000020e-16, v24;
	(erf) = vrcp.f32 v28;
	v28 =	vld.idx.msk [tilespmem:v34+s16+$0x0], $0xffff  }
0x1f3: {  	(erf) = vrcp.f32 v29;
	v29 =	vadd.f32 $1.000000020e-16, v30;
	v30 =	vld.idx.msk [tilespmem:v23+s16+$0x0], $0xffff;
	v27 =	vadd.f32 v27, v35  }
0x1f4: {  	v22 =	vadd.f32 $1.000000020e-16, v22;
	v23 =	vld.idx.msk [tilespmem:v20+s16+$0x0], $0xffff;
	(erf) = vrcp.f32 v24  }
0x1f5: {  	v20 =	vadd.f32 $1.000000020e-16, v32;
	v24 =	vld [tilespmem:s26+$0x0];
	(erf) = vrcp.f32 v29;
	[tilespmem:s28+$0x80] =	vst v27  }
0x1f6: {  	v21 =	vadd.f32 $1.000000020e-16, v21;
	(erf) = vrcp.f32 v22;
	v22 =	vld [tilespmem:s26+$0xA0]  }
0x1f7: {  	v29 =	vpop (erf);
	(erf) = vrcp.f32 v20;
	v20 =	vadd.f32 $1.000000020e-16, v31;
	[tilespmem:s26+$0x90] =	vst v1  }
0x1f8: {  	v25 =	vadd.f32 $1.000000020e-16, v25;
	(erf) = vrcp.f32 v21;
	v21 =	vmul.f32 v36, v29;
	v27 =	vld [tilespmem:$0x4590]  }
0x1f9: {  	v31 =	vpop (erf);
	(erf) = vrcp.f32 v20;
	v20 =	vld [tilespmem:s26+$0xFFFFFEE0]  }
0x1fa: {  	v28 =	vadd.f32 $1.000000020e-16, v28;
	v24 =	vmul.f32 v24, v31;
	v21 =	vadd.f32 v21, v35  }
0x1fb: {  	v57 =	vpop (erf);
	(erf) = vrcp.f32 v25;
	v22 =	vmul.f32 v22, v26  }
0x1fc: {  	v25 =	vpop (erf);
	(erf) = vrcp.f32 v28;
	v24 =	vadd.f32 v24, v35;
	[tilespmem:s28+$0xFFFFFF80] =	vst v21  }
0x1fd: {  	v26 =	vpop (erf);
	v59 =	vld [tilespmem:s26+$0xFFFFFF80];
	[tilespmem:s26+$0xFFFFFF70] =	vst v1;
	v22 =	vadd.f32 v27, v22  }
0x1fe: {  	v58 =	vpop (erf);
	[tilespmem:s28+$0x0] =	vst v24;
	v20 =	vmul.f32 v20, v57;
	v60 =	vld [tilespmem:$0x4590]  }
0x1ff: {  	v21 =	vpop (erf);
	v61 =	vld [tilespmem:s26+$0x10];
	[tilespmem:s26+$0x0] =	vst v1  }
0x200: {  	v27 =	vpop (erf);
	v38 =	vld [tilespmem:$0x4590];
	[tilespmem:s28+$0x90] =	vst v22;
	v20 =	vadd.f32 v35, v20  }
0x201: {  	v24 =	vld [tilespmem:s26+$0xB0];
	[tilespmem:s26+$0xA0] =	vst v1;
	v22 =	vpop (erf)  }
0x202: {  	v34 =	vmul.f32 v59, v29;
	v37 =	vld [tilespmem:$0x45A0];
	[tilespmem:s28+$0xFFFFFF00] =	vst v20;
	v28 =	vpop (erf)  }
0x203: {  	v39 =	vld [tilespmem:s26+$0xFFFFFEF0];
	v29 =	vpop (erf)  }
0x204: {  	[tilespmem:s26+$0xFFFFFEE0] =	vst v1;
	v31 =	vmul.f32 v61, v31;
	v34 =	vadd.f32 v60, v34;
	v20 =	vpop (erf)  }
0x205: {  	v40 =	vld [tilespmem:$0x4590];
	v62 =	vpop (erf)  }
0x206: {  	v31 =	vadd.f32 v38, v31;
	[tilespmem:s28+$0xFFFFFF90] =	vst v34;
	v24 =	vmul.f32 v24, v62  }
0x207: {  	[tilespmem:s26+$0xFFFFFF80] =	vst v1  }
0x208: {  	v34 =	vld [tilespmem:s26+$0xFFFFFF90];
	[tilespmem:s28+$0x10] =	vst v31;
	v32 =	vmul.f32 v39, v57;
	v24 =	vadd.f32 v37, v24  }
0x209: {  	v63 =	vld [tilespmem:$0x45A0];
	[tilespmem:s26+$0x10] =	vst v1  }
0x20a: {  	v41 =	vld [tilespmem:s26+$0x20];
	v31 =	vadd.f32 v40, v32;
	[tilespmem:s28+$0xA0] =	vst v24  }
0x20b: {  	v24 =	vld [tilespmem:s26+$0xC0];
	[tilespmem:s26+$0xB0] =	vst v1  }
0x20c: {  	[tilespmem:s28+$0xFFFFFF10] =	vst v31;
	v31 =	vld [tilespmem:$0x45A0]  }
0x20d: {  	v42 =	vld [tilespmem:$0x45B0]  }
0x20e: {  	v30 =	vadd.f32 $1.000000020e-16, v30;
	v34 =	vmul.f32 v34, v25;
	v43 =	vld [tilespmem:s26+$0xFFFFFF00]  }
0x20f: {  	[tilespmem:s26+$0xFFFFFEF0] =	vst v1  }
0x210: {  	(erf) = vrcp.f32 v30;
	v32 =	vmul.f32 v41, v26;
	v34 =	vadd.f32 v63, v34;
	v30 =	vld [tilespmem:$0x45A0]  }
0x211: {  	v24 =	vmul.f32 v24, v62  }
0x212: {  	[tilespmem:s28+$0xFFFFFFA0] =	vst v34;
	v31 =	vadd.f32 v31, v32  }
0x213: {  	v34 =	vld [tilespmem:s26+$0xFFFFFFA0];
	[tilespmem:s26+$0xFFFFFF90] =	vst v1;
	v44 =	vmul.f32 v43, v58;
	v24 =	vadd.f32 v42, v24  }
0x214: {  	v45 =	vld [tilespmem:$0x45B0];
	[tilespmem:s28+$0x20] =	vst v31  }
0x215: {  	v30 =	vadd.f32 v30, v44;
	v31 =	vld [tilespmem:s26+$0x30];
	[tilespmem:s28+$0xB0] =	vst v24  }
0x216: {  	[tilespmem:s26+$0x20] =	vst v1;
	v24 =	vld [tilespmem:s26+$0xD0]  }
0x217: {  	[tilespmem:s28+$0xFFFFFF20] =	vst v30;
	v30 =	vld [tilespmem:$0x45B0]  }
0x218: {  	[tilespmem:s26+$0xC0] =	vst v1;
	v25 =	vmul.f32 v34, v25;
	v47 =	vld [tilespmem:s26+$0xFFFFFF10]  }
0x219: {  	v46 =	vld [tilespmem:$0x45C0];
	[tilespmem:s26+$0xFFFFFF00] =	vst v1  }
0x21a: {  	v25 =	vadd.f32 v45, v25;
	v49 =	vld [tilespmem:$0x45B0];
	v26 =	vmul.f32 v31, v26  }
0x21b: {  	v48 =	vpop (erf)  }
0x21c: {  	[tilespmem:s28+$0xFFFFFFB0] =	vst v25;
	v24 =	vmul.f32 v24, v48;
	v26 =	vadd.f32 v30, v26  }
0x21d: {  	s10 =	simm.s32 $0x360;
	[tilespmem:s26+$0xFFFFFFA0] =	vst v1;
	v30 =	vmul.f32 v47, v58  }
0x21e: {  	v55 =	vmov s10;
	v25 =	vld [tilespmem:s26+$0xFFFFFFB0];
	v24 =	vadd.f32 v46, v24;
	[tilespmem:s28+$0x30] =	vst v26  }
0x21f: {  	v36 =	vadd.s32 $0x83, v55;
	v26 =	vadd.f32 v49, v30;
	v30 =	vld [tilespmem:s26+$0x40];
	[tilespmem:s26+$0x30] =	vst v1  }
0x220: {  	v43 =	vadd.s32 $0x81, v55;
	v31 =	vld [tilespmem:$0x45C0];
	[tilespmem:s28+$0xC0] =	vst v24  }
0x221: {  	v24 =	vld [tilespmem:s26+$0xE0];
	[tilespmem:s26+$0xD0] =	vst v1  }
0x222: {  	v23 =	vadd.f32 $1.000000020e-16, v23;
	[tilespmem:s28+$0xFFFFFF30] =	vst v26;
	v26 =	vld [tilespmem:$0x45C0]  }
0x223: {  	s29 =	simm.s32 $0x3F0;
	v25 =	vmul.f32 v25, v21;
	v50 =	vld [tilespmem:$0x45D0]  }
0x224: {  	(erf) = vrcp.f32 v23;
	v63 =	vld.idx.msk [tilespmem:v36+s16+$0x0], $0xffff;
	v23 =	vmul.f32 v30, v22;
	v30 =	vmov s29  }
0x225: {  	s31 =	simm.s32 $0x2060;
	v43 =	vld.idx.msk [tilespmem:v43+s16+$0x0], $0xffff;
	v25 =	vadd.f32 v31, v25;
	v52 =	vand.u32 $0x1FF0, v30  }
0x226: {  	v49 =	vld [tilespmem:s31+$0xFFFFFEE0];
	[tilespmem:s26+$0xFFFFFF10] =	vst v1;
	v24 =	vmul.f32 v24, v48;
	v32 =	vadd.s32 $0x80, v52  }
0x227: {  	s9 =	simm.s32 $0x2D0;
	v51 =	vld [tilespmem:s26+$0xFFFFFF20];
	[tilespmem:s28+$0xFFFFFFC0] =	vst v25;
	v23 =	vadd.f32 v26, v23  }
0x228: {  	v25 =	vld [tilespmem:$0x45C0];
	[tilespmem:s26+$0xFFFFFFB0] =	vst v1;
	v26 =	vmov s9;
	v24 =	vadd.f32 v50, v24  }
0x229: {  	s13 =	simm.s32 $0x240;
	v31 =	vld [tilespmem:s26+$0xFFFFFFC0];
	v54 =	vand.u32 $0x1FD0, v26;
	[tilespmem:s28+$0x40] =	vst v23  }
0x22a: {  	v53 =	vld [tilespmem:$0x45D0];
	v23 =	vand.u32 $0x1FE0, v55;
	v35 =	vadd.s32 $0x80, v54;
	[tilespmem:s28+$0xD0] =	vst v24;
	v24 =	vmov s13  }
0x22b: {  	v23 =	vadd.s32 $0x80, v23;
	v57 =	vand.u32 $0xFC0, v24;
	v32 =	vld.idx.msk [tilespmem:v32+s16+$0x0], $0xffff  }
0x22c: {  	v33 =	vmul.f32 v51, v29;
	v51 =	vld [tilespmem:s31+$0xFFFFFF70];
	v38 =	vadd.s32 $0x80, v57  }
0x22d: {  	v54 =	vld [tilespmem:s31+$0x0]  }
0x22e: {  	v58 =	vld [tilespmem:s26+$0x50]  }
0x22f: {  	v35 =	vld.idx.msk [tilespmem:v35+s16+$0x0], $0xffff  }
0x230: {  	v23 =	vld.idx.msk [tilespmem:v23+s16+$0x0], $0xffff;
	v32 =	vadd.f32 $1.000000020e-16, v32  }
0x231: {  	v41 =	vadd.s32 $0x81, v26;
	[tilespmem:s26+$0x40] =	vst v1;
	v38 =	vld.idx.msk [tilespmem:v38+s16+$0x0], $0xffff  }
0x232: {  	v42 =	vld [tilespmem:$0x45D0];
	(erf) = vrcp.f32 v32  }
0x233: {  	v46 =	vadd.s32 $0x82, v26;
	v56 =	vld [tilespmem:s26+$0xF0]  }
0x234: {  	[tilespmem:s26+$0xE0] =	vst v1;
	v45 =	vadd.s32 $0x81, v24;
	v21 =	vmul.f32 v31, v21;
	v31 =	vld [tilespmem:$0x4580];
	v35 =	vadd.f32 $1.000000020e-16, v35  }
0x235: {  	v26 =	vadd.s32 $0x83, v26;
	v59 =	vld [tilespmem:$0x45E0];
	v23 =	vadd.f32 $1.000000020e-16, v23  }
0x236: {  	v61 =	vadd.s32 $0x82, v55;
	v60 =	vld.idx.msk [tilespmem:v41+s16+$0x0], $0xffff;
	(erf) = vrcp.f32 v35;
	v38 =	vadd.f32 $1.000000020e-16, v38  }
0x237: {  	v52 =	vadd.s32 $0x82, v30;
	(erf) = vrcp.f32 v23;
	v23 =	vld [tilespmem:s31+$0x90]  }
0x238: {  	v50 =	vadd.s32 $0x81, v30;
	v30 =	vadd.s32 $0x83, v30;
	v62 =	vld.idx.msk [tilespmem:v46+s16+$0x0], $0xffff;
	(erf) = vrcp.f32 v38  }
0x239: {  	v25 =	vadd.f32 v25, v33;
	v48 =	vadd.s32 $0x82, v24;
	v45 =	vld.idx.msk [tilespmem:v45+s16+$0x0], $0xffff  }
0x23a: {  	v44 =	vpop (erf);
	v24 =	vadd.s32 $0x83, v24;
	v26 =	vld.idx.msk [tilespmem:v26+s16+$0x0], $0xffff  }
0x23b: {  	v41 =	vld.idx.msk [tilespmem:v61+s16+$0x0], $0xffff;
	[tilespmem:s28+$0xFFFFFF40] =	vst v25;
	v25 =	vadd.f32 $1.000000020e-16, v43;
	v22 =	vmul.f32 v58, v22;
	v37 =	vmul.f32 v56, v44;
	v55 =	vpop (erf)  }
0x23c: {  	v34 =	vld.idx.msk [tilespmem:v52+s16+$0x0], $0xffff;
	v21 =	vadd.f32 v53, v21;
	v53 =	vadd.f32 $1.000000020e-16, v60;
	v23 =	vmul.f32 v23, v55  }
0x23d: {  	[tilespmem:s26+$0xFFFFFF20] =	vst v1;
	v30 =	vld.idx.msk [tilespmem:v30+s16+$0x0], $0xffff;
	v22 =	vadd.f32 v42, v22;
	v37 =	vadd.f32 v59, v37  }
0x23e: {  	[tilespmem:s28+$0xFFFFFFD0] =	vst v21;
	v36 =	vld.idx.msk [tilespmem:v48+s16+$0x0], $0xffff;
	v56 =	vadd.f32 $1.000000020e-16, v45;
	(erf) = vrcp.f32 v53;
	v23 =	vadd.f32 v23, v31  }
0x23f: {  	s30 =	simm.s32 $0x2E80;
	v24 =	vld.idx.msk [tilespmem:v24+s16+$0x0], $0xffff;
	[tilespmem:s28+$0x50] =	vst v22;
	v22 =	vadd.f32 $1.000000020e-16, v62;
	(erf) = vrcp.f32 v25;
	v25 =	vadd.f32 $1.000000020e-16, v26;
	v57 =	vpop (erf)  }
0x240: {  	v21 =	vld.idx.msk [tilespmem:v50+s16+$0x0], $0xffff;
	v26 =	vadd.f32 $1.000000020e-16, v41;
	(erf) = vrcp.f32 v56;
	v58 =	vpop (erf);
	v33 =	vmul.f32 v51, v57;
	[tilespmem:s30+$0x80] =	vst v23  }
0x241: {  	[tilespmem:s28+$0xE0] =	vst v37;
	(erf) = vrcp.f32 v22;
	v22 =	vadd.f32 $1.000000020e-16, v63;
	v40 =	vmul.f32 v54, v58;
	v60 =	vpop (erf);
	v61 =	vld [tilespmem:s31+$0xA0]  }
0x242: {  	v37 =	vld [tilespmem:s26+$0x100];
	[tilespmem:s26+$0xF0] =	vst v1;
	(erf) = vrcp.f32 v25;
	v25 =	vadd.f32 v33, v31;
	v23 =	vmul.f32 v49, v60  }
0x243: {  	v48 =	vld [tilespmem:$0x45D0];
	(erf) = vrcp.f32 v26;
	v26 =	vadd.f32 $1.000000020e-16, v36;
	v62 =	vadd.f32 v40, v31;
	[tilespmem:s31+$0x90] =	vst v1  }
0x244: {  	v59 =	vld [tilespmem:$0x45F0];
	(erf) = vrcp.f32 v22;
	[tilespmem:s30+$0xFFFFFF80] =	vst v25;
	v22 =	vadd.f32 v31, v23;
	v23 =	vadd.f32 $1.000000020e-16, v24  }
0x245: {  	v21 =	vadd.f32 $1.000000020e-16, v21;
	(erf) = vrcp.f32 v26;
	[tilespmem:s30+$0x0] =	vst v62;
	v24 =	vld [tilespmem:$0x4590]  }
0x246: {  	[tilespmem:s31+$0xFFFFFF70] =	vst v1;
	v31 =	vld [tilespmem:s31+$0xFFFFFF80];
	(erf) = vrcp.f32 v23;
	v25 =	vmul.f32 v61, v55  }
0x247: {  	v36 =	vpop (erf);
	[tilespmem:s30+$0xFFFFFF00] =	vst v22;
	v22 =	vld [tilespmem:s31+$0x10];
	(erf) = vrcp.f32 v21;
	v21 =	vmul.f32 v37, v44  }
0x248: {  	[tilespmem:s26+$0xFFFFFFC0] =	vst v1;
	v45 =	vld [tilespmem:$0x4590]  }
0x249: {  	v33 =	vpop (erf);
	[tilespmem:s31+$0x0] =	vst v1;
	v23 =	vld [tilespmem:s31+$0xFFFFFEF0];
	v26 =	vadd.f32 v59, v21  }
0x24a: {  	v40 =	vpop (erf);
	v46 =	vld [tilespmem:$0x4590];
	[tilespmem:s31+$0xFFFFFEE0] =	vst v1;
	v24 =	vadd.f32 v24, v25  }
0x24b: {  	[tilespmem:s26+$0x50] =	vst v1;
	v47 =	vld [tilespmem:$0x4590];
	v31 =	vmul.f32 v31, v57;
	v25 =	vpop (erf)  }
0x24c: {  	v63 =	vld [tilespmem:s26+$0xFFFFFF30];
	v21 =	vpop (erf);
	[tilespmem:s30+$0x90] =	vst v24;
	v24 =	vmul.f32 v22, v58  }
0x24d: {  	[tilespmem:s28+$0xF0] =	vst v26;
	v31 =	vadd.f32 v45, v31;
	v49 =	vld [tilespmem:s31+$0xB0];
	v26 =	vpop (erf)  }
0x24e: {  	v50 =	vld [tilespmem:s26+$0xFFFFFFD0];
	v35 =	vmul.f32 v23, v60;
	[tilespmem:s31+$0xA0] =	vst v1;
	v22 =	vpop (erf)  }
0x24f: {  	v42 =	vadd.f32 v46, v24;
	v51 =	vld [tilespmem:$0x45A0];
	[tilespmem:s30+$0xFFFFFF90] =	vst v31;
	v23 =	vpop (erf)  }
0x250: {  	v35 =	vadd.f32 v47, v35;
	v52 =	vld [tilespmem:s31+$0xFFFFFF90];
	[tilespmem:s31+$0xFFFFFF80] =	vst v1;
	v24 =	vpop (erf)  }
0x251: {  	v29 =	vmul.f32 v63, v29;
	[tilespmem:s30+$0x10] =	vst v42;
	v56 =	vld [tilespmem:$0x45A0];
	v53 =	vpop (erf)  }
0x252: {  	[tilespmem:s30+$0xFFFFFF10] =	vst v35;
	v54 =	vld [tilespmem:s31+$0x20];
	v39 =	vmul.f32 v49, v53  }
0x253: {  	v29 =	vadd.f32 v48, v29;
	[tilespmem:s31+$0x10] =	vst v1;
	v55 =	vld [tilespmem:s31+$0xFFFFFF00]  }
0x254: {  	[tilespmem:s31+$0xFFFFFEF0] =	vst v1;
	v57 =	vld [tilespmem:$0x45A0];
	v39 =	vadd.f32 v51, v39  }
0x255: {  	[tilespmem:s28+$0xFFFFFF50] =	vst v29;
	v58 =	vld [tilespmem:$0x45A0]  }
0x256: {  	v63 =	vld [tilespmem:$0x45E0];
	v59 =	vmul.f32 v52, v36;
	[tilespmem:s30+$0xA0] =	vst v39  }
0x257: {  	[tilespmem:s26+$0xFFFFFF30] =	vst v1;
	v29 =	vmul.f32 v54, v33;
	v60 =	vld [tilespmem:s31+$0xC0]  }
0x258: {  	v45 =	vld [tilespmem:$0x45E0];
	v38 =	vmul.f32 v55, v40;
	v39 =	vadd.f32 v56, v59;
	[tilespmem:s31+$0xB0] =	vst v1  }
0x259: {  	[tilespmem:s26+$0x100] =	vst v1;
	v29 =	vadd.f32 v57, v29;
	v61 =	vld [tilespmem:$0x45B0]  }
0x25a: {  	v62 =	vadd.f32 $1.000000020e-16, v34;
	v31 =	vld [tilespmem:s26+$0x60];
	v38 =	vadd.f32 v58, v38;
	[tilespmem:s30+$0xFFFFFFA0] =	vst v39  }
0x25b: {  	v46 =	vld [tilespmem:s31+$0xFFFFFFA0];
	[tilespmem:s30+$0x20] =	vst v29  }
0x25c: {  	(erf) = vrcp.f32 v62;
	[tilespmem:s30+$0xFFFFFF20] =	vst v38;
	v47 =	vld [tilespmem:s31+$0x30];
	v29 =	vmul.f32 v60, v53  }
0x25d: {  	[tilespmem:s31+$0xFFFFFF90] =	vst v1;
	v38 =	vld [tilespmem:s31+$0xFFFFFF10]  }
0x25e: {  	v48 =	vld [tilespmem:$0x45B0];
	[tilespmem:s31+$0xFFFFFF00] =	vst v1;
	v29 =	vadd.f32 v61, v29  }
0x25f: {  	v37 =	vmul.f32 v50, v27;
	[tilespmem:s31+$0x20] =	vst v1;
	v51 =	vld [tilespmem:$0x45B0]  }
0x260: {  	s0 =	sand.u32 $0x1FF0, s0;
	v49 =	vld [tilespmem:$0x45B0];
	[tilespmem:s30+$0xB0] =	vst v29;
	v29 =	vmul.f32 v31, v28  }
0x261: {  	[tilespmem:s0+$0x1D80] =	vst v1;
	v36 =	vmul.f32 v46, v36;
	v31 =	vadd.f32 v63, v37;
	v50 =	vld [tilespmem:s31+$0xD0]  }
0x262: {  	v35 =	vld [tilespmem:s26+$0xFFFFFF40];
	v38 =	vmul.f32 v38, v40;
	[tilespmem:s31+$0xC0] =	vst v1;
	v29 =	vadd.f32 v45, v29  }
0x263: {  	v52 =	vld [tilespmem:$0x45C0];
	[tilespmem:s28+$0xFFFFFFE0] =	vst v31;
	v31 =	vadd.f32 v48, v36  }
0x264: {  	v53 =	vld [tilespmem:$0x45E0];
	v32 =	vmul.f32 v47, v33;
	v57 =	vadd.f32 v51, v38;
	[tilespmem:s28+$0x60] =	vst v29  }
0x265: {  	v54 =	vpop (erf);
	v55 =	vld [tilespmem:s26+$0xFFFFFFE0];
	[tilespmem:s30+$0xFFFFFFB0] =	vst v31  }
0x266: {  	v29 =	vadd.f32 v49, v32;
	[tilespmem:s30+$0xFFFFFF30] =	vst v57;
	v56 =	vld [tilespmem:s26+$0x70];
	v31 =	vmul.f32 v50, v54  }
0x267: {  	v58 =	vld [tilespmem:s31+$0xFFFFFFB0];
	[tilespmem:s31+$0xFFFFFFA0] =	vst v1  }
0x268: {  	v61 =	vld [tilespmem:s31+$0xFFFFFF20];
	[tilespmem:s30+$0x30] =	vst v29;
	v29 =	vadd.f32 v52, v31  }
0x269: {  	[tilespmem:s26+$0xFFFFFFD0] =	vst v1;
	v60 =	vld [tilespmem:$0x45C0]  }
0x26a: {  	v59 =	vld [tilespmem:s31+$0x40];
	[tilespmem:s30+$0xC0] =	vst v29  }
0x26b: {  	[tilespmem:s31+$0x30] =	vst v1;
	v31 =	vmul.f32 v35, v20;
	v62 =	vld [tilespmem:s31+$0xE0]  }
0x26c: {  	v63 =	vadd.f32 $1.000000020e-16, v30;
	v34 =	vld [tilespmem:$0x45C0];
	v37 =	vmul.f32 v58, v25;
	[tilespmem:s31+$0xD0] =	vst v1  }
0x26d: {  	[tilespmem:s31+$0xFFFFFF10] =	vst v1;
	v36 =	vadd.f32 v53, v31;
	v35 =	vld [tilespmem:$0x45D0]  }
0x26e: {  	s7 =	sand.u32 $0x1FD0, s1;
	s6 =	sand.u32 $0x1FE0, s2;
	s2 =	sand.u32 $0x1FD0, s9;
	(erf) = vrcp.f32 v63;
	v32 =	vld [tilespmem:$0x45F0];
	[tilespmem:s26+$0x60] =	vst v1;
	v29 =	vmul.f32 v55, v27;
	v37 =	vadd.f32 v60, v37  }
0x26f: {  	s1 =	sand.u32 $0x1FE0, s10;
	s10 =	simm.s32 $0x480;
	s9 =	simm.s32 $0x4;
	v28 =	vmul.f32 v56, v28;
	v31 =	vld [tilespmem:$0x45C0];
	[tilespmem:s28+$0xFFFFFF60] =	vst v36;
	v30 =	vmul.f32 v59, v26  }
0x270: {  	s0 =	sand.u32 $0xFC0, s25;
	s25 =	sand.u32 $0xFC0, s13;
	s13 =	simm.s32 $0x2060;
	v33 =	vmul.f32 v61, v23;
	v27 =	vld [tilespmem:s26+$0xFFFFFF50];
	[tilespmem:s30+$0xFFFFFFC0] =	vst v37;
	v36 =	vmul.f32 v62, v54  }
.LBB2_5:
0x271: {  	v37 =	vmov s10;
	s21 =	sadd.s32 $0x90, s10;
	s17 =	sadd.s32 $0x120, s10;
	s12 =	sadd.s32 $0x1B0, s10;
	[tilespmem:s31+$0xFFFFFFB0] =	vst v1;
	v38 =	vld [tilespmem:s31+$0xFFFFFFC0];
	v34 =	vadd.f32 v34, v30  }
0x272: {  	s20 =	sand.u32 $0xFC0, s10;
	v39 =	vmov s21;
	s22 =	sand.u32 $0x1FD0, s21;
	s21 =	sand.u32 $0x1FE0, s17;
	v30 =	vmov s12;
	v40 =	vld [tilespmem:$0x45D0];
	v35 =	vadd.f32 v35, v36;
	[tilespmem:s26+$0xFFFFFF40] =	vst v1  }
0x273: {  	s9 =	sadd.s32 $0x4, s9;
	v41 =	vmov s17;
	v36 =	vand.u32 $0x1FD0, v39;
	v42 =	vand.u32 $0x1FF0, v30;
	[tilespmem:s30+$0x40] =	vst v34;
	v34 =	vld [tilespmem:$0x45F0]  }
0x274: {  	v43 =	vand.u32 $0xFC0, v37;
	p1 =	slt.u32 s9, $0x14;
	v44 =	vand.u32 $0x1FE0, v41;
	v42 =	vadd.s32 $0x80, v42;
	v45 =	vld [tilespmem:s31+$0x50];
	[tilespmem:s30+$0xD0] =	vst v35  }
0x275: {  	v35 =	vadd.s32 $0x80, v43;
	v36 =	vadd.s32 $0x80, v36;
	v43 =	vadd.s32 $0x80, v44;
	[tilespmem:s31+$0x40] =	vst v1;
	v44 =	vld [tilespmem:s31+$0xF0]  }
0x276: {  	v46 =	vadd.s32 $0x81, v37;
	v47 =	vadd.s32 $0x81, v39;
	v48 =	vadd.s32 $0x81, v41;
	v49 =	vld [tilespmem:$0x45D0];
	[tilespmem:s31+$0xE0] =	vst v1  }
0x277: {  	v50 =	vadd.s32 $0x82, v39;
	v39 =	vadd.s32 $0x83, v39;
	v51 =	vadd.s32 $0x82, v41;
	v52 =	vld [tilespmem:$0x45E0]  }
0x278: {  	v53 =	vadd.s32 $0x82, v37;
	v37 =	vadd.s32 $0x83, v37;
	v41 =	vadd.s32 $0x83, v41;
	v54 =	vld [tilespmem:$0x45F0]  }
0x279: {  	v31 =	vadd.f32 v31, v33;
	v25 =	vmul.f32 v38, v25;
	v42 =	vld.idx.msk [tilespmem:v42+s16+$0x0], $0xffff;
	v26 =	vmul.f32 v45, v26;
	v33 =	vpop (erf)  }
0x27a: {  	v27 =	vmul.f32 v27, v20;
	v29 =	vadd.f32 v32, v29;
	v36 =	vld.idx.msk [tilespmem:v36+s16+$0x0], $0xffff;
	v38 =	vmul.f32 v44, v33  }
0x27b: {  	v20 =	vmov v24;
	v25 =	vadd.f32 v40, v25;
	v32 =	vld.idx.msk [tilespmem:v43+s16+$0x0], $0xffff;
	[tilespmem:s30+$0xFFFFFF40] =	vst v31;
	v26 =	vadd.f32 v49, v26  }
0x27c: {  	v28 =	vadd.f32 v34, v28;
	v24 =	vld.idx.msk [tilespmem:v35+s16+$0x0], $0xffff;
	[tilespmem:s31+$0xFFFFFF20] =	vst v1;
	v31 =	vadd.f32 v52, v38  }
0x27d: {  	v34 =	vld.idx.msk [tilespmem:v47+s16+$0x0], $0xffff;
	[tilespmem:s30+$0xFFFFFFD0] =	vst v25;
	v25 =	vadd.f32 v54, v27  }
0x27e: {  	v27 =	vld.idx.msk [tilespmem:v48+s16+$0x0], $0xffff;
	[tilespmem:s30+$0xE0] =	vst v31  }
0x27f: {  	v31 =	vadd.f32 $1.000000020e-16, v42;
	[tilespmem:s30+$0x50] =	vst v26;
	v26 =	vld [tilespmem:s31+$0x100]  }
0x280: {  	v36 =	vadd.f32 $1.000000020e-16, v36;
	v35 =	vld.idx.msk [tilespmem:v46+s16+$0x0], $0xffff;
	[tilespmem:s31+$0xF0] =	vst v1  }
0x281: {  	v32 =	vadd.f32 $1.000000020e-16, v32;
	(erf) = vrcp.f32 v31;
	[tilespmem:s31+$0xFFFFFFC0] =	vst v1;
	v31 =	vld [tilespmem:$0x45F0]  }
0x282: {  	v24 =	vadd.f32 $1.000000020e-16, v24;
	v38 =	vld.idx.msk [tilespmem:v50+s16+$0x0], $0xffff;
	(erf) = vrcp.f32 v36;
	[tilespmem:s31+$0x50] =	vst v1  }
0x283: {  	v34 =	vadd.f32 $1.000000020e-16, v34;
	v36 =	vld.idx.msk [tilespmem:v39+s16+$0x0], $0xffff;
	(erf) = vrcp.f32 v32;
	[tilespmem:s28+$0xFFFFFFF0] =	vst v29  }
0x284: {  	v27 =	vadd.f32 $1.000000020e-16, v27;
	v29 =	vld.idx.msk [tilespmem:v51+s16+$0x0], $0xffff;
	(erf) = vrcp.f32 v24;
	v24 =	vmul.f32 v26, v33;
	[tilespmem:s26+$0xFFFFFFE0] =	vst v1  }
0x285: {  	s31 =	sadd.s32 $0x240, s31;
	v26 =	vld.idx.msk [tilespmem:v41+s16+$0x0], $0xffff;
	(erf) = vrcp.f32 v34;
	[tilespmem:s7+$0x1D80] =	vst v1;
	s7 =	smov.u32 s2;
	s2 =	smov.u32 s22  }
0x286: {  	v32 =	vadd.f32 $1.000000020e-16, v35;
	v33 =	vld [tilespmem:s31+$0x90];
	(erf) = vrcp.f32 v27;
	v24 =	vadd.f32 v31, v24;
	[tilespmem:s28+$0x70] =	vst v28  }
0x287: {  	v27 =	vld [tilespmem:s31+$0xFFFFFEE0];
	[tilespmem:s26+$0x70] =	vst v1  }
0x288: {  	v34 =	vadd.s32 $0x81, v30;
	v31 =	vadd.f32 $1.000000020e-16, v38;
	v28 =	vld [tilespmem:$0x4580];
	(erf) = vrcp.f32 v32;
	[tilespmem:s30+$0xF0] =	vst v24  }
0x289: {  	s17 =	sand.u32 $0x1FF0, s29;
	s29 =	smov.u32 s12;
	v35 =	vadd.s32 $0x82, v30;
	v24 =	vadd.f32 $1.000000020e-16, v36;
	v32 =	vld [tilespmem:s31+$0xFFFFFF70];
	[tilespmem:s13+$0x100] =	vst v1  }
0x28a: {  	v30 =	vadd.s32 $0x83, v30;
	v29 =	vadd.f32 $1.000000020e-16, v29;
	v36 =	vld [tilespmem:s31+$0x0];
	(erf) = vrcp.f32 v31;
	v38 =	vpop (erf);
	[tilespmem:s17+$0x1D80] =	vst v1  }
0x28b: {  	v26 =	vadd.f32 $1.000000020e-16, v26;
	v39 =	vld.idx.msk [tilespmem:v53+s16+$0x0], $0xffff;
	v31 =	vmul.f32 v33, v38;
	v33 =	vpop (erf);
	(erf) = vrcp.f32 v24;
	[tilespmem:s6+$0x1D80] =	vst v1;
	s6 =	smov.u32 s1;
	s1 =	smov.u32 s21  }
0x28c: {  	v24 =	vld.idx.msk [tilespmem:v37+s16+$0x0], $0xffff;
	v37 =	vpop (erf);
	(erf) = vrcp.f32 v29;
	[tilespmem:s28+$0xFFFFFF70] =	vst v25;
	s28 =	smov.u32 s30  }
0x28d: {  	v25 =	vld.idx.msk [tilespmem:v34+s16+$0x0], $0xffff;
	v40 =	vadd.f32 v31, v28;
	v34 =	vpop (erf);
	(erf) = vrcp.f32 v26;
	[tilespmem:s26+$0xFFFFFF50] =	vst v1;
	s26 =	smov.u32 s13;
	s13 =	smov.u32 s31  }
0x28e: {  	s30 =	sadd.s32 $0x200, s30;
	v26 =	vmul.f32 v27, v34;
	v41 =	vmul.f32 v32, v33;
	v35 =	vld.idx.msk [tilespmem:v35+s16+$0x0], $0xffff;
	v29 =	vpop (erf);
	[tilespmem:s0+$0x1D80] =	vst v1;
	s0 =	smov.u32 s25;
	s25 =	smov.u32 s20  }
0x28f: {  	v36 =	vmul.f32 v36, v37;
	v27 =	vld.idx.msk [tilespmem:v30+s16+$0x0], $0xffff;
	[tilespmem:s30+$0x80] =	vst v40;
	v31 =	vpop (erf)  }
0x290: {  	v26 =	vadd.f32 v28, v26;
	v30 =	vadd.f32 v41, v28;
	v40 =	vld [tilespmem:s31+$0xA0]  }
0x291: {  	v39 =	vadd.f32 $1.000000020e-16, v39;
	v43 =	vadd.f32 v36, v28;
	[tilespmem:s31+$0x90] =	vst v1;
	v32 =	vpop (erf);
	v36 =	vld [tilespmem:s26+$0xFFFFFF30]  }
0x292: {  	v24 =	vadd.f32 $1.000000020e-16, v24;
	[tilespmem:s30+$0xFFFFFF80] =	vst v30;
	v41 =	vld [tilespmem:$0x4590]  }
0x293: {  	v42 =	vld [tilespmem:s31+$0xFFFFFF80];
	[tilespmem:s30+$0x0] =	vst v43;
	v43 =	vadd.f32 $1.000000020e-16, v25;
	(erf) = vrcp.f32 v39;
	v25 =	vpop (erf)  }
0x294: {  	[tilespmem:s30+$0xFFFFFF00] =	vst v26;
	v39 =	vld [tilespmem:s31+$0x10];
	(erf) = vrcp.f32 v24;
	v28 =	vpop (erf)  }
0x295: {  	v24 =	vld [tilespmem:s31+$0xFFFFFEF0];
	[tilespmem:s31+$0xFFFFFF70] =	vst v1;
	v38 =	vmul.f32 v40, v38;
	v26 =	vpop (erf);
	(erf) = vrcp.f32 v43  }
0x296: {  	v40 =	vld [tilespmem:$0x4590];
	[tilespmem:s31+$0x0] =	vst v1;
	v30 =	vpop (erf);
	v36 =	vmul.f32 v36, v23  }
0x297: {  	[tilespmem:s31+$0xFFFFFEE0] =	vst v1;
	v23 =	vld [tilespmem:$0x4590];
	v38 =	vadd.f32 v41, v38  }
0x298: {  	v41 =	vld [tilespmem:$0x4590];
	v33 =	vmul.f32 v42, v33  }
0x299: {  	v37 =	vmul.f32 v39, v37;
	[tilespmem:s30+$0x90] =	vst v38;
	v38 =	vld [tilespmem:$0x45D0]  }
0x29a: {  	v42 =	vmul.f32 v24, v34;
	v34 =	vld [tilespmem:s31+$0xB0]  }
0x29b: {  	v33 =	vadd.f32 v40, v33;
	[tilespmem:s31+$0xA0] =	vst v1;
	v39 =	vld [tilespmem:s26+$0xFFFFFFD0]  }
0x29c: {  	v43 =	vadd.f32 v23, v37;
	v40 =	vld [tilespmem:$0x45A0];
	v23 =	vpop (erf)  }
0x29d: {  	v41 =	vadd.f32 v41, v42;
	[tilespmem:s30+$0xFFFFFF90] =	vst v33;
	v24 =	vpop (erf);
	v33 =	vld [tilespmem:s26+$0x60]  }
0x29e: {  	v42 =	vld [tilespmem:s31+$0xFFFFFF90];
	[tilespmem:s30+$0x10] =	vst v43;
	v37 =	vpop (erf);
	v36 =	vadd.f32 v38, v36  }
0x29f: {  	[tilespmem:s30+$0xFFFFFF10] =	vst v41;
	v38 =	vld [tilespmem:s31+$0x20];
	v34 =	vmul.f32 v34, v37  }
0x2a0: {  	v41 =	vld [tilespmem:s31+$0xFFFFFF00];
	[tilespmem:s31+$0xFFFFFF80] =	vst v1;
	v39 =	vmul.f32 v39, v21  }
0x2a1: {  	v43 =	vld [tilespmem:$0x45A0];
	[tilespmem:s31+$0x10] =	vst v1;
	v34 =	vadd.f32 v40, v34  }
0x2a2: {  	[tilespmem:s31+$0xFFFFFEF0] =	vst v1;
	v40 =	vld [tilespmem:$0x45A0];
	v33 =	vmul.f32 v33, v22  }
0x2a3: {  	v44 =	vld [tilespmem:$0x45A0];
	v42 =	vmul.f32 v42, v29;
	[tilespmem:s30+$0xA0] =	vst v34  }
0x2a4: {  	v34 =	vmul.f32 v38, v31;
	v38 =	vld [tilespmem:s31+$0xC0];
	[tilespmem:s28+$0xFFFFFF50] =	vst v36  }
0x2a5: {  	v36 =	vmul.f32 v41, v32;
	[tilespmem:s31+$0xB0] =	vst v1;
	v41 =	vld [tilespmem:s26+$0xFFFFFF40]  }
0x2a6: {  	v42 =	vadd.f32 v43, v42;
	v43 =	vld [tilespmem:$0x45B0];
	[tilespmem:s26+$0xFFFFFF30] =	vst v1  }
0x2a7: {  	v35 =	vadd.f32 $1.000000020e-16, v35;
	v34 =	vadd.f32 v40, v34;
	v40 =	vld [tilespmem:$0x45E0]  }
0x2a8: {  	v36 =	vadd.f32 v44, v36;
	[tilespmem:s30+$0xFFFFFFA0] =	vst v42;
	v42 =	vld [tilespmem:$0x45E0]  }
0x2a9: {  	v44 =	vld [tilespmem:s31+$0xFFFFFFA0];
	[tilespmem:s30+$0x20] =	vst v34;
	v34 =	vmul.f32 v38, v37;
	(erf) = vrcp.f32 v35  }
0x2aa: {  	[tilespmem:s30+$0xFFFFFF20] =	vst v36;
	v35 =	vld [tilespmem:s31+$0x30];
	v36 =	vmul.f32 v41, v20  }
0x2ab: {  	v37 =	vld [tilespmem:s31+$0xFFFFFF10];
	[tilespmem:s31+$0xFFFFFF90] =	vst v1;
	v34 =	vadd.f32 v43, v34  }
0x2ac: {  	v38 =	vld [tilespmem:$0x45B0];
	[tilespmem:s31+$0x20] =	vst v1;
	v39 =	vadd.f32 v40, v39  }
0x2ad: {  	v40 =	vld [tilespmem:$0x45B0];
	[tilespmem:s30+$0xB0] =	vst v34;
	v33 =	vadd.f32 v42, v33  }
0x2ae: {  	[tilespmem:s31+$0xFFFFFF00] =	vst v1;
	v29 =	vmul.f32 v44, v29;
	v34 =	vld [tilespmem:s31+$0xD0]  }
0x2af: {  	v41 =	vld [tilespmem:$0x45B0];
	v31 =	vmul.f32 v35, v31;
	[tilespmem:s31+$0xC0] =	vst v1  }
0x2b0: {  	v32 =	vmul.f32 v37, v32;
	v35 =	vld [tilespmem:$0x45C0];
	[tilespmem:s28+$0xFFFFFFE0] =	vst v39  }
0x2b1: {  	v29 =	vadd.f32 v38, v29;
	v37 =	vld [tilespmem:$0x45E0];
	[tilespmem:s28+$0x60] =	vst v33  }
0x2b2: {  	v31 =	vadd.f32 v40, v31;
	v38 =	vpop (erf);
	[tilespmem:s26+$0xFFFFFFD0] =	vst v1;
	v33 =	vld [tilespmem:s26+$0xFFFFFFE0]  }
0x2b3: {  	[tilespmem:s30+$0xFFFFFFB0] =	vst v29;
	v29 =	vmul.f32 v34, v38;
	v34 =	vld [tilespmem:s26+$0x70]  }
0x2b4: {  	v32 =	vadd.f32 v41, v32;
	v39 =	vld [tilespmem:s31+$0xFFFFFFB0];
	[tilespmem:s30+$0x30] =	vst v31  }
0x2b5: {  	[tilespmem:s31+$0xFFFFFFA0] =	vst v1;
	v31 =	vld [tilespmem:s31+$0x40];
	v29 =	vadd.f32 v35, v29  }
0x2b6: {  	[tilespmem:s30+$0xFFFFFF30] =	vst v32;
	v32 =	vld [tilespmem:$0x45C0];
	v36 =	vadd.f32 v37, v36  }
0x2b7: {  	v37 =	vld [tilespmem:s31+$0xFFFFFF20];
	[tilespmem:s30+$0xC0] =	vst v29;
	v29 =	vmul.f32 v33, v21;
	v21 =	vmov v28  }
0x2b8: {  	[tilespmem:s31+$0x30] =	vst v1;
	v40 =	vld [tilespmem:s31+$0xE0];
	v28 =	vmul.f32 v34, v22;
	v22 =	vmov v30  }
.Ltmp3:
0x2b9: {  	v33 =	vmul.f32 v39, v25;
	v34 =	vld [tilespmem:$0x45C0];
	[tilespmem:s31+$0xD0] =	vst v1;
	(pc) =	sbr.rel @p1 .LBB2_5-.Ltmp3, $4  }
0x2ba: {  	[tilespmem:s31+$0xFFFFFF10] =	vst v1;
	v30 =	vmul.f32 v31, v26;
	v35 =	vld [tilespmem:$0x45D0]  }
0x2bb: {  	v39 =	vadd.f32 $1.000000020e-16, v27;
	v31 =	vld [tilespmem:$0x45C0];
	v32 =	vadd.f32 v32, v33;
	[tilespmem:s28+$0xFFFFFF60] =	vst v36  }
0x2bc: {  	v33 =	vmul.f32 v37, v23;
	v27 =	vld [tilespmem:s26+$0xFFFFFF50];
	[tilespmem:s26+$0x60] =	vst v1  }
0x2bd: {  	s10 =	sadd.s32 $0x240, s10;
	[tilespmem:s30+$0xFFFFFFC0] =	vst v32;
	v36 =	vmul.f32 v40, v38;
	(erf) = vrcp.f32 v39;
	v32 =	vld [tilespmem:$0x45F0]  }
0x2be: {  	[tilespmem:s31+$0xFFFFFFB0] =	vst v1;
	v30 =	vadd.f32 v34, v30  }
0x2bf: {  	v44 =	vld [tilespmem:s31+$0xFFFFFFC0];
	[tilespmem:s26+$0xFFFFFF40] =	vst v1;
	v35 =	vadd.f32 v35, v36  }
0x2c0: {  	v45 =	vld [tilespmem:$0x45D0];
	[tilespmem:s30+$0x40] =	vst v30  }
0x2c1: {  	[tilespmem:s30+$0xD0] =	vst v35;
	v47 =	vld [tilespmem:s31+$0x50]  }
0x2c2: {  	v31 =	vadd.f32 v31, v33;
	[tilespmem:s31+$0x40] =	vst v1;
	v46 =	vld [tilespmem:s31+$0xF0]  }
0x2c3: {  	[tilespmem:s31+$0xE0] =	vst v1;
	v38 =	vld [tilespmem:$0x45D0]  }
0x2c4: {  	[tilespmem:s30+$0xFFFFFF40] =	vst v31;
	v29 =	vadd.f32 v32, v29;
	v37 =	vld [tilespmem:$0x45E0];
	v25 =	vmul.f32 v44, v25  }
0x2c5: {  	[tilespmem:s31+$0xFFFFFF20] =	vst v1  }
0x2c6: {  	[tilespmem:s28+$0xFFFFFFF0] =	vst v29;
	v25 =	vadd.f32 v45, v25;
	v48 =	vpop (erf);
	v26 =	vmul.f32 v47, v26  }
0x2c7: {  	v49 =	vld [tilespmem:$0x45F0];
	[tilespmem:s26+$0xFFFFFFE0] =	vst v1;
	v30 =	vmul.f32 v46, v48  }
0x2c8: {  	v57 =	vld [tilespmem:$0x45F0];
	[tilespmem:s30+$0xFFFFFFD0] =	vst v25;
	v26 =	vadd.f32 v38, v26  }
0x2c9: {  	v51 =	vld [tilespmem:s13+$0xFFFFFF30];
	[tilespmem:s31+$0xFFFFFFC0] =	vst v1;
	v30 =	vadd.f32 v37, v30  }
0x2ca: {  	v53 =	vld [tilespmem:$0x45D0];
	[tilespmem:s30+$0x50] =	vst v26  }
0x2cb: {  	v20 =	vmul.f32 v27, v20;
	v54 =	vld [tilespmem:s13+$0xFFFFFFD0];
	[tilespmem:s30+$0xE0] =	vst v30  }
0x2cc: {  	[tilespmem:s31+$0x50] =	vst v1;
	v50 =	vld [tilespmem:s31+$0x100]  }
0x2cd: {  	v20 =	vadd.f32 v57, v20;
	[tilespmem:s31+$0xF0] =	vst v1;
	v56 =	vld [tilespmem:s13+$0x60]  }
0x2ce: {  	[tilespmem:s7+$0x1D80] =	vst v1;
	v23 =	vmul.f32 v51, v23;
	v52 =	vld [tilespmem:$0x45F0]  }
0x2cf: {  	[tilespmem:s28+$0xFFFFFF70] =	vst v20;
	v25 =	vadd.f32 v49, v28;
	v59 =	vld [tilespmem:$0x45E0]  }
0x2d0: {  	[tilespmem:s26+$0xFFFFFF50] =	vst v1;
	v23 =	vadd.f32 v53, v23  }
0x2d1: {  	v55 =	vld [tilespmem:$0x45E0];
	[tilespmem:s28+$0x70] =	vst v25;
	v26 =	vmul.f32 v50, v48  }
0x2d2: {  	[tilespmem:s30+$0xFFFFFF50] =	vst v23;
	v25 =	vmul.f32 v56, v22  }
0x2d3: {  	[tilespmem:s0+$0x1D80] =	vst v1;
	v60 =	vld [tilespmem:s13+$0xFFFFFF40];
	v26 =	vadd.f32 v52, v26  }
0x2d4: {  	v58 =	vmul.f32 v54, v21;
	[tilespmem:s13+$0xFFFFFF30] =	vst v1;
	v23 =	vadd.f32 v59, v25  }
0x2d5: {  	v61 =	vld [tilespmem:$0x45E0];
	[tilespmem:s30+$0xF0] =	vst v26  }
0x2d6: {  	v26 =	vadd.f32 v55, v58;
	[tilespmem:s30+$0x60] =	vst v23  }
0x2d7: {  	v20 =	vld [tilespmem:s13+$0x70];
	[tilespmem:s13+$0x60] =	vst v1  }
0x2d8: {  	v63 =	vmul.f32 v60, v24;
	[tilespmem:s30+$0xFFFFFFE0] =	vst v26;
	v32 =	vld [tilespmem:$0x45F0]  }
0x2d9: {  	[tilespmem:s26+$0x70] =	vst v1;
	v62 =	vld [tilespmem:s13+$0xFFFFFFE0]  }
0x2da: {  	v26 =	vadd.f32 v61, v63;
	[tilespmem:s13+$0xFFFFFFD0] =	vst v1  }
0x2db: {  	[tilespmem:s6+$0x1D80] =	vst v1;
	v30 =	vld [tilespmem:$0x45F0]  }
0x2dc: {  	[tilespmem:s30+$0xFFFFFF60] =	vst v26;
	v20 =	vmul.f32 v20, v22  }
0x2dd: {  	[tilespmem:s13+$0x100] =	vst v1;
	v26 =	vld [tilespmem:s13+$0xFFFFFF50]  }
0x2de: {  	s22 =	sand.u32 $0x1FF0, s29;
	[tilespmem:s13+$0xFFFFFF40] =	vst v1;
	v31 =	vmul.f32 v62, v21;
	v20 =	vadd.f32 v32, v20  }
0x2df: {  	[tilespmem:s22+$0x1D80] =	vst v1;
	v33 =	vld [tilespmem:$0x45F0]  }
0x2e0: {  	v21 =	vadd.f32 v30, v31;
	[tilespmem:s30+$0x70] =	vst v20  }
0x2e1: {  	[tilespmem:s13+$0x70] =	vst v1  }
0x2e2: {  	v34 =	vmul.f32 v26, v24;
	[tilespmem:s30+$0xFFFFFFF0] =	vst v21  }
0x2e3: {  	[tilespmem:s1+$0x1D80] =	vst v1  }
0x2e4: {  	v20 =	vadd.f32 v33, v34;
	[tilespmem:s13+$0xFFFFFFE0] =	vst v1  }
0x2e5: {  	[tilespmem:s2+$0x1D80] =	vst v1  }
0x2e6: {  	[tilespmem:s30+$0xFFFFFF70] =	vst v20  }
0x2e7: {  	[tilespmem:s13+$0xFFFFFF50] =	vst v1  }
0x2e8: {  	[tilespmem:s25+$0x1D80] =	vst v1  }
0x2e9: {  	v20 =	vld.idx.msk [tilespmem:v16+s16+$0x0], $0xffff;
	_ =	sdelay $0x2  }
0x2ea: {  	v35 =	vld.idx.msk [tilespmem:v17+s16+$0x0], $0xffff;
	_ =	sdelay $0x1  }
0x2eb: {  	v20 =	vadd.f32 $1.000000020e-16, v20;
	_ =	sdelay $0x1  }
0x2ec: {  	(erf) = vrcp.f32 v20;
	v20 =	vld.idx.msk [tilespmem:v18+s16+$0x0], $0xffff  }
0x2ed: {  	v21 =	vadd.f32 $1.000000020e-16, v35;
	_ =	sdelay $0x1  }
0x2ee: {  	(erf) = vrcp.f32 v21  }
0x2ef: {  	v36 =	vld.idx.msk [tilespmem:v19+s16+$0x0], $0xffff  }
0x2f0: {  	v37 =	vld [tilespmem:$0x2A80];
	v20 =	vadd.f32 $1.000000020e-16, v20  }
0x2f1: {  	v39 =	vld [tilespmem:$0x2A90]  }
0x2f2: {  	v41 =	vld [tilespmem:$0x2AA0];
	(erf) = vrcp.f32 v20  }
0x2f3: {  	v20 =	vld [tilespmem:$0x4590]  }
0x2f4: {  	v42 =	vld [tilespmem:$0x45A0];
	v21 =	vadd.f32 $1.000000020e-16, v36  }
0x2f5: {  	v43 =	vld [tilespmem:$0x2AB0];
	v40 =	vpop (erf)  }
0x2f6: {  	v46 =	vld [tilespmem:$0x45B0];
	[tilespmem:$0x2A80] =	vst v1;
	(erf) = vrcp.f32 v21;
	v45 =	vmul.f32 v39, v40  }
0x2f7: {  	v48 =	vld [tilespmem:$0x2AC0];
	[tilespmem:$0x2A90] =	vst v1;
	v47 =	vpop (erf)  }
0x2f8: {  	v50 =	vld [tilespmem:$0x45C0];
	[tilespmem:$0x2AA0] =	vst v1;
	v49 =	vmul.f32 v41, v47;
	v20 =	vadd.f32 v20, v45  }
0x2f9: {  	v51 =	vld [tilespmem:$0x2AD0];
	[tilespmem:$0x2AB0] =	vst v1  }
0x2fa: {  	v53 =	vld [tilespmem:$0x45D0];
	v52 =	vmul.f32 v43, v47;
	[tilespmem:$0x3790] =	vst v20;
	v20 =	vadd.f32 v42, v49  }
0x2fb: {  	v55 =	vld [tilespmem:$0x2AE0];
	[tilespmem:$0x2AC0] =	vst v1;
	v54 =	vpop (erf)  }
0x2fc: {  	v57 =	vld [tilespmem:$0x45E0];
	[tilespmem:$0x37A0] =	vst v20;
	v20 =	vadd.f32 v46, v52;
	v56 =	vmul.f32 v48, v54  }
0x2fd: {  	v58 =	vld [tilespmem:$0x2AF0];
	[tilespmem:$0x2AD0] =	vst v1  }
0x2fe: {  	v38 =	vld [tilespmem:$0x4580];
	v59 =	vmul.f32 v51, v54;
	[tilespmem:$0x37B0] =	vst v20;
	v20 =	vadd.f32 v50, v56  }
0x2ff: {  	v61 =	vld [tilespmem:$0x45F0];
	[tilespmem:$0x2AE0] =	vst v1;
	v60 =	vpop (erf)  }
0x300: {  	v62 =	vmul.f32 v55, v60;
	[tilespmem:$0x37C0] =	vst v20;
	v20 =	vadd.f32 v53, v59  }
0x301: {  	[tilespmem:$0x2AF0] =	vst v1;
	v22 =	vmul.f32 v37, v40  }
0x302: {  	v63 =	vmul.f32 v58, v60;
	[tilespmem:$0x37D0] =	vst v20;
	v20 =	vadd.f32 v57, v62  }
0x303: {  	[tilespmem:$0x2B00] =	vst v1;
	v44 =	vadd.f32 v38, v22  }
0x304: {  	s30 =	smul.u32 $0x190, s24;
	[tilespmem:$0x37E0] =	vst v20;
	v20 =	vadd.f32 v61, v63  }
0x305: {  	p1 =	seq.s32 s23, $0x3F;
	[tilespmem:$0x3780] =	vst v44  }
0x306: {  	s31 =	simm.s32 $0x2B80;
	s1 =	smul.u32 @!p1 $0xE10, s24;
	s0 =	sadd.s32 s3, s30;
	[tilespmem:$0x37F0] =	vst v20  }
0x307: {  	[hbm4b:s0+s4] =	stream.linear.scatter [tilespmem:s31], [sflag:$0x3], $0xC80, $0x38;
	[tilespmem:$0x4600] =	vst v63  }
0x308: {  	s0 =	sshrl.u32 @!p1 s1, $0x3  }
0x309: {  	s0 =	sadd.s32 @!p1 s5, s0  }
0x30a: {  	s1 =	simm.s32 @!p1 $0x0;
	s0 =	sadd.s32 @!p1 $0x384, s0  }
0x30b: {  	[tilespmem:s1], [sflag:$0x1] =	stream.linear.gather @!p1 [hbm4b:s0+s1], $0xE10, $0x38;
	[tilespmem:$0x4600] =	vst v63  }
0x30c: {  	_ =	swait.ge [sflag:s18], $0xE10  }
0x30d: {  	[sflag:s18] =	ssyncset.done $0x0  }
0x30e: {  	s0 =	simm.s32 @!p0 $0x4;
	[sflag:s18] =	ssyncadd.s32 $0xFFFFF1F0  }
0x30f: {  	_ =	swait.ge @!p0 [sflag:s0], $0xC80  }
0x310: {  	s29 =	simm.s32 $0x0;
	[sflag:s0] =	ssyncset.done @!p0 $0x0  }
0x311: {  	s24 =	sor.u32 $0x1, s24;
	s25 =	simm.s32 $0x0;
	[sflag:s0] =	ssyncadd.s32 @!p0 $0xFFFFF380  }
.LBB2_7:
0x312: {  	v20 =	vmov s29  }
0x313: {  	v21 =	vadd.s32 $0x60, v20;
	_ =	sdelay $0x3  }
0x314: {  	v36 =	vld.idx.msk [tilespmem:v20+s11+$0x0], $0xffff  }
0x315: {  	v34 =	vld.idx.msk [tilespmem:v21+s11+$0x0], $0xffff;
	_ =	sdelay $0x3  }
0x316: {  	v20 =	vadd.s32 v2, v36  }
0x317: {  	v21 =	vadd.s32 v3, v34;
	_ =	sdelay $0x3  }
0x318: {  	v20 =	vld.idx.msk [tilespmem:v20+s14+$0x0], $0xffff  }
0x319: {  	v21 =	vld.idx.msk [tilespmem:v21+s14+$0x0], $0xffff;
	_ =	sdelay $0x4  }
0x31a: {  	v20 =	vadd.f32 v21, v20  }
0x31b: {  	s0 =	sadd.s32 $0x1, s29  }
0x31c: {  	v48 =	vmov s0;
	v21 =	vmul.f32 $2.000000030e-01, v20  }
0x31d: {  	vm0 =	vge.f32 v20, $0.0e+00  }
0x31e: {  	v23 =	vadd.s32 $0x60, v48;
	v20 =	vsel vm0, v20, v21  }
0x31f: {  	v20 =	vmin.f32 v20, $6.000000000e+01  }
0x320: {  	v20 =	vmul.f32 $1.442695020e+00, v20  }
0x321: {  	v22 =	vld.idx.msk [tilespmem:v48+s11+$0x0], $0xffff  }
0x322: {  	s1 =	sadd.s32 $0x2, s29;
	(erf) = vpow2.f32 v20  }
0x323: {  	v26 =	vmov s1;
	v20 =	vld.idx.msk [tilespmem:v23+s11+$0x0], $0xffff  }
0x324: {  	v51 =	vadd.s32 $0x60, v26;
	_ =	sdelay $0x1  }
0x325: {  	v24 =	vadd.s32 v2, v22  }
0x326: {  	v49 =	vadd.s32 v4, v34  }
0x327: {  	v23 =	vld.idx.msk [tilespmem:v26+s11+$0x0], $0xffff;
	v25 =	vadd.s32 v3, v20  }
0x328: {  	v50 =	vadd.s32 v0, v36;
	v21 =	vld.idx.msk [tilespmem:v51+s11+$0x0], $0xffff;
	_ =	sdelay $0x1  }
0x329: {  	v24 =	vld.idx.msk [tilespmem:v24+s14+$0x0], $0xffff;
	v28 =	vpop (erf)  }
0x32a: {  	[tilespmem:v49+s16+$0x0] =	vst.idx.add.f32.msk $0xf, v28  }
0x32b: {  	v31 =	vadd.s32 v2, v23;
	v25 =	vld.idx.msk [tilespmem:v25+s14+$0x0], $0xffff  }
0x32c: {  	v53 =	vadd.s32 v3, v21;
	v27 =	vld.idx.msk [tilespmem:v50+s14+$0x0], $0xffff;
	_ =	sdelay $0x1  }
0x32d: {  	v52 =	vadd.s32 v0, v34  }
0x32e: {  	v30 =	vadd.s32 v9, v36;
	v29 =	vperm.xlane v28, v5  }
0x32f: {  	v55 =	vld.idx.msk [tilespmem:v31+s14+$0x0], $0xffff  }
0x330: {  	v24 =	vadd.f32 v25, v24;
	v25 =	vld.idx.msk [tilespmem:v53+s14+$0x0], $0xffff;
	v27 =	vmul.f32 v27, v29;
	_ =	sdelay $0x1  }
0x331: {  	[tilespmem:v52+s16+$0x0] =	vst.idx.add.f32.msk $0xffff, v27  }
0x332: {  	v54 =	vmul.f32 $2.000000030e-01, v24;
	v27 =	vld.idx.msk [tilespmem:v30+s14+$0x0], $0xffff  }
0x333: {  	vm9 =	vge.f32 v24, $0.0e+00  }
0x334: {  	v56 =	vadd.s32 v9, v34;
	v24 =	vsel vm9, v24, v54;
	v58 =	vadd.f32 v25, v55  }
0x335: {  	v57 =	vadd.s32 v10, v36;
	v24 =	vmin.f32 v24, $6.000000000e+01  }
0x336: {  	s22 =	sadd.s32 $0x3, s29;
	v24 =	vmul.f32 $1.442695020e+00, v24;
	v26 =	vmul.f32 $2.000000030e-01, v58  }
0x337: {  	v33 =	vmov s22;
	vm10 =	vge.f32 v58, $0.0e+00;
	v27 =	vmul.f32 v27, v29  }
0x338: {  	v41 =	vadd.s32 $0x60, v33;
	(erf) = vpow2.f32 v24;
	v24 =	vsel vm10, v58, v26  }
0x339: {  	v24 =	vmin.f32 v24, $6.000000000e+01;
	[tilespmem:v56+s16+$0x0] =	vst.idx.add.f32.msk $0xffff, v27  }
0x33a: {  	v24 =	vmul.f32 $1.442695020e+00, v24;
	v59 =	vld.idx.msk [tilespmem:v57+s14+$0x0], $0xffff;
	_ =	sdelay $0x1  }
0x33b: {  	v60 =	vadd.s32 v10, v34;
	(erf) = vpow2.f32 v24  }
0x33c: {  	v62 =	vadd.s32 v11, v36;
	v61 =	vperm.xlane v28, v6;
	v24 =	vld.idx.msk [tilespmem:v41+s11+$0x0], $0xffff;
	_ =	sdelay $0x1  }
0x33d: {  	v63 =	vadd.s32 v4, v20;
	v25 =	vmul.f32 v59, v61  }
0x33e: {  	s2 =	simm.f32 $1.000000000e+00;
	p0 =	slt.u32 s0, $0x59;
	v40 =	vadd.s32 v0, v22  }
0x33f: {  	s2 =	simm.s32 @!p0 $0x0;
	v32 =	vpop (erf);
	[tilespmem:v60+s16+$0x0] =	vst.idx.add.f32.msk $0xffff, v25  }
0x340: {  	v38 =	vmul.f32 s2, v32;
	v52 =	vadd.s32 v3, v24;
	v27 =	vld.idx.msk [tilespmem:v62+s14+$0x0], $0xffff  }
0x341: {  	v35 =	vadd.s32 v4, v21;
	v25 =	vld.idx.msk [tilespmem:v33+s11+$0x0], $0xffff  }
0x342: {  	p0 =	slt.u32 s1, $0x59;
	s1 =	simm.f32 $1.000000000e+00;
	v42 =	vadd.s32 v11, v34;
	[tilespmem:v63+s16+$0x0] =	vst.idx.add.f32.msk $0xf, v38  }
0x343: {  	s1 =	simm.s32 @!p0 $0x0;
	v49 =	vadd.s32 v0, v23;
	v43 =	vld.idx.msk [tilespmem:v40+s14+$0x0], $0xffff;
	v51 =	vpop (erf)  }
0x344: {  	v44 =	vadd.s32 v12, v36;
	v39 =	vmul.f32 s1, v51  }
0x345: {  	v45 =	vadd.s32 v0, v20;
	v26 =	vld.idx.msk [tilespmem:v52+s14+$0x0], $0xffff;
	v27 =	vmul.f32 v27, v61  }
0x346: {  	v46 =	vperm.xlane v38, v5;
	v37 =	vadd.s32 v2, v25;
	[tilespmem:v35+s16+$0x0] =	vst.idx.add.f32.msk $0xf, v39  }
0x347: {  	v47 =	vadd.s32 v9, v22;
	[tilespmem:v42+s16+$0x0] =	vst.idx.add.f32.msk $0xffff, v27  }
0x348: {  	v48 =	vmul.f32 v43, v46;
	v27 =	vld.idx.msk [tilespmem:v49+s14+$0x0], $0xffff  }
0x349: {  	v50 =	vld.idx.msk [tilespmem:v44+s14+$0x0], $0xffff  }
0x34a: {  	v57 =	vadd.s32 v0, v21;
	[tilespmem:v45+s16+$0x0] =	vst.idx.add.f32.msk $0xffff, v48  }
0x34b: {  	v59 =	vadd.s32 v9, v23;
	v58 =	vperm.xlane v39, v5;
	v37 =	vld.idx.msk [tilespmem:v37+s14+$0x0], $0xffff  }
0x34c: {  	v54 =	vadd.s32 v12, v34;
	v53 =	vld.idx.msk [tilespmem:v47+s14+$0x0], $0xffff  }
0x34d: {  	v55 =	vperm.xlane v28, v7;
	v56 =	vadd.s32 v13, v36;
	v27 =	vmul.f32 v27, v58  }
0x34e: {  	v40 =	vadd.s32 v9, v20  }
0x34f: {  	v41 =	vadd.s32 v10, v22;
	v30 =	vmul.f32 v50, v55;
	[tilespmem:v57+s16+$0x0] =	vst.idx.add.f32.msk $0xffff, v27  }
0x350: {  	s6 =	sadd.s32 $0x4, s29;
	v26 =	vadd.f32 v26, v37;
	v32 =	vld.idx.msk [tilespmem:v59+s14+$0x0], $0xffff  }
0x351: {  	v48 =	vmov s6;
	v29 =	vmul.f32 v53, v46;
	[tilespmem:v54+s16+$0x0] =	vst.idx.add.f32.msk $0xffff, v30  }
0x352: {  	v46 =	vadd.s32 v9, v21;
	v35 =	vld.idx.msk [tilespmem:v56+s14+$0x0], $0xffff;
	v61 =	vmul.f32 $2.000000030e-01, v26  }
0x353: {  	v50 =	vadd.s32 $0x60, v48;
	[tilespmem:v40+s16+$0x0] =	vst.idx.add.f32.msk $0xffff, v29;
	vm11 =	vge.f32 v26, $0.0e+00  }
0x354: {  	v60 =	vadd.s32 v13, v34;
	v29 =	vld.idx.msk [tilespmem:v41+s14+$0x0], $0xffff;
	v26 =	vsel vm11, v26, v61  }
0x355: {  	v47 =	vadd.s32 v10, v23;
	v26 =	vmin.f32 v26, $6.000000000e+01;
	v49 =	vmul.f32 v32, v58  }
0x356: {  	v62 =	vadd.s32 v10, v20;
	v63 =	vperm.xlane v38, v6;
	v27 =	vld.idx.msk [tilespmem:v48+s11+$0x0], $0xffff;
	v26 =	vmul.f32 $1.442695020e+00, v26  }
0x357: {  	v51 =	vadd.s32 v14, v36;
	v45 =	vmul.f32 v35, v55;
	[tilespmem:v46+s16+$0x0] =	vst.idx.add.f32.msk $0xffff, v49  }
0x358: {  	v44 =	vadd.s32 v11, v22;
	(erf) = vpow2.f32 v26;
	v26 =	vld.idx.msk [tilespmem:v50+s11+$0x0], $0xffff  }
0x359: {  	v29 =	vmul.f32 v29, v63;
	[tilespmem:v60+s16+$0x0] =	vst.idx.add.f32.msk $0xffff, v45  }
0x35a: {  	v53 =	vld.idx.msk [tilespmem:v47+s14+$0x0], $0xffff  }
0x35b: {  	v42 =	vadd.s32 v2, v27;
	[tilespmem:v62+s16+$0x0] =	vst.idx.add.f32.msk $0xffff, v29  }
0x35c: {  	v55 =	vadd.s32 v10, v21;
	v31 =	vld.idx.msk [tilespmem:v51+s14+$0x0], $0xffff  }
0x35d: {  	v57 =	vadd.s32 v11, v23;
	v56 =	vperm.xlane v39, v6;
	v30 =	vld.idx.msk [tilespmem:v44+s14+$0x0], $0xffff  }
0x35e: {  	v48 =	vadd.s32 v14, v34  }
0x35f: {  	v52 =	vadd.s32 v11, v20;
	v41 =	vperm.xlane v28, v8;
	v59 =	vmul.f32 v53, v56  }
0x360: {  	v54 =	vadd.s32 v12, v22;
	v42 =	vld.idx.msk [tilespmem:v42+s14+$0x0], $0xffff  }
0x361: {  	v58 =	vadd.s32 v4, v24;
	v31 =	vmul.f32 v31, v41;
	[tilespmem:v55+s16+$0x0] =	vst.idx.add.f32.msk $0xffff, v59  }
0x362: {  	s30 =	sadd.s32 $0x6, s29;
	s0 =	simm.f32 $1.000000000e+00;
	p0 =	slt.u32 s22, $0x59;
	v30 =	vmul.f32 v30, v63;
	v63 =	vadd.s32 v3, v26;
	v35 =	vld.idx.msk [tilespmem:v57+s14+$0x0], $0xffff  }
0x363: {  	s0 =	simm.s32 @!p0 $0x0;
	v60 =	vadd.s32 v0, v25;
	v62 =	vpop (erf);
	[tilespmem:v48+s16+$0x0] =	vst.idx.add.f32.msk $0xffff, v31;
	v57 =	vmov s30  }
0x364: {  	[tilespmem:v52+s16+$0x0] =	vst.idx.add.f32.msk $0xffff, v30;
	v29 =	vmul.f32 s0, v62;
	v59 =	vadd.s32 $0x60, v57  }
0x365: {  	s26 =	sadd.s32 $0x5, s29;
	v44 =	vadd.s32 v11, v21;
	v61 =	vld.idx.msk [tilespmem:v54+s14+$0x0], $0xffff  }
0x366: {  	v54 =	vmov s26;
	[tilespmem:v58+s16+$0x0] =	vst.idx.add.f32.msk $0xf, v29  }
0x367: {  	v45 =	vadd.s32 v12, v23;
	v33 =	vld.idx.msk [tilespmem:v63+s14+$0x0], $0xffff  }
0x368: {  	v50 =	vadd.s32 v12, v20;
	v49 =	vld.idx.msk [tilespmem:v60+s14+$0x0], $0xffff;
	v35 =	vmul.f32 v35, v56  }
0x369: {  	v43 =	vperm.xlane v38, v7;
	v30 =	vld.idx.msk [tilespmem:v59+s11+$0x0], $0xffff  }
0x36a: {  	v52 =	vadd.s32 v0, v24;
	[tilespmem:v44+s16+$0x0] =	vst.idx.add.f32.msk $0xffff, v35  }
0x36b: {  	v53 =	vadd.s32 v9, v25;
	v37 =	vperm.xlane v29, v5;
	v51 =	vmul.f32 v61, v43;
	v32 =	vld.idx.msk [tilespmem:v54+s11+$0x0], $0xffff  }
0x36c: {  	v56 =	vadd.s32 $0x60, v54;
	v35 =	vld.idx.msk [tilespmem:v45+s14+$0x0], $0xffff;
	v55 =	vadd.f32 v33, v42  }
0x36d: {  	s31 =	sadd.s32 $0x7, s29;
	v60 =	vadd.s32 v13, v22;
	[tilespmem:v50+s16+$0x0] =	vst.idx.add.f32.msk $0xffff, v51;
	v28 =	vmul.f32 v49, v37  }
0x36e: {  	v61 =	vmov s31;
	v33 =	vld.idx.msk [tilespmem:v57+s11+$0x0], $0xffff;
	v58 =	vmul.f32 $2.000000030e-01, v55  }
0x36f: {  	v46 =	vadd.s32 $0x60, v61;
	[tilespmem:v52+s16+$0x0] =	vst.idx.add.f32.msk $0xffff, v28;
	vm12 =	vge.f32 v55, $0.0e+00  }
0x370: {  	v47 =	vadd.s32 v12, v21;
	v40 =	vld.idx.msk [tilespmem:v53+s14+$0x0], $0xffff;
	v28 =	vsel vm12, v55, v58  }
0x371: {  	v42 =	vperm.xlane v39, v7;
	v49 =	vadd.s32 v13, v23;
	v62 =	vmin.f32 v28, $6.000000000e+01;
	v28 =	vld.idx.msk [tilespmem:v56+s11+$0x0], $0xffff  }
0x372: {  	v44 =	vld.idx.msk [tilespmem:v60+s14+$0x0], $0xffff;
	v50 =	vadd.s32 v2, v32  }
0x373: {  	v63 =	vadd.s32 v9, v24;
	v54 =	vmul.f32 v35, v42;
	v35 =	vld.idx.msk [tilespmem:v61+s11+$0x0], $0xffff  }
0x374: {  	v31 =	vld.idx.msk [tilespmem:v46+s11+$0x0], $0xffff;
	v55 =	vadd.s32 v2, v33  }
0x375: {  	v56 =	vadd.s32 v3, v30;
	v48 =	vmul.f32 $1.442695020e+00, v62;
	[tilespmem:v47+s16+$0x0] =	vst.idx.add.f32.msk $0xffff, v54  }
0x376: {  	v46 =	vld.idx.msk [tilespmem:v49+s14+$0x0], $0xffff;
	v37 =	vmul.f32 v40, v37;
	v51 =	vadd.s32 v3, v28  }
0x377: {  	v57 =	vadd.s32 v10, v25;
	(erf) = vpow2.f32 v48;
	v58 =	vld.idx.msk [tilespmem:v50+s14+$0x0], $0xffff  }
0x378: {  	v52 =	vadd.s32 v13, v20;
	[tilespmem:v63+s16+$0x0] =	vst.idx.add.f32.msk $0xffff, v37  }
0x379: {  	v59 =	vadd.s32 v2, v35;
	v40 =	vld.idx.msk [tilespmem:v55+s14+$0x0], $0xffff  }
0x37a: {  	v61 =	vadd.s32 v3, v31;
	v47 =	vld.idx.msk [tilespmem:v56+s14+$0x0], $0xffff  }
0x37b: {  	v43 =	vmul.f32 v44, v43;
	v60 =	vld.idx.msk [tilespmem:v51+s14+$0x0], $0xffff  }
0x37c: {  	v36 =	vadd.s32 v15, v36;
	v45 =	vld.idx.msk [tilespmem:v57+s14+$0x0], $0xffff  }
0x37d: {  	v53 =	vadd.s32 v4, v26;
	v54 =	vadd.s32 v14, v22;
	[tilespmem:v52+s16+$0x0] =	vst.idx.add.f32.msk $0xffff, v43  }
0x37e: {  	v22 =	vadd.s32 v15, v22;
	v43 =	vadd.s32 v10, v24;
	v63 =	vadd.s32 v0, v27;
	v49 =	vld.idx.msk [tilespmem:v59+s14+$0x0], $0xffff  }
0x37f: {  	p0 =	slt.u32 s6, $0x59;
	s6 =	simm.f32 $1.000000000e+00;
	v55 =	vadd.s32 v13, v21;
	v42 =	vmul.f32 v46, v42;
	v56 =	vld.idx.msk [tilespmem:v61+s14+$0x0], $0xffff;
	v51 =	vperm.xlane v29, v6  }
0x380: {  	s6 =	simm.s32 @!p0 $0x0;
	v46 =	vadd.s32 v14, v23;
	v40 =	vadd.f32 v47, v40;
	v62 =	vpop (erf);
	v48 =	vadd.f32 v60, v58  }
0x381: {  	v36 =	vld.idx.msk [tilespmem:v36+s14+$0x0], $0xffff;
	v61 =	vadd.s32 v0, v26;
	v45 =	vmul.f32 v45, v51;
	v37 =	vmul.f32 s6, v62  }
0x382: {  	v59 =	vmul.f32 $2.000000030e-01, v40;
	vm14 =	vge.f32 v40, $0.0e+00;
	v60 =	vld.idx.msk [tilespmem:v54+s14+$0x0], $0xffff;
	v57 =	vmul.f32 $2.000000030e-01, v48  }
0x383: {  	v62 =	vadd.s32 v9, v27;
	v58 =	vadd.s32 v11, v25;
	[tilespmem:v53+s16+$0x0] =	vst.idx.add.f32.msk $0xf, v37;
	vm13 =	vge.f32 v48, $0.0e+00  }
0x384: {  	v49 =	vadd.f32 v56, v49;
	v56 =	vadd.s32 v14, v20;
	v44 =	vld.idx.msk [tilespmem:v63+s14+$0x0], $0xffff;
	v48 =	vsel vm13, v48, v57  }
0x385: {  	[tilespmem:v55+s16+$0x0] =	vst.idx.add.f32.msk $0xffff, v42;
	v54 =	vadd.s32 v15, v34;
	v34 =	vperm.xlane v38, v8;
	v48 =	vmin.f32 v48, $6.000000000e+01  }
0x386: {  	v46 =	vld.idx.msk [tilespmem:v46+s14+$0x0], $0xffff;
	v40 =	vsel vm14, v40, v59;
	v52 =	vperm.xlane v37, v5;
	v48 =	vmul.f32 $1.442695020e+00, v48  }
0x387: {  	[tilespmem:v43+s16+$0x0] =	vst.idx.add.f32.msk $0xffff, v45;
	v40 =	vmin.f32 v40, $6.000000000e+01;
	v63 =	vmul.f32 $2.000000030e-01, v49;
	v60 =	vmul.f32 v60, v34  }
0x388: {  	v40 =	vmul.f32 $1.442695020e+00, v40;
	vm15 =	vge.f32 v49, $0.0e+00;
	v47 =	vld.idx.msk [tilespmem:v58+s14+$0x0], $0xffff;
	(erf) = vpow2.f32 v48  }
0x389: {  	v49 =	vsel vm15, v49, v63;
	[tilespmem:v56+s16+$0x0] =	vst.idx.add.f32.msk $0xffff, v60;
	v48 =	vmul.f32 v44, v52  }
0x38a: {  	v59 =	vadd.s32 v11, v24;
	v55 =	vmin.f32 v49, $6.000000000e+01;
	v22 =	vld.idx.msk [tilespmem:v22+s14+$0x0], $0xffff;
	(erf) = vpow2.f32 v40  }
0x38b: {  	v57 =	vmul.f32 $1.442695020e+00, v55;
	v58 =	vadd.s32 v14, v21;
	[tilespmem:v61+s16+$0x0] =	vst.idx.add.f32.msk $0xffff, v48  }
0x38c: {  	v41 =	vmul.f32 v36, v41;
	v36 =	vperm.xlane v39, v8;
	v23 =	vadd.s32 v15, v23;
	v42 =	vld.idx.msk [tilespmem:v62+s14+$0x0], $0xffff  }
0x38d: {  	v20 =	vadd.s32 v15, v20;
	(erf) = vpow2.f32 v57;
	v48 =	vmul.f32 v47, v51  }
0x38e: {  	[tilespmem:v54+s16+$0x0] =	vst.idx.add.f32.msk $0xffff, v41;
	v61 =	vadd.s32 v9, v26;
	v62 =	vmul.f32 v46, v36  }
0x38f: {  	v63 =	vadd.s32 v4, v28;
	[tilespmem:v59+s16+$0x0] =	vst.idx.add.f32.msk $0xffff, v48  }
0x390: {  	s2 =	simm.f32 $1.000000000e+00;
	p0 =	slt.u32 s26, $0x59;
	v49 =	vadd.s32 v0, v32;
	[tilespmem:v58+s16+$0x0] =	vst.idx.add.f32.msk $0xffff, v62;
	v22 =	vmul.f32 v22, v34  }
0x391: {  	s2 =	simm.s32 @!p0 $0x0;
	v23 =	vld.idx.msk [tilespmem:v23+s14+$0x0], $0xffff;
	v51 =	vmul.f32 v42, v52;
	v52 =	vadd.s32 v4, v30;
	v50 =	vpop (erf)  }
0x392: {  	s1 =	simm.f32 $1.000000000e+00;
	p0 =	slt.u32 s30, $0x59;
	v53 =	vadd.s32 v0, v33;
	[tilespmem:v20+s16+$0x0] =	vst.idx.add.f32.msk $0xffff, v22;
	v38 =	vmul.f32 s2, v50  }
0x393: {  	s1 =	simm.s32 @!p0 $0x0;
	v55 =	vadd.s32 v10, v27;
	v54 =	vpop (erf);
	[tilespmem:v61+s16+$0x0] =	vst.idx.add.f32.msk $0xffff, v51  }
0x394: {  	v56 =	vadd.s32 v4, v31;
	v39 =	vmul.f32 s1, v54;
	[tilespmem:v63+s16+$0x0] =	vst.idx.add.f32.msk $0xf, v38  }
0x395: {  	p0 =	slt.u32 s31, $0x59;
	s0 =	simm.f32 $1.000000000e+00;
	v57 =	vadd.s32 v0, v35;
	v43 =	vld.idx.msk [tilespmem:v49+s14+$0x0], $0xffff  }
0x396: {  	s0 =	simm.s32 @!p0 $0x0;
	v58 =	vadd.s32 v12, v25;
	v59 =	vpop (erf);
	[tilespmem:v52+s16+$0x0] =	vst.idx.add.f32.msk $0xf, v39  }
0x397: {  	v60 =	vadd.s32 v0, v28;
	v40 =	vmul.f32 s0, v59;
	v61 =	vld.idx.msk [tilespmem:v53+s14+$0x0], $0xffff  }
0x398: {  	v62 =	vadd.s32 v9, v32;
	v41 =	vld.idx.msk [tilespmem:v55+s14+$0x0], $0xffff;
	v42 =	vperm.xlane v38, v5  }
0x399: {  	v63 =	vadd.s32 v0, v30;
	[tilespmem:v56+s16+$0x0] =	vst.idx.add.f32.msk $0xf, v40  }
0x39a: {  	v51 =	vadd.s32 v9, v33;
	v44 =	vperm.xlane v39, v5;
	v45 =	vld.idx.msk [tilespmem:v57+s14+$0x0], $0xffff;
	v43 =	vmul.f32 v43, v42  }
0x39b: {  	v46 =	vld.idx.msk [tilespmem:v58+s14+$0x0], $0xffff;
	v59 =	vadd.s32 v0, v31;
	v57 =	vadd.s32 v10, v26  }
0x39c: {  	v52 =	vperm.xlane v37, v6;
	v58 =	vmul.f32 v61, v44;
	[tilespmem:v60+s16+$0x0] =	vst.idx.add.f32.msk $0xffff, v43  }
0x39d: {  	v49 =	vperm.xlane v40, v5;
	v61 =	vadd.s32 v9, v35;
	v60 =	vld.idx.msk [tilespmem:v62+s14+$0x0], $0xffff  }
0x39e: {  	v41 =	vmul.f32 v41, v52;
	v62 =	vadd.s32 v11, v27;
	[tilespmem:v63+s16+$0x0] =	vst.idx.add.f32.msk $0xffff, v58  }
0x39f: {  	v45 =	vmul.f32 v45, v49;
	v63 =	vadd.s32 v9, v28;
	v50 =	vld.idx.msk [tilespmem:v51+s14+$0x0], $0xffff  }
0x3a0: {  	[tilespmem:v57+s16+$0x0] =	vst.idx.add.f32.msk $0xffff, v41;
	v57 =	vadd.s32 v10, v32  }
0x3a1: {  	v58 =	vadd.s32 v9, v30;
	[tilespmem:v59+s16+$0x0] =	vst.idx.add.f32.msk $0xffff, v45  }
0x3a2: {  	v59 =	vadd.s32 v10, v33;
	v47 =	vld.idx.msk [tilespmem:v61+s14+$0x0], $0xffff;
	v42 =	vmul.f32 v60, v42  }
0x3a3: {  	v48 =	vperm.xlane v29, v7;
	v60 =	vadd.s32 v12, v24;
	v61 =	vld.idx.msk [tilespmem:v62+s14+$0x0], $0xffff  }
0x3a4: {  	v62 =	vmul.f32 v50, v44;
	[tilespmem:v63+s16+$0x0] =	vst.idx.add.f32.msk $0xffff, v42;
	v63 =	vadd.s32 v9, v31  }
0x3a5: {  	v56 =	vadd.s32 v10, v35;
	v41 =	vld.idx.msk [tilespmem:v57+s14+$0x0], $0xffff  }
0x3a6: {  	v46 =	vmul.f32 v46, v48;
	v57 =	vadd.s32 v11, v26;
	[tilespmem:v58+s16+$0x0] =	vst.idx.add.f32.msk $0xffff, v62  }
0x3a7: {  	v58 =	vadd.s32 v10, v28;
	v47 =	vmul.f32 v47, v49;
	v45 =	vld.idx.msk [tilespmem:v59+s14+$0x0], $0xffff  }
0x3a8: {  	v59 =	vadd.s32 v11, v32;
	[tilespmem:v60+s16+$0x0] =	vst.idx.add.f32.msk $0xffff, v46;
	v46 =	vperm.xlane v38, v6  }
0x3a9: {  	v60 =	vmul.f32 v61, v52;
	v61 =	vadd.s32 v10, v30;
	[tilespmem:v63+s16+$0x0] =	vst.idx.add.f32.msk $0xffff, v47  }
0x3aa: {  	v43 =	vperm.xlane v39, v6;
	v62 =	vadd.s32 v11, v33;
	v41 =	vmul.f32 v41, v46;
	v44 =	vld.idx.msk [tilespmem:v56+s14+$0x0], $0xffff  }
0x3ab: {  	v63 =	vadd.s32 v12, v27;
	[tilespmem:v57+s16+$0x0] =	vst.idx.add.f32.msk $0xffff, v60  }
0x3ac: {  	v57 =	vadd.s32 v10, v31;
	v56 =	vmul.f32 v45, v43;
	[tilespmem:v58+s16+$0x0] =	vst.idx.add.f32.msk $0xffff, v41  }
0x3ad: {  	v49 =	vperm.xlane v40, v6;
	v58 =	vld.idx.msk [tilespmem:v59+s14+$0x0], $0xffff;
	v59 =	vadd.s32 v11, v35  }
0x3ae: {  	v60 =	vadd.s32 v13, v25;
	[tilespmem:v61+s16+$0x0] =	vst.idx.add.f32.msk $0xffff, v56  }
0x3af: {  	v61 =	vadd.s32 v11, v28;
	v47 =	vld.idx.msk [tilespmem:v62+s14+$0x0], $0xffff;
	v44 =	vmul.f32 v44, v49  }
0x3b0: {  	v50 =	vld.idx.msk [tilespmem:v63+s14+$0x0], $0xffff;
	v62 =	vadd.s32 v12, v32  }
0x3b1: {  	v54 =	vadd.s32 v11, v30;
	[tilespmem:v57+s16+$0x0] =	vst.idx.add.f32.msk $0xffff, v44  }
0x3b2: {  	v44 =	vadd.s32 v12, v33;
	v63 =	vmul.f32 v58, v46;
	v56 =	vld.idx.msk [tilespmem:v59+s14+$0x0], $0xffff  }
0x3b3: {  	v51 =	vperm.xlane v37, v7;
	v57 =	vadd.s32 v12, v26;
	v46 =	vld.idx.msk [tilespmem:v60+s14+$0x0], $0xffff  }
0x3b4: {  	v59 =	vadd.s32 v11, v31;
	v58 =	vmul.f32 v47, v43;
	[tilespmem:v61+s16+$0x0] =	vst.idx.add.f32.msk $0xffff, v63  }
0x3b5: {  	v61 =	vadd.s32 v12, v35;
	v60 =	vld.idx.msk [tilespmem:v62+s14+$0x0], $0xffff  }
0x3b6: {  	v50 =	vmul.f32 v50, v51;
	v62 =	vadd.s32 v13, v27;
	[tilespmem:v54+s16+$0x0] =	vst.idx.add.f32.msk $0xffff, v58  }
0x3b7: {  	v63 =	vadd.s32 v12, v28;
	v44 =	vld.idx.msk [tilespmem:v44+s14+$0x0], $0xffff;
	v45 =	vmul.f32 v56, v49  }
0x3b8: {  	[tilespmem:v57+s16+$0x0] =	vst.idx.add.f32.msk $0xffff, v50;
	v57 =	vadd.s32 v13, v32;
	v49 =	vperm.xlane v38, v7  }
0x3b9: {  	v58 =	vadd.s32 v12, v30;
	[tilespmem:v59+s16+$0x0] =	vst.idx.add.f32.msk $0xffff, v45  }
0x3ba: {  	v43 =	vperm.xlane v39, v7;
	v45 =	vadd.s32 v13, v33;
	v59 =	vmul.f32 v60, v49;
	v47 =	vld.idx.msk [tilespmem:v61+s14+$0x0], $0xffff  }
0x3bb: {  	v60 =	vadd.s32 v13, v24;
	v52 =	vld.idx.msk [tilespmem:v62+s14+$0x0], $0xffff  }
0x3bc: {  	v62 =	vadd.s32 v12, v31;
	v61 =	vmul.f32 v44, v43;
	[tilespmem:v63+s16+$0x0] =	vst.idx.add.f32.msk $0xffff, v59  }
0x3bd: {  	v50 =	vperm.xlane v40, v7;
	v63 =	vld.idx.msk [tilespmem:v57+s14+$0x0], $0xffff;
	v57 =	vadd.s32 v13, v35  }
0x3be: {  	v46 =	vmul.f32 v46, v48;
	[tilespmem:v58+s16+$0x0] =	vst.idx.add.f32.msk $0xffff, v61;
	v58 =	vadd.s32 v13, v26  }
0x3bf: {  	v59 =	vadd.s32 v13, v28;
	v45 =	vld.idx.msk [tilespmem:v45+s14+$0x0], $0xffff;
	v47 =	vmul.f32 v47, v50  }
0x3c0: {  	[tilespmem:v60+s16+$0x0] =	vst.idx.add.f32.msk $0xffff, v46;
	v60 =	vadd.s32 v14, v25  }
0x3c1: {  	v55 =	vadd.s32 v14, v32;
	v61 =	vmul.f32 v52, v51;
	[tilespmem:v62+s16+$0x0] =	vst.idx.add.f32.msk $0xffff, v47  }
0x3c2: {  	v62 =	vadd.s32 v13, v30;
	v44 =	vmul.f32 v63, v49;
	v54 =	vld.idx.msk [tilespmem:v57+s14+$0x0], $0xffff  }
0x3c3: {  	v63 =	vadd.s32 v14, v27;
	[tilespmem:v58+s16+$0x0] =	vst.idx.add.f32.msk $0xffff, v61  }
0x3c4: {  	v57 =	vadd.s32 v13, v31;
	[tilespmem:v59+s16+$0x0] =	vst.idx.add.f32.msk $0xffff, v44  }
0x3c5: {  	v56 =	vmul.f32 v45, v43;
	v58 =	vld.idx.msk [tilespmem:v60+s14+$0x0], $0xffff;
	v59 =	vadd.s32 v14, v33  }
0x3c6: {  	v60 =	vadd.s32 v14, v35;
	v41 =	vld.idx.msk [tilespmem:v55+s14+$0x0], $0xffff  }
0x3c7: {  	[tilespmem:v62+s16+$0x0] =	vst.idx.add.f32.msk $0xffff, v56;
	v62 =	vadd.s32 v14, v24;
	v61 =	vmul.f32 v54, v50  }
0x3c8: {  	v29 =	vperm.xlane v29, v8;
	v53 =	vadd.s32 v14, v28;
	v63 =	vld.idx.msk [tilespmem:v63+s14+$0x0], $0xffff  }
0x3c9: {  	v38 =	vperm.xlane v38, v8;
	v25 =	vadd.s32 v15, v25;
	[tilespmem:v57+s16+$0x0] =	vst.idx.add.f32.msk $0xffff, v61  }
0x3ca: {  	v32 =	vadd.s32 v15, v32;
	v51 =	vmul.f32 v58, v29;
	v45 =	vld.idx.msk [tilespmem:v59+s14+$0x0], $0xffff  }
0x3cb: {  	v52 =	vadd.s32 v14, v26;
	v42 =	vld.idx.msk [tilespmem:v60+s14+$0x0], $0xffff;
	v41 =	vmul.f32 v41, v38  }
0x3cc: {  	v37 =	vperm.xlane v37, v8;
	v27 =	vadd.s32 v15, v27;
	[tilespmem:v62+s16+$0x0] =	vst.idx.add.f32.msk $0xffff, v51  }
0x3cd: {  	v54 =	vadd.s32 v14, v30;
	[tilespmem:v53+s16+$0x0] =	vst.idx.add.f32.msk $0xffff, v41  }
0x3ce: {  	v39 =	vperm.xlane v39, v8;
	v56 =	vadd.s32 v14, v31;
	v55 =	vmul.f32 v63, v37;
	v25 =	vld.idx.msk [tilespmem:v25+s14+$0x0], $0xffff  }
0x3cf: {  	v40 =	vperm.xlane v40, v8;
	v33 =	vadd.s32 v15, v33;
	v32 =	vld.idx.msk [tilespmem:v32+s14+$0x0], $0xffff  }
0x3d0: {  	v35 =	vadd.s32 v15, v35;
	[tilespmem:v52+s16+$0x0] =	vst.idx.add.f32.msk $0xffff, v55;
	v57 =	vmul.f32 v45, v39  }
0x3d1: {  	v58 =	vmul.f32 v42, v40;
	v27 =	vld.idx.msk [tilespmem:v27+s14+$0x0], $0xffff  }
0x3d2: {  	v24 =	vadd.s32 v15, v24;
	[tilespmem:v54+s16+$0x0] =	vst.idx.add.f32.msk $0xffff, v57  }
0x3d3: {  	v21 =	vadd.s32 v15, v21;
	[tilespmem:v56+s16+$0x0] =	vst.idx.add.f32.msk $0xffff, v58  }
0x3d4: {  	v28 =	vadd.s32 v15, v28;
	v33 =	vld.idx.msk [tilespmem:v33+s14+$0x0], $0xffff  }
0x3d5: {  	v26 =	vadd.s32 v15, v26;
	v20 =	vmul.f32 v25, v29;
	v59 =	vld.idx.msk [tilespmem:v35+s14+$0x0], $0xffff  }
0x3d6: {  	v23 =	vmul.f32 v23, v36;
	v60 =	vadd.s32 v15, v30  }
0x3d7: {  	p0 =	slt.u32 s29, $0x58;
	v62 =	vadd.s32 v15, v31;
	[tilespmem:v24+s16+$0x0] =	vst.idx.add.f32.msk $0xffff, v20;
	v20 =	vmul.f32 v32, v38  }
.Ltmp4:
0x3d8: {  	[tilespmem:v21+s16+$0x0] =	vst.idx.add.f32.msk $0xffff, v23;
	v61 =	vmul.f32 v27, v37;
	(pc) =	sbr.rel @p0 .LBB2_7-.Ltmp4, $4  }
0x3d9: {  	[tilespmem:v28+s16+$0x0] =	vst.idx.add.f32.msk $0xffff, v20;
	v63 =	vmul.f32 v33, v39  }
0x3da: {  	[tilespmem:v26+s16+$0x0] =	vst.idx.add.f32.msk $0xffff, v61;
	v20 =	vmul.f32 v59, v40  }
0x3db: {  	[tilespmem:v60+s16+$0x0] =	vst.idx.add.f32.msk $0xffff, v63  }
0x3dc: {  	s28 =	simm.s32 $0x3900;
	s29 =	sadd.s32 $0x8, s29;
	s26 =	simm.s32 $0x1E20;
	[tilespmem:v62+s16+$0x0] =	vst.idx.add.f32.msk $0xffff, v20  }
0x3dd: {  	s0 =	simm.s32 $0x1B0  }
0x3de: {  	v20 =	vmov s0  }
0x3df: {  	v21 =	vand.u32 $0x1FF0, v20  }
0x3e0: {  	v21 =	vadd.s32 $0x80, v21;
	_ =	sdelay $0x2  }
0x3e1: {  	s1 =	simm.s32 $0x90  }
0x3e2: {  	s2 =	simm.s32 $0x120;
	v22 =	vmov s1  }
0x3e3: {  	v24 =	vmov s2;
	v23 =	vand.u32 $0x1FD0, v22;
	v21 =	vld.idx.msk [tilespmem:v21+s16+$0x0], $0xffff  }
0x3e4: {  	v25 =	vmov s25;
	v26 =	vand.u32 $0x1FE0, v24;
	v23 =	vadd.s32 $0x80, v23  }
0x3e5: {  	v27 =	vand.u32 $0xFC0, v25;
	v26 =	vadd.s32 $0x80, v26  }
0x3e6: {  	v33 =	vld [tilespmem:s26+$0x90];
	v27 =	vadd.s32 $0x80, v27  }
0x3e7: {  	v35 =	vld [tilespmem:$0x4580];
	v28 =	vadd.s32 $0x81, v22  }
0x3e8: {  	v36 =	vld [tilespmem:s26+$0xFFFFFF70];
	v30 =	vadd.s32 $0x81, v25;
	v21 =	vadd.f32 $1.000000020e-16, v21  }
0x3e9: {  	v31 =	vadd.s32 $0x82, v22;
	v23 =	vld.idx.msk [tilespmem:v23+s16+$0x0], $0xffff  }
0x3ea: {  	v29 =	vadd.s32 $0x81, v24;
	v26 =	vld.idx.msk [tilespmem:v26+s16+$0x0], $0xffff;
	(erf) = vrcp.f32 v21  }
0x3eb: {  	v22 =	vadd.s32 $0x83, v22;
	v27 =	vld.idx.msk [tilespmem:v27+s16+$0x0], $0xffff  }
0x3ec: {  	v32 =	vadd.s32 $0x82, v24;
	v28 =	vld.idx.msk [tilespmem:v28+s16+$0x0], $0xffff  }
0x3ed: {  	v21 =	vadd.s32 $0x83, v24;
	v24 =	vld.idx.msk [tilespmem:v30+s16+$0x0], $0xffff  }
0x3ee: {  	v30 =	vld.idx.msk [tilespmem:v31+s16+$0x0], $0xffff;
	v31 =	vadd.s32 $0x82, v25  }
0x3ef: {  	v29 =	vld.idx.msk [tilespmem:v29+s16+$0x0], $0xffff;
	v23 =	vadd.f32 $1.000000020e-16, v23;
	v26 =	vadd.f32 $1.000000020e-16, v26;
	v25 =	vadd.s32 $0x83, v25  }
0x3f0: {  	v34 =	vadd.s32 $0x81, v20;
	v22 =	vld.idx.msk [tilespmem:v22+s16+$0x0], $0xffff  }
0x3f1: {  	v32 =	vld.idx.msk [tilespmem:v32+s16+$0x0], $0xffff;
	(erf) = vrcp.f32 v23;
	v23 =	vadd.s32 $0x82, v20  }
0x3f2: {  	v27 =	vadd.f32 $1.000000020e-16, v27;
	v20 =	vadd.s32 $0x83, v20;
	v21 =	vld.idx.msk [tilespmem:v21+s16+$0x0], $0xffff  }
0x3f3: {  	v28 =	vadd.f32 $1.000000020e-16, v28;
	(erf) = vrcp.f32 v26;
	v31 =	vld.idx.msk [tilespmem:v31+s16+$0x0], $0xffff;
	v26 =	vpop (erf)  }
0x3f4: {  	v29 =	vadd.f32 $1.000000020e-16, v29;
	v25 =	vld.idx.msk [tilespmem:v25+s16+$0x0], $0xffff;
	(erf) = vrcp.f32 v27;
	v27 =	vmul.f32 v33, v26  }
0x3f5: {  	v24 =	vadd.f32 $1.000000020e-16, v24;
	(erf) = vrcp.f32 v28;
	v28 =	vld.idx.msk [tilespmem:v34+s16+$0x0], $0xffff  }
0x3f6: {  	(erf) = vrcp.f32 v29;
	v29 =	vadd.f32 $1.000000020e-16, v30;
	v30 =	vld.idx.msk [tilespmem:v23+s16+$0x0], $0xffff;
	v27 =	vadd.f32 v27, v35  }
0x3f7: {  	v22 =	vadd.f32 $1.000000020e-16, v22;
	v23 =	vld.idx.msk [tilespmem:v20+s16+$0x0], $0xffff;
	(erf) = vrcp.f32 v24  }
0x3f8: {  	v20 =	vadd.f32 $1.000000020e-16, v32;
	v24 =	vld [tilespmem:s26+$0x0];
	(erf) = vrcp.f32 v29;
	[tilespmem:s28+$0x80] =	vst v27  }
0x3f9: {  	v21 =	vadd.f32 $1.000000020e-16, v21;
	(erf) = vrcp.f32 v22;
	v22 =	vld [tilespmem:s26+$0xA0]  }
0x3fa: {  	v29 =	vpop (erf);
	(erf) = vrcp.f32 v20;
	v20 =	vadd.f32 $1.000000020e-16, v31;
	[tilespmem:s26+$0x90] =	vst v1  }
0x3fb: {  	v25 =	vadd.f32 $1.000000020e-16, v25;
	(erf) = vrcp.f32 v21;
	v21 =	vmul.f32 v36, v29;
	v27 =	vld [tilespmem:$0x4590]  }
0x3fc: {  	v31 =	vpop (erf);
	(erf) = vrcp.f32 v20;
	v20 =	vld [tilespmem:s26+$0xFFFFFEE0]  }
0x3fd: {  	v28 =	vadd.f32 $1.000000020e-16, v28;
	v24 =	vmul.f32 v24, v31;
	v21 =	vadd.f32 v21, v35  }
0x3fe: {  	v57 =	vpop (erf);
	(erf) = vrcp.f32 v25;
	v22 =	vmul.f32 v22, v26  }
0x3ff: {  	v25 =	vpop (erf);
	(erf) = vrcp.f32 v28;
	v24 =	vadd.f32 v24, v35;
	[tilespmem:s28+$0xFFFFFF80] =	vst v21  }
0x400: {  	v26 =	vpop (erf);
	v59 =	vld [tilespmem:s26+$0xFFFFFF80];
	[tilespmem:s26+$0xFFFFFF70] =	vst v1;
	v22 =	vadd.f32 v27, v22  }
0x401: {  	v58 =	vpop (erf);
	[tilespmem:s28+$0x0] =	vst v24;
	v20 =	vmul.f32 v20, v57;
	v60 =	vld [tilespmem:$0x4590]  }
0x402: {  	v21 =	vpop (erf);
	v61 =	vld [tilespmem:s26+$0x10];
	[tilespmem:s26+$0x0] =	vst v1  }
0x403: {  	v27 =	vpop (erf);
	v38 =	vld [tilespmem:$0x4590];
	[tilespmem:s28+$0x90] =	vst v22;
	v20 =	vadd.f32 v35, v20  }
0x404: {  	v24 =	vld [tilespmem:s26+$0xB0];
	[tilespmem:s26+$0xA0] =	vst v1;
	v22 =	vpop (erf)  }
0x405: {  	v34 =	vmul.f32 v59, v29;
	v37 =	vld [tilespmem:$0x45A0];
	[tilespmem:s28+$0xFFFFFF00] =	vst v20;
	v28 =	vpop (erf)  }
0x406: {  	v39 =	vld [tilespmem:s26+$0xFFFFFEF0];
	v29 =	vpop (erf)  }
0x407: {  	[tilespmem:s26+$0xFFFFFEE0] =	vst v1;
	v31 =	vmul.f32 v61, v31;
	v34 =	vadd.f32 v60, v34;
	v20 =	vpop (erf)  }
0x408: {  	v40 =	vld [tilespmem:$0x4590];
	v62 =	vpop (erf)  }
0x409: {  	v31 =	vadd.f32 v38, v31;
	[tilespmem:s28+$0xFFFFFF90] =	vst v34;
	v24 =	vmul.f32 v24, v62  }
0x40a: {  	[tilespmem:s26+$0xFFFFFF80] =	vst v1  }
0x40b: {  	v34 =	vld [tilespmem:s26+$0xFFFFFF90];
	[tilespmem:s28+$0x10] =	vst v31;
	v32 =	vmul.f32 v39, v57;
	v24 =	vadd.f32 v37, v24  }
0x40c: {  	v63 =	vld [tilespmem:$0x45A0];
	[tilespmem:s26+$0x10] =	vst v1  }
0x40d: {  	v41 =	vld [tilespmem:s26+$0x20];
	v31 =	vadd.f32 v40, v32;
	[tilespmem:s28+$0xA0] =	vst v24  }
0x40e: {  	v24 =	vld [tilespmem:s26+$0xC0];
	[tilespmem:s26+$0xB0] =	vst v1  }
0x40f: {  	[tilespmem:s28+$0xFFFFFF10] =	vst v31;
	v31 =	vld [tilespmem:$0x45A0]  }
0x410: {  	v42 =	vld [tilespmem:$0x45B0]  }
0x411: {  	v30 =	vadd.f32 $1.000000020e-16, v30;
	v34 =	vmul.f32 v34, v25;
	v43 =	vld [tilespmem:s26+$0xFFFFFF00]  }
0x412: {  	[tilespmem:s26+$0xFFFFFEF0] =	vst v1  }
0x413: {  	(erf) = vrcp.f32 v30;
	v32 =	vmul.f32 v41, v26;
	v34 =	vadd.f32 v63, v34;
	v30 =	vld [tilespmem:$0x45A0]  }
0x414: {  	v24 =	vmul.f32 v24, v62  }
0x415: {  	[tilespmem:s28+$0xFFFFFFA0] =	vst v34;
	v31 =	vadd.f32 v31, v32  }
0x416: {  	v34 =	vld [tilespmem:s26+$0xFFFFFFA0];
	[tilespmem:s26+$0xFFFFFF90] =	vst v1;
	v44 =	vmul.f32 v43, v58;
	v24 =	vadd.f32 v42, v24  }
0x417: {  	v45 =	vld [tilespmem:$0x45B0];
	[tilespmem:s28+$0x20] =	vst v31  }
0x418: {  	v30 =	vadd.f32 v30, v44;
	v31 =	vld [tilespmem:s26+$0x30];
	[tilespmem:s28+$0xB0] =	vst v24  }
0x419: {  	[tilespmem:s26+$0x20] =	vst v1;
	v24 =	vld [tilespmem:s26+$0xD0]  }
0x41a: {  	[tilespmem:s28+$0xFFFFFF20] =	vst v30;
	v30 =	vld [tilespmem:$0x45B0]  }
0x41b: {  	[tilespmem:s26+$0xC0] =	vst v1;
	v25 =	vmul.f32 v34, v25;
	v47 =	vld [tilespmem:s26+$0xFFFFFF10]  }
0x41c: {  	v46 =	vld [tilespmem:$0x45C0];
	[tilespmem:s26+$0xFFFFFF00] =	vst v1  }
0x41d: {  	v25 =	vadd.f32 v45, v25;
	v49 =	vld [tilespmem:$0x45B0];
	v26 =	vmul.f32 v31, v26  }
0x41e: {  	v48 =	vpop (erf)  }
0x41f: {  	[tilespmem:s28+$0xFFFFFFB0] =	vst v25;
	v24 =	vmul.f32 v24, v48;
	v26 =	vadd.f32 v30, v26  }
0x420: {  	s10 =	simm.s32 $0x360;
	[tilespmem:s26+$0xFFFFFFA0] =	vst v1;
	v30 =	vmul.f32 v47, v58  }
0x421: {  	v55 =	vmov s10;
	v25 =	vld [tilespmem:s26+$0xFFFFFFB0];
	v24 =	vadd.f32 v46, v24;
	[tilespmem:s28+$0x30] =	vst v26  }
0x422: {  	v36 =	vadd.s32 $0x83, v55;
	v26 =	vadd.f32 v49, v30;
	v30 =	vld [tilespmem:s26+$0x40];
	[tilespmem:s26+$0x30] =	vst v1  }
0x423: {  	v43 =	vadd.s32 $0x81, v55;
	v31 =	vld [tilespmem:$0x45C0];
	[tilespmem:s28+$0xC0] =	vst v24  }
0x424: {  	v24 =	vld [tilespmem:s26+$0xE0];
	[tilespmem:s26+$0xD0] =	vst v1  }
0x425: {  	v23 =	vadd.f32 $1.000000020e-16, v23;
	[tilespmem:s28+$0xFFFFFF30] =	vst v26;
	v26 =	vld [tilespmem:$0x45C0]  }
0x426: {  	s29 =	simm.s32 $0x3F0;
	v25 =	vmul.f32 v25, v21;
	v50 =	vld [tilespmem:$0x45D0]  }
0x427: {  	(erf) = vrcp.f32 v23;
	v63 =	vld.idx.msk [tilespmem:v36+s16+$0x0], $0xffff;
	v23 =	vmul.f32 v30, v22;
	v30 =	vmov s29  }
0x428: {  	s31 =	simm.s32 $0x2060;
	v43 =	vld.idx.msk [tilespmem:v43+s16+$0x0], $0xffff;
	v25 =	vadd.f32 v31, v25;
	v52 =	vand.u32 $0x1FF0, v30  }
0x429: {  	v49 =	vld [tilespmem:s31+$0xFFFFFEE0];
	[tilespmem:s26+$0xFFFFFF10] =	vst v1;
	v24 =	vmul.f32 v24, v48;
	v32 =	vadd.s32 $0x80, v52  }
0x42a: {  	s9 =	simm.s32 $0x2D0;
	v51 =	vld [tilespmem:s26+$0xFFFFFF20];
	[tilespmem:s28+$0xFFFFFFC0] =	vst v25;
	v23 =	vadd.f32 v26, v23  }
0x42b: {  	v25 =	vld [tilespmem:$0x45C0];
	[tilespmem:s26+$0xFFFFFFB0] =	vst v1;
	v26 =	vmov s9;
	v24 =	vadd.f32 v50, v24  }
0x42c: {  	s13 =	simm.s32 $0x240;
	v31 =	vld [tilespmem:s26+$0xFFFFFFC0];
	v54 =	vand.u32 $0x1FD0, v26;
	[tilespmem:s28+$0x40] =	vst v23  }
0x42d: {  	v53 =	vld [tilespmem:$0x45D0];
	v23 =	vand.u32 $0x1FE0, v55;
	v35 =	vadd.s32 $0x80, v54;
	[tilespmem:s28+$0xD0] =	vst v24;
	v24 =	vmov s13  }
0x42e: {  	v23 =	vadd.s32 $0x80, v23;
	v57 =	vand.u32 $0xFC0, v24;
	v32 =	vld.idx.msk [tilespmem:v32+s16+$0x0], $0xffff  }
0x42f: {  	v33 =	vmul.f32 v51, v29;
	v51 =	vld [tilespmem:s31+$0xFFFFFF70];
	v38 =	vadd.s32 $0x80, v57  }
0x430: {  	v54 =	vld [tilespmem:s31+$0x0]  }
0x431: {  	v58 =	vld [tilespmem:s26+$0x50]  }
0x432: {  	v35 =	vld.idx.msk [tilespmem:v35+s16+$0x0], $0xffff  }
0x433: {  	v23 =	vld.idx.msk [tilespmem:v23+s16+$0x0], $0xffff;
	v32 =	vadd.f32 $1.000000020e-16, v32  }
0x434: {  	v41 =	vadd.s32 $0x81, v26;
	[tilespmem:s26+$0x40] =	vst v1;
	v38 =	vld.idx.msk [tilespmem:v38+s16+$0x0], $0xffff  }
0x435: {  	v42 =	vld [tilespmem:$0x45D0];
	(erf) = vrcp.f32 v32  }
0x436: {  	v46 =	vadd.s32 $0x82, v26;
	v56 =	vld [tilespmem:s26+$0xF0]  }
0x437: {  	[tilespmem:s26+$0xE0] =	vst v1;
	v45 =	vadd.s32 $0x81, v24;
	v21 =	vmul.f32 v31, v21;
	v31 =	vld [tilespmem:$0x4580];
	v35 =	vadd.f32 $1.000000020e-16, v35  }
0x438: {  	v26 =	vadd.s32 $0x83, v26;
	v59 =	vld [tilespmem:$0x45E0];
	v23 =	vadd.f32 $1.000000020e-16, v23  }
0x439: {  	v61 =	vadd.s32 $0x82, v55;
	v60 =	vld.idx.msk [tilespmem:v41+s16+$0x0], $0xffff;
	(erf) = vrcp.f32 v35;
	v38 =	vadd.f32 $1.000000020e-16, v38  }
0x43a: {  	v52 =	vadd.s32 $0x82, v30;
	(erf) = vrcp.f32 v23;
	v23 =	vld [tilespmem:s31+$0x90]  }
0x43b: {  	v50 =	vadd.s32 $0x81, v30;
	v30 =	vadd.s32 $0x83, v30;
	v62 =	vld.idx.msk [tilespmem:v46+s16+$0x0], $0xffff;
	(erf) = vrcp.f32 v38  }
0x43c: {  	v25 =	vadd.f32 v25, v33;
	v48 =	vadd.s32 $0x82, v24;
	v45 =	vld.idx.msk [tilespmem:v45+s16+$0x0], $0xffff  }
0x43d: {  	v44 =	vpop (erf);
	v24 =	vadd.s32 $0x83, v24;
	v26 =	vld.idx.msk [tilespmem:v26+s16+$0x0], $0xffff  }
0x43e: {  	v41 =	vld.idx.msk [tilespmem:v61+s16+$0x0], $0xffff;
	[tilespmem:s28+$0xFFFFFF40] =	vst v25;
	v25 =	vadd.f32 $1.000000020e-16, v43;
	v22 =	vmul.f32 v58, v22;
	v37 =	vmul.f32 v56, v44;
	v55 =	vpop (erf)  }
0x43f: {  	v34 =	vld.idx.msk [tilespmem:v52+s16+$0x0], $0xffff;
	v21 =	vadd.f32 v53, v21;
	v53 =	vadd.f32 $1.000000020e-16, v60;
	v23 =	vmul.f32 v23, v55  }
0x440: {  	[tilespmem:s26+$0xFFFFFF20] =	vst v1;
	v30 =	vld.idx.msk [tilespmem:v30+s16+$0x0], $0xffff;
	v22 =	vadd.f32 v42, v22;
	v37 =	vadd.f32 v59, v37  }
0x441: {  	[tilespmem:s28+$0xFFFFFFD0] =	vst v21;
	v36 =	vld.idx.msk [tilespmem:v48+s16+$0x0], $0xffff;
	v56 =	vadd.f32 $1.000000020e-16, v45;
	(erf) = vrcp.f32 v53;
	v23 =	vadd.f32 v23, v31  }
0x442: {  	s30 =	simm.s32 $0x3B00;
	v24 =	vld.idx.msk [tilespmem:v24+s16+$0x0], $0xffff;
	[tilespmem:s28+$0x50] =	vst v22;
	v22 =	vadd.f32 $1.000000020e-16, v62;
	(erf) = vrcp.f32 v25;
	v25 =	vadd.f32 $1.000000020e-16, v26;
	v57 =	vpop (erf)  }
0x443: {  	v21 =	vld.idx.msk [tilespmem:v50+s16+$0x0], $0xffff;
	v26 =	vadd.f32 $1.000000020e-16, v41;
	(erf) = vrcp.f32 v56;
	v58 =	vpop (erf);
	v33 =	vmul.f32 v51, v57;
	[tilespmem:s30+$0x80] =	vst v23  }
0x444: {  	[tilespmem:s28+$0xE0] =	vst v37;
	(erf) = vrcp.f32 v22;
	v22 =	vadd.f32 $1.000000020e-16, v63;
	v40 =	vmul.f32 v54, v58;
	v60 =	vpop (erf);
	v61 =	vld [tilespmem:s31+$0xA0]  }
0x445: {  	v37 =	vld [tilespmem:s26+$0x100];
	[tilespmem:s26+$0xF0] =	vst v1;
	(erf) = vrcp.f32 v25;
	v25 =	vadd.f32 v33, v31;
	v23 =	vmul.f32 v49, v60  }
0x446: {  	v48 =	vld [tilespmem:$0x45D0];
	(erf) = vrcp.f32 v26;
	v26 =	vadd.f32 $1.000000020e-16, v36;
	v62 =	vadd.f32 v40, v31;
	[tilespmem:s31+$0x90] =	vst v1  }
0x447: {  	v59 =	vld [tilespmem:$0x45F0];
	(erf) = vrcp.f32 v22;
	[tilespmem:s30+$0xFFFFFF80] =	vst v25;
	v22 =	vadd.f32 v31, v23;
	v23 =	vadd.f32 $1.000000020e-16, v24  }
0x448: {  	v21 =	vadd.f32 $1.000000020e-16, v21;
	(erf) = vrcp.f32 v26;
	[tilespmem:s30+$0x0] =	vst v62;
	v24 =	vld [tilespmem:$0x4590]  }
0x449: {  	[tilespmem:s31+$0xFFFFFF70] =	vst v1;
	v31 =	vld [tilespmem:s31+$0xFFFFFF80];
	(erf) = vrcp.f32 v23;
	v25 =	vmul.f32 v61, v55  }
0x44a: {  	v36 =	vpop (erf);
	[tilespmem:s30+$0xFFFFFF00] =	vst v22;
	v22 =	vld [tilespmem:s31+$0x10];
	(erf) = vrcp.f32 v21;
	v21 =	vmul.f32 v37, v44  }
0x44b: {  	[tilespmem:s26+$0xFFFFFFC0] =	vst v1;
	v45 =	vld [tilespmem:$0x4590]  }
0x44c: {  	v33 =	vpop (erf);
	[tilespmem:s31+$0x0] =	vst v1;
	v23 =	vld [tilespmem:s31+$0xFFFFFEF0];
	v26 =	vadd.f32 v59, v21  }
0x44d: {  	v40 =	vpop (erf);
	v46 =	vld [tilespmem:$0x4590];
	[tilespmem:s31+$0xFFFFFEE0] =	vst v1;
	v24 =	vadd.f32 v24, v25  }
0x44e: {  	[tilespmem:s26+$0x50] =	vst v1;
	v47 =	vld [tilespmem:$0x4590];
	v31 =	vmul.f32 v31, v57;
	v25 =	vpop (erf)  }
0x44f: {  	v63 =	vld [tilespmem:s26+$0xFFFFFF30];
	v21 =	vpop (erf);
	[tilespmem:s30+$0x90] =	vst v24;
	v24 =	vmul.f32 v22, v58  }
0x450: {  	[tilespmem:s28+$0xF0] =	vst v26;
	v31 =	vadd.f32 v45, v31;
	v49 =	vld [tilespmem:s31+$0xB0];
	v26 =	vpop (erf)  }
0x451: {  	v50 =	vld [tilespmem:s26+$0xFFFFFFD0];
	v35 =	vmul.f32 v23, v60;
	[tilespmem:s31+$0xA0] =	vst v1;
	v22 =	vpop (erf)  }
0x452: {  	v42 =	vadd.f32 v46, v24;
	v51 =	vld [tilespmem:$0x45A0];
	[tilespmem:s30+$0xFFFFFF90] =	vst v31;
	v23 =	vpop (erf)  }
0x453: {  	v35 =	vadd.f32 v47, v35;
	v52 =	vld [tilespmem:s31+$0xFFFFFF90];
	[tilespmem:s31+$0xFFFFFF80] =	vst v1;
	v24 =	vpop (erf)  }
0x454: {  	v29 =	vmul.f32 v63, v29;
	[tilespmem:s30+$0x10] =	vst v42;
	v56 =	vld [tilespmem:$0x45A0];
	v53 =	vpop (erf)  }
0x455: {  	[tilespmem:s30+$0xFFFFFF10] =	vst v35;
	v54 =	vld [tilespmem:s31+$0x20];
	v39 =	vmul.f32 v49, v53  }
0x456: {  	v29 =	vadd.f32 v48, v29;
	[tilespmem:s31+$0x10] =	vst v1;
	v55 =	vld [tilespmem:s31+$0xFFFFFF00]  }
0x457: {  	[tilespmem:s31+$0xFFFFFEF0] =	vst v1;
	v57 =	vld [tilespmem:$0x45A0];
	v39 =	vadd.f32 v51, v39  }
0x458: {  	[tilespmem:s28+$0xFFFFFF50] =	vst v29;
	v58 =	vld [tilespmem:$0x45A0]  }
0x459: {  	v63 =	vld [tilespmem:$0x45E0];
	v59 =	vmul.f32 v52, v36;
	[tilespmem:s30+$0xA0] =	vst v39  }
0x45a: {  	[tilespmem:s26+$0xFFFFFF30] =	vst v1;
	v29 =	vmul.f32 v54, v33;
	v60 =	vld [tilespmem:s31+$0xC0]  }
0x45b: {  	v45 =	vld [tilespmem:$0x45E0];
	v38 =	vmul.f32 v55, v40;
	v39 =	vadd.f32 v56, v59;
	[tilespmem:s31+$0xB0] =	vst v1  }
0x45c: {  	[tilespmem:s26+$0x100] =	vst v1;
	v29 =	vadd.f32 v57, v29;
	v61 =	vld [tilespmem:$0x45B0]  }
0x45d: {  	v62 =	vadd.f32 $1.000000020e-16, v34;
	v31 =	vld [tilespmem:s26+$0x60];
	v38 =	vadd.f32 v58, v38;
	[tilespmem:s30+$0xFFFFFFA0] =	vst v39  }
0x45e: {  	v46 =	vld [tilespmem:s31+$0xFFFFFFA0];
	[tilespmem:s30+$0x20] =	vst v29  }
0x45f: {  	(erf) = vrcp.f32 v62;
	[tilespmem:s30+$0xFFFFFF20] =	vst v38;
	v47 =	vld [tilespmem:s31+$0x30];
	v29 =	vmul.f32 v60, v53  }
0x460: {  	[tilespmem:s31+$0xFFFFFF90] =	vst v1;
	v38 =	vld [tilespmem:s31+$0xFFFFFF10]  }
0x461: {  	v48 =	vld [tilespmem:$0x45B0];
	[tilespmem:s31+$0xFFFFFF00] =	vst v1;
	v29 =	vadd.f32 v61, v29  }
0x462: {  	v37 =	vmul.f32 v50, v27;
	[tilespmem:s31+$0x20] =	vst v1;
	v51 =	vld [tilespmem:$0x45B0]  }
0x463: {  	s0 =	sand.u32 $0x1FF0, s0;
	v49 =	vld [tilespmem:$0x45B0];
	[tilespmem:s30+$0xB0] =	vst v29;
	v29 =	vmul.f32 v31, v28  }
0x464: {  	[tilespmem:s0+$0x1D80] =	vst v1;
	v36 =	vmul.f32 v46, v36;
	v31 =	vadd.f32 v63, v37;
	v50 =	vld [tilespmem:s31+$0xD0]  }
0x465: {  	v35 =	vld [tilespmem:s26+$0xFFFFFF40];
	v38 =	vmul.f32 v38, v40;
	[tilespmem:s31+$0xC0] =	vst v1;
	v29 =	vadd.f32 v45, v29  }
0x466: {  	v52 =	vld [tilespmem:$0x45C0];
	[tilespmem:s28+$0xFFFFFFE0] =	vst v31;
	v31 =	vadd.f32 v48, v36  }
0x467: {  	v53 =	vld [tilespmem:$0x45E0];
	v32 =	vmul.f32 v47, v33;
	v57 =	vadd.f32 v51, v38;
	[tilespmem:s28+$0x60] =	vst v29  }
0x468: {  	v54 =	vpop (erf);
	v55 =	vld [tilespmem:s26+$0xFFFFFFE0];
	[tilespmem:s30+$0xFFFFFFB0] =	vst v31  }
0x469: {  	v29 =	vadd.f32 v49, v32;
	[tilespmem:s30+$0xFFFFFF30] =	vst v57;
	v56 =	vld [tilespmem:s26+$0x70];
	v31 =	vmul.f32 v50, v54  }
0x46a: {  	v58 =	vld [tilespmem:s31+$0xFFFFFFB0];
	[tilespmem:s31+$0xFFFFFFA0] =	vst v1  }
0x46b: {  	v61 =	vld [tilespmem:s31+$0xFFFFFF20];
	[tilespmem:s30+$0x30] =	vst v29;
	v29 =	vadd.f32 v52, v31  }
0x46c: {  	[tilespmem:s26+$0xFFFFFFD0] =	vst v1;
	v60 =	vld [tilespmem:$0x45C0]  }
0x46d: {  	v59 =	vld [tilespmem:s31+$0x40];
	[tilespmem:s30+$0xC0] =	vst v29  }
0x46e: {  	[tilespmem:s31+$0x30] =	vst v1;
	v31 =	vmul.f32 v35, v20;
	v62 =	vld [tilespmem:s31+$0xE0]  }
0x46f: {  	v63 =	vadd.f32 $1.000000020e-16, v30;
	v34 =	vld [tilespmem:$0x45C0];
	v37 =	vmul.f32 v58, v25;
	[tilespmem:s31+$0xD0] =	vst v1  }
0x470: {  	[tilespmem:s31+$0xFFFFFF10] =	vst v1;
	v36 =	vadd.f32 v53, v31;
	v35 =	vld [tilespmem:$0x45D0]  }
0x471: {  	s7 =	sand.u32 $0x1FD0, s1;
	s6 =	sand.u32 $0x1FE0, s2;
	s2 =	sand.u32 $0x1FD0, s9;
	(erf) = vrcp.f32 v63;
	v32 =	vld [tilespmem:$0x45F0];
	[tilespmem:s26+$0x60] =	vst v1;
	v29 =	vmul.f32 v55, v27;
	v37 =	vadd.f32 v60, v37  }
0x472: {  	s1 =	sand.u32 $0x1FE0, s10;
	s10 =	simm.s32 $0x480;
	s9 =	simm.s32 $0x4;
	v28 =	vmul.f32 v56, v28;
	v31 =	vld [tilespmem:$0x45C0];
	[tilespmem:s28+$0xFFFFFF60] =	vst v36;
	v30 =	vmul.f32 v59, v26  }
0x473: {  	s0 =	sand.u32 $0xFC0, s25;
	s25 =	sand.u32 $0xFC0, s13;
	s13 =	simm.s32 $0x2060;
	v33 =	vmul.f32 v61, v23;
	v27 =	vld [tilespmem:s26+$0xFFFFFF50];
	[tilespmem:s30+$0xFFFFFFC0] =	vst v37;
	v36 =	vmul.f32 v62, v54  }
.LBB2_9:
0x474: {  	v37 =	vmov s10;
	s17 =	sadd.s32 $0x90, s10;
	s19 =	sadd.s32 $0x120, s10;
	s12 =	sadd.s32 $0x1B0, s10;
	[tilespmem:s31+$0xFFFFFFB0] =	vst v1;
	v38 =	vld [tilespmem:s31+$0xFFFFFFC0];
	v34 =	vadd.f32 v34, v30  }
0x475: {  	s20 =	sand.u32 $0xFC0, s10;
	v39 =	vmov s17;
	s22 =	sand.u32 $0x1FD0, s17;
	s21 =	sand.u32 $0x1FE0, s19;
	v30 =	vmov s12;
	v40 =	vld [tilespmem:$0x45D0];
	v35 =	vadd.f32 v35, v36;
	[tilespmem:s26+$0xFFFFFF40] =	vst v1  }
0x476: {  	s9 =	sadd.s32 $0x4, s9;
	v41 =	vmov s19;
	v36 =	vand.u32 $0x1FD0, v39;
	v42 =	vand.u32 $0x1FF0, v30;
	[tilespmem:s30+$0x40] =	vst v34;
	v34 =	vld [tilespmem:$0x45F0]  }
0x477: {  	v43 =	vand.u32 $0xFC0, v37;
	p0 =	slt.u32 s9, $0x14;
	v44 =	vand.u32 $0x1FE0, v41;
	v42 =	vadd.s32 $0x80, v42;
	v45 =	vld [tilespmem:s31+$0x50];
	[tilespmem:s30+$0xD0] =	vst v35  }
0x478: {  	v35 =	vadd.s32 $0x80, v43;
	v36 =	vadd.s32 $0x80, v36;
	v43 =	vadd.s32 $0x80, v44;
	[tilespmem:s31+$0x40] =	vst v1;
	v44 =	vld [tilespmem:s31+$0xF0]  }
0x479: {  	v46 =	vadd.s32 $0x81, v37;
	v47 =	vadd.s32 $0x81, v39;
	v48 =	vadd.s32 $0x81, v41;
	v49 =	vld [tilespmem:$0x45D0];
	[tilespmem:s31+$0xE0] =	vst v1  }
0x47a: {  	v50 =	vadd.s32 $0x82, v39;
	v39 =	vadd.s32 $0x83, v39;
	v51 =	vadd.s32 $0x82, v41;
	v52 =	vld [tilespmem:$0x45E0]  }
0x47b: {  	v53 =	vadd.s32 $0x82, v37;
	v37 =	vadd.s32 $0x83, v37;
	v41 =	vadd.s32 $0x83, v41;
	v54 =	vld [tilespmem:$0x45F0]  }
0x47c: {  	v31 =	vadd.f32 v31, v33;
	v25 =	vmul.f32 v38, v25;
	v42 =	vld.idx.msk [tilespmem:v42+s16+$0x0], $0xffff;
	v26 =	vmul.f32 v45, v26;
	v33 =	vpop (erf)  }
0x47d: {  	v27 =	vmul.f32 v27, v20;
	v29 =	vadd.f32 v32, v29;
	v36 =	vld.idx.msk [tilespmem:v36+s16+$0x0], $0xffff;
	v38 =	vmul.f32 v44, v33  }
0x47e: {  	v20 =	vmov v24;
	v25 =	vadd.f32 v40, v25;
	v32 =	vld.idx.msk [tilespmem:v43+s16+$0x0], $0xffff;
	[tilespmem:s30+$0xFFFFFF40] =	vst v31;
	v26 =	vadd.f32 v49, v26  }
0x47f: {  	v28 =	vadd.f32 v34, v28;
	v24 =	vld.idx.msk [tilespmem:v35+s16+$0x0], $0xffff;
	[tilespmem:s31+$0xFFFFFF20] =	vst v1;
	v31 =	vadd.f32 v52, v38  }
0x480: {  	v34 =	vld.idx.msk [tilespmem:v47+s16+$0x0], $0xffff;
	[tilespmem:s30+$0xFFFFFFD0] =	vst v25;
	v25 =	vadd.f32 v54, v27  }
0x481: {  	v27 =	vld.idx.msk [tilespmem:v48+s16+$0x0], $0xffff;
	[tilespmem:s30+$0xE0] =	vst v31  }
0x482: {  	v31 =	vadd.f32 $1.000000020e-16, v42;
	[tilespmem:s30+$0x50] =	vst v26;
	v26 =	vld [tilespmem:s31+$0x100]  }
0x483: {  	v36 =	vadd.f32 $1.000000020e-16, v36;
	v35 =	vld.idx.msk [tilespmem:v46+s16+$0x0], $0xffff;
	[tilespmem:s31+$0xF0] =	vst v1  }
0x484: {  	v32 =	vadd.f32 $1.000000020e-16, v32;
	(erf) = vrcp.f32 v31;
	[tilespmem:s31+$0xFFFFFFC0] =	vst v1;
	v31 =	vld [tilespmem:$0x45F0]  }
0x485: {  	v24 =	vadd.f32 $1.000000020e-16, v24;
	v38 =	vld.idx.msk [tilespmem:v50+s16+$0x0], $0xffff;
	(erf) = vrcp.f32 v36;
	[tilespmem:s31+$0x50] =	vst v1  }
0x486: {  	v34 =	vadd.f32 $1.000000020e-16, v34;
	v36 =	vld.idx.msk [tilespmem:v39+s16+$0x0], $0xffff;
	(erf) = vrcp.f32 v32;
	[tilespmem:s28+$0xFFFFFFF0] =	vst v29  }
0x487: {  	v27 =	vadd.f32 $1.000000020e-16, v27;
	v29 =	vld.idx.msk [tilespmem:v51+s16+$0x0], $0xffff;
	(erf) = vrcp.f32 v24;
	v24 =	vmul.f32 v26, v33;
	[tilespmem:s26+$0xFFFFFFE0] =	vst v1  }
0x488: {  	s31 =	sadd.s32 $0x240, s31;
	v26 =	vld.idx.msk [tilespmem:v41+s16+$0x0], $0xffff;
	(erf) = vrcp.f32 v34;
	[tilespmem:s7+$0x1D80] =	vst v1;
	s7 =	smov.u32 s2;
	s2 =	smov.u32 s22  }
0x489: {  	v32 =	vadd.f32 $1.000000020e-16, v35;
	v33 =	vld [tilespmem:s31+$0x90];
	(erf) = vrcp.f32 v27;
	v24 =	vadd.f32 v31, v24;
	[tilespmem:s28+$0x70] =	vst v28  }
0x48a: {  	v27 =	vld [tilespmem:s31+$0xFFFFFEE0];
	[tilespmem:s26+$0x70] =	vst v1  }
0x48b: {  	v34 =	vadd.s32 $0x81, v30;
	v31 =	vadd.f32 $1.000000020e-16, v38;
	v28 =	vld [tilespmem:$0x4580];
	(erf) = vrcp.f32 v32;
	[tilespmem:s30+$0xF0] =	vst v24  }
0x48c: {  	s17 =	sand.u32 $0x1FF0, s29;
	s29 =	smov.u32 s12;
	v35 =	vadd.s32 $0x82, v30;
	v24 =	vadd.f32 $1.000000020e-16, v36;
	v32 =	vld [tilespmem:s31+$0xFFFFFF70];
	[tilespmem:s13+$0x100] =	vst v1  }
0x48d: {  	v30 =	vadd.s32 $0x83, v30;
	v29 =	vadd.f32 $1.000000020e-16, v29;
	v36 =	vld [tilespmem:s31+$0x0];
	(erf) = vrcp.f32 v31;
	v38 =	vpop (erf);
	[tilespmem:s17+$0x1D80] =	vst v1  }
0x48e: {  	v26 =	vadd.f32 $1.000000020e-16, v26;
	v39 =	vld.idx.msk [tilespmem:v53+s16+$0x0], $0xffff;
	v31 =	vmul.f32 v33, v38;
	v33 =	vpop (erf);
	(erf) = vrcp.f32 v24;
	[tilespmem:s6+$0x1D80] =	vst v1;
	s6 =	smov.u32 s1;
	s1 =	smov.u32 s21  }
0x48f: {  	v24 =	vld.idx.msk [tilespmem:v37+s16+$0x0], $0xffff;
	v37 =	vpop (erf);
	(erf) = vrcp.f32 v29;
	[tilespmem:s28+$0xFFFFFF70] =	vst v25;
	s28 =	smov.u32 s30  }
0x490: {  	v25 =	vld.idx.msk [tilespmem:v34+s16+$0x0], $0xffff;
	v40 =	vadd.f32 v31, v28;
	v34 =	vpop (erf);
	(erf) = vrcp.f32 v26;
	[tilespmem:s26+$0xFFFFFF50] =	vst v1;
	s26 =	smov.u32 s13;
	s13 =	smov.u32 s31  }
0x491: {  	s30 =	sadd.s32 $0x200, s30;
	v26 =	vmul.f32 v27, v34;
	v41 =	vmul.f32 v32, v33;
	v35 =	vld.idx.msk [tilespmem:v35+s16+$0x0], $0xffff;
	v29 =	vpop (erf);
	[tilespmem:s0+$0x1D80] =	vst v1;
	s0 =	smov.u32 s25;
	s25 =	smov.u32 s20  }
0x492: {  	v36 =	vmul.f32 v36, v37;
	v27 =	vld.idx.msk [tilespmem:v30+s16+$0x0], $0xffff;
	[tilespmem:s30+$0x80] =	vst v40;
	v31 =	vpop (erf)  }
0x493: {  	v26 =	vadd.f32 v28, v26;
	v30 =	vadd.f32 v41, v28;
	v40 =	vld [tilespmem:s31+$0xA0]  }
0x494: {  	v39 =	vadd.f32 $1.000000020e-16, v39;
	v43 =	vadd.f32 v36, v28;
	[tilespmem:s31+$0x90] =	vst v1;
	v32 =	vpop (erf);
	v36 =	vld [tilespmem:s26+$0xFFFFFF30]  }
0x495: {  	v24 =	vadd.f32 $1.000000020e-16, v24;
	[tilespmem:s30+$0xFFFFFF80] =	vst v30;
	v41 =	vld [tilespmem:$0x4590]  }
0x496: {  	v42 =	vld [tilespmem:s31+$0xFFFFFF80];
	[tilespmem:s30+$0x0] =	vst v43;
	v43 =	vadd.f32 $1.000000020e-16, v25;
	(erf) = vrcp.f32 v39;
	v25 =	vpop (erf)  }
0x497: {  	[tilespmem:s30+$0xFFFFFF00] =	vst v26;
	v39 =	vld [tilespmem:s31+$0x10];
	(erf) = vrcp.f32 v24;
	v28 =	vpop (erf)  }
0x498: {  	v24 =	vld [tilespmem:s31+$0xFFFFFEF0];
	[tilespmem:s31+$0xFFFFFF70] =	vst v1;
	v38 =	vmul.f32 v40, v38;
	v26 =	vpop (erf);
	(erf) = vrcp.f32 v43  }
0x499: {  	v40 =	vld [tilespmem:$0x4590];
	[tilespmem:s31+$0x0] =	vst v1;
	v30 =	vpop (erf);
	v36 =	vmul.f32 v36, v23  }
0x49a: {  	[tilespmem:s31+$0xFFFFFEE0] =	vst v1;
	v23 =	vld [tilespmem:$0x4590];
	v38 =	vadd.f32 v41, v38  }
0x49b: {  	v41 =	vld [tilespmem:$0x4590];
	v33 =	vmul.f32 v42, v33  }
0x49c: {  	v37 =	vmul.f32 v39, v37;
	[tilespmem:s30+$0x90] =	vst v38;
	v38 =	vld [tilespmem:$0x45D0]  }
0x49d: {  	v42 =	vmul.f32 v24, v34;
	v34 =	vld [tilespmem:s31+$0xB0]  }
0x49e: {  	v33 =	vadd.f32 v40, v33;
	[tilespmem:s31+$0xA0] =	vst v1;
	v39 =	vld [tilespmem:s26+$0xFFFFFFD0]  }
0x49f: {  	v43 =	vadd.f32 v23, v37;
	v40 =	vld [tilespmem:$0x45A0];
	v23 =	vpop (erf)  }
0x4a0: {  	v41 =	vadd.f32 v41, v42;
	[tilespmem:s30+$0xFFFFFF90] =	vst v33;
	v24 =	vpop (erf);
	v33 =	vld [tilespmem:s26+$0x60]  }
0x4a1: {  	v42 =	vld [tilespmem:s31+$0xFFFFFF90];
	[tilespmem:s30+$0x10] =	vst v43;
	v37 =	vpop (erf);
	v36 =	vadd.f32 v38, v36  }
0x4a2: {  	[tilespmem:s30+$0xFFFFFF10] =	vst v41;
	v38 =	vld [tilespmem:s31+$0x20];
	v34 =	vmul.f32 v34, v37  }
0x4a3: {  	v41 =	vld [tilespmem:s31+$0xFFFFFF00];
	[tilespmem:s31+$0xFFFFFF80] =	vst v1;
	v39 =	vmul.f32 v39, v21  }
0x4a4: {  	v43 =	vld [tilespmem:$0x45A0];
	[tilespmem:s31+$0x10] =	vst v1;
	v34 =	vadd.f32 v40, v34  }
0x4a5: {  	[tilespmem:s31+$0xFFFFFEF0] =	vst v1;
	v40 =	vld [tilespmem:$0x45A0];
	v33 =	vmul.f32 v33, v22  }
0x4a6: {  	v44 =	vld [tilespmem:$0x45A0];
	v42 =	vmul.f32 v42, v29;
	[tilespmem:s30+$0xA0] =	vst v34  }
0x4a7: {  	v34 =	vmul.f32 v38, v31;
	v38 =	vld [tilespmem:s31+$0xC0];
	[tilespmem:s28+$0xFFFFFF50] =	vst v36  }
0x4a8: {  	v36 =	vmul.f32 v41, v32;
	[tilespmem:s31+$0xB0] =	vst v1;
	v41 =	vld [tilespmem:s26+$0xFFFFFF40]  }
0x4a9: {  	v42 =	vadd.f32 v43, v42;
	v43 =	vld [tilespmem:$0x45B0];
	[tilespmem:s26+$0xFFFFFF30] =	vst v1  }
0x4aa: {  	v35 =	vadd.f32 $1.000000020e-16, v35;
	v34 =	vadd.f32 v40, v34;
	v40 =	vld [tilespmem:$0x45E0]  }
0x4ab: {  	v36 =	vadd.f32 v44, v36;
	[tilespmem:s30+$0xFFFFFFA0] =	vst v42;
	v42 =	vld [tilespmem:$0x45E0]  }
0x4ac: {  	v44 =	vld [tilespmem:s31+$0xFFFFFFA0];
	[tilespmem:s30+$0x20] =	vst v34;
	v34 =	vmul.f32 v38, v37;
	(erf) = vrcp.f32 v35  }
0x4ad: {  	[tilespmem:s30+$0xFFFFFF20] =	vst v36;
	v35 =	vld [tilespmem:s31+$0x30];
	v36 =	vmul.f32 v41, v20  }
0x4ae: {  	v37 =	vld [tilespmem:s31+$0xFFFFFF10];
	[tilespmem:s31+$0xFFFFFF90] =	vst v1;
	v34 =	vadd.f32 v43, v34  }
0x4af: {  	v38 =	vld [tilespmem:$0x45B0];
	[tilespmem:s31+$0x20] =	vst v1;
	v39 =	vadd.f32 v40, v39  }
0x4b0: {  	v40 =	vld [tilespmem:$0x45B0];
	[tilespmem:s30+$0xB0] =	vst v34;
	v33 =	vadd.f32 v42, v33  }
0x4b1: {  	[tilespmem:s31+$0xFFFFFF00] =	vst v1;
	v29 =	vmul.f32 v44, v29;
	v34 =	vld [tilespmem:s31+$0xD0]  }
0x4b2: {  	v41 =	vld [tilespmem:$0x45B0];
	v31 =	vmul.f32 v35, v31;
	[tilespmem:s31+$0xC0] =	vst v1  }
0x4b3: {  	v32 =	vmul.f32 v37, v32;
	v35 =	vld [tilespmem:$0x45C0];
	[tilespmem:s28+$0xFFFFFFE0] =	vst v39  }
0x4b4: {  	v29 =	vadd.f32 v38, v29;
	v37 =	vld [tilespmem:$0x45E0];
	[tilespmem:s28+$0x60] =	vst v33  }
0x4b5: {  	v31 =	vadd.f32 v40, v31;
	v38 =	vpop (erf);
	[tilespmem:s26+$0xFFFFFFD0] =	vst v1;
	v33 =	vld [tilespmem:s26+$0xFFFFFFE0]  }
0x4b6: {  	[tilespmem:s30+$0xFFFFFFB0] =	vst v29;
	v29 =	vmul.f32 v34, v38;
	v34 =	vld [tilespmem:s26+$0x70]  }
0x4b7: {  	v32 =	vadd.f32 v41, v32;
	v39 =	vld [tilespmem:s31+$0xFFFFFFB0];
	[tilespmem:s30+$0x30] =	vst v31  }
0x4b8: {  	[tilespmem:s31+$0xFFFFFFA0] =	vst v1;
	v31 =	vld [tilespmem:s31+$0x40];
	v29 =	vadd.f32 v35, v29  }
0x4b9: {  	[tilespmem:s30+$0xFFFFFF30] =	vst v32;
	v32 =	vld [tilespmem:$0x45C0];
	v36 =	vadd.f32 v37, v36  }
0x4ba: {  	v37 =	vld [tilespmem:s31+$0xFFFFFF20];
	[tilespmem:s30+$0xC0] =	vst v29;
	v29 =	vmul.f32 v33, v21;
	v21 =	vmov v28  }
0x4bb: {  	[tilespmem:s31+$0x30] =	vst v1;
	v40 =	vld [tilespmem:s31+$0xE0];
	v28 =	vmul.f32 v34, v22;
	v22 =	vmov v30  }
.Ltmp5:
0x4bc: {  	v33 =	vmul.f32 v39, v25;
	v34 =	vld [tilespmem:$0x45C0];
	[tilespmem:s31+$0xD0] =	vst v1;
	(pc) =	sbr.rel @p0 .LBB2_9-.Ltmp5, $4  }
0x4bd: {  	[tilespmem:s31+$0xFFFFFF10] =	vst v1;
	v30 =	vmul.f32 v31, v26;
	v35 =	vld [tilespmem:$0x45D0]  }
0x4be: {  	v39 =	vadd.f32 $1.000000020e-16, v27;
	v31 =	vld [tilespmem:$0x45C0];
	v32 =	vadd.f32 v32, v33;
	[tilespmem:s28+$0xFFFFFF60] =	vst v36  }
0x4bf: {  	v33 =	vmul.f32 v37, v23;
	v27 =	vld [tilespmem:s26+$0xFFFFFF50];
	[tilespmem:s26+$0x60] =	vst v1  }
0x4c0: {  	s10 =	sadd.s32 $0x240, s10;
	[tilespmem:s30+$0xFFFFFFC0] =	vst v32;
	v36 =	vmul.f32 v40, v38;
	(erf) = vrcp.f32 v39;
	v32 =	vld [tilespmem:$0x45F0]  }
0x4c1: {  	[tilespmem:s31+$0xFFFFFFB0] =	vst v1;
	v30 =	vadd.f32 v34, v30  }
0x4c2: {  	v44 =	vld [tilespmem:s31+$0xFFFFFFC0];
	[tilespmem:s26+$0xFFFFFF40] =	vst v1;
	v35 =	vadd.f32 v35, v36  }
0x4c3: {  	v45 =	vld [tilespmem:$0x45D0];
	[tilespmem:s30+$0x40] =	vst v30  }
0x4c4: {  	[tilespmem:s30+$0xD0] =	vst v35;
	v47 =	vld [tilespmem:s31+$0x50]  }
0x4c5: {  	v31 =	vadd.f32 v31, v33;
	[tilespmem:s31+$0x40] =	vst v1;
	v46 =	vld [tilespmem:s31+$0xF0]  }
0x4c6: {  	[tilespmem:s31+$0xE0] =	vst v1;
	v38 =	vld [tilespmem:$0x45D0]  }
0x4c7: {  	[tilespmem:s30+$0xFFFFFF40] =	vst v31;
	v29 =	vadd.f32 v32, v29;
	v37 =	vld [tilespmem:$0x45E0];
	v25 =	vmul.f32 v44, v25  }
0x4c8: {  	[tilespmem:s31+$0xFFFFFF20] =	vst v1  }
0x4c9: {  	[tilespmem:s28+$0xFFFFFFF0] =	vst v29;
	v25 =	vadd.f32 v45, v25;
	v48 =	vpop (erf);
	v26 =	vmul.f32 v47, v26  }
0x4ca: {  	v49 =	vld [tilespmem:$0x45F0];
	[tilespmem:s26+$0xFFFFFFE0] =	vst v1;
	v30 =	vmul.f32 v46, v48  }
0x4cb: {  	v57 =	vld [tilespmem:$0x45F0];
	[tilespmem:s30+$0xFFFFFFD0] =	vst v25;
	v26 =	vadd.f32 v38, v26  }
0x4cc: {  	v51 =	vld [tilespmem:s13+$0xFFFFFF30];
	[tilespmem:s31+$0xFFFFFFC0] =	vst v1;
	v30 =	vadd.f32 v37, v30  }
0x4cd: {  	v53 =	vld [tilespmem:$0x45D0];
	[tilespmem:s30+$0x50] =	vst v26  }
0x4ce: {  	v20 =	vmul.f32 v27, v20;
	v54 =	vld [tilespmem:s13+$0xFFFFFFD0];
	[tilespmem:s30+$0xE0] =	vst v30  }
0x4cf: {  	[tilespmem:s31+$0x50] =	vst v1;
	v50 =	vld [tilespmem:s31+$0x100]  }
0x4d0: {  	v20 =	vadd.f32 v57, v20;
	[tilespmem:s31+$0xF0] =	vst v1;
	v56 =	vld [tilespmem:s13+$0x60]  }
0x4d1: {  	[tilespmem:s7+$0x1D80] =	vst v1;
	v23 =	vmul.f32 v51, v23;
	v52 =	vld [tilespmem:$0x45F0]  }
0x4d2: {  	[tilespmem:s28+$0xFFFFFF70] =	vst v20;
	v25 =	vadd.f32 v49, v28;
	v59 =	vld [tilespmem:$0x45E0]  }
0x4d3: {  	[tilespmem:s26+$0xFFFFFF50] =	vst v1;
	v23 =	vadd.f32 v53, v23  }
0x4d4: {  	v55 =	vld [tilespmem:$0x45E0];
	[tilespmem:s28+$0x70] =	vst v25;
	v26 =	vmul.f32 v50, v48  }
0x4d5: {  	[tilespmem:s30+$0xFFFFFF50] =	vst v23;
	v25 =	vmul.f32 v56, v22  }
0x4d6: {  	[tilespmem:s0+$0x1D80] =	vst v1;
	v60 =	vld [tilespmem:s13+$0xFFFFFF40];
	v26 =	vadd.f32 v52, v26  }
0x4d7: {  	v58 =	vmul.f32 v54, v21;
	[tilespmem:s13+$0xFFFFFF30] =	vst v1;
	v23 =	vadd.f32 v59, v25  }
0x4d8: {  	v61 =	vld [tilespmem:$0x45E0];
	[tilespmem:s30+$0xF0] =	vst v26  }
0x4d9: {  	v26 =	vadd.f32 v55, v58;
	[tilespmem:s30+$0x60] =	vst v23  }
0x4da: {  	v20 =	vld [tilespmem:s13+$0x70];
	[tilespmem:s13+$0x60] =	vst v1  }
0x4db: {  	v63 =	vmul.f32 v60, v24;
	[tilespmem:s30+$0xFFFFFFE0] =	vst v26;
	v32 =	vld [tilespmem:$0x45F0]  }
0x4dc: {  	[tilespmem:s26+$0x70] =	vst v1;
	v62 =	vld [tilespmem:s13+$0xFFFFFFE0]  }
0x4dd: {  	v26 =	vadd.f32 v61, v63;
	[tilespmem:s13+$0xFFFFFFD0] =	vst v1  }
0x4de: {  	[tilespmem:s6+$0x1D80] =	vst v1;
	v30 =	vld [tilespmem:$0x45F0]  }
0x4df: {  	[tilespmem:s30+$0xFFFFFF60] =	vst v26;
	v20 =	vmul.f32 v20, v22  }
0x4e0: {  	[tilespmem:s13+$0x100] =	vst v1;
	v26 =	vld [tilespmem:s13+$0xFFFFFF50]  }
0x4e1: {  	s29 =	sand.u32 $0x1FF0, s29;
	[tilespmem:s13+$0xFFFFFF40] =	vst v1;
	v31 =	vmul.f32 v62, v21;
	v20 =	vadd.f32 v32, v20  }
0x4e2: {  	[tilespmem:s29+$0x1D80] =	vst v1;
	v33 =	vld [tilespmem:$0x45F0]  }
0x4e3: {  	v21 =	vadd.f32 v30, v31;
	[tilespmem:s30+$0x70] =	vst v20  }
0x4e4: {  	[tilespmem:s13+$0x70] =	vst v1  }
0x4e5: {  	v34 =	vmul.f32 v26, v24;
	[tilespmem:s30+$0xFFFFFFF0] =	vst v21  }
0x4e6: {  	[tilespmem:s1+$0x1D80] =	vst v1  }
0x4e7: {  	v20 =	vadd.f32 v33, v34;
	[tilespmem:s13+$0xFFFFFFE0] =	vst v1  }
0x4e8: {  	[tilespmem:s2+$0x1D80] =	vst v1  }
0x4e9: {  	[tilespmem:s30+$0xFFFFFF70] =	vst v20  }
0x4ea: {  	[tilespmem:s13+$0xFFFFFF50] =	vst v1  }
0x4eb: {  	[tilespmem:s25+$0x1D80] =	vst v1  }
0x4ec: {  	v20 =	vld.idx.msk [tilespmem:v16+s16+$0x0], $0xffff;
	_ =	sdelay $0x2  }
0x4ed: {  	v35 =	vld.idx.msk [tilespmem:v17+s16+$0x0], $0xffff;
	_ =	sdelay $0x1  }
0x4ee: {  	v20 =	vadd.f32 $1.000000020e-16, v20;
	_ =	sdelay $0x1  }
0x4ef: {  	(erf) = vrcp.f32 v20;
	v20 =	vld.idx.msk [tilespmem:v18+s16+$0x0], $0xffff  }
0x4f0: {  	v21 =	vadd.f32 $1.000000020e-16, v35;
	_ =	sdelay $0x1  }
0x4f1: {  	(erf) = vrcp.f32 v21  }
0x4f2: {  	v36 =	vld.idx.msk [tilespmem:v19+s16+$0x0], $0xffff  }
0x4f3: {  	v37 =	vld [tilespmem:$0x2A80];
	v20 =	vadd.f32 $1.000000020e-16, v20  }
0x4f4: {  	v39 =	vld [tilespmem:$0x2A90]  }
0x4f5: {  	v41 =	vld [tilespmem:$0x2AA0];
	(erf) = vrcp.f32 v20  }
0x4f6: {  	v20 =	vld [tilespmem:$0x4590]  }
0x4f7: {  	v42 =	vld [tilespmem:$0x45A0];
	v21 =	vadd.f32 $1.000000020e-16, v36  }
0x4f8: {  	v43 =	vld [tilespmem:$0x2AB0];
	v40 =	vpop (erf)  }
0x4f9: {  	v46 =	vld [tilespmem:$0x45B0];
	[tilespmem:$0x2A80] =	vst v1;
	(erf) = vrcp.f32 v21;
	v45 =	vmul.f32 v39, v40  }
0x4fa: {  	v48 =	vld [tilespmem:$0x2AC0];
	[tilespmem:$0x2A90] =	vst v1;
	v47 =	vpop (erf)  }
0x4fb: {  	v50 =	vld [tilespmem:$0x45C0];
	[tilespmem:$0x2AA0] =	vst v1;
	v49 =	vmul.f32 v41, v47;
	v20 =	vadd.f32 v20, v45  }
0x4fc: {  	v51 =	vld [tilespmem:$0x2AD0];
	[tilespmem:$0x2AB0] =	vst v1  }
0x4fd: {  	v53 =	vld [tilespmem:$0x45D0];
	v52 =	vmul.f32 v43, v47;
	[tilespmem:$0x4410] =	vst v20;
	v20 =	vadd.f32 v42, v49  }
0x4fe: {  	v55 =	vld [tilespmem:$0x2AE0];
	[tilespmem:$0x2AC0] =	vst v1;
	v54 =	vpop (erf)  }
0x4ff: {  	v57 =	vld [tilespmem:$0x45E0];
	[tilespmem:$0x4420] =	vst v20;
	v20 =	vadd.f32 v46, v52;
	v56 =	vmul.f32 v48, v54  }
0x500: {  	v58 =	vld [tilespmem:$0x2AF0];
	[tilespmem:$0x2AD0] =	vst v1  }
0x501: {  	v38 =	vld [tilespmem:$0x4580];
	v59 =	vmul.f32 v51, v54;
	[tilespmem:$0x4430] =	vst v20;
	v20 =	vadd.f32 v50, v56  }
0x502: {  	v61 =	vld [tilespmem:$0x45F0];
	[tilespmem:$0x2AE0] =	vst v1;
	v60 =	vpop (erf)  }
0x503: {  	v62 =	vmul.f32 v55, v60;
	[tilespmem:$0x4440] =	vst v20;
	v20 =	vadd.f32 v53, v59  }
0x504: {  	[tilespmem:$0x2AF0] =	vst v1;
	v22 =	vmul.f32 v37, v40  }
0x505: {  	v63 =	vmul.f32 v58, v60;
	[tilespmem:$0x4450] =	vst v20;
	v20 =	vadd.f32 v57, v62  }
.Ltmp6:
0x506: {  	[tilespmem:$0x2B00] =	vst v1;
	v44 =	vadd.f32 v38, v22;
	(pc) =	sbr.rel @p1 .LBB2_12-.Ltmp6, $4  }
0x507: {  	s30 =	smul.u32 $0x190, s24;
	[tilespmem:$0x4460] =	vst v20;
	v20 =	vadd.f32 v61, v63  }
0x508: {  	[tilespmem:$0x4400] =	vst v44  }
0x509: {  	s31 =	simm.s32 $0x3800;
	s0 =	sadd.s32 s3, s30;
	[tilespmem:$0x4470] =	vst v20  }
0x50a: {  	[hbm4b:s0+s4] =	stream.linear.scatter [tilespmem:s31], [sflag:$0x4], $0xC80, $0x38;
	[tilespmem:$0x4600] =	vst v63  }
0x50b: {  	s0 =	smul.u32 $0xE10, s24  }
.Ltmp7:
0x50c: {  	_ = 	snop;
	(pc) =	sbr.rel .LBB2_2-.Ltmp7, $4  }
0x50d: {  	s0 =	sshrl.u32 s0, $0x3  }
0x50e: {  	s0 =	sadd.s32 s5, s0  }
0x50f: {  	s23 =	sadd.s32 $0x1, s23;
	s0 =	sadd.s32 $0x384, s0  }
0x510: {  	[tilespmem:s14], [sflag:$0x2] =	stream.linear.gather [hbm4b:s0+s4], $0xE10, $0x38;
	[tilespmem:$0x4600] =	vst v63  }
.LBB2_13:
0x511: {  	_ =	sfence.sel $0x180000  }
0x512: {  	[bflag:$0x0] =	sbarrier.arrive $0xFFFF  }
0x513: {  	_ =	strace $0x90000047  }
0x514: {  	s0 =	stileid.u32;
	[bflag:$0x2] =	sbarrier.arrive $0xFFFF  }
0x515: {  	p0 =	sne.s32 s0, $0x0;
	s0 =	rddreg [dreg:$0x3]  }
0x516: {  	s0 =	sadd.s32 @!p0 $0x100000, s0  }
0x517: {  	[sflag:s0] =	ssyncadd.tile.s32 @!p0 $0x1;
	_ =	shalt  }
.Lfunc_end2:
_tile_overlayer_lowered:
.L_overlay_start_2:
0x518: {  	(tag) =	ssettag $0x2  }
0x519: {  	s0 =	rddreg [dreg:$0x0];
	s2 =	stileid.u32  }
0x51a: {  	s1 =	rddreg [dreg:$0x1];
	p0 =	sne.s32 s2, $0x0  }
0x51b: {  	s3 =	rddreg [dreg:$0x2];
	[bflag:$0x3] =	sbarrier.arrive $0xFFFF;
	s2 =	simm.s32 @!p0 $0x1C05  }
0x51c: {  	[timem:s3], [sflag:s2] =	dma.local @!p0 [hbm:s0], s1  }
0x51d: {  	s0 =	simm.s32 @!p0 $0x5  }
0x51e: {  	_ =	swait.ge @!p0 [sflag:s0], s1  }
0x51f: {  	s1 =	ssub.s32 @!p0 $0x0, s1;
	[sflag:s0] =	ssyncset.done @!p0 $0x0  }
0x520: {  	[sflag:s0] =	ssyncadd.s32 @!p0 s1  }
0x521: {  	[bflag:$0x3] =	sbarrier.arrive $0xFFFF  }
0x522: {  	_ =	shalt  }

// kernel: sparse-core-data-format-call.cloned.1.call-start
scs
called_computation_lowered:
.L_overlay_start_0:
0x0: {  	s2 =	sld [smem:$0x3FD9]  }
0x1: {  	s3 =	sld [smem:$0x3FFE];
	_ =	sdelay $0x1  }
0x2: {  	s1 =	srdreg.scid  }
0x3: {  	s0 =	sand.u32 $0x1, s1  }
0x4: {  	s18 =	sshll.u32 s0, $0xA;
	s2 =	sadd.s32 s3, s2  }
0x5: {  	s2 =	sadd.s32 s2, s18  }
0x6: {  	[smem:$0x3FC2] =	sst s2  }
0x7: {  	_ = 	snop  }
0x8: {  	s2 =	sld [smem:$0x3FD0];
	(tm) =	ssettm $0x1  }
0x9: {  	s19 =	sld [smem:$0x3FFB];
	_ =	sdelay $0x3  }
0xa: {  	_ =	strace s19  }
0xb: {  	s3 =	sld [smem:$0x3FFC];
	_ =	sdelay $0x3  }
0xc: {  	_ =	strace s3  }
0xd: {  	s3 =	sld [smem:$0x3FFD];
	_ =	sdelay $0x3  }
0xe: {  	_ =	strace s3  }
0xf: {  	_ =	strace $0x8FFFFFFF  }
0x10: {  	s20 =	sld [smem:$0x3FDB];
	_ =	sdelay $0x1  }
0x11: {  	s4 =	simm.s32 $_scs_section_size  }
0x12: {  	s5 =	simm.s32 $_size__tile_overlayer_lowered;
	s6 =	simm.s32 $_tile_overlayer_lowered  }
0x13: {  	s23 =	simm.s32 $0x1BFF;
	s22 =	sshll.u32 s6, $0x1;
	s3 =	sadd.s32 s4, s20  }
0x14: {  	s7 =	simm.s32 $0x0;
	s21 =	sshll.u32 s5, $0x1;
	s5 =	sadd.s32 s22, s3  }
0x15: {  	[timem:s7], [sflag:s23] =	dma.local [hbm:s5], s21  }
0x16: {  	_ =	swait.ge [sflag:s23], s21  }
0x17: {  	s4 =	ssub.s32 $0x0, s21;
	[sflag:s23] =	ssyncset.done $0x0  }
0x18: {  	[sflag:s23] =	ssyncadd.s32 s4;
	_ =	sdelay $0x1  }
0x19: {  	s24 =	simm.s32 $0x1B8B  }
0x1a: {  	_ =	swait.ge [sflag:s24], $0x1  }
0x1b: {  	[sflag:s24] =	ssyncset.done $0x0  }
0x1c: {  	s26 =	simm.s32 $0x1B8E;
	s25 =	sld [smem:$0x3FFE];
	[sflag:s24] =	ssyncadd.s32 $0xFFFFFFFF  }
0x1d: {  	s27 =	simm.s32 $execute0_lowered;
	[smem:$0x3FD2] =	sst s26  }
0x1e: {  	s5 =	sshll.u32 s27, $0x1;
	_ =	strace $0x80000049;
	[dreg:$0x1] =	wrdreg $0xFFFFFFFF  }
0x1f: {  	s28 =	simm.s32 $_size_execute0_lowered;
	s3 =	sadd.s32 s3, s5;
	[dreg:$0x0] =	wrdreg $0x0  }
0x20: {  	s5 =	sshll.u32 s28, $0x1;
	[dreg:$0x2] =	wrdreg s3  }
0x21: {  	[dreg:$0x3] =	wrdreg s5  }
0x22: {  	[dreg:$0x4] =	wrdreg $0xC0  }
0x23: {  	_ =	task [dreg:s7], $0x5FFFF  }
0x24: {  	[dreg:$0x1] =	wrdreg $0xFFFFFFFF  }
0x25: {  	[dreg:$0x0] =	wrdreg $0x60  }
0x26: {  	[dreg:$0x2] =	wrdreg s25  }
0x27: {  	[dreg:$0x3] =	wrdreg s2  }
0x28: {  	[dreg:$0x4] =	wrdreg $0x9  }
0x29: {  	_ =	task.clear_ibuf [dreg:s7], $0x5FFFF;
	_ =	strace $0x90000049  }
0x2a: {  	s29 =	simm.s32 $0x9;
	_ =	strace $0x8000004B  }
0x2b: {  	_ =	swait.ge [sflag:s29], $0x1  }
0x2c: {  	[sflag:s29] =	ssyncadd.s32 $0xFFFFFFFF  }
0x2d: {  	_ =	strace $0x9000004B  }
0x2e: {  	_ =	sfence  }
0x2f: {  	s30 =	sld [smem:$0x0];
	_ =	sdelay $0x2  }
0x30: {  	s31 =	sshll.u32 s1, $0xD;
	s1 =	sshrl.u32 s1, $0x2  }
0x31: {  	s3 =	sand.u32 $0x4000, s31;
	s1 =	sadd.s32 s1, s30  }
0x32: {  	s0 =	sor.u32 s3, s0;
	s1 =	sshll.u32 s1, $0x11  }
0x33: {  	s0 =	sor.u32 s1, s0  }
0x34: {  	s0 =	sadd.s32 $0x8F2B, s0  }
0x35: {  	[sflag:s0] =	ssyncadd.remote.s32 $0x1  }
0x36: {  	_ =	sfence.sel $0xFFFF  }
0x37: {  	[dreg:$0x0] =	wrdreg $0xFFFFFFFF;
	(pc) =	sbr.abs _section_cstart, $3  }
0x38: {  	[dreg:$0x1] =	wrdreg $0xFFFFFFFF  }
0x39: {  	_ =	task.clear_ibuf [dreg:s7], $0x2FFFF;
	_ =	strace $0x9FFFFFFF  }
0x3a: {  	(tm) =	ssettm $0x7FFFFFFF  }
0x3b: {  	_ =	shalt  }
tec
execute0_lowered:
.L_overlay_start_1:
0x0: {  	(tag) =	ssettag $0x1  }
0x1: {  	s0 =	srdreg.scid  }
0x2: {  	s1 =	sshll.u32 s0, $0x4  }
0x3: {  	s6 =	rddreg [dreg:$0x0];
	s0 =	stileid.u32;
	s1 =	sand.u32 $0x10, s1  }
0x4: {  	s4 =	simm.s32 $0x1;
	s7 =	simm.s32 $0x2;
	s1 =	sor.u32 s0, s1  }
0x5: {  	s15 =	simm.s32 $0x0;
	s8 =	simm.s32 $0x2000;
	s2 =	sshll.u32 s1, $0x1  }
0x6: {  	s9 =	simm.s32 $0x32000;
	s10 =	simm.s32 $0x0;
	s1 =	ssub.s32 $0x40, s2  }
0x7: {  	s16 =	simm.s32 $0x0;
	s17 =	simm.s32 $0x0;
	s3 =	sand.u32 $0x3E, s1  }
0x8: {  	s11 =	simm.s32 $0x0;
	s5 =	sshrl.u32 s1, $0x6;
	p0 =	sne.s32 s3, $0x0  }
.Ltmp0:
0x9: {  	s1 =	rddreg [dreg:$0x2];
	s4 =	simm.s32 @!p0 $0x0;
	(pc) =	sbr.rel .LBB1_1-.Ltmp0, $4  }
0xa: {  	s12 =	simm.s32 $0x0;
	s3 =	rddreg [dreg:$0x1];
	s5 =	sadd.s32 s4, s5  }
0xb: {  	_ =	strace $0x8000004A;
	s4 =	simm.s32 $0x1;
	s5 =	smul.u32 $0x19, s5  }
0xc: {  	s14 =	simm.s32 $0x0;
	s6 =	sadd.s32 $0x1400, s6;
	[sflag:s4] =	ssyncpa.u1 $0x0  }
0xd: {  	s13 =	smov.u32 s2;
	[sflag:s7] =	ssyncpa.u1 $0x0;
	s7 =	sadd.s32 $0x1, s5  }
.LBB1_7:
0xe: {  	s18 =	sadd.s32 $0x1, s11  }
0xf: {  	s15 =	sadd.s32 $0x40, s12;
	s19 =	smov.u32 s12;
	p1 =	sgt.s32 s18, $0x18  }
0x10: {  	s19 =	smov.u32 @p1 s15  }
0x11: {  	s21 =	smov.u32 s13;
	s15 =	sadd.s32 $0x40, s13;
	p2 =	sgt.s32 s19, $0x3F  }
0x12: {  	s21 =	smov.u32 @p2 s15  }
0x13: {  	s18 =	simm.s32 @p1 $0x0;
	p1 =	sgt.s32 s21, $0x3F  }
0x14: {  	p0 =	slt.u32 s14, $0x2;
	s21 =	smov.u32 @p1 s2;
	p1 =	sne.s32 s14, s7  }
.Ltmp1:
0x15: {  	s20 =	simm.s32 @!p0 $0x2;
	(pc) =	sbr.rel @!p1 .LBB1_8-.Ltmp1, $4  }
0x16: {  	s16 =	smov.u32 s12;
	s17 =	smov.u32 s13;
	_ =	swait.ge @!p0 [sflag:s20], $0x4000  }
0x17: {  	s10 =	sadd.s32 $0x4000, s10;
	[sflag:s20] =	ssyncset.done @!p0 $0x0;
	s19 =	simm.s32 @p2 $0x0  }
0x18: {  	s15 =	smov.u32 s11;
	[sflag:s20] =	ssyncadd.s32 @!p0 $0xFFFFC000;
	s11 =	smov.u32 s18  }
0x19: {  	s12 =	smov.u32 s19;
	s14 =	sadd.s32 $0x1, s14;
	s13 =	smov.u32 s21  }
.LBB1_1:
0x1a: {  	p0 =	sge.u32 s14, s5;
	s31 =	sadd.s32 $0xFFFFFFFF, s14  }
0x1b: {  	s18 =	sxor.u32 @!p0 $0xFFFFFFFF, s14;
	s19 =	sshll.u32 @!p0 s13, $0xF;
	s20 =	sshll.u32 @!p0 s12, $0x9  }
0x1c: {  	s21 =	sshll.u32 @!p0 s11, $0x4;
	s18 =	sshll.u32 @!p0 s18, $0xE;
	s19 =	sadd.s32 @!p0 s6, s19  }
0x1d: {  	s21 =	sand.u32 @!p0 $0x1F0, s21;
	s18 =	sand.u32 @!p0 $0x4000, s18;
	s19 =	sadd.s32 @!p0 s20, s19  }
0x1e: {  	s20 =	simm.s32 @!p0 $0x80;
	s19 =	sadd.s32 @!p0 s21, s19;
	s21 =	simm.s32 @!p0 $0x1000  }
0x1f: {  	[tilespmem:s18], [sflag:$0x1] =	stream.strided.gather @!p0 [hbm4b:s19+s20], $0x4000, s21, s20, $0x38;
	[tilespmem:$0x10000] =	vst v63  }
0x20: {  	p0 =	sge.u32 s31, s5  }
.Ltmp2:
0x21: {  	_ = 	snop;
	(pc) =	sbr.rel @p0 .LBB1_7-.Ltmp2, $1  }
0x22: {  	_ =	sdelay $0x3  }
0x23: {  	s18 =	sshll.u32 s10, $0x2;
	_ =	swait.ge [sflag:s4], $0x4000;
	s19 =	sshll.u32 s14, $0xE  }
0x24: {  	s21 =	simm.s32 $0x0;
	p1 =	por $0x1, $0x1;
	s20 =	sand.u32 $0x10000, s18  }
0x25: {  	[sflag:s4] =	ssyncset.done $0x0;
	s31 =	sand.u32 $0x4000, s19;
	s19 =	sshrl.u32 s20, $0x2  }
0x26: {  	[sflag:s4] =	ssyncadd.s32 $0xFFFFC000;
	s18 =	sor.u32 $0x8000, s31;
	s20 =	sadd.s32 $0x8040, s19  }
.LBB1_3:
0x27: {  	s21 =	sshll.u32 s21, $0x2  }
0x28: {  	s22 =	sshra.s32 s21, $0x2  }
0x29: {  	s21 =	sadd.s32 s22, s19  }
0x2a: {  	v1 =	vmov s21;
	_ =	sdelay $0x3  }
0x2b: {  	s21 =	simm.s32 $0x0  }
0x2c: {  	s22 =	sadd.s32 s22, s20;
	v7 =	vld.idx.msk [tilespmem:v1+s21+$0x70 ss:$0x1], $0xffff  }
0x2d: {  	v0 =	vmov s22;
	v8 =	vld.idx.msk [tilespmem:v1+s21+$0x0 ss:$0x1], $0xffff  }
0x2e: {  	v6 =	vld.idx.msk [tilespmem:v1+s21+$0x10 ss:$0x1], $0xffff  }
0x2f: {  	v5 =	vld.idx.msk [tilespmem:v1+s21+$0x20 ss:$0x1], $0xffff  }
0x30: {  	v4 =	vld.idx.msk [tilespmem:v1+s21+$0x30 ss:$0x1], $0xffff  }
0x31: {  	v2 =	vld.idx.msk [tilespmem:v1+s21+$0x40 ss:$0x1], $0xffff  }
0x32: {  	v3 =	vld.idx.msk [tilespmem:v1+s21+$0x50 ss:$0x1], $0xffff;
	[tilespmem:v0+s21+$0x30 ss:$0x1] =	vst.idx.msk $0xffff, v7  }
0x33: {  	p0 =	por p1, p1;
	s23 =	simm.s32 $0x400;
	s22 =	simm.s32 $0x80;
	[tilespmem:v0+s21+$0xFFFFFFC0 ss:$0x1] =	vst.idx.msk $0xffff, v8;
	v7 =	vld.idx.msk [tilespmem:v1+s21+$0x60 ss:$0x1], $0xffff  }
.LBB1_4:
0x34: {  	p1 =	sne.s32 s23, $0x7E00;
	v8 =	vld.idx.msk [tilespmem:v1+s22+$0x70 ss:$0x1], $0xffff;
	[tilespmem:v0+s21+$0xFFFFFFD0 ss:$0x1] =	vst.idx.msk $0xffff, v6  }
0x35: {  	v9 =	vld.idx.msk [tilespmem:v1+s22+$0x0 ss:$0x1], $0xffff;
	[tilespmem:v0+s21+$0xFFFFFFE0 ss:$0x1] =	vst.idx.msk $0xffff, v5  }
0x36: {  	v6 =	vld.idx.msk [tilespmem:v1+s22+$0x10 ss:$0x1], $0xffff;
	[tilespmem:v0+s21+$0xFFFFFFF0 ss:$0x1] =	vst.idx.msk $0xffff, v4  }
.Ltmp3:
0x37: {  	v5 =	vld.idx.msk [tilespmem:v1+s22+$0x20 ss:$0x1], $0xffff;
	[tilespmem:v0+s21+$0x0 ss:$0x1] =	vst.idx.msk $0xffff, v2;
	(pc) =	sbr.rel @p1 .LBB1_4-.Ltmp3, $4  }
0x38: {  	v4 =	vld.idx.msk [tilespmem:v1+s22+$0x30 ss:$0x1], $0xffff;
	[tilespmem:v0+s21+$0x10 ss:$0x1] =	vst.idx.msk $0xffff, v3  }
0x39: {  	v2 =	vld.idx.msk [tilespmem:v1+s22+$0x40 ss:$0x1], $0xffff;
	[tilespmem:v0+s21+$0x20 ss:$0x1] =	vst.idx.msk $0xffff, v7;
	s21 =	smov.u32 s22  }
0x3a: {  	v3 =	vld.idx.msk [tilespmem:v1+s21+$0x50 ss:$0x1], $0xffff;
	[tilespmem:v0+s21+$0x30 ss:$0x1] =	vst.idx.msk $0xffff, v8  }
0x3b: {  	s22 =	sshra.s32 s23, $0x2;
	s23 =	sadd.s32 $0x200, s23;
	[tilespmem:v0+s21+$0xFFFFFFC0 ss:$0x1] =	vst.idx.msk $0xffff, v9;
	v7 =	vld.idx.msk [tilespmem:v1+s21+$0x60 ss:$0x1], $0xffff  }
0x3c: {  	_ =	sdelay $0x3  }
0x3d: {  	[tilespmem:v0+s21+$0xFFFFFFD0 ss:$0x1] =	vst.idx.msk $0xffff, v6  }
0x3e: {  	v56 =	vld.idx.msk [tilespmem:v1+s22+$0x70 ss:$0x1], $0xffff;
	[tilespmem:v0+s21+$0xFFFFFFE0 ss:$0x1] =	vst.idx.msk $0xffff, v5  }
0x3f: {  	v57 =	vld.idx.msk [tilespmem:v1+s22+$0x0 ss:$0x1], $0xffff;
	[tilespmem:v0+s21+$0xFFFFFFF0 ss:$0x1] =	vst.idx.msk $0xffff, v4  }
0x40: {  	v58 =	vld.idx.msk [tilespmem:v1+s22+$0x10 ss:$0x1], $0xffff;
	[tilespmem:v0+s21+$0x0 ss:$0x1] =	vst.idx.msk $0xffff, v2  }
0x41: {  	v59 =	vld.idx.msk [tilespmem:v1+s22+$0x20 ss:$0x1], $0xffff;
	[tilespmem:v0+s21+$0x10 ss:$0x1] =	vst.idx.msk $0xffff, v3  }
0x42: {  	v60 =	vld.idx.msk [tilespmem:v1+s22+$0x30 ss:$0x1], $0xffff;
	[tilespmem:v0+s21+$0x20 ss:$0x1] =	vst.idx.msk $0xffff, v7  }
0x43: {  	v61 =	vld.idx.msk [tilespmem:v1+s22+$0x40 ss:$0x1], $0xffff;
	[tilespmem:v0+s22+$0x30 ss:$0x1] =	vst.idx.msk $0xffff, v56  }
0x44: {  	v62 =	vld.idx.msk [tilespmem:v1+s22+$0x50 ss:$0x1], $0xffff;
	[tilespmem:v0+s22+$0xFFFFFFC0 ss:$0x1] =	vst.idx.msk $0xffff, v57  }
0x45: {  	v63 =	vld.idx.msk [tilespmem:v1+s22+$0x60 ss:$0x1], $0xffff;
	[tilespmem:v0+s22+$0xFFFFFFD0 ss:$0x1] =	vst.idx.msk $0xffff, v58  }
.Ltmp4:
0x46: {  	[tilespmem:v0+s22+$0xFFFFFFE0 ss:$0x1] =	vst.idx.msk $0xffff, v59;
	(pc) =	sbr.rel @p0 .LBB1_3-.Ltmp4, $4  }
0x47: {  	[tilespmem:v0+s22+$0xFFFFFFF0 ss:$0x1] =	vst.idx.msk $0xffff, v60  }
0x48: {  	[tilespmem:v0+s22+$0x0 ss:$0x1] =	vst.idx.msk $0xffff, v61  }
0x49: {  	[tilespmem:v0+s22+$0x10 ss:$0x1] =	vst.idx.msk $0xffff, v62  }
0x4a: {  	p1 =	por $0x0, $0x0;
	s21 =	simm.s32 $0x2000;
	[tilespmem:v0+s22+$0x20 ss:$0x1] =	vst.idx.msk $0xffff, v63  }
0x4b: {  	s17 =	smul.u32 $0x6400, s17  }
.Ltmp5:
0x4c: {  	_ = 	snop;
	(pc) =	sbr.rel .LBB1_7-.Ltmp5, $4  }
0x4d: {  	s15 =	sshll.u32 s15, $0xA;
	s16 =	sshll.u32 s16, $0x4;
	s17 =	sadd.s32 s3, s17  }
0x4e: {  	s16 =	sand.u32 $0x3F0, s16;
	s15 =	sadd.s32 s15, s17  }
0x4f: {  	s15 =	sadd.s32 s16, s15  }
0x50: {  	[hbm4b:s15+s8] =	stream.strided.scatter [tilespmem:s18], [sflag:$0x2], $0x4000, s9, s8, $0x38;
	[tilespmem:$0x10000] =	vst v63  }
.LBB1_8:
0x51: {  	_ =	sfence.sel $0x180000  }
0x52: {  	s2 =	simm.s32 $0x1;
	[bflag:$0x0] =	sbarrier.arrive $0xFFFF  }
0x53: {  	s31 =	simm.s32 $0x2;
	[sflag:s2] =	ssyncpa.u1 $0x1  }
0x54: {  	[sflag:s31] =	ssyncpa.u1 $0x1  }
0x55: {  	p0 =	sne.s32 s0, $0x0;
	_ =	strace $0x9000004A  }
0x56: {  	s0 =	sadd.s32 @!p0 $0x100000, s1;
	[bflag:$0x2] =	sbarrier.arrive $0xFFFF  }
0x57: {  	[sflag:s0] =	ssyncadd.tile.s32 @!p0 $0x1;
	_ =	shalt  }
.Lfunc_end1:
_tile_overlayer_lowered:
.L_overlay_start_2:
0x58: {  	(tag) =	ssettag $0x2  }
0x59: {  	s0 =	rddreg [dreg:$0x0];
	s2 =	stileid.u32  }
0x5a: {  	s1 =	rddreg [dreg:$0x1];
	p0 =	sne.s32 s2, $0x0  }
0x5b: {  	s3 =	rddreg [dreg:$0x2];
	[bflag:$0x3] =	sbarrier.arrive $0xFFFF;
	s2 =	simm.s32 @!p0 $0x1C01  }
0x5c: {  	[timem:s3], [sflag:s2] =	dma.local @!p0 [hbm:s0], s1  }
0x5d: {  	s0 =	simm.s32 @!p0 $0x1  }
0x5e: {  	_ =	swait.ge @!p0 [sflag:s0], s1  }
0x5f: {  	s1 =	ssub.s32 @!p0 $0x0, s1;
	[sflag:s0] =	ssyncset.done @!p0 $0x0  }
0x60: {  	[sflag:s0] =	ssyncadd.s32 @!p0 s1  }
0x61: {  	[bflag:$0x3] =	sbarrier.arrive $0xFFFF  }
0x62: {  	_ =	shalt  }

</sc_bundles>
